<compile_context>
chip_gen: v7x
topology: tpu7x:2x2x1
jax: 0.10.2.dev20260603
libtpu: 0.0.44.dev20260713+nightly
codegen_flags: <defaults>
</compile_context>

<pallas_src>
import functools

import jax
import jax.numpy as jnp
import numpy as np
from jax import lax
from jax.experimental import pallas as pl
from jax.experimental.pallas import tpu as pltpu
from jax.experimental.pallas import tpu_sc as plsc

WIN = 25
NELEM = WIN * WIN
NCHUNK = 40
WBUF = NCHUNK * 16
LEVELS = 15
H = W = 512
BAND = 29
HALF = 12.0

_x = np.arange(5, dtype=np.float32) - 2
_g = np.exp(-(_x ** 2) / np.float32(2.0 * 0.2 ** 2)).astype(np.float32)
_g = _g / _g.sum()
_K2 = np.outer(_g, _g).astype(np.float32)


def _preprocess_body(prev_ref, next_ref, img1_ref, img2_ref, ix_ref, iy_ref):
    p = prev_ref[...]
    gray_p = 0.299 * p[0] + 0.587 * p[1] + 0.114 * p[2]
    n = next_ref[...]
    gray_n = 0.299 * n[0] + 0.587 * n[1] + 0.114 * n[2]
    img1_ref[...] = gray_p * 255.0
    img2_ref[...] = gray_n * 255.0

    g = gray_p
    g = jnp.concatenate(
        [g[2:3], g[1:2], g, g[H - 2:H - 1], g[H - 3:H - 2]], axis=0)
    g = jnp.concatenate(
        [g[:, 2:3], g[:, 1:2], g, g[:, W - 2:W - 1], g[:, W - 3:W - 2]],
        axis=1)
    acc = jnp.zeros((H, W), jnp.float32)
    for i in range(5):
        for j in range(5):
            acc = acc + _K2[i, j] * g[i:i + H, j:j + W]
    I = acc * 255.0

    iy = jnp.concatenate(
        [I[1:2] - I[0:1], (I[2:] - I[:-2]) / 2.0, I[H - 1:H] - I[H - 2:H - 1]],
        axis=0)
    ix = jnp.concatenate(
        [I[:, 1:2] - I[:, 0:1], (I[:, 2:] - I[:, :-2]) / 2.0,
         I[:, W - 1:W] - I[:, W - 2:W - 1]], axis=1)
    iy_ref[...] = iy
    ix_ref[...] = ix


def _bf16r(v):
    b = plsc.bitcast(v, jnp.int32)
    lsb = lax.shift_right_logical(b, 16) & 1
    r = (b + 0x7FFF + lsb) & jnp.int32(-65536)
    return plsc.bitcast(r, jnp.float32)


def _sdiv(a, b):
    return (jnp.full((16,), a, jnp.float32) / jnp.full((16,), b, jnp.float32))[0]


def _floor_i32(x):
    xi = x.astype(jnp.int32)
    return xi - jnp.where(xi.astype(jnp.float32) > x, 1, 0).astype(jnp.int32)


def _band_base(yp):
    yc = jnp.clip(yp, -1.0e6, 1.0e6)
    yi = yc.astype(jnp.int32)
    yi = yi - jnp.where(yi.astype(jnp.float32) > yc, 1, 0).astype(jnp.int32)
    return jnp.clip(yi - 14, 0, H - BAND)


def _chunk_sample(band_ref, y_lo, xp, yp, k):
    e = lax.iota(jnp.int32, 16) + k * 16
    jx = lax.shift_right_logical(e * 5243, 17)
    jy = e - jx * WIN
    xq = (jx.astype(jnp.float32) + xp) - HALF
    yq = (jy.astype(jnp.float32) + yp) - HALF
    xq = jnp.clip(xq, -1.0e6, 1.0e6)
    yq = jnp.clip(yq, -1.0e6, 1.0e6)
    xf = _floor_i32(xq)
    yf = _floor_i32(yq)
    xc = xf + jnp.where(xq > xf.astype(jnp.float32), 1, 0).astype(jnp.int32)
    yc = yf + jnp.where(yq > yf.astype(jnp.float32), 1, 0).astype(jnp.int32)
    xfc = jnp.clip(xf, 0, W - 1)
    xcc = jnp.clip(xc, 0, W - 1)
    yfc = jnp.clip(yf, 0, H - 1)
    ycc = jnp.clip(yc, 0, H - 1)
    lw = xq - xfc.astype(jnp.float32)
    hw = 1.0 - lw
    lh = yq - yfc.astype(jnp.float32)
    hh = 1.0 - lh
    rf = jnp.clip(yfc - y_lo, 0, BAND - 1) * W
    rc = jnp.clip(ycc - y_lo, 0, BAND - 1) * W
    v1 = plsc.load_gather(band_ref, [rf + xfc])
    v2 = plsc.load_gather(band_ref, [rf + xcc])
    v3 = plsc.load_gather(band_ref, [rc + xfc])
    v4 = plsc.load_gather(band_ref, [rc + xcc])
    return v1 * (hh * hw) + (hh * lw) * v2 + (lh * hw) * v3 + (lh * lw) * v4


def _sample_window(band_ref, y_lo, dest_ref, base, xp, yp):

    def body(k, _):
        val = _chunk_sample(band_ref, y_lo, xp, yp, k)
        e = lax.iota(jnp.int32, 16) + k * 16
        val = jnp.where(e < NELEM, val, 0.0)
        dest_ref[pl.ds(base + k * 16, 16)] = val
        return 0

    lax.fori_loop(0, NCHUNK, body, 0)


def _sc_body(xs, ys, img1, img2, ixm, iym, outx, outy,
             posx, posy, band0, band1, w1b, wxb, wyb, iox, ioy, sem0, sem1):
    pltpu.sync_copy(xs.at[pl.ds(0, 16)], posx)
    pltpu.sync_copy(ys.at[pl.ds(0, 16)], posy)
    posxv = posx[...]
    posyv = posy[...]
    p0x = posxv[0]
    p1x = posxv[1]
    p0y = posyv[0]
    p1y = posyv[1]
    y_lo0 = _band_base(p0y)
    y_lo1 = _band_base(p1y)

    for img, dest in ((img1, w1b), (ixm, wxb), (iym, wyb)):
        cp0 = pltpu.async_copy(img.at[pl.ds(y_lo0 * W, BAND * W)], band0, sem0)
        cp1 = pltpu.async_copy(img.at[pl.ds(y_lo1 * W, BAND * W)], band1, sem1)
        cp0.wait()
        _sample_window(band0, y_lo0, dest, 0, p0x, p0y)
        cp1.wait()
        _sample_window(band1, y_lo1, dest, WBUF, p1x, p1y)

    inv_rows = []
    for p in (0, 1):
        base = p * WBUF

        def acc_body(k, carry, base=base):
            axx, axy, ayy = carry
            wx = _bf16r(wxb[pl.ds(base + k * 16, 16)])
            wy = _bf16r(wyb[pl.ds(base + k * 16, 16)])
            return (axx + wx * wx, axy + wx * wy, ayy + wy * wy)

        z = jnp.zeros((16,), jnp.float32)
        axx, axy, ayy = lax.fori_loop(0, NCHUNK, acc_body, (z, z, z))
        a11 = jnp.sum(axx)
        a12 = jnp.sum(axy)
        a22 = jnp.sum(ayy)
        det = a11 * a22 - a12 * a12
        inv_rows.append((_sdiv(a22, det), _sdiv(-a12, det)))

    def step(_, carry):
        x0, y0, x1, y1, dxt, dyt = carry
        ylo0 = _band_base(y0)
        ylo1 = _band_base(y1)
        c0 = pltpu.async_copy(img2.at[pl.ds(ylo0 * W, BAND * W)], band0, sem0)
        c1 = pltpu.async_copy(img2.at[pl.ds(ylo1 * W, BAND * W)], band1, sem1)
        sols = []
        for p, (band, y_lo, cp, xp, yp) in enumerate((
                (band0, ylo0, c0, x0, y0), (band1, ylo1, c1, x1, y1))):
            base = p * WBUF
            cp.wait()

            def dot_body(k, carry2, band=band, base=base, y_lo=y_lo, xp=xp, yp=yp):
                ax, ay = carry2
                val = _chunk_sample(band, y_lo, xp, yp, k)
                diff = _bf16r(val - w1b[pl.ds(base + k * 16, 16)])
                wx = _bf16r(wxb[pl.ds(base + k * 16, 16)])
                wy = _bf16r(wyb[pl.ds(base + k * 16, 16)])
                return (ax + wx * diff, ay + wy * diff)

            z = jnp.zeros((16,), jnp.float32)
            ax, ay = lax.fori_loop(0, NCHUNK, dot_body, (z, z))
            bx = -jnp.sum(ax)
            by = -jnp.sum(ay)
            i11, i12 = inv_rows[p]
            sols.append(i11 * bx + i12 * by)
        dx, dy = sols[0], sols[1]
        return (x0 + dx, y0 + dy, x1 + dx, y1 + dy, dxt + dx, dyt + dy)

    zero = jnp.float32(0.0)
    init = (p0x, p0y, p1x, p1y, zero, zero)
    _, _, _, _, dxt, dyt = lax.fori_loop(0, LEVELS, step, init)

    nc = 2
    wid = lax.axis_index("c") * 16 + lax.axis_index("s")
    chunk = 4096 // (nc * 16)
    bs = wid * chunk
    pltpu.sync_copy(xs.at[pl.ds(bs, chunk)], iox)
    pltpu.sync_copy(ys.at[pl.ds(bs, chunk)], ioy)
    dxv = jnp.full((16,), dxt, jnp.float32)
    dyv = jnp.full((16,), dyt, jnp.float32)

    def add_body(i, _):
        iox[pl.ds(i * 16, 16)] = iox[pl.ds(i * 16, 16)] + dxv
        ioy[pl.ds(i * 16, 16)] = ioy[pl.ds(i * 16, 16)] + dyv
        return 0

    lax.fori_loop(0, chunk // 16, add_body, 0)
    pltpu.sync_copy(iox, outx.at[pl.ds(bs, chunk)])
    pltpu.sync_copy(ioy, outy.at[pl.ds(bs, chunk)])


def kernel(t_startXs, t_startYs, img_prev, img_next):
    imgf = jax.ShapeDtypeStruct((H, W), jnp.float32)
    img1, img2, ix, iy = pl.pallas_call(
        _preprocess_body,
        out_shape=[imgf, imgf, imgf, imgf],
    )(img_prev, img_next)

    outf = jax.ShapeDtypeStruct((4096,), jnp.float32)
    mesh = plsc.VectorSubcoreMesh(core_axis_name="c", subcore_axis_name="s")
    sc = functools.partial(
        pl.kernel,
        mesh=mesh,
        compiler_params=pltpu.CompilerParams(needs_layout_passes=False),
        out_type=[outf, outf],
        scratch_types=[
            pltpu.VMEM((16,), jnp.float32),
            pltpu.VMEM((16,), jnp.float32),
            pltpu.VMEM((BAND * W,), jnp.float32),
            pltpu.VMEM((BAND * W,), jnp.float32),
            pltpu.VMEM((2 * WBUF,), jnp.float32),
            pltpu.VMEM((2 * WBUF,), jnp.float32),
            pltpu.VMEM((2 * WBUF,), jnp.float32),
            pltpu.VMEM((128,), jnp.float32),
            pltpu.VMEM((128,), jnp.float32),
            pltpu.SemaphoreType.DMA,
            pltpu.SemaphoreType.DMA,
        ],
    )(_sc_body)
    newXs, newYs = sc(t_startXs, t_startYs, img1.reshape(-1), img2.reshape(-1),
                      ix.reshape(-1), iy.reshape(-1))
    return (newXs, newYs)

# --- scband reference (transcript-rebuilt; emitter-appended) ---
"""Pipeline reference for scband-klttracker-51874615001662 (READ-ONLY COPY).

The authoritative reference and input builder live on the scoring server;
editing this copy changes nothing except your own understanding.
"""

import jax, jax.numpy as jnp
import numpy as np

WINDOW_SIZE = 25
LEVELS = 15


def _rgb_to_gray(img):
    # kornia.color.rgb_to_grayscale weights
    return 0.299 * img[0] + 0.587 * img[1] + 0.114 * img[2]


def _gaussian_blur(img, ksize=5, sigma=0.2):
    # kornia GaussianBlur2d((5,5),(0.2,0.2)) with default reflect border
    x = jnp.arange(ksize, dtype=jnp.float32) - ksize // 2
    g = jnp.exp(-(x ** 2) / (2.0 * sigma ** 2))
    g = g / jnp.sum(g)
    k2 = jnp.outer(g, g)
    pad = ksize // 2
    p = jnp.pad(img, ((pad, pad), (pad, pad)), mode='reflect')
    H, W = img.shape
    out = jnp.zeros_like(img)
    for i in range(ksize):
        for j in range(ksize):
            out = out + k2[i, j] * p[i:i + H, j:j + W]
    return out


def _interp2_batch(v, xq, yq):
    BS, NR = xq.shape
    h, w = v.shape
    xq = xq.reshape(-1)
    yq = yq.reshape(-1)
    x_floor = jnp.clip(jnp.floor(xq).astype(jnp.int32), 0, w - 1)
    y_floor = jnp.clip(jnp.floor(yq).astype(jnp.int32), 0, h - 1)
    x_ceil = jnp.clip(jnp.ceil(xq).astype(jnp.int32), 0, w - 1)
    y_ceil = jnp.clip(jnp.ceil(yq).astype(jnp.int32), 0, h - 1)
    v1 = v[y_floor, x_floor]
    v2 = v[y_floor, x_ceil]
    v3 = v[y_ceil, x_floor]
    v4 = v[y_ceil, x_ceil]
    lh = yq - y_floor
    lw = xq - x_floor
    hh = 1.0 - lh
    hw = 1.0 - lw
    interp = v1 * (hh * hw) + (hh * lw) * v2 + (lh * hw) * v3 + (lh * lw) * v4
    return interp.reshape(BS, NR)


def _forward(t_startXs, t_startYs, img_prev, img_next):
    gray_prev = _rgb_to_gray(img_prev)
    gray_next = _rgb_to_gray(img_next)
    I = _gaussian_blur(gray_prev) * 255.0
    Iy, Ix = jnp.gradient(I)
    img1 = gray_prev * 255.0
    img2 = gray_next * 255.0
    X = t_startXs.reshape(-1)
    Y = t_startYs.reshape(-1)
    mesh_x, mesh_y = jnp.meshgrid(jnp.arange(WINDOW_SIZE, dtype=jnp.float32), jnp.arange(WINDOW_SIZE, dtype=jnp.float32), indexing='ij')
    half = float(np.floor(WINDOW_SIZE / 2))
    mx = mesh_x.reshape(-1)[None, :] + X[:, None] - half
    my = mesh_y.reshape(-1)[None, :] + Y[:, None] - half
    I1v = _interp2_batch(img1, mx, my)
    Ixv = _interp2_batch(Ix, mx, my)
    Iyv = _interp2_batch(Iy, mx, my)
    Imat = jnp.stack([Ixv, Iyv], axis=1)
    A = Imat @ jnp.transpose(Imat, (0, 2, 1))
    for _ in range(LEVELS):
        mx2 = mesh_x.reshape(-1)[None, :] + X[:, None] - half
        my2 = mesh_y.reshape(-1)[None, :] + Y[:, None] - half
        I2v = _interp2_batch(img2, mx2, my2)
        Ip = (I2v - I1v)[:, :, None]
        b = -(Imat @ Ip)
        sol = jnp.linalg.inv(A) @ b
        # faithful to original (buggy) torch indexing: broadcasts scalar from batch 0 / 1
        X = X + sol[0, 0]
        Y = Y + sol[1, 0]
    newXs = X.reshape(t_startXs.shape)
    newYs = Y.reshape(t_startYs.shape)
    return (newXs, newYs)


def setup_inputs(seed: int = 0) -> dict:
    key = jax.random.key(seed)
    k1, k2, k3, k4 = jax.random.split(key, 4)
    return {
        't_startXs': jax.random.uniform(k1, (4096,), dtype=jnp.float32),
        't_startYs': jax.random.uniform(k2, (4096,), dtype=jnp.float32),
        'img_prev': jax.random.uniform(k3, (3, 512, 512), dtype=jnp.float32),
        'img_next': jax.random.uniform(k4, (3, 512, 512), dtype=jnp.float32),
    }


def reference(t_startXs, t_startYs, img_prev, img_next):
    return _forward(t_startXs, t_startYs, img_prev, img_next)

if __name__ == "__main__":
    import jax
    _d = setup_inputs()
    print(jax.jit(kernel)(*tuple(_d.values())))

</pallas_src>

<mosaic_0001>
#map = affine_map<(d0, d1) -> (0)>
module attributes {stable_mosaic.version = 14 : i64} {
  func.func @_sc_body(%arg0: i32, %arg1: i32, %arg2: memref<4096xf32, #tpu.memory_space<hbm>>, %arg3: memref<4096xf32, #tpu.memory_space<hbm>>, %arg4: memref<262144xf32, #tpu.memory_space<hbm>>, %arg5: memref<262144xf32, #tpu.memory_space<hbm>>, %arg6: memref<262144xf32, #tpu.memory_space<hbm>>, %arg7: memref<262144xf32, #tpu.memory_space<hbm>>, %arg8: memref<4096xf32, #tpu.memory_space<hbm>>, %arg9: memref<4096xf32, #tpu.memory_space<hbm>>, %arg10: memref<16xf32, #tpu.memory_space<vmem>>, %arg11: memref<16xf32, #tpu.memory_space<vmem>>, %arg12: memref<14848xf32, #tpu.memory_space<vmem>>, %arg13: memref<14848xf32, #tpu.memory_space<vmem>>, %arg14: memref<1280xf32, #tpu.memory_space<vmem>>, %arg15: memref<1280xf32, #tpu.memory_space<vmem>>, %arg16: memref<1280xf32, #tpu.memory_space<vmem>>, %arg17: memref<128xf32, #tpu.memory_space<vmem>>, %arg18: memref<128xf32, #tpu.memory_space<vmem>>, %arg19: memref<!tpu.dma_semaphore, #tpu.memory_space<semaphore_mem>>, %arg20: memref<!tpu.dma_semaphore, #tpu.memory_space<semaphore_mem>>) attributes {dimension_semantics = [#tpu.dimension_semantics<core_parallel>, #tpu.dimension_semantics<subcore_parallel>], iteration_bounds = array<i64: 2, 16>, scalar_prefetch = 0 : i64, scratch_operands = 11 : i64, tpu.core_type = #tpu.core_type<sc_vector_subcore>, window_params = [{transform_indices = #map}, {transform_indices = #map}, {transform_indices = #map}, {transform_indices = #map}, {transform_indices = #map}, {transform_indices = #map}, {transform_indices = #map}, {transform_indices = #map}]} {
    "tpu.region"() ({
      %run_scoped3A = tpu.sem_alloc : memref<!tpu.dma_semaphore, #tpu.memory_space<semaphore_mem>>
      %dma_start3A_197 = arith.constant 0 : i32
      %dma_start3A_198 = tpu.memref_slice %arg2[%dma_start3A_197] : memref<4096xf32, #tpu.memory_space<hbm>> -> memref<16xf32, #tpu.memory_space<hbm>>
      %dma_start3A_199 = arith.constant 0 : i32
      %dma_start3A_200 = tpu.memref_slice %arg2[%dma_start3A_199] : memref<4096xf32, #tpu.memory_space<hbm>> -> memref<16xf32, #tpu.memory_space<hbm>>
      tpu.enqueue_dma source(%dma_start3A_200 : memref<16xf32, #tpu.memory_space<hbm>>) target(%arg10 : memref<16xf32, #tpu.memory_space<vmem>>) target_semaphore(%run_scoped3A : memref<!tpu.dma_semaphore, #tpu.memory_space<semaphore_mem>>)
      %dma_wait3A_201 = arith.constant 0 : i32
      %dma_wait3A_202 = tpu.memref_slice %arg2[%dma_wait3A_201] : memref<4096xf32, #tpu.memory_space<hbm>> -> memref<16xf32, #tpu.memory_space<hbm>>
      %dma_wait3A_203 = arith.constant 0 : i32
      %dma_wait3A_204 = tpu.memref_slice %arg2[%dma_wait3A_203] : memref<4096xf32, #tpu.memory_space<hbm>> -> memref<16xf32, #tpu.memory_space<hbm>>
      tpu.wait_dma2 semaphore(%run_scoped3A : memref<!tpu.dma_semaphore, #tpu.memory_space<semaphore_mem>>) src(%dma_wait3A_204 : memref<16xf32, #tpu.memory_space<hbm>>) dst(%arg10 : memref<16xf32, #tpu.memory_space<vmem>>)
      tpu.yield
    }) : () -> ()
    "tpu.region"() ({
      %run_scoped3A = tpu.sem_alloc : memref<!tpu.dma_semaphore, #tpu.memory_space<semaphore_mem>>
      %dma_start3A_197 = arith.constant 0 : i32
      %dma_start3A_198 = tpu.memref_slice %arg3[%dma_start3A_197] : memref<4096xf32, #tpu.memory_space<hbm>> -> memref<16xf32, #tpu.memory_space<hbm>>
      %dma_start3A_199 = arith.constant 0 : i32
      %dma_start3A_200 = tpu.memref_slice %arg3[%dma_start3A_199] : memref<4096xf32, #tpu.memory_space<hbm>> -> memref<16xf32, #tpu.memory_space<hbm>>
      tpu.enqueue_dma source(%dma_start3A_200 : memref<16xf32, #tpu.memory_space<hbm>>) target(%arg11 : memref<16xf32, #tpu.memory_space<vmem>>) target_semaphore(%run_scoped3A : memref<!tpu.dma_semaphore, #tpu.memory_space<semaphore_mem>>)
      %dma_wait3A_201 = arith.constant 0 : i32
      %dma_wait3A_202 = tpu.memref_slice %arg3[%dma_wait3A_201] : memref<4096xf32, #tpu.memory_space<hbm>> -> memref<16xf32, #tpu.memory_space<hbm>>
      %dma_wait3A_203 = arith.constant 0 : i32
      %dma_wait3A_204 = tpu.memref_slice %arg3[%dma_wait3A_203] : memref<4096xf32, #tpu.memory_space<hbm>> -> memref<16xf32, #tpu.memory_space<hbm>>
      tpu.wait_dma2 semaphore(%run_scoped3A : memref<!tpu.dma_semaphore, #tpu.memory_space<semaphore_mem>>) src(%dma_wait3A_204 : memref<16xf32, #tpu.memory_space<hbm>>) dst(%arg11 : memref<16xf32, #tpu.memory_space<vmem>>)
      tpu.yield
    }) : () -> ()
    %get3A = arith.constant 0 : index
    %get3A_0 = tpu.vector_load %arg10[%get3A] {strides = array<i32>} : memref<16xf32, #tpu.memory_space<vmem>>, vector<16xf32>,
    %get3A_1 = arith.constant 0 : index
    %get3A_2 = tpu.vector_load %arg11[%get3A_1] {strides = array<i32>} : memref<16xf32, #tpu.memory_space<vmem>>, vector<16xf32>,
    %slice3A = vector.extract_strided_slice %get3A_0 {offsets = [0], sizes = [1], strides = [1]} : vector<16xf32> to vector<1xf32>
    %squeeze3A = vector.extract %slice3A[0] : f32 from vector<1xf32>
    %slice3A_3 = vector.extract_strided_slice %get3A_0 {offsets = [1], sizes = [1], strides = [1]} : vector<16xf32> to vector<1xf32>
    %squeeze3A_4 = vector.extract %slice3A_3[0] : f32 from vector<1xf32>
    %slice3A_5 = vector.extract_strided_slice %get3A_2 {offsets = [0], sizes = [1], strides = [1]} : vector<16xf32> to vector<1xf32>
    %squeeze3A_6 = vector.extract %slice3A_5[0] : f32 from vector<1xf32>
    %slice3A_7 = vector.extract_strided_slice %get3A_2 {offsets = [1], sizes = [1], strides = [1]} : vector<16xf32> to vector<1xf32>
    %squeeze3A_8 = vector.extract %slice3A_7[0] : f32 from vector<1xf32>
    %jit3A = arith.constant -1.000000e+06 : f32
    %jit3A_9 = arith.constant 1.000000e+06 : f32
    %max3A = arith.maximumf %jit3A, %squeeze3A_6 : f32
    %min3A = arith.minimumf %jit3A_9, %max3A : f32
    %convert_element_type3A = arith.fptosi %min3A : f32 to i32
    %convert_element_type3A_10 = arith.sitofp %convert_element_type3A : i32 to f32
    %gt3A = arith.cmpf ogt, %convert_element_type3A_10, %min3A : f32
    %jit3A_11 = arith.constant 1 : i32
    %jit3A_12 = arith.constant 0 : i32
    %select_n3A = arith.select %gt3A, %jit3A_11, %jit3A_12 : i32
    %sub3A = arith.subi %convert_element_type3A, %select_n3A : i32
    %sub3A_13 = arith.constant 14 : i32
    %sub3A_14 = arith.subi %sub3A, %sub3A_13 : i32
    %jit3A_15 = arith.constant 0 : i32
    %jit3A_16 = arith.constant 483 : i32
    %max3A_17 = arith.maxsi %jit3A_15, %sub3A_14 : i32
    %min3A_18 = arith.minsi %jit3A_16, %max3A_17 : i32
    %jit3A_19 = arith.constant -1.000000e+06 : f32
    %jit3A_20 = arith.constant 1.000000e+06 : f32
    %max3A_21 = arith.maximumf %jit3A_19, %squeeze3A_8 : f32
    %min3A_22 = arith.minimumf %jit3A_20, %max3A_21 : f32
    %convert_element_type3A_23 = arith.fptosi %min3A_22 : f32 to i32
    %convert_element_type3A_24 = arith.sitofp %convert_element_type3A_23 : i32 to f32
    %gt3A_25 = arith.cmpf ogt, %convert_element_type3A_24, %min3A_22 : f32
    %jit3A_26 = arith.constant 1 : i32
    %jit3A_27 = arith.constant 0 : i32
    %select_n3A_28 = arith.select %gt3A_25, %jit3A_26, %jit3A_27 : i32
    %sub3A_29 = arith.subi %convert_element_type3A_23, %select_n3A_28 : i32
    %sub3A_30 = arith.constant 14 : i32
    %sub3A_31 = arith.subi %sub3A_29, %sub3A_30 : i32
    %jit3A_32 = arith.constant 0 : i32
    %jit3A_33 = arith.constant 483 : i32
    %max3A_34 = arith.maxsi %jit3A_32, %sub3A_31 : i32
    %min3A_35 = arith.minsi %jit3A_33, %max3A_34 : i32
    %mul3A = arith.constant 512 : i32
    %mul3A_36 = arith.muli %min3A_18, %mul3A : i32
    %dma_start3A = tpu.memref_slice %arg4[%mul3A_36] : memref<262144xf32, #tpu.memory_space<hbm>> -> memref<14848xf32, #tpu.memory_space<hbm>>
    %dma_start3A_37 = tpu.memref_slice %arg4[%mul3A_36] : memref<262144xf32, #tpu.memory_space<hbm>> -> memref<14848xf32, #tpu.memory_space<hbm>>
    tpu.enqueue_dma source(%dma_start3A_37 : memref<14848xf32, #tpu.memory_space<hbm>>) target(%arg12 : memref<14848xf32, #tpu.memory_space<vmem>>) target_semaphore(%arg19 : memref<!tpu.dma_semaphore, #tpu.memory_space<semaphore_mem>>)
    %mul3A_38 = arith.constant 512 : i32
    %mul3A_39 = arith.muli %min3A_35, %mul3A_38 : i32
    %dma_start3A_40 = tpu.memref_slice %arg4[%mul3A_39] : memref<262144xf32, #tpu.memory_space<hbm>> -> memref<14848xf32, #tpu.memory_space<hbm>>
    %dma_start3A_41 = tpu.memref_slice %arg4[%mul3A_39] : memref<262144xf32, #tpu.memory_space<hbm>> -> memref<14848xf32, #tpu.memory_space<hbm>>
    tpu.enqueue_dma source(%dma_start3A_41 : memref<14848xf32, #tpu.memory_space<hbm>>) target(%arg13 : memref<14848xf32, #tpu.memory_space<vmem>>) target_semaphore(%arg20 : memref<!tpu.dma_semaphore, #tpu.memory_space<semaphore_mem>>)
    %dma_wait3A = tpu.memref_slice %arg4[%mul3A_36] : memref<262144xf32, #tpu.memory_space<hbm>> -> memref<14848xf32, #tpu.memory_space<hbm>>
    %dma_wait3A_42 = tpu.memref_slice %arg4[%mul3A_36] : memref<262144xf32, #tpu.memory_space<hbm>> -> memref<14848xf32, #tpu.memory_space<hbm>>
    tpu.wait_dma2 semaphore(%arg19 : memref<!tpu.dma_semaphore, #tpu.memory_space<semaphore_mem>>) src(%dma_wait3A_42 : memref<14848xf32, #tpu.memory_space<hbm>>) dst(%arg12 : memref<14848xf32, #tpu.memory_space<vmem>>)
    %scan3A = arith.constant 0 : i32
    %scan3A_43 = arith.constant 0 : i32
    %scan3A_44 = arith.constant 40 : i32
    %scan3A_45 = arith.addi %scan3A_43, %scan3A_44 : i32
    %scan3A_46 = arith.constant 1 : i32
    %scan3A_47 = scf.for %scan3A_197 = %scan3A_43 to %scan3A_45 step %scan3A_46 iter_args(%scan3A_198 = %scan3A) -> (i32)  : i32 {
      %iota3A = tpu.iota {dimensions = array<i32: 0>} : vector<16xi32>
      %mul3A_199 = arith.constant 16 : i32
      %mul3A_200 = arith.muli %scan3A_197, %mul3A_199 : i32
      %add3A_201 = vector.broadcast %mul3A_200 : i32 to vector<16xi32>
      %add3A_202 = arith.addi %iota3A, %add3A_201 : vector<16xi32>
      %mul3A_203 = arith.constant 5243 : i32
      %mul3A_204 = vector.broadcast %mul3A_203 : i32 to vector<16xi32>
      %mul3A_205 = arith.muli %add3A_202, %mul3A_204 : vector<16xi32>
      %shift_right_logical3A = arith.constant 17 : i32
      %shift_right_logical3A_206 = vector.broadcast %shift_right_logical3A : i32 to vector<16xi32>
      %shift_right_logical3A_207 = arith.shrui %mul3A_205, %shift_right_logical3A_206 : vector<16xi32>
      %mul3A_208 = arith.constant 25 : i32
      %mul3A_209 = vector.broadcast %mul3A_208 : i32 to vector<16xi32>
      %mul3A_210 = arith.muli %shift_right_logical3A_207, %mul3A_209 : vector<16xi32>
      %sub3A_211 = arith.subi %add3A_202, %mul3A_210 : vector<16xi32>
      %convert_element_type3A_212 = arith.sitofp %shift_right_logical3A_207 : vector<16xi32> to vector<16xf32>
      %add3A_213 = vector.broadcast %squeeze3A : f32 to vector<16xf32>
      %add3A_214 = arith.addf %convert_element_type3A_212, %add3A_213 : vector<16xf32>
      %sub3A_215 = arith.constant 1.200000e+01 : f32
      %sub3A_216 = vector.broadcast %sub3A_215 : f32 to vector<16xf32>
      %sub3A_217 = arith.subf %add3A_214, %sub3A_216 : vector<16xf32>
      %convert_element_type3A_218 = arith.sitofp %sub3A_211 : vector<16xi32> to vector<16xf32>
      %add3A_219 = vector.broadcast %squeeze3A_6 : f32 to vector<16xf32>
      %add3A_220 = arith.addf %convert_element_type3A_218, %add3A_219 : vector<16xf32>
      %sub3A_221 = arith.constant 1.200000e+01 : f32
      %sub3A_222 = vector.broadcast %sub3A_221 : f32 to vector<16xf32>
      %sub3A_223 = arith.subf %add3A_220, %sub3A_222 : vector<16xf32>
      %jit3A_224 = arith.constant -1.000000e+06 : f32
      %jit3A_225 = arith.constant 1.000000e+06 : f32
      %max3A_226 = vector.broadcast %jit3A_224 : f32 to vector<16xf32>
      %max3A_227 = arith.maximumf %max3A_226, %sub3A_217 : vector<16xf32>
      %min3A_228 = vector.broadcast %jit3A_225 : f32 to vector<16xf32>
      %min3A_229 = arith.minimumf %min3A_228, %max3A_227 : vector<16xf32>
      %jit3A_230 = arith.constant -1.000000e+06 : f32
      %jit3A_231 = arith.constant 1.000000e+06 : f32
      %max3A_232 = vector.broadcast %jit3A_230 : f32 to vector<16xf32>
      %max3A_233 = arith.maximumf %max3A_232, %sub3A_223 : vector<16xf32>
      %min3A_234 = vector.broadcast %jit3A_231 : f32 to vector<16xf32>
      %min3A_235 = arith.minimumf %min3A_234, %max3A_233 : vector<16xf32>
      %convert_element_type3A_236 = arith.fptosi %min3A_229 : vector<16xf32> to vector<16xi32>
      %convert_element_type3A_237 = arith.sitofp %convert_element_type3A_236 : vector<16xi32> to vector<16xf32>
      %gt3A_238 = arith.cmpf ogt, %convert_element_type3A_237, %min3A_229 : vector<16xf32>
      %jit3A_239 = arith.constant 1 : i32
      %jit3A_240 = arith.constant 0 : i32
      %broadcast_in_dim3A_241 = vector.broadcast %jit3A_239 : i32 to vector<16xi32>
      %broadcast_in_dim3A_242 = vector.broadcast %jit3A_240 : i32 to vector<16xi32>
      %select_n3A_243 = arith.select %gt3A_238, %broadcast_in_dim3A_241, %broadcast_in_dim3A_242 : vector<16xi1>, vector<16xi32>
      %sub3A_244 = arith.subi %convert_element_type3A_236, %select_n3A_243 : vector<16xi32>
      %convert_element_type3A_245 = arith.fptosi %min3A_235 : vector<16xf32> to vector<16xi32>
      %convert_element_type3A_246 = arith.sitofp %convert_element_type3A_245 : vector<16xi32> to vector<16xf32>
      %gt3A_247 = arith.cmpf ogt, %convert_element_type3A_246, %min3A_235 : vector<16xf32>
      %jit3A_248 = arith.constant 1 : i32
      %jit3A_249 = arith.constant 0 : i32
      %broadcast_in_dim3A_250 = vector.broadcast %jit3A_248 : i32 to vector<16xi32>
      %broadcast_in_dim3A_251 = vector.broadcast %jit3A_249 : i32 to vector<16xi32>
      %select_n3A_252 = arith.select %gt3A_247, %broadcast_in_dim3A_250, %broadcast_in_dim3A_251 : vector<16xi1>, vector<16xi32>
      %sub3A_253 = arith.subi %convert_element_type3A_245, %select_n3A_252 : vector<16xi32>
      %convert_element_type3A_254 = arith.sitofp %sub3A_244 : vector<16xi32> to vector<16xf32>
      %gt3A_255 = arith.cmpf ogt, %min3A_229, %convert_element_type3A_254 : vector<16xf32>
      %jit3A_256 = arith.constant 1 : i32
      %jit3A_257 = arith.constant 0 : i32
      %broadcast_in_dim3A_258 = vector.broadcast %jit3A_256 : i32 to vector<16xi32>
      %broadcast_in_dim3A_259 = vector.broadcast %jit3A_257 : i32 to vector<16xi32>
      %select_n3A_260 = arith.select %gt3A_255, %broadcast_in_dim3A_258, %broadcast_in_dim3A_259 : vector<16xi1>, vector<16xi32>
      %add3A_261 = arith.addi %sub3A_244, %select_n3A_260 : vector<16xi32>
      %convert_element_type3A_262 = arith.sitofp %sub3A_253 : vector<16xi32> to vector<16xf32>
      %gt3A_263 = arith.cmpf ogt, %min3A_235, %convert_element_type3A_262 : vector<16xf32>
      %jit3A_264 = arith.constant 1 : i32
      %jit3A_265 = arith.constant 0 : i32
      %broadcast_in_dim3A_266 = vector.broadcast %jit3A_264 : i32 to vector<16xi32>
      %broadcast_in_dim3A_267 = vector.broadcast %jit3A_265 : i32 to vector<16xi32>
      %select_n3A_268 = arith.select %gt3A_263, %broadcast_in_dim3A_266, %broadcast_in_dim3A_267 : vector<16xi1>, vector<16xi32>
      %add3A_269 = arith.addi %sub3A_253, %select_n3A_268 : vector<16xi32>
      %jit3A_270 = arith.constant 0 : i32
      %jit3A_271 = arith.constant 511 : i32
      %max3A_272 = vector.broadcast %jit3A_270 : i32 to vector<16xi32>
      %max3A_273 = arith.maxsi %max3A_272, %sub3A_244 : vector<16xi32>
      %min3A_274 = vector.broadcast %jit3A_271 : i32 to vector<16xi32>
      %min3A_275 = arith.minsi %min3A_274, %max3A_273 : vector<16xi32>
      %jit3A_276 = arith.constant 0 : i32
      %jit3A_277 = arith.constant 511 : i32
      %max3A_278 = vector.broadcast %jit3A_276 : i32 to vector<16xi32>
      %max3A_279 = arith.maxsi %max3A_278, %add3A_261 : vector<16xi32>
      %min3A_280 = vector.broadcast %jit3A_277 : i32 to vector<16xi32>
      %min3A_281 = arith.minsi %min3A_280, %max3A_279 : vector<16xi32>
      %jit3A_282 = arith.constant 0 : i32
      %jit3A_283 = arith.constant 511 : i32
      %max3A_284 = vector.broadcast %jit3A_282 : i32 to vector<16xi32>
      %max3A_285 = arith.maxsi %max3A_284, %sub3A_253 : vector<16xi32>
      %min3A_286 = vector.broadcast %jit3A_283 : i32 to vector<16xi32>
      %min3A_287 = arith.minsi %min3A_286, %max3A_285 : vector<16xi32>
      %jit3A_288 = arith.constant 0 : i32
      %jit3A_289 = arith.constant 511 : i32
      %max3A_290 = vector.broadcast %jit3A_288 : i32 to vector<16xi32>
      %max3A_291 = arith.maxsi %max3A_290, %add3A_269 : vector<16xi32>
      %min3A_292 = vector.broadcast %jit3A_289 : i32 to vector<16xi32>
      %min3A_293 = arith.minsi %min3A_292, %max3A_291 : vector<16xi32>
      %convert_element_type3A_294 = arith.sitofp %min3A_275 : vector<16xi32> to vector<16xf32>
      %sub3A_295 = arith.subf %min3A_229, %convert_element_type3A_294 : vector<16xf32>
      %sub3A_296 = arith.constant 1.000000e+00 : f32
      %sub3A_297 = vector.broadcast %sub3A_296 : f32 to vector<16xf32>
      %sub3A_298 = arith.subf %sub3A_297, %sub3A_295 : vector<16xf32>
      %convert_element_type3A_299 = arith.sitofp %min3A_287 : vector<16xi32> to vector<16xf32>
      %sub3A_300 = arith.subf %min3A_235, %convert_element_type3A_299 : vector<16xf32>
      %sub3A_301 = arith.constant 1.000000e+00 : f32
      %sub3A_302 = vector.broadcast %sub3A_301 : f32 to vector<16xf32>
      %sub3A_303 = arith.subf %sub3A_302, %sub3A_300 : vector<16xf32>
      %sub3A_304 = vector.broadcast %min3A_18 : i32 to vector<16xi32>
      %sub3A_305 = arith.subi %min3A_287, %sub3A_304 : vector<16xi32>
      %jit3A_306 = arith.constant 0 : i32
      %jit3A_307 = arith.constant 28 : i32
      %max3A_308 = vector.broadcast %jit3A_306 : i32 to vector<16xi32>
      %max3A_309 = arith.maxsi %max3A_308, %sub3A_305 : vector<16xi32>
      %min3A_310 = vector.broadcast %jit3A_307 : i32 to vector<16xi32>
      %min3A_311 = arith.minsi %min3A_310, %max3A_309 : vector<16xi32>
      %mul3A_312 = arith.constant 512 : i32
      %mul3A_313 = vector.broadcast %mul3A_312 : i32 to vector<16xi32>
      %mul3A_314 = arith.muli %min3A_311, %mul3A_313 : vector<16xi32>
      %sub3A_315 = vector.broadcast %min3A_18 : i32 to vector<16xi32>
      %sub3A_316 = arith.subi %min3A_293, %sub3A_315 : vector<16xi32>
      %jit3A_317 = arith.constant 0 : i32
      %jit3A_318 = arith.constant 28 : i32
      %max3A_319 = vector.broadcast %jit3A_317 : i32 to vector<16xi32>
      %max3A_320 = arith.maxsi %max3A_319, %sub3A_316 : vector<16xi32>
      %min3A_321 = vector.broadcast %jit3A_318 : i32 to vector<16xi32>
      %min3A_322 = arith.minsi %min3A_321, %max3A_320 : vector<16xi32>
      %mul3A_323 = arith.constant 512 : i32
      %mul3A_324 = vector.broadcast %mul3A_323 : i32 to vector<16xi32>
      %mul3A_325 = arith.muli %min3A_322, %mul3A_324 : vector<16xi32>
      %add3A_326 = arith.addi %mul3A_314, %min3A_275 : vector<16xi32>
      %gather3A = tpu.vector_load_idx %arg12[%add3A_326] : memref<14848xf32, #tpu.memory_space<vmem>>[vector<16xi32>], vector<16xf32>,
      %add3A_327 = arith.addi %mul3A_314, %min3A_281 : vector<16xi32>
      %gather3A_328 = tpu.vector_load_idx %arg12[%add3A_327] : memref<14848xf32, #tpu.memory_space<vmem>>[vector<16xi32>], vector<16xf32>,
      %add3A_329 = arith.addi %mul3A_325, %min3A_275 : vector<16xi32>
      %gather3A_330 = tpu.vector_load_idx %arg12[%add3A_329] : memref<14848xf32, #tpu.memory_space<vmem>>[vector<16xi32>], vector<16xf32>,
      %add3A_331 = arith.addi %mul3A_325, %min3A_281 : vector<16xi32>
      %gather3A_332 = tpu.vector_load_idx %arg12[%add3A_331] : memref<14848xf32, #tpu.memory_space<vmem>>[vector<16xi32>], vector<16xf32>,
      %mul3A_333 = arith.mulf %sub3A_303, %sub3A_298 : vector<16xf32>
      %mul3A_334 = arith.mulf %gather3A, %mul3A_333 : vector<16xf32>
      %mul3A_335 = arith.mulf %sub3A_303, %sub3A_295 : vector<16xf32>
      %mul3A_336 = arith.mulf %mul3A_335, %gather3A_328 : vector<16xf32>
      %add3A_337 = arith.addf %mul3A_334, %mul3A_336 : vector<16xf32>
      %mul3A_338 = arith.mulf %sub3A_300, %sub3A_298 : vector<16xf32>
      %mul3A_339 = arith.mulf %mul3A_338, %gather3A_330 : vector<16xf32>
      %add3A_340 = arith.addf %add3A_337, %mul3A_339 : vector<16xf32>
      %mul3A_341 = arith.mulf %sub3A_300, %sub3A_295 : vector<16xf32>
      %mul3A_342 = arith.mulf %mul3A_341, %gather3A_332 : vector<16xf32>
      %add3A_343 = arith.addf %add3A_340, %mul3A_342 : vector<16xf32>
      %iota3A_344 = tpu.iota {dimensions = array<i32: 0>} : vector<16xi32>
      %mul3A_345 = arith.constant 16 : i32
      %mul3A_346 = arith.muli %scan3A_197, %mul3A_345 : i32
      %add3A_347 = vector.broadcast %mul3A_346 : i32 to vector<16xi32>
      %add3A_348 = arith.addi %iota3A_344, %add3A_347 : vector<16xi32>
      %lt3A = arith.constant 625 : i32
      %lt3A_349 = vector.broadcast %lt3A : i32 to vector<16xi32>
      %lt3A_350 = arith.cmpi slt, %add3A_348, %lt3A_349 : vector<16xi32>
      %jit3A_351 = arith.constant 0.000000e+00 : f32
      %broadcast_in_dim3A_352 = vector.broadcast %jit3A_351 : f32 to vector<16xf32>
      %select_n3A_353 = arith.select %lt3A_350, %add3A_343, %broadcast_in_dim3A_352 : vector<16xi1>, vector<16xf32>
      %mul3A_354 = arith.constant 16 : i32
      %mul3A_355 = arith.muli %scan3A_197, %mul3A_354 : i32
      %add3A_356 = arith.constant 0 : i32
      %add3A_357 = arith.addi %add3A_356, %mul3A_355 : i32
      %swap3A = arith.index_cast %add3A_357 : i32 to index
      %swap3A_358 = tpu.vector_load %arg14[%swap3A] {strides = array<i32>} : memref<1280xf32, #tpu.memory_space<vmem>>, vector<16xf32>,
      tpu.vector_store %arg14[%swap3A], %select_n3A_353 {strides = array<i32>} : memref<1280xf32, #tpu.memory_space<vmem>>, vector<16xf32>,
      %scan3A_359 = arith.constant 0 : i32
      scf.yield %scan3A_359 : i32
    }
    %scan3A_48 = arith.constant 40 : i32
    %dma_wait3A_49 = tpu.memref_slice %arg4[%mul3A_39] : memref<262144xf32, #tpu.memory_space<hbm>> -> memref<14848xf32, #tpu.memory_space<hbm>>
    %dma_wait3A_50 = tpu.memref_slice %arg4[%mul3A_39] : memref<262144xf32, #tpu.memory_space<hbm>> -> memref<14848xf32, #tpu.memory_space<hbm>>
    tpu.wait_dma2 semaphore(%arg20 : memref<!tpu.dma_semaphore, #tpu.memory_space<semaphore_mem>>) src(%dma_wait3A_50 : memref<14848xf32, #tpu.memory_space<hbm>>) dst(%arg13 : memref<14848xf32, #tpu.memory_space<vmem>>)
    %scan3A_51 = arith.constant 0 : i32
    %scan3A_52 = arith.constant 0 : i32
    %scan3A_53 = arith.constant 40 : i32
    %scan3A_54 = arith.addi %scan3A_52, %scan3A_53 : i32
    %scan3A_55 = arith.constant 1 : i32
    %scan3A_56 = scf.for %scan3A_197 = %scan3A_52 to %scan3A_54 step %scan3A_55 iter_args(%scan3A_198 = %scan3A_51) -> (i32)  : i32 {
      %iota3A = tpu.iota {dimensions = array<i32: 0>} : vector<16xi32>
      %mul3A_199 = arith.constant 16 : i32
      %mul3A_200 = arith.muli %scan3A_197, %mul3A_199 : i32
      %add3A_201 = vector.broadcast %mul3A_200 : i32 to vector<16xi32>
      %add3A_202 = arith.addi %iota3A, %add3A_201 : vector<16xi32>
      %mul3A_203 = arith.constant 5243 : i32
      %mul3A_204 = vector.broadcast %mul3A_203 : i32 to vector<16xi32>
      %mul3A_205 = arith.muli %add3A_202, %mul3A_204 : vector<16xi32>
      %shift_right_logical3A = arith.constant 17 : i32
      %shift_right_logical3A_206 = vector.broadcast %shift_right_logical3A : i32 to vector<16xi32>
      %shift_right_logical3A_207 = arith.shrui %mul3A_205, %shift_right_logical3A_206 : vector<16xi32>
      %mul3A_208 = arith.constant 25 : i32
      %mul3A_209 = vector.broadcast %mul3A_208 : i32 to vector<16xi32>
      %mul3A_210 = arith.muli %shift_right_logical3A_207, %mul3A_209 : vector<16xi32>
      %sub3A_211 = arith.subi %add3A_202, %mul3A_210 : vector<16xi32>
      %convert_element_type3A_212 = arith.sitofp %shift_right_logical3A_207 : vector<16xi32> to vector<16xf32>
      %add3A_213 = vector.broadcast %squeeze3A_4 : f32 to vector<16xf32>
      %add3A_214 = arith.addf %convert_element_type3A_212, %add3A_213 : vector<16xf32>
      %sub3A_215 = arith.constant 1.200000e+01 : f32
      %sub3A_216 = vector.broadcast %sub3A_215 : f32 to vector<16xf32>
      %sub3A_217 = arith.subf %add3A_214, %sub3A_216 : vector<16xf32>
      %convert_element_type3A_218 = arith.sitofp %sub3A_211 : vector<16xi32> to vector<16xf32>
      %add3A_219 = vector.broadcast %squeeze3A_8 : f32 to vector<16xf32>
      %add3A_220 = arith.addf %convert_element_type3A_218, %add3A_219 : vector<16xf32>
      %sub3A_221 = arith.constant 1.200000e+01 : f32
      %sub3A_222 = vector.broadcast %sub3A_221 : f32 to vector<16xf32>
      %sub3A_223 = arith.subf %add3A_220, %sub3A_222 : vector<16xf32>
      %jit3A_224 = arith.constant -1.000000e+06 : f32
      %jit3A_225 = arith.constant 1.000000e+06 : f32
      %max3A_226 = vector.broadcast %jit3A_224 : f32 to vector<16xf32>
      %max3A_227 = arith.maximumf %max3A_226, %sub3A_217 : vector<16xf32>
      %min3A_228 = vector.broadcast %jit3A_225 : f32 to vector<16xf32>
      %min3A_229 = arith.minimumf %min3A_228, %max3A_227 : vector<16xf32>
      %jit3A_230 = arith.constant -1.000000e+06 : f32
      %jit3A_231 = arith.constant 1.000000e+06 : f32
      %max3A_232 = vector.broadcast %jit3A_230 : f32 to vector<16xf32>
      %max3A_233 = arith.maximumf %max3A_232, %sub3A_223 : vector<16xf32>
      %min3A_234 = vector.broadcast %jit3A_231 : f32 to vector<16xf32>
      %min3A_235 = arith.minimumf %min3A_234, %max3A_233 : vector<16xf32>
      %convert_element_type3A_236 = arith.fptosi %min3A_229 : vector<16xf32> to vector<16xi32>
      %convert_element_type3A_237 = arith.sitofp %convert_element_type3A_236 : vector<16xi32> to vector<16xf32>
      %gt3A_238 = arith.cmpf ogt, %convert_element_type3A_237, %min3A_229 : vector<16xf32>
      %jit3A_239 = arith.constant 1 : i32
      %jit3A_240 = arith.constant 0 : i32
      %broadcast_in_dim3A_241 = vector.broadcast %jit3A_239 : i32 to vector<16xi32>
      %broadcast_in_dim3A_242 = vector.broadcast %jit3A_240 : i32 to vector<16xi32>
      %select_n3A_243 = arith.select %gt3A_238, %broadcast_in_dim3A_241, %broadcast_in_dim3A_242 : vector<16xi1>, vector<16xi32>
      %sub3A_244 = arith.subi %convert_element_type3A_236, %select_n3A_243 : vector<16xi32>
      %convert_element_type3A_245 = arith.fptosi %min3A_235 : vector<16xf32> to vector<16xi32>
      %convert_element_type3A_246 = arith.sitofp %convert_element_type3A_245 : vector<16xi32> to vector<16xf32>
      %gt3A_247 = arith.cmpf ogt, %convert_element_type3A_246, %min3A_235 : vector<16xf32>
      %jit3A_248 = arith.constant 1 : i32
      %jit3A_249 = arith.constant 0 : i32
      %broadcast_in_dim3A_250 = vector.broadcast %jit3A_248 : i32 to vector<16xi32>
      %broadcast_in_dim3A_251 = vector.broadcast %jit3A_249 : i32 to vector<16xi32>
      %select_n3A_252 = arith.select %gt3A_247, %broadcast_in_dim3A_250, %broadcast_in_dim3A_251 : vector<16xi1>, vector<16xi32>
      %sub3A_253 = arith.subi %convert_element_type3A_245, %select_n3A_252 : vector<16xi32>
      %convert_element_type3A_254 = arith.sitofp %sub3A_244 : vector<16xi32> to vector<16xf32>
      %gt3A_255 = arith.cmpf ogt, %min3A_229, %convert_element_type3A_254 : vector<16xf32>
      %jit3A_256 = arith.constant 1 : i32
      %jit3A_257 = arith.constant 0 : i32
      %broadcast_in_dim3A_258 = vector.broadcast %jit3A_256 : i32 to vector<16xi32>
      %broadcast_in_dim3A_259 = vector.broadcast %jit3A_257 : i32 to vector<16xi32>
      %select_n3A_260 = arith.select %gt3A_255, %broadcast_in_dim3A_258, %broadcast_in_dim3A_259 : vector<16xi1>, vector<16xi32>
      %add3A_261 = arith.addi %sub3A_244, %select_n3A_260 : vector<16xi32>
      %convert_element_type3A_262 = arith.sitofp %sub3A_253 : vector<16xi32> to vector<16xf32>
      %gt3A_263 = arith.cmpf ogt, %min3A_235, %convert_element_type3A_262 : vector<16xf32>
      %jit3A_264 = arith.constant 1 : i32
      %jit3A_265 = arith.constant 0 : i32
      %broadcast_in_dim3A_266 = vector.broadcast %jit3A_264 : i32 to vector<16xi32>
      %broadcast_in_dim3A_267 = vector.broadcast %jit3A_265 : i32 to vector<16xi32>
      %select_n3A_268 = arith.select %gt3A_263, %broadcast_in_dim3A_266, %broadcast_in_dim3A_267 : vector<16xi1>, vector<16xi32>
      %add3A_269 = arith.addi %sub3A_253, %select_n3A_268 : vector<16xi32>
      %jit3A_270 = arith.constant 0 : i32
      %jit3A_271 = arith.constant 511 : i32
      %max3A_272 = vector.broadcast %jit3A_270 : i32 to vector<16xi32>
      %max3A_273 = arith.maxsi %max3A_272, %sub3A_244 : vector<16xi32>
      %min3A_274 = vector.broadcast %jit3A_271 : i32 to vector<16xi32>
      %min3A_275 = arith.minsi %min3A_274, %max3A_273 : vector<16xi32>
      %jit3A_276 = arith.constant 0 : i32
      %jit3A_277 = arith.constant 511 : i32
      %max3A_278 = vector.broadcast %jit3A_276 : i32 to vector<16xi32>
      %max3A_279 = arith.maxsi %max3A_278, %add3A_261 : vector<16xi32>
      %min3A_280 = vector.broadcast %jit3A_277 : i32 to vector<16xi32>
      %min3A_281 = arith.minsi %min3A_280, %max3A_279 : vector<16xi32>
      %jit3A_282 = arith.constant 0 : i32
      %jit3A_283 = arith.constant 511 : i32
      %max3A_284 = vector.broadcast %jit3A_282 : i32 to vector<16xi32>
      %max3A_285 = arith.maxsi %max3A_284, %sub3A_253 : vector<16xi32>
      %min3A_286 = vector.broadcast %jit3A_283 : i32 to vector<16xi32>
      %min3A_287 = arith.minsi %min3A_286, %max3A_285 : vector<16xi32>
      %jit3A_288 = arith.constant 0 : i32
      %jit3A_289 = arith.constant 511 : i32
      %max3A_290 = vector.broadcast %jit3A_288 : i32 to vector<16xi32>
      %max3A_291 = arith.maxsi %max3A_290, %add3A_269 : vector<16xi32>
      %min3A_292 = vector.broadcast %jit3A_289 : i32 to vector<16xi32>
      %min3A_293 = arith.minsi %min3A_292, %max3A_291 : vector<16xi32>
      %convert_element_type3A_294 = arith.sitofp %min3A_275 : vector<16xi32> to vector<16xf32>
      %sub3A_295 = arith.subf %min3A_229, %convert_element_type3A_294 : vector<16xf32>
      %sub3A_296 = arith.constant 1.000000e+00 : f32
      %sub3A_297 = vector.broadcast %sub3A_296 : f32 to vector<16xf32>
      %sub3A_298 = arith.subf %sub3A_297, %sub3A_295 : vector<16xf32>
      %convert_element_type3A_299 = arith.sitofp %min3A_287 : vector<16xi32> to vector<16xf32>
      %sub3A_300 = arith.subf %min3A_235, %convert_element_type3A_299 : vector<16xf32>
      %sub3A_301 = arith.constant 1.000000e+00 : f32
      %sub3A_302 = vector.broadcast %sub3A_301 : f32 to vector<16xf32>
      %sub3A_303 = arith.subf %sub3A_302, %sub3A_300 : vector<16xf32>
      %sub3A_304 = vector.broadcast %min3A_35 : i32 to vector<16xi32>
      %sub3A_305 = arith.subi %min3A_287, %sub3A_304 : vector<16xi32>
      %jit3A_306 = arith.constant 0 : i32
      %jit3A_307 = arith.constant 28 : i32
      %max3A_308 = vector.broadcast %jit3A_306 : i32 to vector<16xi32>
      %max3A_309 = arith.maxsi %max3A_308, %sub3A_305 : vector<16xi32>
      %min3A_310 = vector.broadcast %jit3A_307 : i32 to vector<16xi32>
      %min3A_311 = arith.minsi %min3A_310, %max3A_309 : vector<16xi32>
      %mul3A_312 = arith.constant 512 : i32
      %mul3A_313 = vector.broadcast %mul3A_312 : i32 to vector<16xi32>
      %mul3A_314 = arith.muli %min3A_311, %mul3A_313 : vector<16xi32>
      %sub3A_315 = vector.broadcast %min3A_35 : i32 to vector<16xi32>
      %sub3A_316 = arith.subi %min3A_293, %sub3A_315 : vector<16xi32>
      %jit3A_317 = arith.constant 0 : i32
      %jit3A_318 = arith.constant 28 : i32
      %max3A_319 = vector.broadcast %jit3A_317 : i32 to vector<16xi32>
      %max3A_320 = arith.maxsi %max3A_319, %sub3A_316 : vector<16xi32>
      %min3A_321 = vector.broadcast %jit3A_318 : i32 to vector<16xi32>
      %min3A_322 = arith.minsi %min3A_321, %max3A_320 : vector<16xi32>
      %mul3A_323 = arith.constant 512 : i32
      %mul3A_324 = vector.broadcast %mul3A_323 : i32 to vector<16xi32>
      %mul3A_325 = arith.muli %min3A_322, %mul3A_324 : vector<16xi32>
      %add3A_326 = arith.addi %mul3A_314, %min3A_275 : vector<16xi32>
      %gather3A = tpu.vector_load_idx %arg13[%add3A_326] : memref<14848xf32, #tpu.memory_space<vmem>>[vector<16xi32>], vector<16xf32>,
      %add3A_327 = arith.addi %mul3A_314, %min3A_281 : vector<16xi32>
      %gather3A_328 = tpu.vector_load_idx %arg13[%add3A_327] : memref<14848xf32, #tpu.memory_space<vmem>>[vector<16xi32>], vector<16xf32>,
      %add3A_329 = arith.addi %mul3A_325, %min3A_275 : vector<16xi32>
      %gather3A_330 = tpu.vector_load_idx %arg13[%add3A_329] : memref<14848xf32, #tpu.memory_space<vmem>>[vector<16xi32>], vector<16xf32>,
      %add3A_331 = arith.addi %mul3A_325, %min3A_281 : vector<16xi32>
      %gather3A_332 = tpu.vector_load_idx %arg13[%add3A_331] : memref<14848xf32, #tpu.memory_space<vmem>>[vector<16xi32>], vector<16xf32>,
      %mul3A_333 = arith.mulf %sub3A_303, %sub3A_298 : vector<16xf32>
      %mul3A_334 = arith.mulf %gather3A, %mul3A_333 : vector<16xf32>
      %mul3A_335 = arith.mulf %sub3A_303, %sub3A_295 : vector<16xf32>
      %mul3A_336 = arith.mulf %mul3A_335, %gather3A_328 : vector<16xf32>
      %add3A_337 = arith.addf %mul3A_334, %mul3A_336 : vector<16xf32>
      %mul3A_338 = arith.mulf %sub3A_300, %sub3A_298 : vector<16xf32>
      %mul3A_339 = arith.mulf %mul3A_338, %gather3A_330 : vector<16xf32>
      %add3A_340 = arith.addf %add3A_337, %mul3A_339 : vector<16xf32>
      %mul3A_341 = arith.mulf %sub3A_300, %sub3A_295 : vector<16xf32>
      %mul3A_342 = arith.mulf %mul3A_341, %gather3A_332 : vector<16xf32>
      %add3A_343 = arith.addf %add3A_340, %mul3A_342 : vector<16xf32>
      %iota3A_344 = tpu.iota {dimensions = array<i32: 0>} : vector<16xi32>
      %mul3A_345 = arith.constant 16 : i32
      %mul3A_346 = arith.muli %scan3A_197, %mul3A_345 : i32
      %add3A_347 = vector.broadcast %mul3A_346 : i32 to vector<16xi32>
      %add3A_348 = arith.addi %iota3A_344, %add3A_347 : vector<16xi32>
      %lt3A = arith.constant 625 : i32
      %lt3A_349 = vector.broadcast %lt3A : i32 to vector<16xi32>
      %lt3A_350 = arith.cmpi slt, %add3A_348, %lt3A_349 : vector<16xi32>
      %jit3A_351 = arith.constant 0.000000e+00 : f32
      %broadcast_in_dim3A_352 = vector.broadcast %jit3A_351 : f32 to vector<16xf32>
      %select_n3A_353 = arith.select %lt3A_350, %add3A_343, %broadcast_in_dim3A_352 : vector<16xi1>, vector<16xf32>
      %mul3A_354 = arith.constant 16 : i32
      %mul3A_355 = arith.muli %scan3A_197, %mul3A_354 : i32
      %add3A_356 = arith.constant 640 : i32
      %add3A_357 = arith.addi %add3A_356, %mul3A_355 : i32
      %swap3A = arith.index_cast %add3A_357 : i32 to index
      %swap3A_358 = tpu.vector_load %arg14[%swap3A] {strides = array<i32>} : memref<1280xf32, #tpu.memory_space<vmem>>, vector<16xf32>,
      tpu.vector_store %arg14[%swap3A], %select_n3A_353 {strides = array<i32>} : memref<1280xf32, #tpu.memory_space<vmem>>, vector<16xf32>,
      %scan3A_359 = arith.constant 0 : i32
      scf.yield %scan3A_359 : i32
    }
    %scan3A_57 = arith.constant 40 : i32
    %mul3A_58 = arith.constant 512 : i32
    %mul3A_59 = arith.muli %min3A_18, %mul3A_58 : i32
    %dma_start3A_60 = tpu.memref_slice %arg6[%mul3A_59] : memref<262144xf32, #tpu.memory_space<hbm>> -> memref<14848xf32, #tpu.memory_space<hbm>>
    %dma_start3A_61 = tpu.memref_slice %arg6[%mul3A_59] : memref<262144xf32, #tpu.memory_space<hbm>> -> memref<14848xf32, #tpu.memory_space<hbm>>
    tpu.enqueue_dma source(%dma_start3A_61 : memref<14848xf32, #tpu.memory_space<hbm>>) target(%arg12 : memref<14848xf32, #tpu.memory_space<vmem>>) target_semaphore(%arg19 : memref<!tpu.dma_semaphore, #tpu.memory_space<semaphore_mem>>)
    %mul3A_62 = arith.constant 512 : i32
    %mul3A_63 = arith.muli %min3A_35, %mul3A_62 : i32
    %dma_start3A_64 = tpu.memref_slice %arg6[%mul3A_63] : memref<262144xf32, #tpu.memory_space<hbm>> -> memref<14848xf32, #tpu.memory_space<hbm>>
    %dma_start3A_65 = tpu.memref_slice %arg6[%mul3A_63] : memref<262144xf32, #tpu.memory_space<hbm>> -> memref<14848xf32, #tpu.memory_space<hbm>>
    tpu.enqueue_dma source(%dma_start3A_65 : memref<14848xf32, #tpu.memory_space<hbm>>) target(%arg13 : memref<14848xf32, #tpu.memory_space<vmem>>) target_semaphore(%arg20 : memref<!tpu.dma_semaphore, #tpu.memory_space<semaphore_mem>>)
    %dma_wait3A_66 = tpu.memref_slice %arg6[%mul3A_59] : memref<262144xf32, #tpu.memory_space<hbm>> -> memref<14848xf32, #tpu.memory_space<hbm>>
    %dma_wait3A_67 = tpu.memref_slice %arg6[%mul3A_59] : memref<262144xf32, #tpu.memory_space<hbm>> -> memref<14848xf32, #tpu.memory_space<hbm>>
    tpu.wait_dma2 semaphore(%arg19 : memref<!tpu.dma_semaphore, #tpu.memory_space<semaphore_mem>>) src(%dma_wait3A_67 : memref<14848xf32, #tpu.memory_space<hbm>>) dst(%arg12 : memref<14848xf32, #tpu.memory_space<vmem>>)
    %scan3A_68 = arith.constant 0 : i32
    %scan3A_69 = arith.constant 0 : i32
    %scan3A_70 = arith.constant 40 : i32
    %scan3A_71 = arith.addi %scan3A_69, %scan3A_70 : i32
    %scan3A_72 = arith.constant 1 : i32
    %scan3A_73 = scf.for %scan3A_197 = %scan3A_69 to %scan3A_71 step %scan3A_72 iter_args(%scan3A_198 = %scan3A_68) -> (i32)  : i32 {
      %iota3A = tpu.iota {dimensions = array<i32: 0>} : vector<16xi32>
      %mul3A_199 = arith.constant 16 : i32
      %mul3A_200 = arith.muli %scan3A_197, %mul3A_199 : i32
      %add3A_201 = vector.broadcast %mul3A_200 : i32 to vector<16xi32>
      %add3A_202 = arith.addi %iota3A, %add3A_201 : vector<16xi32>
      %mul3A_203 = arith.constant 5243 : i32
      %mul3A_204 = vector.broadcast %mul3A_203 : i32 to vector<16xi32>
      %mul3A_205 = arith.muli %add3A_202, %mul3A_204 : vector<16xi32>
      %shift_right_logical3A = arith.constant 17 : i32
      %shift_right_logical3A_206 = vector.broadcast %shift_right_logical3A : i32 to vector<16xi32>
      %shift_right_logical3A_207 = arith.shrui %mul3A_205, %shift_right_logical3A_206 : vector<16xi32>
      %mul3A_208 = arith.constant 25 : i32
      %mul3A_209 = vector.broadcast %mul3A_208 : i32 to vector<16xi32>
      %mul3A_210 = arith.muli %shift_right_logical3A_207, %mul3A_209 : vector<16xi32>
      %sub3A_211 = arith.subi %add3A_202, %mul3A_210 : vector<16xi32>
      %convert_element_type3A_212 = arith.sitofp %shift_right_logical3A_207 : vector<16xi32> to vector<16xf32>
      %add3A_213 = vector.broadcast %squeeze3A : f32 to vector<16xf32>
      %add3A_214 = arith.addf %convert_element_type3A_212, %add3A_213 : vector<16xf32>
      %sub3A_215 = arith.constant 1.200000e+01 : f32
      %sub3A_216 = vector.broadcast %sub3A_215 : f32 to vector<16xf32>
      %sub3A_217 = arith.subf %add3A_214, %sub3A_216 : vector<16xf32>
      %convert_element_type3A_218 = arith.sitofp %sub3A_211 : vector<16xi32> to vector<16xf32>
      %add3A_219 = vector.broadcast %squeeze3A_6 : f32 to vector<16xf32>
      %add3A_220 = arith.addf %convert_element_type3A_218, %add3A_219 : vector<16xf32>
      %sub3A_221 = arith.constant 1.200000e+01 : f32
      %sub3A_222 = vector.broadcast %sub3A_221 : f32 to vector<16xf32>
      %sub3A_223 = arith.subf %add3A_220, %sub3A_222 : vector<16xf32>
      %jit3A_224 = arith.constant -1.000000e+06 : f32
      %jit3A_225 = arith.constant 1.000000e+06 : f32
      %max3A_226 = vector.broadcast %jit3A_224 : f32 to vector<16xf32>
      %max3A_227 = arith.maximumf %max3A_226, %sub3A_217 : vector<16xf32>
      %min3A_228 = vector.broadcast %jit3A_225 : f32 to vector<16xf32>
      %min3A_229 = arith.minimumf %min3A_228, %max3A_227 : vector<16xf32>
      %jit3A_230 = arith.constant -1.000000e+06 : f32
      %jit3A_231 = arith.constant 1.000000e+06 : f32
      %max3A_232 = vector.broadcast %jit3A_230 : f32 to vector<16xf32>
      %max3A_233 = arith.maximumf %max3A_232, %sub3A_223 : vector<16xf32>
      %min3A_234 = vector.broadcast %jit3A_231 : f32 to vector<16xf32>
      %min3A_235 = arith.minimumf %min3A_234, %max3A_233 : vector<16xf32>
      %convert_element_type3A_236 = arith.fptosi %min3A_229 : vector<16xf32> to vector<16xi32>
      %convert_element_type3A_237 = arith.sitofp %convert_element_type3A_236 : vector<16xi32> to vector<16xf32>
      %gt3A_238 = arith.cmpf ogt, %convert_element_type3A_237, %min3A_229 : vector<16xf32>
      %jit3A_239 = arith.constant 1 : i32
      %jit3A_240 = arith.constant 0 : i32
      %broadcast_in_dim3A_241 = vector.broadcast %jit3A_239 : i32 to vector<16xi32>
      %broadcast_in_dim3A_242 = vector.broadcast %jit3A_240 : i32 to vector<16xi32>
      %select_n3A_243 = arith.select %gt3A_238, %broadcast_in_dim3A_241, %broadcast_in_dim3A_242 : vector<16xi1>, vector<16xi32>
      %sub3A_244 = arith.subi %convert_element_type3A_236, %select_n3A_243 : vector<16xi32>
      %convert_element_type3A_245 = arith.fptosi %min3A_235 : vector<16xf32> to vector<16xi32>
      %convert_element_type3A_246 = arith.sitofp %convert_element_type3A_245 : vector<16xi32> to vector<16xf32>
      %gt3A_247 = arith.cmpf ogt, %convert_element_type3A_246, %min3A_235 : vector<16xf32>
      %jit3A_248 = arith.constant 1 : i32
      %jit3A_249 = arith.constant 0 : i32
      %broadcast_in_dim3A_250 = vector.broadcast %jit3A_248 : i32 to vector<16xi32>
      %broadcast_in_dim3A_251 = vector.broadcast %jit3A_249 : i32 to vector<16xi32>
      %select_n3A_252 = arith.select %gt3A_247, %broadcast_in_dim3A_250, %broadcast_in_dim3A_251 : vector<16xi1>, vector<16xi32>
      %sub3A_253 = arith.subi %convert_element_type3A_245, %select_n3A_252 : vector<16xi32>
      %convert_element_type3A_254 = arith.sitofp %sub3A_244 : vector<16xi32> to vector<16xf32>
      %gt3A_255 = arith.cmpf ogt, %min3A_229, %convert_element_type3A_254 : vector<16xf32>
      %jit3A_256 = arith.constant 1 : i32
      %jit3A_257 = arith.constant 0 : i32
      %broadcast_in_dim3A_258 = vector.broadcast %jit3A_256 : i32 to vector<16xi32>
      %broadcast_in_dim3A_259 = vector.broadcast %jit3A_257 : i32 to vector<16xi32>
      %select_n3A_260 = arith.select %gt3A_255, %broadcast_in_dim3A_258, %broadcast_in_dim3A_259 : vector<16xi1>, vector<16xi32>
      %add3A_261 = arith.addi %sub3A_244, %select_n3A_260 : vector<16xi32>
      %convert_element_type3A_262 = arith.sitofp %sub3A_253 : vector<16xi32> to vector<16xf32>
      %gt3A_263 = arith.cmpf ogt, %min3A_235, %convert_element_type3A_262 : vector<16xf32>
      %jit3A_264 = arith.constant 1 : i32
      %jit3A_265 = arith.constant 0 : i32
      %broadcast_in_dim3A_266 = vector.broadcast %jit3A_264 : i32 to vector<16xi32>
      %broadcast_in_dim3A_267 = vector.broadcast %jit3A_265 : i32 to vector<16xi32>
      %select_n3A_268 = arith.select %gt3A_263, %broadcast_in_dim3A_266, %broadcast_in_dim3A_267 : vector<16xi1>, vector<16xi32>
      %add3A_269 = arith.addi %sub3A_253, %select_n3A_268 : vector<16xi32>
      %jit3A_270 = arith.constant 0 : i32
      %jit3A_271 = arith.constant 511 : i32
      %max3A_272 = vector.broadcast %jit3A_270 : i32 to vector<16xi32>
      %max3A_273 = arith.maxsi %max3A_272, %sub3A_244 : vector<16xi32>
      %min3A_274 = vector.broadcast %jit3A_271 : i32 to vector<16xi32>
      %min3A_275 = arith.minsi %min3A_274, %max3A_273 : vector<16xi32>
      %jit3A_276 = arith.constant 0 : i32
      %jit3A_277 = arith.constant 511 : i32
      %max3A_278 = vector.broadcast %jit3A_276 : i32 to vector<16xi32>
      %max3A_279 = arith.maxsi %max3A_278, %add3A_261 : vector<16xi32>
      %min3A_280 = vector.broadcast %jit3A_277 : i32 to vector<16xi32>
      %min3A_281 = arith.minsi %min3A_280, %max3A_279 : vector<16xi32>
      %jit3A_282 = arith.constant 0 : i32
      %jit3A_283 = arith.constant 511 : i32
      %max3A_284 = vector.broadcast %jit3A_282 : i32 to vector<16xi32>
      %max3A_285 = arith.maxsi %max3A_284, %sub3A_253 : vector<16xi32>
      %min3A_286 = vector.broadcast %jit3A_283 : i32 to vector<16xi32>
      %min3A_287 = arith.minsi %min3A_286, %max3A_285 : vector<16xi32>
      %jit3A_288 = arith.constant 0 : i32
      %jit3A_289 = arith.constant 511 : i32
      %max3A_290 = vector.broadcast %jit3A_288 : i32 to vector<16xi32>
      %max3A_291 = arith.maxsi %max3A_290, %add3A_269 : vector<16xi32>
      %min3A_292 = vector.broadcast %jit3A_289 : i32 to vector<16xi32>
      %min3A_293 = arith.minsi %min3A_292, %max3A_291 : vector<16xi32>
      %convert_element_type3A_294 = arith.sitofp %min3A_275 : vector<16xi32> to vector<16xf32>
      %sub3A_295 = arith.subf %min3A_229, %convert_element_type3A_294 : vector<16xf32>
      %sub3A_296 = arith.constant 1.000000e+00 : f32
      %sub3A_297 = vector.broadcast %sub3A_296 : f32 to vector<16xf32>
      %sub3A_298 = arith.subf %sub3A_297, %sub3A_295 : vector<16xf32>
      %convert_element_type3A_299 = arith.sitofp %min3A_287 : vector<16xi32> to vector<16xf32>
      %sub3A_300 = arith.subf %min3A_235, %convert_element_type3A_299 : vector<16xf32>
      %sub3A_301 = arith.constant 1.000000e+00 : f32
      %sub3A_302 = vector.broadcast %sub3A_301 : f32 to vector<16xf32>
      %sub3A_303 = arith.subf %sub3A_302, %sub3A_300 : vector<16xf32>
      %sub3A_304 = vector.broadcast %min3A_18 : i32 to vector<16xi32>
      %sub3A_305 = arith.subi %min3A_287, %sub3A_304 : vector<16xi32>
      %jit3A_306 = arith.constant 0 : i32
      %jit3A_307 = arith.constant 28 : i32
      %max3A_308 = vector.broadcast %jit3A_306 : i32 to vector<16xi32>
      %max3A_309 = arith.maxsi %max3A_308, %sub3A_305 : vector<16xi32>
      %min3A_310 = vector.broadcast %jit3A_307 : i32 to vector<16xi32>
      %min3A_311 = arith.minsi %min3A_310, %max3A_309 : vector<16xi32>
      %mul3A_312 = arith.constant 512 : i32
      %mul3A_313 = vector.broadcast %mul3A_312 : i32 to vector<16xi32>
      %mul3A_314 = arith.muli %min3A_311, %mul3A_313 : vector<16xi32>
      %sub3A_315 = vector.broadcast %min3A_18 : i32 to vector<16xi32>
      %sub3A_316 = arith.subi %min3A_293, %sub3A_315 : vector<16xi32>
      %jit3A_317 = arith.constant 0 : i32
      %jit3A_318 = arith.constant 28 : i32
      %max3A_319 = vector.broadcast %jit3A_317 : i32 to vector<16xi32>
      %max3A_320 = arith.maxsi %max3A_319, %sub3A_316 : vector<16xi32>
      %min3A_321 = vector.broadcast %jit3A_318 : i32 to vector<16xi32>
      %min3A_322 = arith.minsi %min3A_321, %max3A_320 : vector<16xi32>
      %mul3A_323 = arith.constant 512 : i32
      %mul3A_324 = vector.broadcast %mul3A_323 : i32 to vector<16xi32>
      %mul3A_325 = arith.muli %min3A_322, %mul3A_324 : vector<16xi32>
      %add3A_326 = arith.addi %mul3A_314, %min3A_275 : vector<16xi32>
      %gather3A = tpu.vector_load_idx %arg12[%add3A_326] : memref<14848xf32, #tpu.memory_space<vmem>>[vector<16xi32>], vector<16xf32>,
      %add3A_327 = arith.addi %mul3A_314, %min3A_281 : vector<16xi32>
      %gather3A_328 = tpu.vector_load_idx %arg12[%add3A_327] : memref<14848xf32, #tpu.memory_space<vmem>>[vector<16xi32>], vector<16xf32>,
      %add3A_329 = arith.addi %mul3A_325, %min3A_275 : vector<16xi32>
      %gather3A_330 = tpu.vector_load_idx %arg12[%add3A_329] : memref<14848xf32, #tpu.memory_space<vmem>>[vector<16xi32>], vector<16xf32>,
      %add3A_331 = arith.addi %mul3A_325, %min3A_281 : vector<16xi32>
      %gather3A_332 = tpu.vector_load_idx %arg12[%add3A_331] : memref<14848xf32, #tpu.memory_space<vmem>>[vector<16xi32>], vector<16xf32>,
      %mul3A_333 = arith.mulf %sub3A_303, %sub3A_298 : vector<16xf32>
      %mul3A_334 = arith.mulf %gather3A, %mul3A_333 : vector<16xf32>
      %mul3A_335 = arith.mulf %sub3A_303, %sub3A_295 : vector<16xf32>
      %mul3A_336 = arith.mulf %mul3A_335, %gather3A_328 : vector<16xf32>
      %add3A_337 = arith.addf %mul3A_334, %mul3A_336 : vector<16xf32>
      %mul3A_338 = arith.mulf %sub3A_300, %sub3A_298 : vector<16xf32>
      %mul3A_339 = arith.mulf %mul3A_338, %gather3A_330 : vector<16xf32>
      %add3A_340 = arith.addf %add3A_337, %mul3A_339 : vector<16xf32>
      %mul3A_341 = arith.mulf %sub3A_300, %sub3A_295 : vector<16xf32>
      %mul3A_342 = arith.mulf %mul3A_341, %gather3A_332 : vector<16xf32>
      %add3A_343 = arith.addf %add3A_340, %mul3A_342 : vector<16xf32>
      %iota3A_344 = tpu.iota {dimensions = array<i32: 0>} : vector<16xi32>
      %mul3A_345 = arith.constant 16 : i32
      %mul3A_346 = arith.muli %scan3A_197, %mul3A_345 : i32
      %add3A_347 = vector.broadcast %mul3A_346 : i32 to vector<16xi32>
      %add3A_348 = arith.addi %iota3A_344, %add3A_347 : vector<16xi32>
      %lt3A = arith.constant 625 : i32
      %lt3A_349 = vector.broadcast %lt3A : i32 to vector<16xi32>
      %lt3A_350 = arith.cmpi slt, %add3A_348, %lt3A_349 : vector<16xi32>
      %jit3A_351 = arith.constant 0.000000e+00 : f32
      %broadcast_in_dim3A_352 = vector.broadcast %jit3A_351 : f32 to vector<16xf32>
      %select_n3A_353 = arith.select %lt3A_350, %add3A_343, %broadcast_in_dim3A_352 : vector<16xi1>, vector<16xf32>
      %mul3A_354 = arith.constant 16 : i32
      %mul3A_355 = arith.muli %scan3A_197, %mul3A_354 : i32
      %add3A_356 = arith.constant 0 : i32
      %add3A_357 = arith.addi %add3A_356, %mul3A_355 : i32
      %swap3A = arith.index_cast %add3A_357 : i32 to index
      %swap3A_358 = tpu.vector_load %arg15[%swap3A] {strides = array<i32>} : memref<1280xf32, #tpu.memory_space<vmem>>, vector<16xf32>,
      tpu.vector_store %arg15[%swap3A], %select_n3A_353 {strides = array<i32>} : memref<1280xf32, #tpu.memory_space<vmem>>, vector<16xf32>,
      %scan3A_359 = arith.constant 0 : i32
      scf.yield %scan3A_359 : i32
    }
    %scan3A_74 = arith.constant 40 : i32
    %dma_wait3A_75 = tpu.memref_slice %arg6[%mul3A_63] : memref<262144xf32, #tpu.memory_space<hbm>> -> memref<14848xf32, #tpu.memory_space<hbm>>
    %dma_wait3A_76 = tpu.memref_slice %arg6[%mul3A_63] : memref<262144xf32, #tpu.memory_space<hbm>> -> memref<14848xf32, #tpu.memory_space<hbm>>
    tpu.wait_dma2 semaphore(%arg20 : memref<!tpu.dma_semaphore, #tpu.memory_space<semaphore_mem>>) src(%dma_wait3A_76 : memref<14848xf32, #tpu.memory_space<hbm>>) dst(%arg13 : memref<14848xf32, #tpu.memory_space<vmem>>)
    %scan3A_77 = arith.constant 0 : i32
    %scan3A_78 = arith.constant 0 : i32
    %scan3A_79 = arith.constant 40 : i32
    %scan3A_80 = arith.addi %scan3A_78, %scan3A_79 : i32
    %scan3A_81 = arith.constant 1 : i32
    %scan3A_82 = scf.for %scan3A_197 = %scan3A_78 to %scan3A_80 step %scan3A_81 iter_args(%scan3A_198 = %scan3A_77) -> (i32)  : i32 {
      %iota3A = tpu.iota {dimensions = array<i32: 0>} : vector<16xi32>
      %mul3A_199 = arith.constant 16 : i32
      %mul3A_200 = arith.muli %scan3A_197, %mul3A_199 : i32
      %add3A_201 = vector.broadcast %mul3A_200 : i32 to vector<16xi32>
      %add3A_202 = arith.addi %iota3A, %add3A_201 : vector<16xi32>
      %mul3A_203 = arith.constant 5243 : i32
      %mul3A_204 = vector.broadcast %mul3A_203 : i32 to vector<16xi32>
      %mul3A_205 = arith.muli %add3A_202, %mul3A_204 : vector<16xi32>
      %shift_right_logical3A = arith.constant 17 : i32
      %shift_right_logical3A_206 = vector.broadcast %shift_right_logical3A : i32 to vector<16xi32>
      %shift_right_logical3A_207 = arith.shrui %mul3A_205, %shift_right_logical3A_206 : vector<16xi32>
      %mul3A_208 = arith.constant 25 : i32
      %mul3A_209 = vector.broadcast %mul3A_208 : i32 to vector<16xi32>
      %mul3A_210 = arith.muli %shift_right_logical3A_207, %mul3A_209 : vector<16xi32>
      %sub3A_211 = arith.subi %add3A_202, %mul3A_210 : vector<16xi32>
      %convert_element_type3A_212 = arith.sitofp %shift_right_logical3A_207 : vector<16xi32> to vector<16xf32>
      %add3A_213 = vector.broadcast %squeeze3A_4 : f32 to vector<16xf32>
      %add3A_214 = arith.addf %convert_element_type3A_212, %add3A_213 : vector<16xf32>
      %sub3A_215 = arith.constant 1.200000e+01 : f32
      %sub3A_216 = vector.broadcast %sub3A_215 : f32 to vector<16xf32>
      %sub3A_217 = arith.subf %add3A_214, %sub3A_216 : vector<16xf32>
      %convert_element_type3A_218 = arith.sitofp %sub3A_211 : vector<16xi32> to vector<16xf32>
      %add3A_219 = vector.broadcast %squeeze3A_8 : f32 to vector<16xf32>
      %add3A_220 = arith.addf %convert_element_type3A_218, %add3A_219 : vector<16xf32>
      %sub3A_221 = arith.constant 1.200000e+01 : f32
      %sub3A_222 = vector.broadcast %sub3A_221 : f32 to vector<16xf32>
      %sub3A_223 = arith.subf %add3A_220, %sub3A_222 : vector<16xf32>
      %jit3A_224 = arith.constant -1.000000e+06 : f32
      %jit3A_225 = arith.constant 1.000000e+06 : f32
      %max3A_226 = vector.broadcast %jit3A_224 : f32 to vector<16xf32>
      %max3A_227 = arith.maximumf %max3A_226, %sub3A_217 : vector<16xf32>
      %min3A_228 = vector.broadcast %jit3A_225 : f32 to vector<16xf32>
      %min3A_229 = arith.minimumf %min3A_228, %max3A_227 : vector<16xf32>
      %jit3A_230 = arith.constant -1.000000e+06 : f32
      %jit3A_231 = arith.constant 1.000000e+06 : f32
      %max3A_232 = vector.broadcast %jit3A_230 : f32 to vector<16xf32>
      %max3A_233 = arith.maximumf %max3A_232, %sub3A_223 : vector<16xf32>
      %min3A_234 = vector.broadcast %jit3A_231 : f32 to vector<16xf32>
      %min3A_235 = arith.minimumf %min3A_234, %max3A_233 : vector<16xf32>
      %convert_element_type3A_236 = arith.fptosi %min3A_229 : vector<16xf32> to vector<16xi32>
      %convert_element_type3A_237 = arith.sitofp %convert_element_type3A_236 : vector<16xi32> to vector<16xf32>
      %gt3A_238 = arith.cmpf ogt, %convert_element_type3A_237, %min3A_229 : vector<16xf32>
      %jit3A_239 = arith.constant 1 : i32
      %jit3A_240 = arith.constant 0 : i32
      %broadcast_in_dim3A_241 = vector.broadcast %jit3A_239 : i32 to vector<16xi32>
      %broadcast_in_dim3A_242 = vector.broadcast %jit3A_240 : i32 to vector<16xi32>
      %select_n3A_243 = arith.select %gt3A_238, %broadcast_in_dim3A_241, %broadcast_in_dim3A_242 : vector<16xi1>, vector<16xi32>
      %sub3A_244 = arith.subi %convert_element_type3A_236, %select_n3A_243 : vector<16xi32>
      %convert_element_type3A_245 = arith.fptosi %min3A_235 : vector<16xf32> to vector<16xi32>
      %convert_element_type3A_246 = arith.sitofp %convert_element_type3A_245 : vector<16xi32> to vector<16xf32>
      %gt3A_247 = arith.cmpf ogt, %convert_element_type3A_246, %min3A_235 : vector<16xf32>
      %jit3A_248 = arith.constant 1 : i32
      %jit3A_249 = arith.constant 0 : i32
      %broadcast_in_dim3A_250 = vector.broadcast %jit3A_248 : i32 to vector<16xi32>
      %broadcast_in_dim3A_251 = vector.broadcast %jit3A_249 : i32 to vector<16xi32>
      %select_n3A_252 = arith.select %gt3A_247, %broadcast_in_dim3A_250, %broadcast_in_dim3A_251 : vector<16xi1>, vector<16xi32>
      %sub3A_253 = arith.subi %convert_element_type3A_245, %select_n3A_252 : vector<16xi32>
      %convert_element_type3A_254 = arith.sitofp %sub3A_244 : vector<16xi32> to vector<16xf32>
      %gt3A_255 = arith.cmpf ogt, %min3A_229, %convert_element_type3A_254 : vector<16xf32>
      %jit3A_256 = arith.constant 1 : i32
      %jit3A_257 = arith.constant 0 : i32
      %broadcast_in_dim3A_258 = vector.broadcast %jit3A_256 : i32 to vector<16xi32>
      %broadcast_in_dim3A_259 = vector.broadcast %jit3A_257 : i32 to vector<16xi32>
      %select_n3A_260 = arith.select %gt3A_255, %broadcast_in_dim3A_258, %broadcast_in_dim3A_259 : vector<16xi1>, vector<16xi32>
      %add3A_261 = arith.addi %sub3A_244, %select_n3A_260 : vector<16xi32>
      %convert_element_type3A_262 = arith.sitofp %sub3A_253 : vector<16xi32> to vector<16xf32>
      %gt3A_263 = arith.cmpf ogt, %min3A_235, %convert_element_type3A_262 : vector<16xf32>
      %jit3A_264 = arith.constant 1 : i32
      %jit3A_265 = arith.constant 0 : i32
      %broadcast_in_dim3A_266 = vector.broadcast %jit3A_264 : i32 to vector<16xi32>
      %broadcast_in_dim3A_267 = vector.broadcast %jit3A_265 : i32 to vector<16xi32>
      %select_n3A_268 = arith.select %gt3A_263, %broadcast_in_dim3A_266, %broadcast_in_dim3A_267 : vector<16xi1>, vector<16xi32>
      %add3A_269 = arith.addi %sub3A_253, %select_n3A_268 : vector<16xi32>
      %jit3A_270 = arith.constant 0 : i32
      %jit3A_271 = arith.constant 511 : i32
      %max3A_272 = vector.broadcast %jit3A_270 : i32 to vector<16xi32>
      %max3A_273 = arith.maxsi %max3A_272, %sub3A_244 : vector<16xi32>
      %min3A_274 = vector.broadcast %jit3A_271 : i32 to vector<16xi32>
      %min3A_275 = arith.minsi %min3A_274, %max3A_273 : vector<16xi32>
      %jit3A_276 = arith.constant 0 : i32
      %jit3A_277 = arith.constant 511 : i32
      %max3A_278 = vector.broadcast %jit3A_276 : i32 to vector<16xi32>
      %max3A_279 = arith.maxsi %max3A_278, %add3A_261 : vector<16xi32>
      %min3A_280 = vector.broadcast %jit3A_277 : i32 to vector<16xi32>
      %min3A_281 = arith.minsi %min3A_280, %max3A_279 : vector<16xi32>
      %jit3A_282 = arith.constant 0 : i32
      %jit3A_283 = arith.constant 511 : i32
      %max3A_284 = vector.broadcast %jit3A_282 : i32 to vector<16xi32>
      %max3A_285 = arith.maxsi %max3A_284, %sub3A_253 : vector<16xi32>
      %min3A_286 = vector.broadcast %jit3A_283 : i32 to vector<16xi32>
      %min3A_287 = arith.minsi %min3A_286, %max3A_285 : vector<16xi32>
      %jit3A_288 = arith.constant 0 : i32
      %jit3A_289 = arith.constant 511 : i32
      %max3A_290 = vector.broadcast %jit3A_288 : i32 to vector<16xi32>
      %max3A_291 = arith.maxsi %max3A_290, %add3A_269 : vector<16xi32>
      %min3A_292 = vector.broadcast %jit3A_289 : i32 to vector<16xi32>
      %min3A_293 = arith.minsi %min3A_292, %max3A_291 : vector<16xi32>
      %convert_element_type3A_294 = arith.sitofp %min3A_275 : vector<16xi32> to vector<16xf32>
      %sub3A_295 = arith.subf %min3A_229, %convert_element_type3A_294 : vector<16xf32>
      %sub3A_296 = arith.constant 1.000000e+00 : f32
      %sub3A_297 = vector.broadcast %sub3A_296 : f32 to vector<16xf32>
      %sub3A_298 = arith.subf %sub3A_297, %sub3A_295 : vector<16xf32>
      %convert_element_type3A_299 = arith.sitofp %min3A_287 : vector<16xi32> to vector<16xf32>
      %sub3A_300 = arith.subf %min3A_235, %convert_element_type3A_299 : vector<16xf32>
      %sub3A_301 = arith.constant 1.000000e+00 : f32
      %sub3A_302 = vector.broadcast %sub3A_301 : f32 to vector<16xf32>
      %sub3A_303 = arith.subf %sub3A_302, %sub3A_300 : vector<16xf32>
      %sub3A_304 = vector.broadcast %min3A_35 : i32 to vector<16xi32>
      %sub3A_305 = arith.subi %min3A_287, %sub3A_304 : vector<16xi32>
      %jit3A_306 = arith.constant 0 : i32
      %jit3A_307 = arith.constant 28 : i32
      %max3A_308 = vector.broadcast %jit3A_306 : i32 to vector<16xi32>
      %max3A_309 = arith.maxsi %max3A_308, %sub3A_305 : vector<16xi32>
      %min3A_310 = vector.broadcast %jit3A_307 : i32 to vector<16xi32>
      %min3A_311 = arith.minsi %min3A_310, %max3A_309 : vector<16xi32>
      %mul3A_312 = arith.constant 512 : i32
      %mul3A_313 = vector.broadcast %mul3A_312 : i32 to vector<16xi32>
      %mul3A_314 = arith.muli %min3A_311, %mul3A_313 : vector<16xi32>
      %sub3A_315 = vector.broadcast %min3A_35 : i32 to vector<16xi32>
      %sub3A_316 = arith.subi %min3A_293, %sub3A_315 : vector<16xi32>
      %jit3A_317 = arith.constant 0 : i32
      %jit3A_318 = arith.constant 28 : i32
      %max3A_319 = vector.broadcast %jit3A_317 : i32 to vector<16xi32>
      %max3A_320 = arith.maxsi %max3A_319, %sub3A_316 : vector<16xi32>
      %min3A_321 = vector.broadcast %jit3A_318 : i32 to vector<16xi32>
      %min3A_322 = arith.minsi %min3A_321, %max3A_320 : vector<16xi32>
      %mul3A_323 = arith.constant 512 : i32
      %mul3A_324 = vector.broadcast %mul3A_323 : i32 to vector<16xi32>
      %mul3A_325 = arith.muli %min3A_322, %mul3A_324 : vector<16xi32>
      %add3A_326 = arith.addi %mul3A_314, %min3A_275 : vector<16xi32>
      %gather3A = tpu.vector_load_idx %arg13[%add3A_326] : memref<14848xf32, #tpu.memory_space<vmem>>[vector<16xi32>], vector<16xf32>,
      %add3A_327 = arith.addi %mul3A_314, %min3A_281 : vector<16xi32>
      %gather3A_328 = tpu.vector_load_idx %arg13[%add3A_327] : memref<14848xf32, #tpu.memory_space<vmem>>[vector<16xi32>], vector<16xf32>,
      %add3A_329 = arith.addi %mul3A_325, %min3A_275 : vector<16xi32>
      %gather3A_330 = tpu.vector_load_idx %arg13[%add3A_329] : memref<14848xf32, #tpu.memory_space<vmem>>[vector<16xi32>], vector<16xf32>,
      %add3A_331 = arith.addi %mul3A_325, %min3A_281 : vector<16xi32>
      %gather3A_332 = tpu.vector_load_idx %arg13[%add3A_331] : memref<14848xf32, #tpu.memory_space<vmem>>[vector<16xi32>], vector<16xf32>,
      %mul3A_333 = arith.mulf %sub3A_303, %sub3A_298 : vector<16xf32>
      %mul3A_334 = arith.mulf %gather3A, %mul3A_333 : vector<16xf32>
      %mul3A_335 = arith.mulf %sub3A_303, %sub3A_295 : vector<16xf32>
      %mul3A_336 = arith.mulf %mul3A_335, %gather3A_328 : vector<16xf32>
      %add3A_337 = arith.addf %mul3A_334, %mul3A_336 : vector<16xf32>
      %mul3A_338 = arith.mulf %sub3A_300, %sub3A_298 : vector<16xf32>
      %mul3A_339 = arith.mulf %mul3A_338, %gather3A_330 : vector<16xf32>
      %add3A_340 = arith.addf %add3A_337, %mul3A_339 : vector<16xf32>
      %mul3A_341 = arith.mulf %sub3A_300, %sub3A_295 : vector<16xf32>
      %mul3A_342 = arith.mulf %mul3A_341, %gather3A_332 : vector<16xf32>
      %add3A_343 = arith.addf %add3A_340, %mul3A_342 : vector<16xf32>
      %iota3A_344 = tpu.iota {dimensions = array<i32: 0>} : vector<16xi32>
      %mul3A_345 = arith.constant 16 : i32
      %mul3A_346 = arith.muli %scan3A_197, %mul3A_345 : i32
      %add3A_347 = vector.broadcast %mul3A_346 : i32 to vector<16xi32>
      %add3A_348 = arith.addi %iota3A_344, %add3A_347 : vector<16xi32>
      %lt3A = arith.constant 625 : i32
      %lt3A_349 = vector.broadcast %lt3A : i32 to vector<16xi32>
      %lt3A_350 = arith.cmpi slt, %add3A_348, %lt3A_349 : vector<16xi32>
      %jit3A_351 = arith.constant 0.000000e+00 : f32
      %broadcast_in_dim3A_352 = vector.broadcast %jit3A_351 : f32 to vector<16xf32>
      %select_n3A_353 = arith.select %lt3A_350, %add3A_343, %broadcast_in_dim3A_352 : vector<16xi1>, vector<16xf32>
      %mul3A_354 = arith.constant 16 : i32
      %mul3A_355 = arith.muli %scan3A_197, %mul3A_354 : i32
      %add3A_356 = arith.constant 640 : i32
      %add3A_357 = arith.addi %add3A_356, %mul3A_355 : i32
      %swap3A = arith.index_cast %add3A_357 : i32 to index
      %swap3A_358 = tpu.vector_load %arg15[%swap3A] {strides = array<i32>} : memref<1280xf32, #tpu.memory_space<vmem>>, vector<16xf32>,
      tpu.vector_store %arg15[%swap3A], %select_n3A_353 {strides = array<i32>} : memref<1280xf32, #tpu.memory_space<vmem>>, vector<16xf32>,
      %scan3A_359 = arith.constant 0 : i32
      scf.yield %scan3A_359 : i32
    }
    %scan3A_83 = arith.constant 40 : i32
    %mul3A_84 = arith.constant 512 : i32
    %mul3A_85 = arith.muli %min3A_18, %mul3A_84 : i32
    %dma_start3A_86 = tpu.memref_slice %arg7[%mul3A_85] : memref<262144xf32, #tpu.memory_space<hbm>> -> memref<14848xf32, #tpu.memory_space<hbm>>
    %dma_start3A_87 = tpu.memref_slice %arg7[%mul3A_85] : memref<262144xf32, #tpu.memory_space<hbm>> -> memref<14848xf32, #tpu.memory_space<hbm>>
    tpu.enqueue_dma source(%dma_start3A_87 : memref<14848xf32, #tpu.memory_space<hbm>>) target(%arg12 : memref<14848xf32, #tpu.memory_space<vmem>>) target_semaphore(%arg19 : memref<!tpu.dma_semaphore, #tpu.memory_space<semaphore_mem>>)
    %mul3A_88 = arith.constant 512 : i32
    %mul3A_89 = arith.muli %min3A_35, %mul3A_88 : i32
    %dma_start3A_90 = tpu.memref_slice %arg7[%mul3A_89] : memref<262144xf32, #tpu.memory_space<hbm>> -> memref<14848xf32, #tpu.memory_space<hbm>>
    %dma_start3A_91 = tpu.memref_slice %arg7[%mul3A_89] : memref<262144xf32, #tpu.memory_space<hbm>> -> memref<14848xf32, #tpu.memory_space<hbm>>
    tpu.enqueue_dma source(%dma_start3A_91 : memref<14848xf32, #tpu.memory_space<hbm>>) target(%arg13 : memref<14848xf32, #tpu.memory_space<vmem>>) target_semaphore(%arg20 : memref<!tpu.dma_semaphore, #tpu.memory_space<semaphore_mem>>)
    %dma_wait3A_92 = tpu.memref_slice %arg7[%mul3A_85] : memref<262144xf32, #tpu.memory_space<hbm>> -> memref<14848xf32, #tpu.memory_space<hbm>>
    %dma_wait3A_93 = tpu.memref_slice %arg7[%mul3A_85] : memref<262144xf32, #tpu.memory_space<hbm>> -> memref<14848xf32, #tpu.memory_space<hbm>>
    tpu.wait_dma2 semaphore(%arg19 : memref<!tpu.dma_semaphore, #tpu.memory_space<semaphore_mem>>) src(%dma_wait3A_93 : memref<14848xf32, #tpu.memory_space<hbm>>) dst(%arg12 : memref<14848xf32, #tpu.memory_space<vmem>>)
    %scan3A_94 = arith.constant 0 : i32
    %scan3A_95 = arith.constant 0 : i32
    %scan3A_96 = arith.constant 40 : i32
    %scan3A_97 = arith.addi %scan3A_95, %scan3A_96 : i32
    %scan3A_98 = arith.constant 1 : i32
    %scan3A_99 = scf.for %scan3A_197 = %scan3A_95 to %scan3A_97 step %scan3A_98 iter_args(%scan3A_198 = %scan3A_94) -> (i32)  : i32 {
      %iota3A = tpu.iota {dimensions = array<i32: 0>} : vector<16xi32>
      %mul3A_199 = arith.constant 16 : i32
      %mul3A_200 = arith.muli %scan3A_197, %mul3A_199 : i32
      %add3A_201 = vector.broadcast %mul3A_200 : i32 to vector<16xi32>
      %add3A_202 = arith.addi %iota3A, %add3A_201 : vector<16xi32>
      %mul3A_203 = arith.constant 5243 : i32
      %mul3A_204 = vector.broadcast %mul3A_203 : i32 to vector<16xi32>
      %mul3A_205 = arith.muli %add3A_202, %mul3A_204 : vector<16xi32>
      %shift_right_logical3A = arith.constant 17 : i32
      %shift_right_logical3A_206 = vector.broadcast %shift_right_logical3A : i32 to vector<16xi32>
      %shift_right_logical3A_207 = arith.shrui %mul3A_205, %shift_right_logical3A_206 : vector<16xi32>
      %mul3A_208 = arith.constant 25 : i32
      %mul3A_209 = vector.broadcast %mul3A_208 : i32 to vector<16xi32>
      %mul3A_210 = arith.muli %shift_right_logical3A_207, %mul3A_209 : vector<16xi32>
      %sub3A_211 = arith.subi %add3A_202, %mul3A_210 : vector<16xi32>
      %convert_element_type3A_212 = arith.sitofp %shift_right_logical3A_207 : vector<16xi32> to vector<16xf32>
      %add3A_213 = vector.broadcast %squeeze3A : f32 to vector<16xf32>
      %add3A_214 = arith.addf %convert_element_type3A_212, %add3A_213 : vector<16xf32>
      %sub3A_215 = arith.constant 1.200000e+01 : f32
      %sub3A_216 = vector.broadcast %sub3A_215 : f32 to vector<16xf32>
      %sub3A_217 = arith.subf %add3A_214, %sub3A_216 : vector<16xf32>
      %convert_element_type3A_218 = arith.sitofp %sub3A_211 : vector<16xi32> to vector<16xf32>
      %add3A_219 = vector.broadcast %squeeze3A_6 : f32 to vector<16xf32>
      %add3A_220 = arith.addf %convert_element_type3A_218, %add3A_219 : vector<16xf32>
      %sub3A_221 = arith.constant 1.200000e+01 : f32
      %sub3A_222 = vector.broadcast %sub3A_221 : f32 to vector<16xf32>
      %sub3A_223 = arith.subf %add3A_220, %sub3A_222 : vector<16xf32>
      %jit3A_224 = arith.constant -1.000000e+06 : f32
      %jit3A_225 = arith.constant 1.000000e+06 : f32
      %max3A_226 = vector.broadcast %jit3A_224 : f32 to vector<16xf32>
      %max3A_227 = arith.maximumf %max3A_226, %sub3A_217 : vector<16xf32>
      %min3A_228 = vector.broadcast %jit3A_225 : f32 to vector<16xf32>
      %min3A_229 = arith.minimumf %min3A_228, %max3A_227 : vector<16xf32>
      %jit3A_230 = arith.constant -1.000000e+06 : f32
      %jit3A_231 = arith.constant 1.000000e+06 : f32
      %max3A_232 = vector.broadcast %jit3A_230 : f32 to vector<16xf32>
      %max3A_233 = arith.maximumf %max3A_232, %sub3A_223 : vector<16xf32>
      %min3A_234 = vector.broadcast %jit3A_231 : f32 to vector<16xf32>
      %min3A_235 = arith.minimumf %min3A_234, %max3A_233 : vector<16xf32>
      %convert_element_type3A_236 = arith.fptosi %min3A_229 : vector<16xf32> to vector<16xi32>
      %convert_element_type3A_237 = arith.sitofp %convert_element_type3A_236 : vector<16xi32> to vector<16xf32>
      %gt3A_238 = arith.cmpf ogt, %convert_element_type3A_237, %min3A_229 : vector<16xf32>
      %jit3A_239 = arith.constant 1 : i32
      %jit3A_240 = arith.constant 0 : i32
      %broadcast_in_dim3A_241 = vector.broadcast %jit3A_239 : i32 to vector<16xi32>
      %broadcast_in_dim3A_242 = vector.broadcast %jit3A_240 : i32 to vector<16xi32>
      %select_n3A_243 = arith.select %gt3A_238, %broadcast_in_dim3A_241, %broadcast_in_dim3A_242 : vector<16xi1>, vector<16xi32>
      %sub3A_244 = arith.subi %convert_element_type3A_236, %select_n3A_243 : vector<16xi32>
      %convert_element_type3A_245 = arith.fptosi %min3A_235 : vector<16xf32> to vector<16xi32>
      %convert_element_type3A_246 = arith.sitofp %convert_element_type3A_245 : vector<16xi32> to vector<16xf32>
      %gt3A_247 = arith.cmpf ogt, %convert_element_type3A_246, %min3A_235 : vector<16xf32>
      %jit3A_248 = arith.constant 1 : i32
      %jit3A_249 = arith.constant 0 : i32
      %broadcast_in_dim3A_250 = vector.broadcast %jit3A_248 : i32 to vector<16xi32>
      %broadcast_in_dim3A_251 = vector.broadcast %jit3A_249 : i32 to vector<16xi32>
      %select_n3A_252 = arith.select %gt3A_247, %broadcast_in_dim3A_250, %broadcast_in_dim3A_251 : vector<16xi1>, vector<16xi32>
      %sub3A_253 = arith.subi %convert_element_type3A_245, %select_n3A_252 : vector<16xi32>
      %convert_element_type3A_254 = arith.sitofp %sub3A_244 : vector<16xi32> to vector<16xf32>
      %gt3A_255 = arith.cmpf ogt, %min3A_229, %convert_element_type3A_254 : vector<16xf32>
      %jit3A_256 = arith.constant 1 : i32
      %jit3A_257 = arith.constant 0 : i32
      %broadcast_in_dim3A_258 = vector.broadcast %jit3A_256 : i32 to vector<16xi32>
      %broadcast_in_dim3A_259 = vector.broadcast %jit3A_257 : i32 to vector<16xi32>
      %select_n3A_260 = arith.select %gt3A_255, %broadcast_in_dim3A_258, %broadcast_in_dim3A_259 : vector<16xi1>, vector<16xi32>
      %add3A_261 = arith.addi %sub3A_244, %select_n3A_260 : vector<16xi32>
      %convert_element_type3A_262 = arith.sitofp %sub3A_253 : vector<16xi32> to vector<16xf32>
      %gt3A_263 = arith.cmpf ogt, %min3A_235, %convert_element_type3A_262 : vector<16xf32>
      %jit3A_264 = arith.constant 1 : i32
      %jit3A_265 = arith.constant 0 : i32
      %broadcast_in_dim3A_266 = vector.broadcast %jit3A_264 : i32 to vector<16xi32>
      %broadcast_in_dim3A_267 = vector.broadcast %jit3A_265 : i32 to vector<16xi32>
      %select_n3A_268 = arith.select %gt3A_263, %broadcast_in_dim3A_266, %broadcast_in_dim3A_267 : vector<16xi1>, vector<16xi32>
      %add3A_269 = arith.addi %sub3A_253, %select_n3A_268 : vector<16xi32>
      %jit3A_270 = arith.constant 0 : i32
      %jit3A_271 = arith.constant 511 : i32
      %max3A_272 = vector.broadcast %jit3A_270 : i32 to vector<16xi32>
      %max3A_273 = arith.maxsi %max3A_272, %sub3A_244 : vector<16xi32>
      %min3A_274 = vector.broadcast %jit3A_271 : i32 to vector<16xi32>
      %min3A_275 = arith.minsi %min3A_274, %max3A_273 : vector<16xi32>
      %jit3A_276 = arith.constant 0 : i32
      %jit3A_277 = arith.constant 511 : i32
      %max3A_278 = vector.broadcast %jit3A_276 : i32 to vector<16xi32>
      %max3A_279 = arith.maxsi %max3A_278, %add3A_261 : vector<16xi32>
      %min3A_280 = vector.broadcast %jit3A_277 : i32 to vector<16xi32>
      %min3A_281 = arith.minsi %min3A_280, %max3A_279 : vector<16xi32>
      %jit3A_282 = arith.constant 0 : i32
      %jit3A_283 = arith.constant 511 : i32
      %max3A_284 = vector.broadcast %jit3A_282 : i32 to vector<16xi32>
      %max3A_285 = arith.maxsi %max3A_284, %sub3A_253 : vector<16xi32>
      %min3A_286 = vector.broadcast %jit3A_283 : i32 to vector<16xi32>
      %min3A_287 = arith.minsi %min3A_286, %max3A_285 : vector<16xi32>
      %jit3A_288 = arith.constant 0 : i32
      %jit3A_289 = arith.constant 511 : i32
      %max3A_290 = vector.broadcast %jit3A_288 : i32 to vector<16xi32>
      %max3A_291 = arith.maxsi %max3A_290, %add3A_269 : vector<16xi32>
      %min3A_292 = vector.broadcast %jit3A_289 : i32 to vector<16xi32>
      %min3A_293 = arith.minsi %min3A_292, %max3A_291 : vector<16xi32>
      %convert_element_type3A_294 = arith.sitofp %min3A_275 : vector<16xi32> to vector<16xf32>
      %sub3A_295 = arith.subf %min3A_229, %convert_element_type3A_294 : vector<16xf32>
      %sub3A_296 = arith.constant 1.000000e+00 : f32
      %sub3A_297 = vector.broadcast %sub3A_296 : f32 to vector<16xf32>
      %sub3A_298 = arith.subf %sub3A_297, %sub3A_295 : vector<16xf32>
      %convert_element_type3A_299 = arith.sitofp %min3A_287 : vector<16xi32> to vector<16xf32>
      %sub3A_300 = arith.subf %min3A_235, %convert_element_type3A_299 : vector<16xf32>
      %sub3A_301 = arith.constant 1.000000e+00 : f32
      %sub3A_302 = vector.broadcast %sub3A_301 : f32 to vector<16xf32>
      %sub3A_303 = arith.subf %sub3A_302, %sub3A_300 : vector<16xf32>
      %sub3A_304 = vector.broadcast %min3A_18 : i32 to vector<16xi32>
      %sub3A_305 = arith.subi %min3A_287, %sub3A_304 : vector<16xi32>
      %jit3A_306 = arith.constant 0 : i32
      %jit3A_307 = arith.constant 28 : i32
      %max3A_308 = vector.broadcast %jit3A_306 : i32 to vector<16xi32>
      %max3A_309 = arith.maxsi %max3A_308, %sub3A_305 : vector<16xi32>
      %min3A_310 = vector.broadcast %jit3A_307 : i32 to vector<16xi32>
      %min3A_311 = arith.minsi %min3A_310, %max3A_309 : vector<16xi32>
      %mul3A_312 = arith.constant 512 : i32
      %mul3A_313 = vector.broadcast %mul3A_312 : i32 to vector<16xi32>
      %mul3A_314 = arith.muli %min3A_311, %mul3A_313 : vector<16xi32>
      %sub3A_315 = vector.broadcast %min3A_18 : i32 to vector<16xi32>
      %sub3A_316 = arith.subi %min3A_293, %sub3A_315 : vector<16xi32>
      %jit3A_317 = arith.constant 0 : i32
      %jit3A_318 = arith.constant 28 : i32
      %max3A_319 = vector.broadcast %jit3A_317 : i32 to vector<16xi32>
      %max3A_320 = arith.maxsi %max3A_319, %sub3A_316 : vector<16xi32>
      %min3A_321 = vector.broadcast %jit3A_318 : i32 to vector<16xi32>
      %min3A_322 = arith.minsi %min3A_321, %max3A_320 : vector<16xi32>
      %mul3A_323 = arith.constant 512 : i32
      %mul3A_324 = vector.broadcast %mul3A_323 : i32 to vector<16xi32>
      %mul3A_325 = arith.muli %min3A_322, %mul3A_324 : vector<16xi32>
      %add3A_326 = arith.addi %mul3A_314, %min3A_275 : vector<16xi32>
      %gather3A = tpu.vector_load_idx %arg12[%add3A_326] : memref<14848xf32, #tpu.memory_space<vmem>>[vector<16xi32>], vector<16xf32>,
      %add3A_327 = arith.addi %mul3A_314, %min3A_281 : vector<16xi32>
      %gather3A_328 = tpu.vector_load_idx %arg12[%add3A_327] : memref<14848xf32, #tpu.memory_space<vmem>>[vector<16xi32>], vector<16xf32>,
      %add3A_329 = arith.addi %mul3A_325, %min3A_275 : vector<16xi32>
      %gather3A_330 = tpu.vector_load_idx %arg12[%add3A_329] : memref<14848xf32, #tpu.memory_space<vmem>>[vector<16xi32>], vector<16xf32>,
      %add3A_331 = arith.addi %mul3A_325, %min3A_281 : vector<16xi32>
      %gather3A_332 = tpu.vector_load_idx %arg12[%add3A_331] : memref<14848xf32, #tpu.memory_space<vmem>>[vector<16xi32>], vector<16xf32>,
      %mul3A_333 = arith.mulf %sub3A_303, %sub3A_298 : vector<16xf32>
      %mul3A_334 = arith.mulf %gather3A, %mul3A_333 : vector<16xf32>
      %mul3A_335 = arith.mulf %sub3A_303, %sub3A_295 : vector<16xf32>
      %mul3A_336 = arith.mulf %mul3A_335, %gather3A_328 : vector<16xf32>
      %add3A_337 = arith.addf %mul3A_334, %mul3A_336 : vector<16xf32>
      %mul3A_338 = arith.mulf %sub3A_300, %sub3A_298 : vector<16xf32>
      %mul3A_339 = arith.mulf %mul3A_338, %gather3A_330 : vector<16xf32>
      %add3A_340 = arith.addf %add3A_337, %mul3A_339 : vector<16xf32>
      %mul3A_341 = arith.mulf %sub3A_300, %sub3A_295 : vector<16xf32>
      %mul3A_342 = arith.mulf %mul3A_341, %gather3A_332 : vector<16xf32>
      %add3A_343 = arith.addf %add3A_340, %mul3A_342 : vector<16xf32>
      %iota3A_344 = tpu.iota {dimensions = array<i32: 0>} : vector<16xi32>
      %mul3A_345 = arith.constant 16 : i32
      %mul3A_346 = arith.muli %scan3A_197, %mul3A_345 : i32
      %add3A_347 = vector.broadcast %mul3A_346 : i32 to vector<16xi32>
      %add3A_348 = arith.addi %iota3A_344, %add3A_347 : vector<16xi32>
      %lt3A = arith.constant 625 : i32
      %lt3A_349 = vector.broadcast %lt3A : i32 to vector<16xi32>
      %lt3A_350 = arith.cmpi slt, %add3A_348, %lt3A_349 : vector<16xi32>
      %jit3A_351 = arith.constant 0.000000e+00 : f32
      %broadcast_in_dim3A_352 = vector.broadcast %jit3A_351 : f32 to vector<16xf32>
      %select_n3A_353 = arith.select %lt3A_350, %add3A_343, %broadcast_in_dim3A_352 : vector<16xi1>, vector<16xf32>
      %mul3A_354 = arith.constant 16 : i32
      %mul3A_355 = arith.muli %scan3A_197, %mul3A_354 : i32
      %add3A_356 = arith.constant 0 : i32
      %add3A_357 = arith.addi %add3A_356, %mul3A_355 : i32
      %swap3A = arith.index_cast %add3A_357 : i32 to index
      %swap3A_358 = tpu.vector_load %arg16[%swap3A] {strides = array<i32>} : memref<1280xf32, #tpu.memory_space<vmem>>, vector<16xf32>,
      tpu.vector_store %arg16[%swap3A], %select_n3A_353 {strides = array<i32>} : memref<1280xf32, #tpu.memory_space<vmem>>, vector<16xf32>,
      %scan3A_359 = arith.constant 0 : i32
      scf.yield %scan3A_359 : i32
    }
    %scan3A_100 = arith.constant 40 : i32
    %dma_wait3A_101 = tpu.memref_slice %arg7[%mul3A_89] : memref<262144xf32, #tpu.memory_space<hbm>> -> memref<14848xf32, #tpu.memory_space<hbm>>
    %dma_wait3A_102 = tpu.memref_slice %arg7[%mul3A_89] : memref<262144xf32, #tpu.memory_space<hbm>> -> memref<14848xf32, #tpu.memory_space<hbm>>
    tpu.wait_dma2 semaphore(%arg20 : memref<!tpu.dma_semaphore, #tpu.memory_space<semaphore_mem>>) src(%dma_wait3A_102 : memref<14848xf32, #tpu.memory_space<hbm>>) dst(%arg13 : memref<14848xf32, #tpu.memory_space<vmem>>)
    %scan3A_103 = arith.constant 0 : i32
    %scan3A_104 = arith.constant 0 : i32
    %scan3A_105 = arith.constant 40 : i32
    %scan3A_106 = arith.addi %scan3A_104, %scan3A_105 : i32
    %scan3A_107 = arith.constant 1 : i32
    %scan3A_108 = scf.for %scan3A_197 = %scan3A_104 to %scan3A_106 step %scan3A_107 iter_args(%scan3A_198 = %scan3A_103) -> (i32)  : i32 {
      %iota3A = tpu.iota {dimensions = array<i32: 0>} : vector<16xi32>
      %mul3A_199 = arith.constant 16 : i32
      %mul3A_200 = arith.muli %scan3A_197, %mul3A_199 : i32
      %add3A_201 = vector.broadcast %mul3A_200 : i32 to vector<16xi32>
      %add3A_202 = arith.addi %iota3A, %add3A_201 : vector<16xi32>
      %mul3A_203 = arith.constant 5243 : i32
      %mul3A_204 = vector.broadcast %mul3A_203 : i32 to vector<16xi32>
      %mul3A_205 = arith.muli %add3A_202, %mul3A_204 : vector<16xi32>
      %shift_right_logical3A = arith.constant 17 : i32
      %shift_right_logical3A_206 = vector.broadcast %shift_right_logical3A : i32 to vector<16xi32>
      %shift_right_logical3A_207 = arith.shrui %mul3A_205, %shift_right_logical3A_206 : vector<16xi32>
      %mul3A_208 = arith.constant 25 : i32
      %mul3A_209 = vector.broadcast %mul3A_208 : i32 to vector<16xi32>
      %mul3A_210 = arith.muli %shift_right_logical3A_207, %mul3A_209 : vector<16xi32>
      %sub3A_211 = arith.subi %add3A_202, %mul3A_210 : vector<16xi32>
      %convert_element_type3A_212 = arith.sitofp %shift_right_logical3A_207 : vector<16xi32> to vector<16xf32>
      %add3A_213 = vector.broadcast %squeeze3A_4 : f32 to vector<16xf32>
      %add3A_214 = arith.addf %convert_element_type3A_212, %add3A_213 : vector<16xf32>
      %sub3A_215 = arith.constant 1.200000e+01 : f32
      %sub3A_216 = vector.broadcast %sub3A_215 : f32 to vector<16xf32>
      %sub3A_217 = arith.subf %add3A_214, %sub3A_216 : vector<16xf32>
      %convert_element_type3A_218 = arith.sitofp %sub3A_211 : vector<16xi32> to vector<16xf32>
      %add3A_219 = vector.broadcast %squeeze3A_8 : f32 to vector<16xf32>
      %add3A_220 = arith.addf %convert_element_type3A_218, %add3A_219 : vector<16xf32>
      %sub3A_221 = arith.constant 1.200000e+01 : f32
      %sub3A_222 = vector.broadcast %sub3A_221 : f32 to vector<16xf32>
      %sub3A_223 = arith.subf %add3A_220, %sub3A_222 : vector<16xf32>
      %jit3A_224 = arith.constant -1.000000e+06 : f32
      %jit3A_225 = arith.constant 1.000000e+06 : f32
      %max3A_226 = vector.broadcast %jit3A_224 : f32 to vector<16xf32>
      %max3A_227 = arith.maximumf %max3A_226, %sub3A_217 : vector<16xf32>
      %min3A_228 = vector.broadcast %jit3A_225 : f32 to vector<16xf32>
      %min3A_229 = arith.minimumf %min3A_228, %max3A_227 : vector<16xf32>
      %jit3A_230 = arith.constant -1.000000e+06 : f32
      %jit3A_231 = arith.constant 1.000000e+06 : f32
      %max3A_232 = vector.broadcast %jit3A_230 : f32 to vector<16xf32>
      %max3A_233 = arith.maximumf %max3A_232, %sub3A_223 : vector<16xf32>
      %min3A_234 = vector.broadcast %jit3A_231 : f32 to vector<16xf32>
      %min3A_235 = arith.minimumf %min3A_234, %max3A_233 : vector<16xf32>
      %convert_element_type3A_236 = arith.fptosi %min3A_229 : vector<16xf32> to vector<16xi32>
      %convert_element_type3A_237 = arith.sitofp %convert_element_type3A_236 : vector<16xi32> to vector<16xf32>
      %gt3A_238 = arith.cmpf ogt, %convert_element_type3A_237, %min3A_229 : vector<16xf32>
      %jit3A_239 = arith.constant 1 : i32
      %jit3A_240 = arith.constant 0 : i32
      %broadcast_in_dim3A_241 = vector.broadcast %jit3A_239 : i32 to vector<16xi32>
      %broadcast_in_dim3A_242 = vector.broadcast %jit3A_240 : i32 to vector<16xi32>
      %select_n3A_243 = arith.select %gt3A_238, %broadcast_in_dim3A_241, %broadcast_in_dim3A_242 : vector<16xi1>, vector<16xi32>
      %sub3A_244 = arith.subi %convert_element_type3A_236, %select_n3A_243 : vector<16xi32>
      %convert_element_type3A_245 = arith.fptosi %min3A_235 : vector<16xf32> to vector<16xi32>
      %convert_element_type3A_246 = arith.sitofp %convert_element_type3A_245 : vector<16xi32> to vector<16xf32>
      %gt3A_247 = arith.cmpf ogt, %convert_element_type3A_246, %min3A_235 : vector<16xf32>
      %jit3A_248 = arith.constant 1 : i32
      %jit3A_249 = arith.constant 0 : i32
      %broadcast_in_dim3A_250 = vector.broadcast %jit3A_248 : i32 to vector<16xi32>
      %broadcast_in_dim3A_251 = vector.broadcast %jit3A_249 : i32 to vector<16xi32>
      %select_n3A_252 = arith.select %gt3A_247, %broadcast_in_dim3A_250, %broadcast_in_dim3A_251 : vector<16xi1>, vector<16xi32>
      %sub3A_253 = arith.subi %convert_element_type3A_245, %select_n3A_252 : vector<16xi32>
      %convert_element_type3A_254 = arith.sitofp %sub3A_244 : vector<16xi32> to vector<16xf32>
      %gt3A_255 = arith.cmpf ogt, %min3A_229, %convert_element_type3A_254 : vector<16xf32>
      %jit3A_256 = arith.constant 1 : i32
      %jit3A_257 = arith.constant 0 : i32
      %broadcast_in_dim3A_258 = vector.broadcast %jit3A_256 : i32 to vector<16xi32>
      %broadcast_in_dim3A_259 = vector.broadcast %jit3A_257 : i32 to vector<16xi32>
      %select_n3A_260 = arith.select %gt3A_255, %broadcast_in_dim3A_258, %broadcast_in_dim3A_259 : vector<16xi1>, vector<16xi32>
      %add3A_261 = arith.addi %sub3A_244, %select_n3A_260 : vector<16xi32>
      %convert_element_type3A_262 = arith.sitofp %sub3A_253 : vector<16xi32> to vector<16xf32>
      %gt3A_263 = arith.cmpf ogt, %min3A_235, %convert_element_type3A_262 : vector<16xf32>
      %jit3A_264 = arith.constant 1 : i32
      %jit3A_265 = arith.constant 0 : i32
      %broadcast_in_dim3A_266 = vector.broadcast %jit3A_264 : i32 to vector<16xi32>
      %broadcast_in_dim3A_267 = vector.broadcast %jit3A_265 : i32 to vector<16xi32>
      %select_n3A_268 = arith.select %gt3A_263, %broadcast_in_dim3A_266, %broadcast_in_dim3A_267 : vector<16xi1>, vector<16xi32>
      %add3A_269 = arith.addi %sub3A_253, %select_n3A_268 : vector<16xi32>
      %jit3A_270 = arith.constant 0 : i32
      %jit3A_271 = arith.constant 511 : i32
      %max3A_272 = vector.broadcast %jit3A_270 : i32 to vector<16xi32>
      %max3A_273 = arith.maxsi %max3A_272, %sub3A_244 : vector<16xi32>
      %min3A_274 = vector.broadcast %jit3A_271 : i32 to vector<16xi32>
      %min3A_275 = arith.minsi %min3A_274, %max3A_273 : vector<16xi32>
      %jit3A_276 = arith.constant 0 : i32
      %jit3A_277 = arith.constant 511 : i32
      %max3A_278 = vector.broadcast %jit3A_276 : i32 to vector<16xi32>
      %max3A_279 = arith.maxsi %max3A_278, %add3A_261 : vector<16xi32>
      %min3A_280 = vector.broadcast %jit3A_277 : i32 to vector<16xi32>
      %min3A_281 = arith.minsi %min3A_280, %max3A_279 : vector<16xi32>
      %jit3A_282 = arith.constant 0 : i32
      %jit3A_283 = arith.constant 511 : i32
      %max3A_284 = vector.broadcast %jit3A_282 : i32 to vector<16xi32>
      %max3A_285 = arith.maxsi %max3A_284, %sub3A_253 : vector<16xi32>
      %min3A_286 = vector.broadcast %jit3A_283 : i32 to vector<16xi32>
      %min3A_287 = arith.minsi %min3A_286, %max3A_285 : vector<16xi32>
      %jit3A_288 = arith.constant 0 : i32
      %jit3A_289 = arith.constant 511 : i32
      %max3A_290 = vector.broadcast %jit3A_288 : i32 to vector<16xi32>
      %max3A_291 = arith.maxsi %max3A_290, %add3A_269 : vector<16xi32>
      %min3A_292 = vector.broadcast %jit3A_289 : i32 to vector<16xi32>
      %min3A_293 = arith.minsi %min3A_292, %max3A_291 : vector<16xi32>
      %convert_element_type3A_294 = arith.sitofp %min3A_275 : vector<16xi32> to vector<16xf32>
      %sub3A_295 = arith.subf %min3A_229, %convert_element_type3A_294 : vector<16xf32>
      %sub3A_296 = arith.constant 1.000000e+00 : f32
      %sub3A_297 = vector.broadcast %sub3A_296 : f32 to vector<16xf32>
      %sub3A_298 = arith.subf %sub3A_297, %sub3A_295 : vector<16xf32>
      %convert_element_type3A_299 = arith.sitofp %min3A_287 : vector<16xi32> to vector<16xf32>
      %sub3A_300 = arith.subf %min3A_235, %convert_element_type3A_299 : vector<16xf32>
      %sub3A_301 = arith.constant 1.000000e+00 : f32
      %sub3A_302 = vector.broadcast %sub3A_301 : f32 to vector<16xf32>
      %sub3A_303 = arith.subf %sub3A_302, %sub3A_300 : vector<16xf32>
      %sub3A_304 = vector.broadcast %min3A_35 : i32 to vector<16xi32>
      %sub3A_305 = arith.subi %min3A_287, %sub3A_304 : vector<16xi32>
      %jit3A_306 = arith.constant 0 : i32
      %jit3A_307 = arith.constant 28 : i32
      %max3A_308 = vector.broadcast %jit3A_306 : i32 to vector<16xi32>
      %max3A_309 = arith.maxsi %max3A_308, %sub3A_305 : vector<16xi32>
      %min3A_310 = vector.broadcast %jit3A_307 : i32 to vector<16xi32>
      %min3A_311 = arith.minsi %min3A_310, %max3A_309 : vector<16xi32>
      %mul3A_312 = arith.constant 512 : i32
      %mul3A_313 = vector.broadcast %mul3A_312 : i32 to vector<16xi32>
      %mul3A_314 = arith.muli %min3A_311, %mul3A_313 : vector<16xi32>
      %sub3A_315 = vector.broadcast %min3A_35 : i32 to vector<16xi32>
      %sub3A_316 = arith.subi %min3A_293, %sub3A_315 : vector<16xi32>
      %jit3A_317 = arith.constant 0 : i32
      %jit3A_318 = arith.constant 28 : i32
      %max3A_319 = vector.broadcast %jit3A_317 : i32 to vector<16xi32>
      %max3A_320 = arith.maxsi %max3A_319, %sub3A_316 : vector<16xi32>
      %min3A_321 = vector.broadcast %jit3A_318 : i32 to vector<16xi32>
      %min3A_322 = arith.minsi %min3A_321, %max3A_320 : vector<16xi32>
      %mul3A_323 = arith.constant 512 : i32
      %mul3A_324 = vector.broadcast %mul3A_323 : i32 to vector<16xi32>
      %mul3A_325 = arith.muli %min3A_322, %mul3A_324 : vector<16xi32>
      %add3A_326 = arith.addi %mul3A_314, %min3A_275 : vector<16xi32>
      %gather3A = tpu.vector_load_idx %arg13[%add3A_326] : memref<14848xf32, #tpu.memory_space<vmem>>[vector<16xi32>], vector<16xf32>,
      %add3A_327 = arith.addi %mul3A_314, %min3A_281 : vector<16xi32>
      %gather3A_328 = tpu.vector_load_idx %arg13[%add3A_327] : memref<14848xf32, #tpu.memory_space<vmem>>[vector<16xi32>], vector<16xf32>,
      %add3A_329 = arith.addi %mul3A_325, %min3A_275 : vector<16xi32>
      %gather3A_330 = tpu.vector_load_idx %arg13[%add3A_329] : memref<14848xf32, #tpu.memory_space<vmem>>[vector<16xi32>], vector<16xf32>,
      %add3A_331 = arith.addi %mul3A_325, %min3A_281 : vector<16xi32>
      %gather3A_332 = tpu.vector_load_idx %arg13[%add3A_331] : memref<14848xf32, #tpu.memory_space<vmem>>[vector<16xi32>], vector<16xf32>,
      %mul3A_333 = arith.mulf %sub3A_303, %sub3A_298 : vector<16xf32>
      %mul3A_334 = arith.mulf %gather3A, %mul3A_333 : vector<16xf32>
      %mul3A_335 = arith.mulf %sub3A_303, %sub3A_295 : vector<16xf32>
      %mul3A_336 = arith.mulf %mul3A_335, %gather3A_328 : vector<16xf32>
      %add3A_337 = arith.addf %mul3A_334, %mul3A_336 : vector<16xf32>
      %mul3A_338 = arith.mulf %sub3A_300, %sub3A_298 : vector<16xf32>
      %mul3A_339 = arith.mulf %mul3A_338, %gather3A_330 : vector<16xf32>
      %add3A_340 = arith.addf %add3A_337, %mul3A_339 : vector<16xf32>
      %mul3A_341 = arith.mulf %sub3A_300, %sub3A_295 : vector<16xf32>
      %mul3A_342 = arith.mulf %mul3A_341, %gather3A_332 : vector<16xf32>
      %add3A_343 = arith.addf %add3A_340, %mul3A_342 : vector<16xf32>
      %iota3A_344 = tpu.iota {dimensions = array<i32: 0>} : vector<16xi32>
      %mul3A_345 = arith.constant 16 : i32
      %mul3A_346 = arith.muli %scan3A_197, %mul3A_345 : i32
      %add3A_347 = vector.broadcast %mul3A_346 : i32 to vector<16xi32>
      %add3A_348 = arith.addi %iota3A_344, %add3A_347 : vector<16xi32>
      %lt3A = arith.constant 625 : i32
      %lt3A_349 = vector.broadcast %lt3A : i32 to vector<16xi32>
      %lt3A_350 = arith.cmpi slt, %add3A_348, %lt3A_349 : vector<16xi32>
      %jit3A_351 = arith.constant 0.000000e+00 : f32
      %broadcast_in_dim3A_352 = vector.broadcast %jit3A_351 : f32 to vector<16xf32>
      %select_n3A_353 = arith.select %lt3A_350, %add3A_343, %broadcast_in_dim3A_352 : vector<16xi1>, vector<16xf32>
      %mul3A_354 = arith.constant 16 : i32
      %mul3A_355 = arith.muli %scan3A_197, %mul3A_354 : i32
      %add3A_356 = arith.constant 640 : i32
      %add3A_357 = arith.addi %add3A_356, %mul3A_355 : i32
      %swap3A = arith.index_cast %add3A_357 : i32 to index
      %swap3A_358 = tpu.vector_load %arg16[%swap3A] {strides = array<i32>} : memref<1280xf32, #tpu.memory_space<vmem>>, vector<16xf32>,
      tpu.vector_store %arg16[%swap3A], %select_n3A_353 {strides = array<i32>} : memref<1280xf32, #tpu.memory_space<vmem>>, vector<16xf32>,
      %scan3A_359 = arith.constant 0 : i32
      scf.yield %scan3A_359 : i32
    }
    %scan3A_109 = arith.constant 40 : i32
    %broadcast_in_dim3A = arith.constant 0.000000e+00 : f32
    %broadcast_in_dim3A_110 = vector.broadcast %broadcast_in_dim3A : f32 to vector<16xf32>
    %scan3A_111 = arith.constant 0 : i32
    %scan3A_112 = arith.constant 40 : i32
    %scan3A_113 = arith.addi %scan3A_111, %scan3A_112 : i32
    %scan3A_114 = arith.constant 1 : i32
    %scan3A_115:3 = scf.for %scan3A_197 = %scan3A_111 to %scan3A_113 step %scan3A_114 iter_args(%scan3A_198 = %broadcast_in_dim3A_110, %scan3A_199 = %broadcast_in_dim3A_110, %scan3A_200 = %broadcast_in_dim3A_110) -> (vector<16xf32>, vector<16xf32>, vector<16xf32>)  : i32 {
      %mul3A_201 = arith.constant 16 : i32
      %mul3A_202 = arith.muli %scan3A_197, %mul3A_201 : i32
      %add3A_203 = arith.constant 0 : i32
      %add3A_204 = arith.addi %add3A_203, %mul3A_202 : i32
      %get3A_205 = arith.index_cast %add3A_204 : i32 to index
      %get3A_206 = tpu.vector_load %arg15[%get3A_205] {strides = array<i32>} : memref<1280xf32, #tpu.memory_space<vmem>>, vector<16xf32>,
      %bitcast3A = vector.bitcast %get3A_206 : vector<16xf32> to vector<16xi32>
      %shift_right_logical3A = arith.constant 16 : i32
      %shift_right_logical3A_207 = vector.broadcast %shift_right_logical3A : i32 to vector<16xi32>
      %shift_right_logical3A_208 = arith.shrui %bitcast3A, %shift_right_logical3A_207 : vector<16xi32>
      %and3A = arith.constant 1 : i32
      %and3A_209 = vector.broadcast %and3A : i32 to vector<16xi32>
      %and3A_210 = arith.andi %shift_right_logical3A_208, %and3A_209 : vector<16xi32>
      %add3A_211 = arith.constant 32767 : i32
      %add3A_212 = vector.broadcast %add3A_211 : i32 to vector<16xi32>
      %add3A_213 = arith.addi %bitcast3A, %add3A_212 : vector<16xi32>
      %add3A_214 = arith.addi %add3A_213, %and3A_210 : vector<16xi32>
      %and3A_215 = arith.constant -65536 : i32
      %and3A_216 = vector.broadcast %and3A_215 : i32 to vector<16xi32>
      %and3A_217 = arith.andi %add3A_214, %and3A_216 : vector<16xi32>
      %bitcast3A_218 = vector.bitcast %and3A_217 : vector<16xi32> to vector<16xf32>
      %mul3A_219 = arith.constant 16 : i32
      %mul3A_220 = arith.muli %scan3A_197, %mul3A_219 : i32
      %add3A_221 = arith.constant 0 : i32
      %add3A_222 = arith.addi %add3A_221, %mul3A_220 : i32
      %get3A_223 = arith.index_cast %add3A_222 : i32 to index
      %get3A_224 = tpu.vector_load %arg16[%get3A_223] {strides = array<i32>} : memref<1280xf32, #tpu.memory_space<vmem>>, vector<16xf32>,
      %bitcast3A_225 = vector.bitcast %get3A_224 : vector<16xf32> to vector<16xi32>
      %shift_right_logical3A_226 = arith.constant 16 : i32
      %shift_right_logical3A_227 = vector.broadcast %shift_right_logical3A_226 : i32 to vector<16xi32>
      %shift_right_logical3A_228 = arith.shrui %bitcast3A_225, %shift_right_logical3A_227 : vector<16xi32>
      %and3A_229 = arith.constant 1 : i32
      %and3A_230 = vector.broadcast %and3A_229 : i32 to vector<16xi32>
      %and3A_231 = arith.andi %shift_right_logical3A_228, %and3A_230 : vector<16xi32>
      %add3A_232 = arith.constant 32767 : i32
      %add3A_233 = vector.broadcast %add3A_232 : i32 to vector<16xi32>
      %add3A_234 = arith.addi %bitcast3A_225, %add3A_233 : vector<16xi32>
      %add3A_235 = arith.addi %add3A_234, %and3A_231 : vector<16xi32>
      %and3A_236 = arith.constant -65536 : i32
      %and3A_237 = vector.broadcast %and3A_236 : i32 to vector<16xi32>
      %and3A_238 = arith.andi %add3A_235, %and3A_237 : vector<16xi32>
      %bitcast3A_239 = vector.bitcast %and3A_238 : vector<16xi32> to vector<16xf32>
      %mul3A_240 = arith.mulf %bitcast3A_218, %bitcast3A_218 : vector<16xf32>
      %add3A_241 = arith.addf %scan3A_198, %mul3A_240 : vector<16xf32>
      %mul3A_242 = arith.mulf %bitcast3A_218, %bitcast3A_239 : vector<16xf32>
      %add3A_243 = arith.addf %scan3A_199, %mul3A_242 : vector<16xf32>
      %mul3A_244 = arith.mulf %bitcast3A_239, %bitcast3A_239 : vector<16xf32>
      %add3A_245 = arith.addf %scan3A_200, %mul3A_244 : vector<16xf32>
      scf.yield %add3A_241, %add3A_243, %add3A_245 : vector<16xf32>, vector<16xf32>, vector<16xf32>
    }
    %scan3A_116 = arith.constant 40 : i32
    %reduce_sum3A = arith.constant true
    %reduce_sum3A_117 = vector.broadcast %reduce_sum3A : i1 to vector<16xi1>
    %reduce_sum3A_118 = tpu.scan <sum>, %scan3A_115#0 masked %reduce_sum3A_117 : vector<16xf32>, vector<16xi1> -> vector<16xf32>
    %reduce_sum3A_119 = vector.extract %reduce_sum3A_118[15] : f32 from vector<16xf32>
    %reduce_sum3A_120 = arith.constant true
    %reduce_sum3A_121 = vector.broadcast %reduce_sum3A_120 : i1 to vector<16xi1>
    %reduce_sum3A_122 = tpu.scan <sum>, %scan3A_115#1 masked %reduce_sum3A_121 : vector<16xf32>, vector<16xi1> -> vector<16xf32>
    %reduce_sum3A_123 = vector.extract %reduce_sum3A_122[15] : f32 from vector<16xf32>
    %reduce_sum3A_124 = arith.constant true
    %reduce_sum3A_125 = vector.broadcast %reduce_sum3A_124 : i1 to vector<16xi1>
    %reduce_sum3A_126 = tpu.scan <sum>, %scan3A_115#2 masked %reduce_sum3A_125 : vector<16xf32>, vector<16xi1> -> vector<16xf32>
    %reduce_sum3A_127 = vector.extract %reduce_sum3A_126[15] : f32 from vector<16xf32>
    %mul3A_128 = arith.mulf %reduce_sum3A_119, %reduce_sum3A_127 : f32
    %mul3A_129 = arith.mulf %reduce_sum3A_123, %reduce_sum3A_123 : f32
    %sub3A_130 = arith.subf %mul3A_128, %mul3A_129 : f32
    %broadcast_in_dim3A_131 = vector.broadcast %reduce_sum3A_127 : f32 to vector<16xf32>
    %broadcast_in_dim3A_132 = vector.broadcast %sub3A_130 : f32 to vector<16xf32>
    %div3A = arith.divf %broadcast_in_dim3A_131, %broadcast_in_dim3A_132 : vector<16xf32>
    %slice3A_133 = vector.extract_strided_slice %div3A {offsets = [0], sizes = [1], strides = [1]} : vector<16xf32> to vector<1xf32>
    %squeeze3A_134 = vector.extract %slice3A_133[0] : f32 from vector<1xf32>
    %neg3A = arith.constant 0.000000e+00 : f32
    %neg3A_135 = arith.subf %neg3A, %reduce_sum3A_123 : f32
    %broadcast_in_dim3A_136 = vector.broadcast %neg3A_135 : f32 to vector<16xf32>
    %broadcast_in_dim3A_137 = vector.broadcast %sub3A_130 : f32 to vector<16xf32>
    %div3A_138 = arith.divf %broadcast_in_dim3A_136, %broadcast_in_dim3A_137 : vector<16xf32>
    %slice3A_139 = vector.extract_strided_slice %div3A_138 {offsets = [0], sizes = [1], strides = [1]} : vector<16xf32> to vector<1xf32>
    %squeeze3A_140 = vector.extract %slice3A_139[0] : f32 from vector<1xf32>
    %broadcast_in_dim3A_141 = arith.constant 0.000000e+00 : f32
    %broadcast_in_dim3A_142 = vector.broadcast %broadcast_in_dim3A_141 : f32 to vector<16xf32>
    %scan3A_143 = arith.constant 0 : i32
    %scan3A_144 = arith.constant 40 : i32
    %scan3A_145 = arith.addi %scan3A_143, %scan3A_144 : i32
    %scan3A_146 = arith.constant 1 : i32
    %scan3A_147:3 = scf.for %scan3A_197 = %scan3A_143 to %scan3A_145 step %scan3A_146 iter_args(%scan3A_198 = %broadcast_in_dim3A_142, %scan3A_199 = %broadcast_in_dim3A_142, %scan3A_200 = %broadcast_in_dim3A_142) -> (vector<16xf32>, vector<16xf32>, vector<16xf32>)  : i32 {
      %mul3A_201 = arith.constant 16 : i32
      %mul3A_202 = arith.muli %scan3A_197, %mul3A_201 : i32
      %add3A_203 = arith.constant 640 : i32
      %add3A_204 = arith.addi %add3A_203, %mul3A_202 : i32
      %get3A_205 = arith.index_cast %add3A_204 : i32 to index
      %get3A_206 = tpu.vector_load %arg15[%get3A_205] {strides = array<i32>} : memref<1280xf32, #tpu.memory_space<vmem>>, vector<16xf32>,
      %bitcast3A = vector.bitcast %get3A_206 : vector<16xf32> to vector<16xi32>
      %shift_right_logical3A = arith.constant 16 : i32
      %shift_right_logical3A_207 = vector.broadcast %shift_right_logical3A : i32 to vector<16xi32>
      %shift_right_logical3A_208 = arith.shrui %bitcast3A, %shift_right_logical3A_207 : vector<16xi32>
      %and3A = arith.constant 1 : i32
      %and3A_209 = vector.broadcast %and3A : i32 to vector<16xi32>
      %and3A_210 = arith.andi %shift_right_logical3A_208, %and3A_209 : vector<16xi32>
      %add3A_211 = arith.constant 32767 : i32
      %add3A_212 = vector.broadcast %add3A_211 : i32 to vector<16xi32>
      %add3A_213 = arith.addi %bitcast3A, %add3A_212 : vector<16xi32>
      %add3A_214 = arith.addi %add3A_213, %and3A_210 : vector<16xi32>
      %and3A_215 = arith.constant -65536 : i32
      %and3A_216 = vector.broadcast %and3A_215 : i32 to vector<16xi32>
      %and3A_217 = arith.andi %add3A_214, %and3A_216 : vector<16xi32>
      %bitcast3A_218 = vector.bitcast %and3A_217 : vector<16xi32> to vector<16xf32>
      %mul3A_219 = arith.constant 16 : i32
      %mul3A_220 = arith.muli %scan3A_197, %mul3A_219 : i32
      %add3A_221 = arith.constant 640 : i32
      %add3A_222 = arith.addi %add3A_221, %mul3A_220 : i32
      %get3A_223 = arith.index_cast %add3A_222 : i32 to index
      %get3A_224 = tpu.vector_load %arg16[%get3A_223] {strides = array<i32>} : memref<1280xf32, #tpu.memory_space<vmem>>, vector<16xf32>,
      %bitcast3A_225 = vector.bitcast %get3A_224 : vector<16xf32> to vector<16xi32>
      %shift_right_logical3A_226 = arith.constant 16 : i32
      %shift_right_logical3A_227 = vector.broadcast %shift_right_logical3A_226 : i32 to vector<16xi32>
      %shift_right_logical3A_228 = arith.shrui %bitcast3A_225, %shift_right_logical3A_227 : vector<16xi32>
      %and3A_229 = arith.constant 1 : i32
      %and3A_230 = vector.broadcast %and3A_229 : i32 to vector<16xi32>
      %and3A_231 = arith.andi %shift_right_logical3A_228, %and3A_230 : vector<16xi32>
      %add3A_232 = arith.constant 32767 : i32
      %add3A_233 = vector.broadcast %add3A_232 : i32 to vector<16xi32>
      %add3A_234 = arith.addi %bitcast3A_225, %add3A_233 : vector<16xi32>
      %add3A_235 = arith.addi %add3A_234, %and3A_231 : vector<16xi32>
      %and3A_236 = arith.constant -65536 : i32
      %and3A_237 = vector.broadcast %and3A_236 : i32 to vector<16xi32>
      %and3A_238 = arith.andi %add3A_235, %and3A_237 : vector<16xi32>
      %bitcast3A_239 = vector.bitcast %and3A_238 : vector<16xi32> to vector<16xf32>
      %mul3A_240 = arith.mulf %bitcast3A_218, %bitcast3A_218 : vector<16xf32>
      %add3A_241 = arith.addf %scan3A_198, %mul3A_240 : vector<16xf32>
      %mul3A_242 = arith.mulf %bitcast3A_218, %bitcast3A_239 : vector<16xf32>
      %add3A_243 = arith.addf %scan3A_199, %mul3A_242 : vector<16xf32>
      %mul3A_244 = arith.mulf %bitcast3A_239, %bitcast3A_239 : vector<16xf32>
      %add3A_245 = arith.addf %scan3A_200, %mul3A_244 : vector<16xf32>
      scf.yield %add3A_241, %add3A_243, %add3A_245 : vector<16xf32>, vector<16xf32>, vector<16xf32>
    }
    %scan3A_148 = arith.constant 40 : i32
    %reduce_sum3A_149 = arith.constant true
    %reduce_sum3A_150 = vector.broadcast %reduce_sum3A_149 : i1 to vector<16xi1>
    %reduce_sum3A_151 = tpu.scan <sum>, %scan3A_147#0 masked %reduce_sum3A_150 : vector<16xf32>, vector<16xi1> -> vector<16xf32>
    %reduce_sum3A_152 = vector.extract %reduce_sum3A_151[15] : f32 from vector<16xf32>
    %reduce_sum3A_153 = arith.constant true
    %reduce_sum3A_154 = vector.broadcast %reduce_sum3A_153 : i1 to vector<16xi1>
    %reduce_sum3A_155 = tpu.scan <sum>, %scan3A_147#1 masked %reduce_sum3A_154 : vector<16xf32>, vector<16xi1> -> vector<16xf32>
    %reduce_sum3A_156 = vector.extract %reduce_sum3A_155[15] : f32 from vector<16xf32>
    %reduce_sum3A_157 = arith.constant true
    %reduce_sum3A_158 = vector.broadcast %reduce_sum3A_157 : i1 to vector<16xi1>
    %reduce_sum3A_159 = tpu.scan <sum>, %scan3A_147#2 masked %reduce_sum3A_158 : vector<16xf32>, vector<16xi1> -> vector<16xf32>
    %reduce_sum3A_160 = vector.extract %reduce_sum3A_159[15] : f32 from vector<16xf32>
    %mul3A_161 = arith.mulf %reduce_sum3A_152, %reduce_sum3A_160 : f32
    %mul3A_162 = arith.mulf %reduce_sum3A_156, %reduce_sum3A_156 : f32
    %sub3A_163 = arith.subf %mul3A_161, %mul3A_162 : f32
    %broadcast_in_dim3A_164 = vector.broadcast %reduce_sum3A_160 : f32 to vector<16xf32>
    %broadcast_in_dim3A_165 = vector.broadcast %sub3A_163 : f32 to vector<16xf32>
    %div3A_166 = arith.divf %broadcast_in_dim3A_164, %broadcast_in_dim3A_165 : vector<16xf32>
    %slice3A_167 = vector.extract_strided_slice %div3A_166 {offsets = [0], sizes = [1], strides = [1]} : vector<16xf32> to vector<1xf32>
    %squeeze3A_168 = vector.extract %slice3A_167[0] : f32 from vector<1xf32>
    %neg3A_169 = arith.constant 0.000000e+00 : f32
    %neg3A_170 = arith.subf %neg3A_169, %reduce_sum3A_156 : f32
    %broadcast_in_dim3A_171 = vector.broadcast %neg3A_170 : f32 to vector<16xf32>
    %broadcast_in_dim3A_172 = vector.broadcast %sub3A_163 : f32 to vector<16xf32>
    %div3A_173 = arith.divf %broadcast_in_dim3A_171, %broadcast_in_dim3A_172 : vector<16xf32>
    %slice3A_174 = vector.extract_strided_slice %div3A_173 {offsets = [0], sizes = [1], strides = [1]} : vector<16xf32> to vector<1xf32>
    %squeeze3A_175 = vector.extract %slice3A_174[0] : f32 from vector<1xf32>
    %scan3A_176 = arith.constant 0.000000e+00 : f32
    %scan3A_177 = arith.constant 0.000000e+00 : f32
    %scan3A_178 = arith.constant 0 : i32
    %scan3A_179 = arith.constant 15 : i32
    %scan3A_180 = arith.addi %scan3A_178, %scan3A_179 : i32
    %scan3A_181 = arith.constant 1 : i32
    %scan3A_182:6 = scf.for %scan3A_197 = %scan3A_178 to %scan3A_180 step %scan3A_181 iter_args(%scan3A_198 = %squeeze3A, %scan3A_199 = %squeeze3A_6, %scan3A_200 = %squeeze3A_4, %scan3A_201 = %squeeze3A_8, %scan3A_202 = %scan3A_176, %scan3A_203 = %scan3A_177) -> (f32, f32, f32, f32, f32, f32)  : i32 {
      %jit3A_204 = arith.constant -1.000000e+06 : f32
      %jit3A_205 = arith.constant 1.000000e+06 : f32
      %max3A_206 = arith.maximumf %jit3A_204, %scan3A_199 : f32
      %min3A_207 = arith.minimumf %jit3A_205, %max3A_206 : f32
      %convert_element_type3A_208 = arith.fptosi %min3A_207 : f32 to i32
      %convert_element_type3A_209 = arith.sitofp %convert_element_type3A_208 : i32 to f32
      %gt3A_210 = arith.cmpf ogt, %convert_element_type3A_209, %min3A_207 : f32
      %jit3A_211 = arith.constant 1 : i32
      %jit3A_212 = arith.constant 0 : i32
      %select_n3A_213 = arith.select %gt3A_210, %jit3A_211, %jit3A_212 : i32
      %sub3A_214 = arith.subi %convert_element_type3A_208, %select_n3A_213 : i32
      %sub3A_215 = arith.constant 14 : i32
      %sub3A_216 = arith.subi %sub3A_214, %sub3A_215 : i32
      %jit3A_217 = arith.constant 0 : i32
      %jit3A_218 = arith.constant 483 : i32
      %max3A_219 = arith.maxsi %jit3A_217, %sub3A_216 : i32
      %min3A_220 = arith.minsi %jit3A_218, %max3A_219 : i32
      %jit3A_221 = arith.constant -1.000000e+06 : f32
      %jit3A_222 = arith.constant 1.000000e+06 : f32
      %max3A_223 = arith.maximumf %jit3A_221, %scan3A_201 : f32
      %min3A_224 = arith.minimumf %jit3A_222, %max3A_223 : f32
      %convert_element_type3A_225 = arith.fptosi %min3A_224 : f32 to i32
      %convert_element_type3A_226 = arith.sitofp %convert_element_type3A_225 : i32 to f32
      %gt3A_227 = arith.cmpf ogt, %convert_element_type3A_226, %min3A_224 : f32
      %jit3A_228 = arith.constant 1 : i32
      %jit3A_229 = arith.constant 0 : i32
      %select_n3A_230 = arith.select %gt3A_227, %jit3A_228, %jit3A_229 : i32
      %sub3A_231 = arith.subi %convert_element_type3A_225, %select_n3A_230 : i32
      %sub3A_232 = arith.constant 14 : i32
      %sub3A_233 = arith.subi %sub3A_231, %sub3A_232 : i32
      %jit3A_234 = arith.constant 0 : i32
      %jit3A_235 = arith.constant 483 : i32
      %max3A_236 = arith.maxsi %jit3A_234, %sub3A_233 : i32
      %min3A_237 = arith.minsi %jit3A_235, %max3A_236 : i32
      %mul3A_238 = arith.constant 512 : i32
      %mul3A_239 = arith.muli %min3A_220, %mul3A_238 : i32
      %dma_start3A_240 = tpu.memref_slice %arg5[%mul3A_239] : memref<262144xf32, #tpu.memory_space<hbm>> -> memref<14848xf32, #tpu.memory_space<hbm>>
      %dma_start3A_241 = tpu.memref_slice %arg5[%mul3A_239] : memref<262144xf32, #tpu.memory_space<hbm>> -> memref<14848xf32, #tpu.memory_space<hbm>>
      tpu.enqueue_dma source(%dma_start3A_241 : memref<14848xf32, #tpu.memory_space<hbm>>) target(%arg12 : memref<14848xf32, #tpu.memory_space<vmem>>) target_semaphore(%arg19 : memref<!tpu.dma_semaphore, #tpu.memory_space<semaphore_mem>>)
      %mul3A_242 = arith.constant 512 : i32
      %mul3A_243 = arith.muli %min3A_237, %mul3A_242 : i32
      %dma_start3A_244 = tpu.memref_slice %arg5[%mul3A_243] : memref<262144xf32, #tpu.memory_space<hbm>> -> memref<14848xf32, #tpu.memory_space<hbm>>
      %dma_start3A_245 = tpu.memref_slice %arg5[%mul3A_243] : memref<262144xf32, #tpu.memory_space<hbm>> -> memref<14848xf32, #tpu.memory_space<hbm>>
      tpu.enqueue_dma source(%dma_start3A_245 : memref<14848xf32, #tpu.memory_space<hbm>>) target(%arg13 : memref<14848xf32, #tpu.memory_space<vmem>>) target_semaphore(%arg20 : memref<!tpu.dma_semaphore, #tpu.memory_space<semaphore_mem>>)
      %dma_wait3A_246 = tpu.memref_slice %arg5[%mul3A_239] : memref<262144xf32, #tpu.memory_space<hbm>> -> memref<14848xf32, #tpu.memory_space<hbm>>
      %dma_wait3A_247 = tpu.memref_slice %arg5[%mul3A_239] : memref<262144xf32, #tpu.memory_space<hbm>> -> memref<14848xf32, #tpu.memory_space<hbm>>
      tpu.wait_dma2 semaphore(%arg19 : memref<!tpu.dma_semaphore, #tpu.memory_space<semaphore_mem>>) src(%dma_wait3A_247 : memref<14848xf32, #tpu.memory_space<hbm>>) dst(%arg12 : memref<14848xf32, #tpu.memory_space<vmem>>)
      %broadcast_in_dim3A_248 = arith.constant 0.000000e+00 : f32
      %broadcast_in_dim3A_249 = vector.broadcast %broadcast_in_dim3A_248 : f32 to vector<16xf32>
      %scan3A_250 = arith.constant 0 : i32
      %scan3A_251 = arith.constant 40 : i32
      %scan3A_252 = arith.addi %scan3A_250, %scan3A_251 : i32
      %scan3A_253 = arith.constant 1 : i32
      %scan3A_254:2 = scf.for %scan3A_302 = %scan3A_250 to %scan3A_252 step %scan3A_253 iter_args(%scan3A_303 = %broadcast_in_dim3A_249, %scan3A_304 = %broadcast_in_dim3A_249) -> (vector<16xf32>, vector<16xf32>)  : i32 {
        %iota3A = tpu.iota {dimensions = array<i32: 0>} : vector<16xi32>
        %mul3A_305 = arith.constant 16 : i32
        %mul3A_306 = arith.muli %scan3A_302, %mul3A_305 : i32
        %add3A_307 = vector.broadcast %mul3A_306 : i32 to vector<16xi32>
        %add3A_308 = arith.addi %iota3A, %add3A_307 : vector<16xi32>
        %mul3A_309 = arith.constant 5243 : i32
        %mul3A_310 = vector.broadcast %mul3A_309 : i32 to vector<16xi32>
        %mul3A_311 = arith.muli %add3A_308, %mul3A_310 : vector<16xi32>
        %shift_right_logical3A = arith.constant 17 : i32
        %shift_right_logical3A_312 = vector.broadcast %shift_right_logical3A : i32 to vector<16xi32>
        %shift_right_logical3A_313 = arith.shrui %mul3A_311, %shift_right_logical3A_312 : vector<16xi32>
        %mul3A_314 = arith.constant 25 : i32
        %mul3A_315 = vector.broadcast %mul3A_314 : i32 to vector<16xi32>
        %mul3A_316 = arith.muli %shift_right_logical3A_313, %mul3A_315 : vector<16xi32>
        %sub3A_317 = arith.subi %add3A_308, %mul3A_316 : vector<16xi32>
        %convert_element_type3A_318 = arith.sitofp %shift_right_logical3A_313 : vector<16xi32> to vector<16xf32>
        %add3A_319 = vector.broadcast %scan3A_198 : f32 to vector<16xf32>
        %add3A_320 = arith.addf %convert_element_type3A_318, %add3A_319 : vector<16xf32>
        %sub3A_321 = arith.constant 1.200000e+01 : f32
        %sub3A_322 = vector.broadcast %sub3A_321 : f32 to vector<16xf32>
        %sub3A_323 = arith.subf %add3A_320, %sub3A_322 : vector<16xf32>
        %convert_element_type3A_324 = arith.sitofp %sub3A_317 : vector<16xi32> to vector<16xf32>
        %add3A_325 = vector.broadcast %scan3A_199 : f32 to vector<16xf32>
        %add3A_326 = arith.addf %convert_element_type3A_324, %add3A_325 : vector<16xf32>
        %sub3A_327 = arith.constant 1.200000e+01 : f32
        %sub3A_328 = vector.broadcast %sub3A_327 : f32 to vector<16xf32>
        %sub3A_329 = arith.subf %add3A_326, %sub3A_328 : vector<16xf32>
        %jit3A_330 = arith.constant -1.000000e+06 : f32
        %jit3A_331 = arith.constant 1.000000e+06 : f32
        %max3A_332 = vector.broadcast %jit3A_330 : f32 to vector<16xf32>
        %max3A_333 = arith.maximumf %max3A_332, %sub3A_323 : vector<16xf32>
        %min3A_334 = vector.broadcast %jit3A_331 : f32 to vector<16xf32>
        %min3A_335 = arith.minimumf %min3A_334, %max3A_333 : vector<16xf32>
        %jit3A_336 = arith.constant -1.000000e+06 : f32
        %jit3A_337 = arith.constant 1.000000e+06 : f32
        %max3A_338 = vector.broadcast %jit3A_336 : f32 to vector<16xf32>
        %max3A_339 = arith.maximumf %max3A_338, %sub3A_329 : vector<16xf32>
        %min3A_340 = vector.broadcast %jit3A_337 : f32 to vector<16xf32>
        %min3A_341 = arith.minimumf %min3A_340, %max3A_339 : vector<16xf32>
        %convert_element_type3A_342 = arith.fptosi %min3A_335 : vector<16xf32> to vector<16xi32>
        %convert_element_type3A_343 = arith.sitofp %convert_element_type3A_342 : vector<16xi32> to vector<16xf32>
        %gt3A_344 = arith.cmpf ogt, %convert_element_type3A_343, %min3A_335 : vector<16xf32>
        %jit3A_345 = arith.constant 1 : i32
        %jit3A_346 = arith.constant 0 : i32
        %broadcast_in_dim3A_347 = vector.broadcast %jit3A_345 : i32 to vector<16xi32>
        %broadcast_in_dim3A_348 = vector.broadcast %jit3A_346 : i32 to vector<16xi32>
        %select_n3A_349 = arith.select %gt3A_344, %broadcast_in_dim3A_347, %broadcast_in_dim3A_348 : vector<16xi1>, vector<16xi32>
        %sub3A_350 = arith.subi %convert_element_type3A_342, %select_n3A_349 : vector<16xi32>
        %convert_element_type3A_351 = arith.fptosi %min3A_341 : vector<16xf32> to vector<16xi32>
        %convert_element_type3A_352 = arith.sitofp %convert_element_type3A_351 : vector<16xi32> to vector<16xf32>
        %gt3A_353 = arith.cmpf ogt, %convert_element_type3A_352, %min3A_341 : vector<16xf32>
        %jit3A_354 = arith.constant 1 : i32
        %jit3A_355 = arith.constant 0 : i32
        %broadcast_in_dim3A_356 = vector.broadcast %jit3A_354 : i32 to vector<16xi32>
        %broadcast_in_dim3A_357 = vector.broadcast %jit3A_355 : i32 to vector<16xi32>
        %select_n3A_358 = arith.select %gt3A_353, %broadcast_in_dim3A_356, %broadcast_in_dim3A_357 : vector<16xi1>, vector<16xi32>
        %sub3A_359 = arith.subi %convert_element_type3A_351, %select_n3A_358 : vector<16xi32>
        %convert_element_type3A_360 = arith.sitofp %sub3A_350 : vector<16xi32> to vector<16xf32>
        %gt3A_361 = arith.cmpf ogt, %min3A_335, %convert_element_type3A_360 : vector<16xf32>
        %jit3A_362 = arith.constant 1 : i32
        %jit3A_363 = arith.constant 0 : i32
        %broadcast_in_dim3A_364 = vector.broadcast %jit3A_362 : i32 to vector<16xi32>
        %broadcast_in_dim3A_365 = vector.broadcast %jit3A_363 : i32 to vector<16xi32>
        %select_n3A_366 = arith.select %gt3A_361, %broadcast_in_dim3A_364, %broadcast_in_dim3A_365 : vector<16xi1>, vector<16xi32>
        %add3A_367 = arith.addi %sub3A_350, %select_n3A_366 : vector<16xi32>
        %convert_element_type3A_368 = arith.sitofp %sub3A_359 : vector<16xi32> to vector<16xf32>
        %gt3A_369 = arith.cmpf ogt, %min3A_341, %convert_element_type3A_368 : vector<16xf32>
        %jit3A_370 = arith.constant 1 : i32
        %jit3A_371 = arith.constant 0 : i32
        %broadcast_in_dim3A_372 = vector.broadcast %jit3A_370 : i32 to vector<16xi32>
        %broadcast_in_dim3A_373 = vector.broadcast %jit3A_371 : i32 to vector<16xi32>
        %select_n3A_374 = arith.select %gt3A_369, %broadcast_in_dim3A_372, %broadcast_in_dim3A_373 : vector<16xi1>, vector<16xi32>
        %add3A_375 = arith.addi %sub3A_359, %select_n3A_374 : vector<16xi32>
        %jit3A_376 = arith.constant 0 : i32
        %jit3A_377 = arith.constant 511 : i32
        %max3A_378 = vector.broadcast %jit3A_376 : i32 to vector<16xi32>
        %max3A_379 = arith.maxsi %max3A_378, %sub3A_350 : vector<16xi32>
        %min3A_380 = vector.broadcast %jit3A_377 : i32 to vector<16xi32>
        %min3A_381 = arith.minsi %min3A_380, %max3A_379 : vector<16xi32>
        %jit3A_382 = arith.constant 0 : i32
        %jit3A_383 = arith.constant 511 : i32
        %max3A_384 = vector.broadcast %jit3A_382 : i32 to vector<16xi32>
        %max3A_385 = arith.maxsi %max3A_384, %add3A_367 : vector<16xi32>
        %min3A_386 = vector.broadcast %jit3A_383 : i32 to vector<16xi32>
        %min3A_387 = arith.minsi %min3A_386, %max3A_385 : vector<16xi32>
        %jit3A_388 = arith.constant 0 : i32
        %jit3A_389 = arith.constant 511 : i32
        %max3A_390 = vector.broadcast %jit3A_388 : i32 to vector<16xi32>
        %max3A_391 = arith.maxsi %max3A_390, %sub3A_359 : vector<16xi32>
        %min3A_392 = vector.broadcast %jit3A_389 : i32 to vector<16xi32>
        %min3A_393 = arith.minsi %min3A_392, %max3A_391 : vector<16xi32>
        %jit3A_394 = arith.constant 0 : i32
        %jit3A_395 = arith.constant 511 : i32
        %max3A_396 = vector.broadcast %jit3A_394 : i32 to vector<16xi32>
        %max3A_397 = arith.maxsi %max3A_396, %add3A_375 : vector<16xi32>
        %min3A_398 = vector.broadcast %jit3A_395 : i32 to vector<16xi32>
        %min3A_399 = arith.minsi %min3A_398, %max3A_397 : vector<16xi32>
        %convert_element_type3A_400 = arith.sitofp %min3A_381 : vector<16xi32> to vector<16xf32>
        %sub3A_401 = arith.subf %min3A_335, %convert_element_type3A_400 : vector<16xf32>
        %sub3A_402 = arith.constant 1.000000e+00 : f32
        %sub3A_403 = vector.broadcast %sub3A_402 : f32 to vector<16xf32>
        %sub3A_404 = arith.subf %sub3A_403, %sub3A_401 : vector<16xf32>
        %convert_element_type3A_405 = arith.sitofp %min3A_393 : vector<16xi32> to vector<16xf32>
        %sub3A_406 = arith.subf %min3A_341, %convert_element_type3A_405 : vector<16xf32>
        %sub3A_407 = arith.constant 1.000000e+00 : f32
        %sub3A_408 = vector.broadcast %sub3A_407 : f32 to vector<16xf32>
        %sub3A_409 = arith.subf %sub3A_408, %sub3A_406 : vector<16xf32>
        %sub3A_410 = vector.broadcast %min3A_220 : i32 to vector<16xi32>
        %sub3A_411 = arith.subi %min3A_393, %sub3A_410 : vector<16xi32>
        %jit3A_412 = arith.constant 0 : i32
        %jit3A_413 = arith.constant 28 : i32
        %max3A_414 = vector.broadcast %jit3A_412 : i32 to vector<16xi32>
        %max3A_415 = arith.maxsi %max3A_414, %sub3A_411 : vector<16xi32>
        %min3A_416 = vector.broadcast %jit3A_413 : i32 to vector<16xi32>
        %min3A_417 = arith.minsi %min3A_416, %max3A_415 : vector<16xi32>
        %mul3A_418 = arith.constant 512 : i32
        %mul3A_419 = vector.broadcast %mul3A_418 : i32 to vector<16xi32>
        %mul3A_420 = arith.muli %min3A_417, %mul3A_419 : vector<16xi32>
        %sub3A_421 = vector.broadcast %min3A_220 : i32 to vector<16xi32>
        %sub3A_422 = arith.subi %min3A_399, %sub3A_421 : vector<16xi32>
        %jit3A_423 = arith.constant 0 : i32
        %jit3A_424 = arith.constant 28 : i32
        %max3A_425 = vector.broadcast %jit3A_423 : i32 to vector<16xi32>
        %max3A_426 = arith.maxsi %max3A_425, %sub3A_422 : vector<16xi32>
        %min3A_427 = vector.broadcast %jit3A_424 : i32 to vector<16xi32>
        %min3A_428 = arith.minsi %min3A_427, %max3A_426 : vector<16xi32>
        %mul3A_429 = arith.constant 512 : i32
        %mul3A_430 = vector.broadcast %mul3A_429 : i32 to vector<16xi32>
        %mul3A_431 = arith.muli %min3A_428, %mul3A_430 : vector<16xi32>
        %add3A_432 = arith.addi %mul3A_420, %min3A_381 : vector<16xi32>
        %gather3A = tpu.vector_load_idx %arg12[%add3A_432] : memref<14848xf32, #tpu.memory_space<vmem>>[vector<16xi32>], vector<16xf32>,
        %add3A_433 = arith.addi %mul3A_420, %min3A_387 : vector<16xi32>
        %gather3A_434 = tpu.vector_load_idx %arg12[%add3A_433] : memref<14848xf32, #tpu.memory_space<vmem>>[vector<16xi32>], vector<16xf32>,
        %add3A_435 = arith.addi %mul3A_431, %min3A_381 : vector<16xi32>
        %gather3A_436 = tpu.vector_load_idx %arg12[%add3A_435] : memref<14848xf32, #tpu.memory_space<vmem>>[vector<16xi32>], vector<16xf32>,
        %add3A_437 = arith.addi %mul3A_431, %min3A_387 : vector<16xi32>
        %gather3A_438 = tpu.vector_load_idx %arg12[%add3A_437] : memref<14848xf32, #tpu.memory_space<vmem>>[vector<16xi32>], vector<16xf32>,
        %mul3A_439 = arith.mulf %sub3A_409, %sub3A_404 : vector<16xf32>
        %mul3A_440 = arith.mulf %gather3A, %mul3A_439 : vector<16xf32>
        %mul3A_441 = arith.mulf %sub3A_409, %sub3A_401 : vector<16xf32>
        %mul3A_442 = arith.mulf %mul3A_441, %gather3A_434 : vector<16xf32>
        %add3A_443 = arith.addf %mul3A_440, %mul3A_442 : vector<16xf32>
        %mul3A_444 = arith.mulf %sub3A_406, %sub3A_404 : vector<16xf32>
        %mul3A_445 = arith.mulf %mul3A_444, %gather3A_436 : vector<16xf32>
        %add3A_446 = arith.addf %add3A_443, %mul3A_445 : vector<16xf32>
        %mul3A_447 = arith.mulf %sub3A_406, %sub3A_401 : vector<16xf32>
        %mul3A_448 = arith.mulf %mul3A_447, %gather3A_438 : vector<16xf32>
        %add3A_449 = arith.addf %add3A_446, %mul3A_448 : vector<16xf32>
        %mul3A_450 = arith.constant 16 : i32
        %mul3A_451 = arith.muli %scan3A_302, %mul3A_450 : i32
        %add3A_452 = arith.constant 0 : i32
        %add3A_453 = arith.addi %add3A_452, %mul3A_451 : i32
        %get3A_454 = arith.index_cast %add3A_453 : i32 to index
        %get3A_455 = tpu.vector_load %arg14[%get3A_454] {strides = array<i32>} : memref<1280xf32, #tpu.memory_space<vmem>>, vector<16xf32>,
        %sub3A_456 = arith.subf %add3A_449, %get3A_455 : vector<16xf32>
        %bitcast3A = vector.bitcast %sub3A_456 : vector<16xf32> to vector<16xi32>
        %shift_right_logical3A_457 = arith.constant 16 : i32
        %shift_right_logical3A_458 = vector.broadcast %shift_right_logical3A_457 : i32 to vector<16xi32>
        %shift_right_logical3A_459 = arith.shrui %bitcast3A, %shift_right_logical3A_458 : vector<16xi32>
        %and3A = arith.constant 1 : i32
        %and3A_460 = vector.broadcast %and3A : i32 to vector<16xi32>
        %and3A_461 = arith.andi %shift_right_logical3A_459, %and3A_460 : vector<16xi32>
        %add3A_462 = arith.constant 32767 : i32
        %add3A_463 = vector.broadcast %add3A_462 : i32 to vector<16xi32>
        %add3A_464 = arith.addi %bitcast3A, %add3A_463 : vector<16xi32>
        %add3A_465 = arith.addi %add3A_464, %and3A_461 : vector<16xi32>
        %and3A_466 = arith.constant -65536 : i32
        %and3A_467 = vector.broadcast %and3A_466 : i32 to vector<16xi32>
        %and3A_468 = arith.andi %add3A_465, %and3A_467 : vector<16xi32>
        %bitcast3A_469 = vector.bitcast %and3A_468 : vector<16xi32> to vector<16xf32>
        %mul3A_470 = arith.constant 16 : i32
        %mul3A_471 = arith.muli %scan3A_302, %mul3A_470 : i32
        %add3A_472 = arith.constant 0 : i32
        %add3A_473 = arith.addi %add3A_472, %mul3A_471 : i32
        %get3A_474 = arith.index_cast %add3A_473 : i32 to index
        %get3A_475 = tpu.vector_load %arg15[%get3A_474] {strides = array<i32>} : memref<1280xf32, #tpu.memory_space<vmem>>, vector<16xf32>,
        %bitcast3A_476 = vector.bitcast %get3A_475 : vector<16xf32> to vector<16xi32>
        %shift_right_logical3A_477 = arith.constant 16 : i32
        %shift_right_logical3A_478 = vector.broadcast %shift_right_logical3A_477 : i32 to vector<16xi32>
        %shift_right_logical3A_479 = arith.shrui %bitcast3A_476, %shift_right_logical3A_478 : vector<16xi32>
        %and3A_480 = arith.constant 1 : i32
        %and3A_481 = vector.broadcast %and3A_480 : i32 to vector<16xi32>
        %and3A_482 = arith.andi %shift_right_logical3A_479, %and3A_481 : vector<16xi32>
        %add3A_483 = arith.constant 32767 : i32
        %add3A_484 = vector.broadcast %add3A_483 : i32 to vector<16xi32>
        %add3A_485 = arith.addi %bitcast3A_476, %add3A_484 : vector<16xi32>
        %add3A_486 = arith.addi %add3A_485, %and3A_482 : vector<16xi32>
        %and3A_487 = arith.constant -65536 : i32
        %and3A_488 = vector.broadcast %and3A_487 : i32 to vector<16xi32>
        %and3A_489 = arith.andi %add3A_486, %and3A_488 : vector<16xi32>
        %bitcast3A_490 = vector.bitcast %and3A_489 : vector<16xi32> to vector<16xf32>
        %mul3A_491 = arith.constant 16 : i32
        %mul3A_492 = arith.muli %scan3A_302, %mul3A_491 : i32
        %add3A_493 = arith.constant 0 : i32
        %add3A_494 = arith.addi %add3A_493, %mul3A_492 : i32
        %get3A_495 = arith.index_cast %add3A_494 : i32 to index
        %get3A_496 = tpu.vector_load %arg16[%get3A_495] {strides = array<i32>} : memref<1280xf32, #tpu.memory_space<vmem>>, vector<16xf32>,
        %bitcast3A_497 = vector.bitcast %get3A_496 : vector<16xf32> to vector<16xi32>
        %shift_right_logical3A_498 = arith.constant 16 : i32
        %shift_right_logical3A_499 = vector.broadcast %shift_right_logical3A_498 : i32 to vector<16xi32>
        %shift_right_logical3A_500 = arith.shrui %bitcast3A_497, %shift_right_logical3A_499 : vector<16xi32>
        %and3A_501 = arith.constant 1 : i32
        %and3A_502 = vector.broadcast %and3A_501 : i32 to vector<16xi32>
        %and3A_503 = arith.andi %shift_right_logical3A_500, %and3A_502 : vector<16xi32>
        %add3A_504 = arith.constant 32767 : i32
        %add3A_505 = vector.broadcast %add3A_504 : i32 to vector<16xi32>
        %add3A_506 = arith.addi %bitcast3A_497, %add3A_505 : vector<16xi32>
        %add3A_507 = arith.addi %add3A_506, %and3A_503 : vector<16xi32>
        %and3A_508 = arith.constant -65536 : i32
        %and3A_509 = vector.broadcast %and3A_508 : i32 to vector<16xi32>
        %and3A_510 = arith.andi %add3A_507, %and3A_509 : vector<16xi32>
        %bitcast3A_511 = vector.bitcast %and3A_510 : vector<16xi32> to vector<16xf32>
        %mul3A_512 = arith.mulf %bitcast3A_490, %bitcast3A_469 : vector<16xf32>
        %add3A_513 = arith.addf %scan3A_303, %mul3A_512 : vector<16xf32>
        %mul3A_514 = arith.mulf %bitcast3A_511, %bitcast3A_469 : vector<16xf32>
        %add3A_515 = arith.addf %scan3A_304, %mul3A_514 : vector<16xf32>
        scf.yield %add3A_513, %add3A_515 : vector<16xf32>, vector<16xf32>
      }
      %scan3A_255 = arith.constant 40 : i32
      %reduce_sum3A_256 = arith.constant true
      %reduce_sum3A_257 = vector.broadcast %reduce_sum3A_256 : i1 to vector<16xi1>
      %reduce_sum3A_258 = tpu.scan <sum>, %scan3A_254#0 masked %reduce_sum3A_257 : vector<16xf32>, vector<16xi1> -> vector<16xf32>
      %reduce_sum3A_259 = vector.extract %reduce_sum3A_258[15] : f32 from vector<16xf32>
      %neg3A_260 = arith.constant 0.000000e+00 : f32
      %neg3A_261 = arith.subf %neg3A_260, %reduce_sum3A_259 : f32
      %reduce_sum3A_262 = arith.constant true
      %reduce_sum3A_263 = vector.broadcast %reduce_sum3A_262 : i1 to vector<16xi1>
      %reduce_sum3A_264 = tpu.scan <sum>, %scan3A_254#1 masked %reduce_sum3A_263 : vector<16xf32>, vector<16xi1> -> vector<16xf32>
      %reduce_sum3A_265 = vector.extract %reduce_sum3A_264[15] : f32 from vector<16xf32>
      %neg3A_266 = arith.constant 0.000000e+00 : f32
      %neg3A_267 = arith.subf %neg3A_266, %reduce_sum3A_265 : f32
      %mul3A_268 = arith.mulf %squeeze3A_134, %neg3A_261 : f32
      %mul3A_269 = arith.mulf %squeeze3A_140, %neg3A_267 : f32
      %add3A_270 = arith.addf %mul3A_268, %mul3A_269 : f32
      %dma_wait3A_271 = tpu.memref_slice %arg5[%mul3A_243] : memref<262144xf32, #tpu.memory_space<hbm>> -> memref<14848xf32, #tpu.memory_space<hbm>>
      %dma_wait3A_272 = tpu.memref_slice %arg5[%mul3A_243] : memref<262144xf32, #tpu.memory_space<hbm>> -> memref<14848xf32, #tpu.memory_space<hbm>>
      tpu.wait_dma2 semaphore(%arg20 : memref<!tpu.dma_semaphore, #tpu.memory_space<semaphore_mem>>) src(%dma_wait3A_272 : memref<14848xf32, #tpu.memory_space<hbm>>) dst(%arg13 : memref<14848xf32, #tpu.memory_space<vmem>>)
      %broadcast_in_dim3A_273 = arith.constant 0.000000e+00 : f32
      %broadcast_in_dim3A_274 = vector.broadcast %broadcast_in_dim3A_273 : f32 to vector<16xf32>
      %scan3A_275 = arith.constant 0 : i32
      %scan3A_276 = arith.constant 40 : i32
      %scan3A_277 = arith.addi %scan3A_275, %scan3A_276 : i32
      %scan3A_278 = arith.constant 1 : i32
      %scan3A_279:2 = scf.for %scan3A_302 = %scan3A_275 to %scan3A_277 step %scan3A_278 iter_args(%scan3A_303 = %broadcast_in_dim3A_274, %scan3A_304 = %broadcast_in_dim3A_274) -> (vector<16xf32>, vector<16xf32>)  : i32 {
        %iota3A = tpu.iota {dimensions = array<i32: 0>} : vector<16xi32>
        %mul3A_305 = arith.constant 16 : i32
        %mul3A_306 = arith.muli %scan3A_302, %mul3A_305 : i32
        %add3A_307 = vector.broadcast %mul3A_306 : i32 to vector<16xi32>
        %add3A_308 = arith.addi %iota3A, %add3A_307 : vector<16xi32>
        %mul3A_309 = arith.constant 5243 : i32
        %mul3A_310 = vector.broadcast %mul3A_309 : i32 to vector<16xi32>
        %mul3A_311 = arith.muli %add3A_308, %mul3A_310 : vector<16xi32>
        %shift_right_logical3A = arith.constant 17 : i32
        %shift_right_logical3A_312 = vector.broadcast %shift_right_logical3A : i32 to vector<16xi32>
        %shift_right_logical3A_313 = arith.shrui %mul3A_311, %shift_right_logical3A_312 : vector<16xi32>
        %mul3A_314 = arith.constant 25 : i32
        %mul3A_315 = vector.broadcast %mul3A_314 : i32 to vector<16xi32>
        %mul3A_316 = arith.muli %shift_right_logical3A_313, %mul3A_315 : vector<16xi32>
        %sub3A_317 = arith.subi %add3A_308, %mul3A_316 : vector<16xi32>
        %convert_element_type3A_318 = arith.sitofp %shift_right_logical3A_313 : vector<16xi32> to vector<16xf32>
        %add3A_319 = vector.broadcast %scan3A_200 : f32 to vector<16xf32>
        %add3A_320 = arith.addf %convert_element_type3A_318, %add3A_319 : vector<16xf32>
        %sub3A_321 = arith.constant 1.200000e+01 : f32
        %sub3A_322 = vector.broadcast %sub3A_321 : f32 to vector<16xf32>
        %sub3A_323 = arith.subf %add3A_320, %sub3A_322 : vector<16xf32>
        %convert_element_type3A_324 = arith.sitofp %sub3A_317 : vector<16xi32> to vector<16xf32>
        %add3A_325 = vector.broadcast %scan3A_201 : f32 to vector<16xf32>
        %add3A_326 = arith.addf %convert_element_type3A_324, %add3A_325 : vector<16xf32>
        %sub3A_327 = arith.constant 1.200000e+01 : f32
        %sub3A_328 = vector.broadcast %sub3A_327 : f32 to vector<16xf32>
        %sub3A_329 = arith.subf %add3A_326, %sub3A_328 : vector<16xf32>
        %jit3A_330 = arith.constant -1.000000e+06 : f32
        %jit3A_331 = arith.constant 1.000000e+06 : f32
        %max3A_332 = vector.broadcast %jit3A_330 : f32 to vector<16xf32>
        %max3A_333 = arith.maximumf %max3A_332, %sub3A_323 : vector<16xf32>
        %min3A_334 = vector.broadcast %jit3A_331 : f32 to vector<16xf32>
        %min3A_335 = arith.minimumf %min3A_334, %max3A_333 : vector<16xf32>
        %jit3A_336 = arith.constant -1.000000e+06 : f32
        %jit3A_337 = arith.constant 1.000000e+06 : f32
        %max3A_338 = vector.broadcast %jit3A_336 : f32 to vector<16xf32>
        %max3A_339 = arith.maximumf %max3A_338, %sub3A_329 : vector<16xf32>
        %min3A_340 = vector.broadcast %jit3A_337 : f32 to vector<16xf32>
        %min3A_341 = arith.minimumf %min3A_340, %max3A_339 : vector<16xf32>
        %convert_element_type3A_342 = arith.fptosi %min3A_335 : vector<16xf32> to vector<16xi32>
        %convert_element_type3A_343 = arith.sitofp %convert_element_type3A_342 : vector<16xi32> to vector<16xf32>
        %gt3A_344 = arith.cmpf ogt, %convert_element_type3A_343, %min3A_335 : vector<16xf32>
        %jit3A_345 = arith.constant 1 : i32
        %jit3A_346 = arith.constant 0 : i32
        %broadcast_in_dim3A_347 = vector.broadcast %jit3A_345 : i32 to vector<16xi32>
        %broadcast_in_dim3A_348 = vector.broadcast %jit3A_346 : i32 to vector<16xi32>
        %select_n3A_349 = arith.select %gt3A_344, %broadcast_in_dim3A_347, %broadcast_in_dim3A_348 : vector<16xi1>, vector<16xi32>
        %sub3A_350 = arith.subi %convert_element_type3A_342, %select_n3A_349 : vector<16xi32>
        %convert_element_type3A_351 = arith.fptosi %min3A_341 : vector<16xf32> to vector<16xi32>
        %convert_element_type3A_352 = arith.sitofp %convert_element_type3A_351 : vector<16xi32> to vector<16xf32>
        %gt3A_353 = arith.cmpf ogt, %convert_element_type3A_352, %min3A_341 : vector<16xf32>
        %jit3A_354 = arith.constant 1 : i32
        %jit3A_355 = arith.constant 0 : i32
        %broadcast_in_dim3A_356 = vector.broadcast %jit3A_354 : i32 to vector<16xi32>
        %broadcast_in_dim3A_357 = vector.broadcast %jit3A_355 : i32 to vector<16xi32>
        %select_n3A_358 = arith.select %gt3A_353, %broadcast_in_dim3A_356, %broadcast_in_dim3A_357 : vector<16xi1>, vector<16xi32>
        %sub3A_359 = arith.subi %convert_element_type3A_351, %select_n3A_358 : vector<16xi32>
        %convert_element_type3A_360 = arith.sitofp %sub3A_350 : vector<16xi32> to vector<16xf32>
        %gt3A_361 = arith.cmpf ogt, %min3A_335, %convert_element_type3A_360 : vector<16xf32>
        %jit3A_362 = arith.constant 1 : i32
        %jit3A_363 = arith.constant 0 : i32
        %broadcast_in_dim3A_364 = vector.broadcast %jit3A_362 : i32 to vector<16xi32>
        %broadcast_in_dim3A_365 = vector.broadcast %jit3A_363 : i32 to vector<16xi32>
        %select_n3A_366 = arith.select %gt3A_361, %broadcast_in_dim3A_364, %broadcast_in_dim3A_365 : vector<16xi1>, vector<16xi32>
        %add3A_367 = arith.addi %sub3A_350, %select_n3A_366 : vector<16xi32>
        %convert_element_type3A_368 = arith.sitofp %sub3A_359 : vector<16xi32> to vector<16xf32>
        %gt3A_369 = arith.cmpf ogt, %min3A_341, %convert_element_type3A_368 : vector<16xf32>
        %jit3A_370 = arith.constant 1 : i32
        %jit3A_371 = arith.constant 0 : i32
        %broadcast_in_dim3A_372 = vector.broadcast %jit3A_370 : i32 to vector<16xi32>
        %broadcast_in_dim3A_373 = vector.broadcast %jit3A_371 : i32 to vector<16xi32>
        %select_n3A_374 = arith.select %gt3A_369, %broadcast_in_dim3A_372, %broadcast_in_dim3A_373 : vector<16xi1>, vector<16xi32>
        %add3A_375 = arith.addi %sub3A_359, %select_n3A_374 : vector<16xi32>
        %jit3A_376 = arith.constant 0 : i32
        %jit3A_377 = arith.constant 511 : i32
        %max3A_378 = vector.broadcast %jit3A_376 : i32 to vector<16xi32>
        %max3A_379 = arith.maxsi %max3A_378, %sub3A_350 : vector<16xi32>
        %min3A_380 = vector.broadcast %jit3A_377 : i32 to vector<16xi32>
        %min3A_381 = arith.minsi %min3A_380, %max3A_379 : vector<16xi32>
        %jit3A_382 = arith.constant 0 : i32
        %jit3A_383 = arith.constant 511 : i32
        %max3A_384 = vector.broadcast %jit3A_382 : i32 to vector<16xi32>
        %max3A_385 = arith.maxsi %max3A_384, %add3A_367 : vector<16xi32>
        %min3A_386 = vector.broadcast %jit3A_383 : i32 to vector<16xi32>
        %min3A_387 = arith.minsi %min3A_386, %max3A_385 : vector<16xi32>
        %jit3A_388 = arith.constant 0 : i32
        %jit3A_389 = arith.constant 511 : i32
        %max3A_390 = vector.broadcast %jit3A_388 : i32 to vector<16xi32>
        %max3A_391 = arith.maxsi %max3A_390, %sub3A_359 : vector<16xi32>
        %min3A_392 = vector.broadcast %jit3A_389 : i32 to vector<16xi32>
        %min3A_393 = arith.minsi %min3A_392, %max3A_391 : vector<16xi32>
        %jit3A_394 = arith.constant 0 : i32
        %jit3A_395 = arith.constant 511 : i32
        %max3A_396 = vector.broadcast %jit3A_394 : i32 to vector<16xi32>
        %max3A_397 = arith.maxsi %max3A_396, %add3A_375 : vector<16xi32>
        %min3A_398 = vector.broadcast %jit3A_395 : i32 to vector<16xi32>
        %min3A_399 = arith.minsi %min3A_398, %max3A_397 : vector<16xi32>
        %convert_element_type3A_400 = arith.sitofp %min3A_381 : vector<16xi32> to vector<16xf32>
        %sub3A_401 = arith.subf %min3A_335, %convert_element_type3A_400 : vector<16xf32>
        %sub3A_402 = arith.constant 1.000000e+00 : f32
        %sub3A_403 = vector.broadcast %sub3A_402 : f32 to vector<16xf32>
        %sub3A_404 = arith.subf %sub3A_403, %sub3A_401 : vector<16xf32>
        %convert_element_type3A_405 = arith.sitofp %min3A_393 : vector<16xi32> to vector<16xf32>
        %sub3A_406 = arith.subf %min3A_341, %convert_element_type3A_405 : vector<16xf32>
        %sub3A_407 = arith.constant 1.000000e+00 : f32
        %sub3A_408 = vector.broadcast %sub3A_407 : f32 to vector<16xf32>
        %sub3A_409 = arith.subf %sub3A_408, %sub3A_406 : vector<16xf32>
        %sub3A_410 = vector.broadcast %min3A_237 : i32 to vector<16xi32>
        %sub3A_411 = arith.subi %min3A_393, %sub3A_410 : vector<16xi32>
        %jit3A_412 = arith.constant 0 : i32
        %jit3A_413 = arith.constant 28 : i32
        %max3A_414 = vector.broadcast %jit3A_412 : i32 to vector<16xi32>
        %max3A_415 = arith.maxsi %max3A_414, %sub3A_411 : vector<16xi32>
        %min3A_416 = vector.broadcast %jit3A_413 : i32 to vector<16xi32>
        %min3A_417 = arith.minsi %min3A_416, %max3A_415 : vector<16xi32>
        %mul3A_418 = arith.constant 512 : i32
        %mul3A_419 = vector.broadcast %mul3A_418 : i32 to vector<16xi32>
        %mul3A_420 = arith.muli %min3A_417, %mul3A_419 : vector<16xi32>
        %sub3A_421 = vector.broadcast %min3A_237 : i32 to vector<16xi32>
        %sub3A_422 = arith.subi %min3A_399, %sub3A_421 : vector<16xi32>
        %jit3A_423 = arith.constant 0 : i32
        %jit3A_424 = arith.constant 28 : i32
        %max3A_425 = vector.broadcast %jit3A_423 : i32 to vector<16xi32>
        %max3A_426 = arith.maxsi %max3A_425, %sub3A_422 : vector<16xi32>
        %min3A_427 = vector.broadcast %jit3A_424 : i32 to vector<16xi32>
        %min3A_428 = arith.minsi %min3A_427, %max3A_426 : vector<16xi32>
        %mul3A_429 = arith.constant 512 : i32
        %mul3A_430 = vector.broadcast %mul3A_429 : i32 to vector<16xi32>
        %mul3A_431 = arith.muli %min3A_428, %mul3A_430 : vector<16xi32>
        %add3A_432 = arith.addi %mul3A_420, %min3A_381 : vector<16xi32>
        %gather3A = tpu.vector_load_idx %arg13[%add3A_432] : memref<14848xf32, #tpu.memory_space<vmem>>[vector<16xi32>], vector<16xf32>,
        %add3A_433 = arith.addi %mul3A_420, %min3A_387 : vector<16xi32>
        %gather3A_434 = tpu.vector_load_idx %arg13[%add3A_433] : memref<14848xf32, #tpu.memory_space<vmem>>[vector<16xi32>], vector<16xf32>,
        %add3A_435 = arith.addi %mul3A_431, %min3A_381 : vector<16xi32>
        %gather3A_436 = tpu.vector_load_idx %arg13[%add3A_435] : memref<14848xf32, #tpu.memory_space<vmem>>[vector<16xi32>], vector<16xf32>,
        %add3A_437 = arith.addi %mul3A_431, %min3A_387 : vector<16xi32>
        %gather3A_438 = tpu.vector_load_idx %arg13[%add3A_437] : memref<14848xf32, #tpu.memory_space<vmem>>[vector<16xi32>], vector<16xf32>,
        %mul3A_439 = arith.mulf %sub3A_409, %sub3A_404 : vector<16xf32>
        %mul3A_440 = arith.mulf %gather3A, %mul3A_439 : vector<16xf32>
        %mul3A_441 = arith.mulf %sub3A_409, %sub3A_401 : vector<16xf32>
        %mul3A_442 = arith.mulf %mul3A_441, %gather3A_434 : vector<16xf32>
        %add3A_443 = arith.addf %mul3A_440, %mul3A_442 : vector<16xf32>
        %mul3A_444 = arith.mulf %sub3A_406, %sub3A_404 : vector<16xf32>
        %mul3A_445 = arith.mulf %mul3A_444, %gather3A_436 : vector<16xf32>
        %add3A_446 = arith.addf %add3A_443, %mul3A_445 : vector<16xf32>
        %mul3A_447 = arith.mulf %sub3A_406, %sub3A_401 : vector<16xf32>
        %mul3A_448 = arith.mulf %mul3A_447, %gather3A_438 : vector<16xf32>
        %add3A_449 = arith.addf %add3A_446, %mul3A_448 : vector<16xf32>
        %mul3A_450 = arith.constant 16 : i32
        %mul3A_451 = arith.muli %scan3A_302, %mul3A_450 : i32
        %add3A_452 = arith.constant 640 : i32
        %add3A_453 = arith.addi %add3A_452, %mul3A_451 : i32
        %get3A_454 = arith.index_cast %add3A_453 : i32 to index
        %get3A_455 = tpu.vector_load %arg14[%get3A_454] {strides = array<i32>} : memref<1280xf32, #tpu.memory_space<vmem>>, vector<16xf32>,
        %sub3A_456 = arith.subf %add3A_449, %get3A_455 : vector<16xf32>
        %bitcast3A = vector.bitcast %sub3A_456 : vector<16xf32> to vector<16xi32>
        %shift_right_logical3A_457 = arith.constant 16 : i32
        %shift_right_logical3A_458 = vector.broadcast %shift_right_logical3A_457 : i32 to vector<16xi32>
        %shift_right_logical3A_459 = arith.shrui %bitcast3A, %shift_right_logical3A_458 : vector<16xi32>
        %and3A = arith.constant 1 : i32
        %and3A_460 = vector.broadcast %and3A : i32 to vector<16xi32>
        %and3A_461 = arith.andi %shift_right_logical3A_459, %and3A_460 : vector<16xi32>
        %add3A_462 = arith.constant 32767 : i32
        %add3A_463 = vector.broadcast %add3A_462 : i32 to vector<16xi32>
        %add3A_464 = arith.addi %bitcast3A, %add3A_463 : vector<16xi32>
        %add3A_465 = arith.addi %add3A_464, %and3A_461 : vector<16xi32>
        %and3A_466 = arith.constant -65536 : i32
        %and3A_467 = vector.broadcast %and3A_466 : i32 to vector<16xi32>
        %and3A_468 = arith.andi %add3A_465, %and3A_467 : vector<16xi32>
        %bitcast3A_469 = vector.bitcast %and3A_468 : vector<16xi32> to vector<16xf32>
        %mul3A_470 = arith.constant 16 : i32
        %mul3A_471 = arith.muli %scan3A_302, %mul3A_470 : i32
        %add3A_472 = arith.constant 640 : i32
        %add3A_473 = arith.addi %add3A_472, %mul3A_471 : i32
        %get3A_474 = arith.index_cast %add3A_473 : i32 to index
        %get3A_475 = tpu.vector_load %arg15[%get3A_474] {strides = array<i32>} : memref<1280xf32, #tpu.memory_space<vmem>>, vector<16xf32>,
        %bitcast3A_476 = vector.bitcast %get3A_475 : vector<16xf32> to vector<16xi32>
        %shift_right_logical3A_477 = arith.constant 16 : i32
        %shift_right_logical3A_478 = vector.broadcast %shift_right_logical3A_477 : i32 to vector<16xi32>
        %shift_right_logical3A_479 = arith.shrui %bitcast3A_476, %shift_right_logical3A_478 : vector<16xi32>
        %and3A_480 = arith.constant 1 : i32
        %and3A_481 = vector.broadcast %and3A_480 : i32 to vector<16xi32>
        %and3A_482 = arith.andi %shift_right_logical3A_479, %and3A_481 : vector<16xi32>
        %add3A_483 = arith.constant 32767 : i32
        %add3A_484 = vector.broadcast %add3A_483 : i32 to vector<16xi32>
        %add3A_485 = arith.addi %bitcast3A_476, %add3A_484 : vector<16xi32>
        %add3A_486 = arith.addi %add3A_485, %and3A_482 : vector<16xi32>
        %and3A_487 = arith.constant -65536 : i32
        %and3A_488 = vector.broadcast %and3A_487 : i32 to vector<16xi32>
        %and3A_489 = arith.andi %add3A_486, %and3A_488 : vector<16xi32>
        %bitcast3A_490 = vector.bitcast %and3A_489 : vector<16xi32> to vector<16xf32>
        %mul3A_491 = arith.constant 16 : i32
        %mul3A_492 = arith.muli %scan3A_302, %mul3A_491 : i32
        %add3A_493 = arith.constant 640 : i32
        %add3A_494 = arith.addi %add3A_493, %mul3A_492 : i32
        %get3A_495 = arith.index_cast %add3A_494 : i32 to index
        %get3A_496 = tpu.vector_load %arg16[%get3A_495] {strides = array<i32>} : memref<1280xf32, #tpu.memory_space<vmem>>, vector<16xf32>,
        %bitcast3A_497 = vector.bitcast %get3A_496 : vector<16xf32> to vector<16xi32>
        %shift_right_logical3A_498 = arith.constant 16 : i32
        %shift_right_logical3A_499 = vector.broadcast %shift_right_logical3A_498 : i32 to vector<16xi32>
        %shift_right_logical3A_500 = arith.shrui %bitcast3A_497, %shift_right_logical3A_499 : vector<16xi32>
        %and3A_501 = arith.constant 1 : i32
        %and3A_502 = vector.broadcast %and3A_501 : i32 to vector<16xi32>
        %and3A_503 = arith.andi %shift_right_logical3A_500, %and3A_502 : vector<16xi32>
        %add3A_504 = arith.constant 32767 : i32
        %add3A_505 = vector.broadcast %add3A_504 : i32 to vector<16xi32>
        %add3A_506 = arith.addi %bitcast3A_497, %add3A_505 : vector<16xi32>
        %add3A_507 = arith.addi %add3A_506, %and3A_503 : vector<16xi32>
        %and3A_508 = arith.constant -65536 : i32
        %and3A_509 = vector.broadcast %and3A_508 : i32 to vector<16xi32>
        %and3A_510 = arith.andi %add3A_507, %and3A_509 : vector<16xi32>
        %bitcast3A_511 = vector.bitcast %and3A_510 : vector<16xi32> to vector<16xf32>
        %mul3A_512 = arith.mulf %bitcast3A_490, %bitcast3A_469 : vector<16xf32>
        %add3A_513 = arith.addf %scan3A_303, %mul3A_512 : vector<16xf32>
        %mul3A_514 = arith.mulf %bitcast3A_511, %bitcast3A_469 : vector<16xf32>
        %add3A_515 = arith.addf %scan3A_304, %mul3A_514 : vector<16xf32>
        scf.yield %add3A_513, %add3A_515 : vector<16xf32>, vector<16xf32>
      }
      %scan3A_280 = arith.constant 40 : i32
      %reduce_sum3A_281 = arith.constant true
      %reduce_sum3A_282 = vector.broadcast %reduce_sum3A_281 : i1 to vector<16xi1>
      %reduce_sum3A_283 = tpu.scan <sum>, %scan3A_279#0 masked %reduce_sum3A_282 : vector<16xf32>, vector<16xi1> -> vector<16xf32>
      %reduce_sum3A_284 = vector.extract %reduce_sum3A_283[15] : f32 from vector<16xf32>
      %neg3A_285 = arith.constant 0.000000e+00 : f32
      %neg3A_286 = arith.subf %neg3A_285, %reduce_sum3A_284 : f32
      %reduce_sum3A_287 = arith.constant true
      %reduce_sum3A_288 = vector.broadcast %reduce_sum3A_287 : i1 to vector<16xi1>
      %reduce_sum3A_289 = tpu.scan <sum>, %scan3A_279#1 masked %reduce_sum3A_288 : vector<16xf32>, vector<16xi1> -> vector<16xf32>
      %reduce_sum3A_290 = vector.extract %reduce_sum3A_289[15] : f32 from vector<16xf32>
      %neg3A_291 = arith.constant 0.000000e+00 : f32
      %neg3A_292 = arith.subf %neg3A_291, %reduce_sum3A_290 : f32
      %mul3A_293 = arith.mulf %squeeze3A_168, %neg3A_286 : f32
      %mul3A_294 = arith.mulf %squeeze3A_175, %neg3A_292 : f32
      %add3A_295 = arith.addf %mul3A_293, %mul3A_294 : f32
      %add3A_296 = arith.addf %scan3A_198, %add3A_270 : f32
      %add3A_297 = arith.addf %scan3A_199, %add3A_295 : f32
      %add3A_298 = arith.addf %scan3A_200, %add3A_270 : f32
      %add3A_299 = arith.addf %scan3A_201, %add3A_295 : f32
      %add3A_300 = arith.addf %scan3A_202, %add3A_270 : f32
      %add3A_301 = arith.addf %scan3A_203, %add3A_295 : f32
      scf.yield %add3A_296, %add3A_297, %add3A_298, %add3A_299, %add3A_300, %add3A_301 : f32, f32, f32, f32, f32, f32
    }
    %scan3A_183 = arith.constant 15 : i32
    %mul3A_184 = arith.constant 16 : i32
    %mul3A_185 = arith.muli %arg0, %mul3A_184 : i32
    %add3A = arith.addi %mul3A_185, %arg1 : i32
    %mul3A_186 = arith.constant 128 : i32
    %mul3A_187 = arith.muli %add3A, %mul3A_186 : i32
    "tpu.region"() ({
      %run_scoped3A = tpu.sem_alloc : memref<!tpu.dma_semaphore, #tpu.memory_space<semaphore_mem>>
      %dma_start3A_197 = tpu.memref_slice %arg2[%mul3A_187] : memref<4096xf32, #tpu.memory_space<hbm>> -> memref<128xf32, #tpu.memory_space<hbm>>
      %dma_start3A_198 = tpu.memref_slice %arg2[%mul3A_187] : memref<4096xf32, #tpu.memory_space<hbm>> -> memref<128xf32, #tpu.memory_space<hbm>>
      tpu.enqueue_dma source(%dma_start3A_198 : memref<128xf32, #tpu.memory_space<hbm>>) target(%arg17 : memref<128xf32, #tpu.memory_space<vmem>>) target_semaphore(%run_scoped3A : memref<!tpu.dma_semaphore, #tpu.memory_space<semaphore_mem>>)
      %dma_wait3A_199 = tpu.memref_slice %arg2[%mul3A_187] : memref<4096xf32, #tpu.memory_space<hbm>> -> memref<128xf32, #tpu.memory_space<hbm>>
      %dma_wait3A_200 = tpu.memref_slice %arg2[%mul3A_187] : memref<4096xf32, #tpu.memory_space<hbm>> -> memref<128xf32, #tpu.memory_space<hbm>>
      tpu.wait_dma2 semaphore(%run_scoped3A : memref<!tpu.dma_semaphore, #tpu.memory_space<semaphore_mem>>) src(%dma_wait3A_200 : memref<128xf32, #tpu.memory_space<hbm>>) dst(%arg17 : memref<128xf32, #tpu.memory_space<vmem>>)
      tpu.yield
    }) : () -> ()
    "tpu.region"() ({
      %run_scoped3A = tpu.sem_alloc : memref<!tpu.dma_semaphore, #tpu.memory_space<semaphore_mem>>
      %dma_start3A_197 = tpu.memref_slice %arg3[%mul3A_187] : memref<4096xf32, #tpu.memory_space<hbm>> -> memref<128xf32, #tpu.memory_space<hbm>>
      %dma_start3A_198 = tpu.memref_slice %arg3[%mul3A_187] : memref<4096xf32, #tpu.memory_space<hbm>> -> memref<128xf32, #tpu.memory_space<hbm>>
      tpu.enqueue_dma source(%dma_start3A_198 : memref<128xf32, #tpu.memory_space<hbm>>) target(%arg18 : memref<128xf32, #tpu.memory_space<vmem>>) target_semaphore(%run_scoped3A : memref<!tpu.dma_semaphore, #tpu.memory_space<semaphore_mem>>)
      %dma_wait3A_199 = tpu.memref_slice %arg3[%mul3A_187] : memref<4096xf32, #tpu.memory_space<hbm>> -> memref<128xf32, #tpu.memory_space<hbm>>
      %dma_wait3A_200 = tpu.memref_slice %arg3[%mul3A_187] : memref<4096xf32, #tpu.memory_space<hbm>> -> memref<128xf32, #tpu.memory_space<hbm>>
      tpu.wait_dma2 semaphore(%run_scoped3A : memref<!tpu.dma_semaphore, #tpu.memory_space<semaphore_mem>>) src(%dma_wait3A_200 : memref<128xf32, #tpu.memory_space<hbm>>) dst(%arg18 : memref<128xf32, #tpu.memory_space<vmem>>)
      tpu.yield
    }) : () -> ()
    %broadcast_in_dim3A_188 = vector.broadcast %scan3A_182#4 : f32 to vector<16xf32>
    %broadcast_in_dim3A_189 = vector.broadcast %scan3A_182#5 : f32 to vector<16xf32>
    %scan3A_190 = arith.constant 0 : i32
    %scan3A_191 = arith.constant 0 : i32
    %scan3A_192 = arith.constant 8 : i32
    %scan3A_193 = arith.addi %scan3A_191, %scan3A_192 : i32
    %scan3A_194 = arith.constant 1 : i32
    %scan3A_195 = scf.for %scan3A_197 = %scan3A_191 to %scan3A_193 step %scan3A_194 iter_args(%scan3A_198 = %scan3A_190) -> (i32)  : i32 {
      %mul3A_199 = arith.constant 16 : i32
      %mul3A_200 = arith.muli %scan3A_197, %mul3A_199 : i32
      %get3A_201 = arith.index_cast %mul3A_200 : i32 to index
      %get3A_202 = tpu.vector_load %arg17[%get3A_201] {strides = array<i32>} : memref<128xf32, #tpu.memory_space<vmem>>, vector<16xf32>,
      %add3A_203 = arith.addf %get3A_202, %broadcast_in_dim3A_188 : vector<16xf32>
      %mul3A_204 = arith.constant 16 : i32
      %mul3A_205 = arith.muli %scan3A_197, %mul3A_204 : i32
      %swap3A = arith.index_cast %mul3A_205 : i32 to index
      %swap3A_206 = tpu.vector_load %arg17[%swap3A] {strides = array<i32>} : memref<128xf32, #tpu.memory_space<vmem>>, vector<16xf32>,
      tpu.vector_store %arg17[%swap3A], %add3A_203 {strides = array<i32>} : memref<128xf32, #tpu.memory_space<vmem>>, vector<16xf32>,
      %mul3A_207 = arith.constant 16 : i32
      %mul3A_208 = arith.muli %scan3A_197, %mul3A_207 : i32
      %get3A_209 = arith.index_cast %mul3A_208 : i32 to index
      %get3A_210 = tpu.vector_load %arg18[%get3A_209] {strides = array<i32>} : memref<128xf32, #tpu.memory_space<vmem>>, vector<16xf32>,
      %add3A_211 = arith.addf %get3A_210, %broadcast_in_dim3A_189 : vector<16xf32>
      %mul3A_212 = arith.constant 16 : i32
      %mul3A_213 = arith.muli %scan3A_197, %mul3A_212 : i32
      %swap3A_214 = arith.index_cast %mul3A_213 : i32 to index
      %swap3A_215 = tpu.vector_load %arg18[%swap3A_214] {strides = array<i32>} : memref<128xf32, #tpu.memory_space<vmem>>, vector<16xf32>,
      tpu.vector_store %arg18[%swap3A_214], %add3A_211 {strides = array<i32>} : memref<128xf32, #tpu.memory_space<vmem>>, vector<16xf32>,
      %scan3A_216 = arith.constant 0 : i32
      scf.yield %scan3A_216 : i32
    }
    %scan3A_196 = arith.constant 8 : i32
    "tpu.region"() ({
      %run_scoped3A = tpu.sem_alloc : memref<!tpu.dma_semaphore, #tpu.memory_space<semaphore_mem>>
      %dma_start3A_197 = tpu.memref_slice %arg8[%mul3A_187] : memref<4096xf32, #tpu.memory_space<hbm>> -> memref<128xf32, #tpu.memory_space<hbm>>
      %dma_start3A_198 = tpu.memref_slice %arg8[%mul3A_187] : memref<4096xf32, #tpu.memory_space<hbm>> -> memref<128xf32, #tpu.memory_space<hbm>>
      tpu.enqueue_dma source(%arg17 : memref<128xf32, #tpu.memory_space<vmem>>) target(%dma_start3A_198 : memref<128xf32, #tpu.memory_space<hbm>>) target_semaphore(%run_scoped3A : memref<!tpu.dma_semaphore, #tpu.memory_space<semaphore_mem>>)
      %dma_wait3A_199 = tpu.memref_slice %arg8[%mul3A_187] : memref<4096xf32, #tpu.memory_space<hbm>> -> memref<128xf32, #tpu.memory_space<hbm>>
      %dma_wait3A_200 = tpu.memref_slice %arg8[%mul3A_187] : memref<4096xf32, #tpu.memory_space<hbm>> -> memref<128xf32, #tpu.memory_space<hbm>>
      tpu.wait_dma2 semaphore(%run_scoped3A : memref<!tpu.dma_semaphore, #tpu.memory_space<semaphore_mem>>) src(%arg17 : memref<128xf32, #tpu.memory_space<vmem>>) dst(%dma_wait3A_200 : memref<128xf32, #tpu.memory_space<hbm>>)
      tpu.yield
    }) : () -> ()
    "tpu.region"() ({
      %run_scoped3A = tpu.sem_alloc : memref<!tpu.dma_semaphore, #tpu.memory_space<semaphore_mem>>
      %dma_start3A_197 = tpu.memref_slice %arg9[%mul3A_187] : memref<4096xf32, #tpu.memory_space<hbm>> -> memref<128xf32, #tpu.memory_space<hbm>>
      %dma_start3A_198 = tpu.memref_slice %arg9[%mul3A_187] : memref<4096xf32, #tpu.memory_space<hbm>> -> memref<128xf32, #tpu.memory_space<hbm>>
      tpu.enqueue_dma source(%arg18 : memref<128xf32, #tpu.memory_space<vmem>>) target(%dma_start3A_198 : memref<128xf32, #tpu.memory_space<hbm>>) target_semaphore(%run_scoped3A : memref<!tpu.dma_semaphore, #tpu.memory_space<semaphore_mem>>)
      %dma_wait3A_199 = tpu.memref_slice %arg9[%mul3A_187] : memref<4096xf32, #tpu.memory_space<hbm>> -> memref<128xf32, #tpu.memory_space<hbm>>
      %dma_wait3A_200 = tpu.memref_slice %arg9[%mul3A_187] : memref<4096xf32, #tpu.memory_space<hbm>> -> memref<128xf32, #tpu.memory_space<hbm>>
      tpu.wait_dma2 semaphore(%run_scoped3A : memref<!tpu.dma_semaphore, #tpu.memory_space<semaphore_mem>>) src(%arg18 : memref<128xf32, #tpu.memory_space<vmem>>) dst(%dma_wait3A_200 : memref<128xf32, #tpu.memory_space<hbm>>)
      tpu.yield
    }) : () -> ()
    return
  }
}

module attributes {stable_mosaic.version = 14 : i64} {
  func.func @_preprocess_body(%arg0: memref<3x512x512xf32, #tpu.memory_space<vmem>>, %arg1: memref<3x512x512xf32, #tpu.memory_space<vmem>>, %arg2: memref<512x512xf32, #tpu.memory_space<vmem>>, %arg3: memref<512x512xf32, #tpu.memory_space<vmem>>, %arg4: memref<512x512xf32, #tpu.memory_space<vmem>>, %arg5: memref<512x512xf32, #tpu.memory_space<vmem>>) attributes {dimension_semantics = [], scalar_prefetch = 0 : i64, scratch_operands = 0 : i64, tpu.core_type = #tpu.core_type<tc>} {
    %get3A = arith.constant 0 : index
    %get3A_0 = arith.constant 0 : index
    %get3A_1 = arith.constant 0 : index
    %get3A_2 = vector.load %arg0[%get3A, %get3A_0, %get3A_1] : memref<3x512x512xf32, #tpu.memory_space<vmem>>, vector<3x512x512xf32>
    %slice3A = vector.extract_strided_slice %get3A_2 {offsets = [0, 0, 0], sizes = [1, 512, 512], strides = [1, 1, 1]} : vector<3x512x512xf32> to vector<1x512x512xf32>
    %squeeze3A = vector.shape_cast %slice3A : vector<1x512x512xf32> to vector<512x512xf32>
    %mul3A = arith.constant 2.990000e-01 : f32
    %mul3A_3 = vector.broadcast %mul3A : f32 to vector<512x512xf32>
    %mul3A_4 = arith.mulf %mul3A_3, %squeeze3A : vector<512x512xf32>
    %slice3A_5 = vector.extract_strided_slice %get3A_2 {offsets = [1, 0, 0], sizes = [1, 512, 512], strides = [1, 1, 1]} : vector<3x512x512xf32> to vector<1x512x512xf32>
    %squeeze3A_6 = vector.shape_cast %slice3A_5 : vector<1x512x512xf32> to vector<512x512xf32>
    %mul3A_7 = arith.constant 5.870000e-01 : f32
    %mul3A_8 = vector.broadcast %mul3A_7 : f32 to vector<512x512xf32>
    %mul3A_9 = arith.mulf %mul3A_8, %squeeze3A_6 : vector<512x512xf32>
    %add3A = arith.addf %mul3A_4, %mul3A_9 : vector<512x512xf32>
    %slice3A_10 = vector.extract_strided_slice %get3A_2 {offsets = [2, 0, 0], sizes = [1, 512, 512], strides = [1, 1, 1]} : vector<3x512x512xf32> to vector<1x512x512xf32>
    %squeeze3A_11 = vector.shape_cast %slice3A_10 : vector<1x512x512xf32> to vector<512x512xf32>
    %mul3A_12 = arith.constant 1.140000e-01 : f32
    %mul3A_13 = vector.broadcast %mul3A_12 : f32 to vector<512x512xf32>
    %mul3A_14 = arith.mulf %mul3A_13, %squeeze3A_11 : vector<512x512xf32>
    %add3A_15 = arith.addf %add3A, %mul3A_14 : vector<512x512xf32>
    %get3A_16 = arith.constant 0 : index
    %get3A_17 = arith.constant 0 : index
    %get3A_18 = arith.constant 0 : index
    %get3A_19 = vector.load %arg1[%get3A_16, %get3A_17, %get3A_18] : memref<3x512x512xf32, #tpu.memory_space<vmem>>, vector<3x512x512xf32>
    %slice3A_20 = vector.extract_strided_slice %get3A_19 {offsets = [0, 0, 0], sizes = [1, 512, 512], strides = [1, 1, 1]} : vector<3x512x512xf32> to vector<1x512x512xf32>
    %squeeze3A_21 = vector.shape_cast %slice3A_20 : vector<1x512x512xf32> to vector<512x512xf32>
    %mul3A_22 = arith.constant 2.990000e-01 : f32
    %mul3A_23 = vector.broadcast %mul3A_22 : f32 to vector<512x512xf32>
    %mul3A_24 = arith.mulf %mul3A_23, %squeeze3A_21 : vector<512x512xf32>
    %slice3A_25 = vector.extract_strided_slice %get3A_19 {offsets = [1, 0, 0], sizes = [1, 512, 512], strides = [1, 1, 1]} : vector<3x512x512xf32> to vector<1x512x512xf32>
    %squeeze3A_26 = vector.shape_cast %slice3A_25 : vector<1x512x512xf32> to vector<512x512xf32>
    %mul3A_27 = arith.constant 5.870000e-01 : f32
    %mul3A_28 = vector.broadcast %mul3A_27 : f32 to vector<512x512xf32>
    %mul3A_29 = arith.mulf %mul3A_28, %squeeze3A_26 : vector<512x512xf32>
    %add3A_30 = arith.addf %mul3A_24, %mul3A_29 : vector<512x512xf32>
    %slice3A_31 = vector.extract_strided_slice %get3A_19 {offsets = [2, 0, 0], sizes = [1, 512, 512], strides = [1, 1, 1]} : vector<3x512x512xf32> to vector<1x512x512xf32>
    %squeeze3A_32 = vector.shape_cast %slice3A_31 : vector<1x512x512xf32> to vector<512x512xf32>
    %mul3A_33 = arith.constant 1.140000e-01 : f32
    %mul3A_34 = vector.broadcast %mul3A_33 : f32 to vector<512x512xf32>
    %mul3A_35 = arith.mulf %mul3A_34, %squeeze3A_32 : vector<512x512xf32>
    %add3A_36 = arith.addf %add3A_30, %mul3A_35 : vector<512x512xf32>
    %mul3A_37 = arith.constant 2.550000e+02 : f32
    %mul3A_38 = vector.broadcast %mul3A_37 : f32 to vector<512x512xf32>
    %mul3A_39 = arith.mulf %add3A_15, %mul3A_38 : vector<512x512xf32>
    %swap3A = arith.constant 0 : index
    %swap3A_40 = arith.constant 0 : index
    %swap3A_41 = vector.load %arg2[%swap3A, %swap3A_40] : memref<512x512xf32, #tpu.memory_space<vmem>>, vector<512x512xf32>
    tpu.vector_store %arg2[%swap3A, %swap3A_40], %mul3A_39 {strides = array<i32>} : memref<512x512xf32, #tpu.memory_space<vmem>>, vector<512x512xf32>,
    %mul3A_42 = arith.constant 2.550000e+02 : f32
    %mul3A_43 = vector.broadcast %mul3A_42 : f32 to vector<512x512xf32>
    %mul3A_44 = arith.mulf %add3A_36, %mul3A_43 : vector<512x512xf32>
    %swap3A_45 = arith.constant 0 : index
    %swap3A_46 = arith.constant 0 : index
    %swap3A_47 = vector.load %arg3[%swap3A_45, %swap3A_46] : memref<512x512xf32, #tpu.memory_space<vmem>>, vector<512x512xf32>
    tpu.vector_store %arg3[%swap3A_45, %swap3A_46], %mul3A_44 {strides = array<i32>} : memref<512x512xf32, #tpu.memory_space<vmem>>, vector<512x512xf32>,
    %slice3A_48 = vector.extract_strided_slice %add3A_15 {offsets = [2, 0], sizes = [1, 512], strides = [1, 1]} : vector<512x512xf32> to vector<1x512xf32>
    %slice3A_49 = vector.extract_strided_slice %add3A_15 {offsets = [1, 0], sizes = [1, 512], strides = [1, 1]} : vector<512x512xf32> to vector<1x512xf32>
    %slice3A_50 = vector.extract_strided_slice %add3A_15 {offsets = [510, 0], sizes = [1, 512], strides = [1, 1]} : vector<512x512xf32> to vector<1x512xf32>
    %slice3A_51 = vector.extract_strided_slice %add3A_15 {offsets = [509, 0], sizes = [1, 512], strides = [1, 1]} : vector<512x512xf32> to vector<1x512xf32>
    %concatenate3A = tpu.concatenate %slice3A_48, %slice3A_49, %add3A_15, %slice3A_50, %slice3A_51 in 0 : vector<1x512xf32>, vector<1x512xf32>, vector<512x512xf32>, vector<1x512xf32>, vector<1x512xf32> -> vector<516x512xf32>
    %slice3A_52 = vector.extract_strided_slice %concatenate3A {offsets = [0, 2], sizes = [516, 1], strides = [1, 1]} : vector<516x512xf32> to vector<516x1xf32>
    %slice3A_53 = vector.extract_strided_slice %concatenate3A {offsets = [0, 1], sizes = [516, 1], strides = [1, 1]} : vector<516x512xf32> to vector<516x1xf32>
    %slice3A_54 = vector.extract_strided_slice %concatenate3A {offsets = [0, 510], sizes = [516, 1], strides = [1, 1]} : vector<516x512xf32> to vector<516x1xf32>
    %slice3A_55 = vector.extract_strided_slice %concatenate3A {offsets = [0, 509], sizes = [516, 1], strides = [1, 1]} : vector<516x512xf32> to vector<516x1xf32>
    %concatenate3A_56 = tpu.concatenate %slice3A_52, %slice3A_53, %concatenate3A, %slice3A_54, %slice3A_55 in 1 : vector<516x1xf32>, vector<516x1xf32>, vector<516x512xf32>, vector<516x1xf32>, vector<516x1xf32> -> vector<516x516xf32>
    %broadcast_in_dim3A = arith.constant 0.000000e+00 : f32
    %broadcast_in_dim3A_57 = vector.broadcast %broadcast_in_dim3A : f32 to vector<512x512xf32>
    %slice3A_58 = vector.extract_strided_slice %concatenate3A_56 {offsets = [0, 0], sizes = [512, 512], strides = [1, 1]} : vector<516x516xf32> to vector<512x512xf32>
    %mul3A_59 = arith.constant 3.783510e-44 : f32
    %mul3A_60 = vector.broadcast %mul3A_59 : f32 to vector<512x512xf32>
    %mul3A_61 = arith.mulf %mul3A_60, %slice3A_58 : vector<512x512xf32>
    %add3A_62 = arith.addf %broadcast_in_dim3A_57, %mul3A_61 : vector<512x512xf32>
    %slice3A_63 = vector.extract_strided_slice %concatenate3A_56 {offsets = [0, 1], sizes = [512, 512], strides = [1, 1]} : vector<516x516xf32> to vector<512x512xf32>
    %mul3A_64 = arith.constant 7.18767503E-28 : f32
    %mul3A_65 = vector.broadcast %mul3A_64 : f32 to vector<512x512xf32>
    %mul3A_66 = arith.mulf %mul3A_65, %slice3A_63 : vector<512x512xf32>
    %add3A_67 = arith.addf %add3A_62, %mul3A_66 : vector<512x512xf32>
    %slice3A_68 = vector.extract_strided_slice %concatenate3A_56 {offsets = [0, 2], sizes = [512, 512], strides = [1, 1]} : vector<516x516xf32> to vector<512x512xf32>
    %mul3A_69 = arith.constant 1.92872137E-22 : f32
    %mul3A_70 = vector.broadcast %mul3A_69 : f32 to vector<512x512xf32>
    %mul3A_71 = arith.mulf %mul3A_70, %slice3A_68 : vector<512x512xf32>
    %add3A_72 = arith.addf %add3A_67, %mul3A_71 : vector<512x512xf32>
    %slice3A_73 = vector.extract_strided_slice %concatenate3A_56 {offsets = [0, 3], sizes = [512, 512], strides = [1, 1]} : vector<516x516xf32> to vector<512x512xf32>
    %mul3A_74 = arith.constant 7.18767503E-28 : f32
    %mul3A_75 = vector.broadcast %mul3A_74 : f32 to vector<512x512xf32>
    %mul3A_76 = arith.mulf %mul3A_75, %slice3A_73 : vector<512x512xf32>
    %add3A_77 = arith.addf %add3A_72, %mul3A_76 : vector<512x512xf32>
    %slice3A_78 = vector.extract_strided_slice %concatenate3A_56 {offsets = [0, 4], sizes = [512, 512], strides = [1, 1]} : vector<516x516xf32> to vector<512x512xf32>
    %mul3A_79 = arith.constant 3.783510e-44 : f32
    %mul3A_80 = vector.broadcast %mul3A_79 : f32 to vector<512x512xf32>
    %mul3A_81 = arith.mulf %mul3A_80, %slice3A_78 : vector<512x512xf32>
    %add3A_82 = arith.addf %add3A_77, %mul3A_81 : vector<512x512xf32>
    %slice3A_83 = vector.extract_strided_slice %concatenate3A_56 {offsets = [1, 0], sizes = [512, 512], strides = [1, 1]} : vector<516x516xf32> to vector<512x512xf32>
    %mul3A_84 = arith.constant 7.18767503E-28 : f32
    %mul3A_85 = vector.broadcast %mul3A_84 : f32 to vector<512x512xf32>
    %mul3A_86 = arith.mulf %mul3A_85, %slice3A_83 : vector<512x512xf32>
    %add3A_87 = arith.addf %add3A_82, %mul3A_86 : vector<512x512xf32>
    %slice3A_88 = vector.extract_strided_slice %concatenate3A_56 {offsets = [1, 1], sizes = [512, 512], strides = [1, 1]} : vector<516x516xf32> to vector<512x512xf32>
    %mul3A_89 = arith.constant 1.38877373E-11 : f32
    %mul3A_90 = vector.broadcast %mul3A_89 : f32 to vector<512x512xf32>
    %mul3A_91 = arith.mulf %mul3A_90, %slice3A_88 : vector<512x512xf32>
    %add3A_92 = arith.addf %add3A_87, %mul3A_91 : vector<512x512xf32>
    %slice3A_93 = vector.extract_strided_slice %concatenate3A_56 {offsets = [1, 2], sizes = [512, 512], strides = [1, 1]} : vector<516x516xf32> to vector<512x512xf32>
    %mul3A_94 = arith.constant 3.72659792E-6 : f32
    %mul3A_95 = vector.broadcast %mul3A_94 : f32 to vector<512x512xf32>
    %mul3A_96 = arith.mulf %mul3A_95, %slice3A_93 : vector<512x512xf32>
    %add3A_97 = arith.addf %add3A_92, %mul3A_96 : vector<512x512xf32>
    %slice3A_98 = vector.extract_strided_slice %concatenate3A_56 {offsets = [1, 3], sizes = [512, 512], strides = [1, 1]} : vector<516x516xf32> to vector<512x512xf32>
    %mul3A_99 = arith.constant 1.38877373E-11 : f32
    %mul3A_100 = vector.broadcast %mul3A_99 : f32 to vector<512x512xf32>
    %mul3A_101 = arith.mulf %mul3A_100, %slice3A_98 : vector<512x512xf32>
    %add3A_102 = arith.addf %add3A_97, %mul3A_101 : vector<512x512xf32>
    %slice3A_103 = vector.extract_strided_slice %concatenate3A_56 {offsets = [1, 4], sizes = [512, 512], strides = [1, 1]} : vector<516x516xf32> to vector<512x512xf32>
    %mul3A_104 = arith.constant 7.18767503E-28 : f32
    %mul3A_105 = vector.broadcast %mul3A_104 : f32 to vector<512x512xf32>
    %mul3A_106 = arith.mulf %mul3A_105, %slice3A_103 : vector<512x512xf32>
    %add3A_107 = arith.addf %add3A_102, %mul3A_106 : vector<512x512xf32>
    %slice3A_108 = vector.extract_strided_slice %concatenate3A_56 {offsets = [2, 0], sizes = [512, 512], strides = [1, 1]} : vector<516x516xf32> to vector<512x512xf32>
    %mul3A_109 = arith.constant 1.92872137E-22 : f32
    %mul3A_110 = vector.broadcast %mul3A_109 : f32 to vector<512x512xf32>
    %mul3A_111 = arith.mulf %mul3A_110, %slice3A_108 : vector<512x512xf32>
    %add3A_112 = arith.addf %add3A_107, %mul3A_111 : vector<512x512xf32>
    %slice3A_113 = vector.extract_strided_slice %concatenate3A_56 {offsets = [2, 1], sizes = [512, 512], strides = [1, 1]} : vector<516x516xf32> to vector<512x512xf32>
    %mul3A_114 = arith.constant 3.72659792E-6 : f32
    %mul3A_115 = vector.broadcast %mul3A_114 : f32 to vector<512x512xf32>
    %mul3A_116 = arith.mulf %mul3A_115, %slice3A_113 : vector<512x512xf32>
    %add3A_117 = arith.addf %add3A_112, %mul3A_116 : vector<512x512xf32>
    %slice3A_118 = vector.extract_strided_slice %concatenate3A_56 {offsets = [2, 2], sizes = [512, 512], strides = [1, 1]} : vector<516x516xf32> to vector<512x512xf32>
    %mul3A_119 = arith.constant 0.999985218 : f32
    %mul3A_120 = vector.broadcast %mul3A_119 : f32 to vector<512x512xf32>
    %mul3A_121 = arith.mulf %mul3A_120, %slice3A_118 : vector<512x512xf32>
    %add3A_122 = arith.addf %add3A_117, %mul3A_121 : vector<512x512xf32>
    %slice3A_123 = vector.extract_strided_slice %concatenate3A_56 {offsets = [2, 3], sizes = [512, 512], strides = [1, 1]} : vector<516x516xf32> to vector<512x512xf32>
    %mul3A_124 = arith.constant 3.72659792E-6 : f32
    %mul3A_125 = vector.broadcast %mul3A_124 : f32 to vector<512x512xf32>
    %mul3A_126 = arith.mulf %mul3A_125, %slice3A_123 : vector<512x512xf32>
    %add3A_127 = arith.addf %add3A_122, %mul3A_126 : vector<512x512xf32>
    %slice3A_128 = vector.extract_strided_slice %concatenate3A_56 {offsets = [2, 4], sizes = [512, 512], strides = [1, 1]} : vector<516x516xf32> to vector<512x512xf32>
    %mul3A_129 = arith.constant 1.92872137E-22 : f32
    %mul3A_130 = vector.broadcast %mul3A_129 : f32 to vector<512x512xf32>
    %mul3A_131 = arith.mulf %mul3A_130, %slice3A_128 : vector<512x512xf32>
    %add3A_132 = arith.addf %add3A_127, %mul3A_131 : vector<512x512xf32>
    %slice3A_133 = vector.extract_strided_slice %concatenate3A_56 {offsets = [3, 0], sizes = [512, 512], strides = [1, 1]} : vector<516x516xf32> to vector<512x512xf32>
    %mul3A_134 = arith.constant 7.18767503E-28 : f32
    %mul3A_135 = vector.broadcast %mul3A_134 : f32 to vector<512x512xf32>
    %mul3A_136 = arith.mulf %mul3A_135, %slice3A_133 : vector<512x512xf32>
    %add3A_137 = arith.addf %add3A_132, %mul3A_136 : vector<512x512xf32>
    %slice3A_138 = vector.extract_strided_slice %concatenate3A_56 {offsets = [3, 1], sizes = [512, 512], strides = [1, 1]} : vector<516x516xf32> to vector<512x512xf32>
    %mul3A_139 = arith.constant 1.38877373E-11 : f32
    %mul3A_140 = vector.broadcast %mul3A_139 : f32 to vector<512x512xf32>
    %mul3A_141 = arith.mulf %mul3A_140, %slice3A_138 : vector<512x512xf32>
    %add3A_142 = arith.addf %add3A_137, %mul3A_141 : vector<512x512xf32>
    %slice3A_143 = vector.extract_strided_slice %concatenate3A_56 {offsets = [3, 2], sizes = [512, 512], strides = [1, 1]} : vector<516x516xf32> to vector<512x512xf32>
    %mul3A_144 = arith.constant 3.72659792E-6 : f32
    %mul3A_145 = vector.broadcast %mul3A_144 : f32 to vector<512x512xf32>
    %mul3A_146 = arith.mulf %mul3A_145, %slice3A_143 : vector<512x512xf32>
    %add3A_147 = arith.addf %add3A_142, %mul3A_146 : vector<512x512xf32>
    %slice3A_148 = vector.extract_strided_slice %concatenate3A_56 {offsets = [3, 3], sizes = [512, 512], strides = [1, 1]} : vector<516x516xf32> to vector<512x512xf32>
    %mul3A_149 = arith.constant 1.38877373E-11 : f32
    %mul3A_150 = vector.broadcast %mul3A_149 : f32 to vector<512x512xf32>
    %mul3A_151 = arith.mulf %mul3A_150, %slice3A_148 : vector<512x512xf32>
    %add3A_152 = arith.addf %add3A_147, %mul3A_151 : vector<512x512xf32>
    %slice3A_153 = vector.extract_strided_slice %concatenate3A_56 {offsets = [3, 4], sizes = [512, 512], strides = [1, 1]} : vector<516x516xf32> to vector<512x512xf32>
    %mul3A_154 = arith.constant 7.18767503E-28 : f32
    %mul3A_155 = vector.broadcast %mul3A_154 : f32 to vector<512x512xf32>
    %mul3A_156 = arith.mulf %mul3A_155, %slice3A_153 : vector<512x512xf32>
    %add3A_157 = arith.addf %add3A_152, %mul3A_156 : vector<512x512xf32>
    %slice3A_158 = vector.extract_strided_slice %concatenate3A_56 {offsets = [4, 0], sizes = [512, 512], strides = [1, 1]} : vector<516x516xf32> to vector<512x512xf32>
    %mul3A_159 = arith.constant 3.783510e-44 : f32
    %mul3A_160 = vector.broadcast %mul3A_159 : f32 to vector<512x512xf32>
    %mul3A_161 = arith.mulf %mul3A_160, %slice3A_158 : vector<512x512xf32>
    %add3A_162 = arith.addf %add3A_157, %mul3A_161 : vector<512x512xf32>
    %slice3A_163 = vector.extract_strided_slice %concatenate3A_56 {offsets = [4, 1], sizes = [512, 512], strides = [1, 1]} : vector<516x516xf32> to vector<512x512xf32>
    %mul3A_164 = arith.constant 7.18767503E-28 : f32
    %mul3A_165 = vector.broadcast %mul3A_164 : f32 to vector<512x512xf32>
    %mul3A_166 = arith.mulf %mul3A_165, %slice3A_163 : vector<512x512xf32>
    %add3A_167 = arith.addf %add3A_162, %mul3A_166 : vector<512x512xf32>
    %slice3A_168 = vector.extract_strided_slice %concatenate3A_56 {offsets = [4, 2], sizes = [512, 512], strides = [1, 1]} : vector<516x516xf32> to vector<512x512xf32>
    %mul3A_169 = arith.constant 1.92872137E-22 : f32
    %mul3A_170 = vector.broadcast %mul3A_169 : f32 to vector<512x512xf32>
    %mul3A_171 = arith.mulf %mul3A_170, %slice3A_168 : vector<512x512xf32>
    %add3A_172 = arith.addf %add3A_167, %mul3A_171 : vector<512x512xf32>
    %slice3A_173 = vector.extract_strided_slice %concatenate3A_56 {offsets = [4, 3], sizes = [512, 512], strides = [1, 1]} : vector<516x516xf32> to vector<512x512xf32>
    %mul3A_174 = arith.constant 7.18767503E-28 : f32
    %mul3A_175 = vector.broadcast %mul3A_174 : f32 to vector<512x512xf32>
    %mul3A_176 = arith.mulf %mul3A_175, %slice3A_173 : vector<512x512xf32>
    %add3A_177 = arith.addf %add3A_172, %mul3A_176 : vector<512x512xf32>
    %slice3A_178 = vector.extract_strided_slice %concatenate3A_56 {offsets = [4, 4], sizes = [512, 512], strides = [1, 1]} : vector<516x516xf32> to vector<512x512xf32>
    %mul3A_179 = arith.constant 3.783510e-44 : f32
    %mul3A_180 = vector.broadcast %mul3A_179 : f32 to vector<512x512xf32>
    %mul3A_181 = arith.mulf %mul3A_180, %slice3A_178 : vector<512x512xf32>
    %add3A_182 = arith.addf %add3A_177, %mul3A_181 : vector<512x512xf32>
    %mul3A_183 = arith.constant 2.550000e+02 : f32
    %mul3A_184 = vector.broadcast %mul3A_183 : f32 to vector<512x512xf32>
    %mul3A_185 = arith.mulf %add3A_182, %mul3A_184 : vector<512x512xf32>
    %slice3A_186 = vector.extract_strided_slice %mul3A_185 {offsets = [1, 0], sizes = [1, 512], strides = [1, 1]} : vector<512x512xf32> to vector<1x512xf32>
    %slice3A_187 = vector.extract_strided_slice %mul3A_185 {offsets = [0, 0], sizes = [1, 512], strides = [1, 1]} : vector<512x512xf32> to vector<1x512xf32>
    %sub3A = arith.subf %slice3A_186, %slice3A_187 : vector<1x512xf32>
    %slice3A_188 = vector.extract_strided_slice %mul3A_185 {offsets = [2, 0], sizes = [510, 512], strides = [1, 1]} : vector<512x512xf32> to vector<510x512xf32>
    %slice3A_189 = vector.extract_strided_slice %mul3A_185 {offsets = [0, 0], sizes = [510, 512], strides = [1, 1]} : vector<512x512xf32> to vector<510x512xf32>
    %sub3A_190 = arith.subf %slice3A_188, %slice3A_189 : vector<510x512xf32>
    %div3A = arith.constant 2.000000e+00 : f32
    %div3A_191 = vector.broadcast %div3A : f32 to vector<510x512xf32>
    %div3A_192 = arith.divf %sub3A_190, %div3A_191 : vector<510x512xf32>
    %slice3A_193 = vector.extract_strided_slice %mul3A_185 {offsets = [511, 0], sizes = [1, 512], strides = [1, 1]} : vector<512x512xf32> to vector<1x512xf32>
    %slice3A_194 = vector.extract_strided_slice %mul3A_185 {offsets = [510, 0], sizes = [1, 512], strides = [1, 1]} : vector<512x512xf32> to vector<1x512xf32>
    %sub3A_195 = arith.subf %slice3A_193, %slice3A_194 : vector<1x512xf32>
    %concatenate3A_196 = tpu.concatenate %sub3A, %div3A_192, %sub3A_195 in 0 : vector<1x512xf32>, vector<510x512xf32>, vector<1x512xf32> -> vector<512x512xf32>
    %slice3A_197 = vector.extract_strided_slice %mul3A_185 {offsets = [0, 1], sizes = [512, 1], strides = [1, 1]} : vector<512x512xf32> to vector<512x1xf32>
    %slice3A_198 = vector.extract_strided_slice %mul3A_185 {offsets = [0, 0], sizes = [512, 1], strides = [1, 1]} : vector<512x512xf32> to vector<512x1xf32>
    %sub3A_199 = arith.subf %slice3A_197, %slice3A_198 : vector<512x1xf32>
    %slice3A_200 = vector.extract_strided_slice %mul3A_185 {offsets = [0, 2], sizes = [512, 510], strides = [1, 1]} : vector<512x512xf32> to vector<512x510xf32>
    %slice3A_201 = vector.extract_strided_slice %mul3A_185 {offsets = [0, 0], sizes = [512, 510], strides = [1, 1]} : vector<512x512xf32> to vector<512x510xf32>
    %sub3A_202 = arith.subf %slice3A_200, %slice3A_201 : vector<512x510xf32>
    %div3A_203 = arith.constant 2.000000e+00 : f32
    %div3A_204 = vector.broadcast %div3A_203 : f32 to vector<512x510xf32>
    %div3A_205 = arith.divf %sub3A_202, %div3A_204 : vector<512x510xf32>
    %slice3A_206 = vector.extract_strided_slice %mul3A_185 {offsets = [0, 511], sizes = [512, 1], strides = [1, 1]} : vector<512x512xf32> to vector<512x1xf32>
    %slice3A_207 = vector.extract_strided_slice %mul3A_185 {offsets = [0, 510], sizes = [512, 1], strides = [1, 1]} : vector<512x512xf32> to vector<512x1xf32>
    %sub3A_208 = arith.subf %slice3A_206, %slice3A_207 : vector<512x1xf32>
    %concatenate3A_209 = tpu.concatenate %sub3A_199, %div3A_205, %sub3A_208 in 1 : vector<512x1xf32>, vector<512x510xf32>, vector<512x1xf32> -> vector<512x512xf32>
    %swap3A_210 = arith.constant 0 : index
    %swap3A_211 = arith.constant 0 : index
    %swap3A_212 = vector.load %arg5[%swap3A_210, %swap3A_211] : memref<512x512xf32, #tpu.memory_space<vmem>>, vector<512x512xf32>
    tpu.vector_store %arg5[%swap3A_210, %swap3A_211], %concatenate3A_196 {strides = array<i32>} : memref<512x512xf32, #tpu.memory_space<vmem>>, vector<512x512xf32>,
    %swap3A_213 = arith.constant 0 : index
    %swap3A_214 = arith.constant 0 : index
    %swap3A_215 = vector.load %arg4[%swap3A_213, %swap3A_214] : memref<512x512xf32, #tpu.memory_space<vmem>>, vector<512x512xf32>
    tpu.vector_store %arg4[%swap3A_213, %swap3A_214], %concatenate3A_209 {strides = array<i32>} : memref<512x512xf32, #tpu.memory_space<vmem>>, vector<512x512xf32>,
    return
  }
}

</mosaic_0001>

<sc_bundles>
// kernel: kernel.4.cloned.1.call-start
scs
__scs_entry_jumppad:
0x0: {  	(pc) =	sbr.rel $0x88, $3  }
0x1: {  	(tag) =	ssettag $0x0;
	lr =	simm.s32 $0x1  }
0x2: {  	[smem:$0x3F9D] =	sst lr;
	_ =	strace $0xD0000000  }
0x3: {  	_ = 	snop  }
0x4: {  	_ = 	snop  }
0x5: {  	_ = 	snop  }
0x6: {  	_ = 	snop  }
0x7: {  	_ = 	snop  }
__scs_overlays_trampoline_lowered:
0x8: {  	[smem:$0x3FAC] =	sst s0  }
0x9: {  	[smem:$0x3FAD] =	sst s1  }
0xa: {  	[smem:$0x3FAE] =	sst s2  }
0xb: {  	[smem:$0x3FAF] =	sst s3  }
0xc: {  	[smem:$0x3FB0] =	sst s4  }
0xd: {  	[smem:$0x3FB1] =	sst s5  }
0xe: {  	[smem:$0x3FB2] =	sst s6  }
0xf: {  	[smem:$0x3FB3] =	sst s7  }
0x10: {  	[smem:$0x3FB4] =	sst s8  }
0x11: {  	[smem:$0x3FB5] =	sst s9;
	s0 =	simm.s32 @!p0 $0x0  }
0x12: {  	s1 =	sld [smem:$0x3F9B];
	s0 =	simm.s32 @p0 $0x1  }
0x13: {  	[smem:$0x3FB6] =	sst s0;
	s0 =	simm.s32 @!p1 $0x0  }
0x14: {  	s2 =	sld [smem:$0x3F9A];
	s0 =	simm.s32 @p1 $0x1  }
0x15: {  	[smem:$0x3FB7] =	sst s0;
	s0 =	simm.s32 @!p2 $0x0  }
0x16: {  	s3 =	sld [smem:$0x3FDB];
	s0 =	simm.s32 @p2 $0x1  }
0x17: {  	s4 =	simm.s32 $0x1BF5;
	[smem:$0x3FB9] =	sst s0  }
0x18: {  	s0 =	sld [smem:$0x3F9C];
	_ =	swait.ge [sflag:s4], $0x0  }
0x19: {  	s7 =	sld [smem:$0x3F9D]  }
0x1a: {  	s8 =	sadd.s32 $0xFFFFE003, lr  }
0x1b: {  	s9 =	sadd.s32 $0xFFFFFEF7, lr;
	s5 =	simm.s32 $0xFFFFFFFF;
	p2 =	slt.u32 s8, $0xFFFFF086  }
0x1c: {  	p1 =	slt.u32 s9, $0xF7A;
	s5 =	simm.s32 @!p2 $0x0  }
0x1d: {  	s5 =	simm.s32 @p1 $0x1;
	p0 =	seq.s32 s7, s2  }
0x1e: {  	s7 =	smul.u32 @!p0 $0xF7A, s2;
	p2 =	seq.s32 @!p0 s5, $0x0  }
0x1f: {  	s9 =	smul.u32 $0xF7A, s1;
	s8 =	simm.s32 @!p0 $0x1BF5;
	p2 =	por !p2, p0  }
0x20: {  	[sflag:s8] =	ssyncset.s32 @!p0 $0xFFFFF086;
	s6 =	sadd.s32 @!p0 s3, s7;
	s7 =	simm.s32 @!p0 $0x108  }
0x21: {  	s3 =	sadd.s32 s3, s9;
	s6 =	sadd.s32 @!p0 $0x88, s6;
	s7 =	simm.s32 @p2 $0x1082  }
0x22: {  	[simem:s7], [sflag:s8] =	dma.local @!p0 [hbm:s6], $0xF7A  }
0x23: {  	s9 =	sor.u32 $0xD0000000, s2;
	s6 =	simm.s32 $0x108;
	_ =	swait.ge @!p0 [sflag:s8], $0x0  }
0x24: {  	s3 =	sadd.s32 $0x88, s3;
	s6 =	simm.s32 @!p1 $0x1082;
	[sflag:s4] =	ssyncset.s32 $0xFFFFF086  }
0x25: {  	[simem:s6], [sflag:s4] =	dma.local [hbm:s3], $0xF7A  }
0x26: {  	[smem:$0x3F9D] =	sst s1;
	(tag) =	ssettag s2;
	_ =	strace s9  }
0x27: {  	s1 =	sld [smem:$0x3FAD]  }
0x28: {  	s2 =	sld [smem:$0x3FAE]  }
0x29: {  	s4 =	sld [smem:$0x3FB0]  }
0x2a: {  	p0 =	seq.s32 s5, $0x0;
	s5 =	sld [smem:$0x3FB1]  }
0x2b: {  	s6 =	sld [smem:$0x3FB2]  }
0x2c: {  	s7 =	sld [smem:$0x3FB3]  }
0x2d: {  	s3 =	simm.s32 $0x108;
	s8 =	sld [smem:$0x3FB4]  }
0x2e: {  	s3 =	simm.s32 @!p0 $0x1082;
	s9 =	sld [smem:$0x3FB5]  }
0x2f: {  	lr =	sadd.s32 s0, s3;
	s0 =	sld [smem:$0x3FAC]  }
0x30: {  	s3 =	sld [smem:$0x3FAF]  }
0x31: {  	[smem:$0x3FB8] =	sst s10  }
0x32: {  	s10 =	sld [smem:$0x3FB6];
	_ =	sdelay $0x3  }
0x33: {  	p0 =	seq.s32 s10, $0x1;
	s10 =	sld [smem:$0x3FB8];
	_ =	sdelay $0x3  }
0x34: {  	[smem:$0x3FB8] =	sst s10  }
0x35: {  	s10 =	sld [smem:$0x3FB7];
	_ =	sdelay $0x3  }
0x36: {  	p1 =	seq.s32 s10, $0x1;
	s10 =	sld [smem:$0x3FB8];
	_ =	sdelay $0x3  }
0x37: {  	[smem:$0x3FB8] =	sst s10  }
0x38: {  	s10 =	sld [smem:$0x3FB9]  }
0x39: {  	_ = 	snop;
	(pc) =	sbr.ind lr, $3  }
0x3a: {  	_ = 	snop  }
0x3b: {  	_ = 	snop  }
0x3c: {  	p2 =	seq.s32 s10, $0x1;
	s10 =	sld [smem:$0x3FB8]  }
0x3d: {  	_ =	shalt  }
0x3e: {  	_ =	shalt  }
0x3f: {  	_ =	shalt  }
0x40: {  	_ =	shalt  }
0x41: {  	_ =	shalt  }
0x42: {  	_ =	shalt  }
0x43: {  	_ =	shalt  }
0x44: {  	_ =	shalt  }
0x45: {  	_ =	shalt  }
0x46: {  	_ =	shalt  }
0x47: {  	_ =	shalt  }
0x48: {  	_ =	shalt  }
0x49: {  	_ =	shalt  }
0x4a: {  	_ =	shalt  }
0x4b: {  	_ =	shalt  }
0x4c: {  	_ =	shalt  }
0x4d: {  	_ =	shalt  }
0x4e: {  	_ =	shalt  }
0x4f: {  	_ =	shalt  }
0x50: {  	_ =	shalt  }
0x51: {  	_ =	shalt  }
0x52: {  	_ =	shalt  }
0x53: {  	_ =	shalt  }
0x54: {  	_ =	shalt  }
0x55: {  	_ =	shalt  }
0x56: {  	_ =	shalt  }
0x57: {  	_ =	shalt  }
0x58: {  	_ =	shalt  }
0x59: {  	_ =	shalt  }
0x5a: {  	_ =	shalt  }
0x5b: {  	_ =	shalt  }
0x5c: {  	_ =	shalt  }
0x5d: {  	_ =	shalt  }
0x5e: {  	_ =	shalt  }
0x5f: {  	_ =	shalt  }
0x60: {  	_ =	shalt  }
0x61: {  	_ =	shalt  }
0x62: {  	_ =	shalt  }
0x63: {  	_ =	shalt  }
0x64: {  	_ =	shalt  }
0x65: {  	_ =	shalt  }
0x66: {  	_ =	shalt  }
0x67: {  	_ =	shalt  }
0x68: {  	_ =	shalt  }
0x69: {  	_ =	shalt  }
0x6a: {  	_ =	shalt  }
0x6b: {  	_ =	shalt  }
0x6c: {  	_ =	shalt  }
0x6d: {  	_ =	shalt  }
0x6e: {  	_ =	shalt  }
0x6f: {  	_ =	shalt  }
0x70: {  	_ =	shalt  }
0x71: {  	_ =	shalt  }
0x72: {  	_ =	shalt  }
0x73: {  	_ =	shalt  }
0x74: {  	_ =	shalt  }
0x75: {  	_ =	shalt  }
0x76: {  	_ =	shalt  }
0x77: {  	_ =	shalt  }
0x78: {  	_ =	shalt  }
0x79: {  	_ =	shalt  }
0x7a: {  	_ =	shalt  }
0x7b: {  	_ =	shalt  }
0x7c: {  	_ =	shalt  }
0x7d: {  	_ =	shalt  }
0x7e: {  	_ =	shalt  }
0x7f: {  	_ =	shalt  }
0x80: {  	_ =	shalt  }
0x81: {  	_ =	shalt  }
0x82: {  	_ =	shalt  }
0x83: {  	_ =	shalt  }
0x84: {  	_ =	shalt  }
0x85: {  	_ =	shalt  }
0x86: {  	_ =	shalt  }
0x87: {  	_ =	shalt  }
.Lfunc_end0:
.L_simem_size_0:
called_computation_lowered:
.L_overlay_start_0:
0x88: {  	s2 =	sld [smem:$0x3FD9]  }
0x89: {  	s3 =	sld [smem:$0x3FFE];
	_ =	sdelay $0x1  }
0x8a: {  	s1 =	srdreg.scid  }
0x8b: {  	s0 =	sand.u32 $0x1, s1  }
0x8c: {  	s14 =	sshll.u32 s0, $0xA;
	s2 =	sadd.s32 s3, s2  }
0x8d: {  	s2 =	sadd.s32 s2, s14  }
0x8e: {  	[smem:$0x3FC4] =	sst s2  }
0x8f: {  	_ = 	snop  }
0x90: {  	s2 =	sld [smem:$0x3FD0];
	_ =	sdelay $0x1  }
0x91: {  	s15 =	sld [smem:$0x3FC9]  }
0x92: {  	s5 =	simm.s32 $0xA;
	s6 =	simm.s32 $0x10;
	s4 =	sld [smem:$0x3FC8]  }
0x93: {  	[smem:s6], [sflag:s5] =	dma.local [hbm:s2], $0x1  }
0x94: {  	_ =	swait.eq [sflag:s5], $0x1  }
0x95: {  	[sflag:s5] =	ssyncset.done $0x0  }
0x96: {  	s16 =	sld [smem:$0x10];
	[sflag:s5] =	ssyncadd.s32 $0xFFFFFFFF  }
0x97: {  	s17 =	sld [smem:$0x11];
	(tm) =	ssettm $0x1  }
0x98: {  	s18 =	sld [smem:$0x3FFB];
	_ =	sdelay $0x3  }
0x99: {  	_ =	strace s18  }
0x9a: {  	s6 =	sld [smem:$0x3FFC];
	_ =	sdelay $0x3  }
0x9b: {  	_ =	strace s6  }
0x9c: {  	s6 =	sld [smem:$0x3FFD];
	_ =	sdelay $0x3  }
0x9d: {  	_ =	strace s6  }
0x9e: {  	_ =	strace $0x8FFFFFFF  }
0x9f: {  	s19 =	sld [smem:$0x3FDB];
	_ =	sdelay $0x1  }
0xa0: {  	s7 =	simm.s32 $_scs_section_size  }
0xa1: {  	s8 =	simm.s32 $_size__tile_overlayer_lowered;
	s9 =	simm.s32 $_tile_overlayer_lowered  }
0xa2: {  	s22 =	simm.s32 $0x1BFF;
	s21 =	sshll.u32 s9, $0x1;
	s6 =	sadd.s32 s7, s19  }
0xa3: {  	s10 =	simm.s32 $0x0;
	s20 =	sshll.u32 s8, $0x1;
	s8 =	sadd.s32 s21, s6  }
0xa4: {  	[timem:s10], [sflag:s22] =	dma.local [hbm:s8], s20  }
0xa5: {  	_ =	swait.ge [sflag:s22], s20  }
0xa6: {  	s7 =	ssub.s32 $0x0, s20;
	[sflag:s22] =	ssyncset.done $0x0  }
0xa7: {  	[sflag:s22] =	ssyncadd.s32 s7;
	_ =	sdelay $0x1  }
0xa8: {  	s23 =	simm.s32 $0x1B8B  }
0xa9: {  	_ =	swait.ge [sflag:s23], $0x1  }
0xaa: {  	[sflag:s23] =	ssyncset.done $0x0  }
0xab: {  	s25 =	simm.s32 $0x1B8E;
	s24 =	sld [smem:$0x3FFE];
	[sflag:s23] =	ssyncadd.s32 $0xFFFFFFFF  }
0xac: {  	s26 =	simm.s32 $execute0_lowered;
	[smem:$0x3FD2] =	sst s25  }
0xad: {  	s8 =	sshll.u32 s26, $0x1;
	_ =	strace $0x80000046;
	[dreg:$0x1] =	wrdreg $0xFFFFFFFF  }
0xae: {  	s28 =	simm.s32 $_size_execute0_lowered;
	s6 =	sadd.s32 s6, s8;
	[dreg:$0x0] =	wrdreg $0x0  }
0xaf: {  	s8 =	sshll.u32 s28, $0x1;
	[dreg:$0x2] =	wrdreg s6  }
0xb0: {  	[dreg:$0x3] =	wrdreg s8  }
0xb1: {  	[dreg:$0x4] =	wrdreg $0xC0  }
0xb2: {  	_ =	task [dreg:s10], $0x5FFFF  }
0xb3: {  	[dreg:$0x1] =	wrdreg $0xFFFFFFFF  }
0xb4: {  	[dreg:$0x0] =	wrdreg $0x60  }
0xb5: {  	[dreg:$0x2] =	wrdreg s15  }
0xb6: {  	[dreg:$0x3] =	wrdreg s4  }
0xb7: {  	[dreg:$0x4] =	wrdreg s24  }
0xb8: {  	[dreg:$0x5] =	wrdreg s16  }
0xb9: {  	[dreg:$0x6] =	wrdreg s17  }
0xba: {  	[dreg:$0x7] =	wrdreg $0x9  }
0xbb: {  	_ =	task.clear_ibuf [dreg:s10], $0x8FFFF;
	_ =	strace $0x90000046  }
0xbc: {  	s29 =	simm.s32 $0x9;
	_ =	strace $0x80000048  }
0xbd: {  	_ =	swait.ge [sflag:s29], $0x1  }
0xbe: {  	[sflag:s29] =	ssyncadd.s32 $0xFFFFFFFF  }
0xbf: {  	_ =	strace $0x90000048  }
0xc0: {  	_ =	sfence  }
0xc1: {  	s30 =	sld [smem:$0x0];
	_ =	sdelay $0x2  }
0xc2: {  	s31 =	sshll.u32 s1, $0xD;
	s1 =	sshrl.u32 s1, $0x2  }
0xc3: {  	s3 =	sand.u32 $0x4000, s31;
	s1 =	sadd.s32 s1, s30  }
0xc4: {  	s0 =	sor.u32 s3, s0;
	s1 =	sshll.u32 s1, $0x11  }
0xc5: {  	s0 =	sor.u32 s1, s0  }
0xc6: {  	s0 =	sadd.s32 $0x8F2B, s0  }
0xc7: {  	[sflag:s0] =	ssyncadd.remote.s32 $0x1  }
0xc8: {  	_ =	sfence.sel $0xFFFF  }
0xc9: {  	[dreg:$0x0] =	wrdreg $0xFFFFFFFF;
	(pc) =	sbr.abs _section_cstart, $3  }
0xca: {  	[dreg:$0x1] =	wrdreg $0xFFFFFFFF  }
0xcb: {  	_ =	task.clear_ibuf [dreg:s10], $0x2FFFF;
	_ =	strace $0x9FFFFFFF  }
0xcc: {  	(tm) =	ssettm $0x7FFFFFFF  }
0xcd: {  	_ =	shalt  }
tec
execute0_lowered:
.L_overlay_start_1:
0x0: {  	(tag) =	ssettag $0x1  }
0x1: {  	s11 =	rddreg [dreg:$0x0]  }
0x2: {  	s12 =	rddreg [dreg:$0x1]  }
0x3: {  	s0 =	rddreg [dreg:$0x2]  }
0x4: {  	s1 =	rddreg [dreg:$0x3]  }
0x5: {  	s2 =	rddreg [dreg:$0x4]  }
0x6: {  	s3 =	simm.s32 $0x0;
	s4 =	srdreg.scid;
	s8 =	stileid.u32  }
0x7: {  	s14 =	simm.s32 $0x3;
	s16 =	simm.s32 $0x1;
	s17 =	simm.s32 $0x100  }
0x8: {  	s18 =	simm.s32 $0x3B00;
	s19 =	simm.s32 $0x2;
	s22 =	simm.s32 $0x0  }
0x9: {  	s15 =	simm.s32 $0x0;
	[smem:$0x7FF] =	sst s3;
	s5 =	sadd.s32 $0xC00, s0  }
0xa: {  	s6 =	sadd.s32 $0x8C00, s0;
	s7 =	sadd.s32 $0x10C00, s0;
	s4 =	sand.u32 $0x1, s4  }
0xb: {  	s10 =	sshll.u32 s8, $0x4;
	s9 =	ssub.s32 $0x2, s4;
	s4 =	sshll.u32 s4, $0x8  }
0xc: {  	s8 =	sadd.s32 $0x18C00, s0;
	s29 =	sshrl.u32 s9, $0x1;
	s4 =	sor.u32 s10, s4  }
0xd: {  	_ =	strace $0x80000047;
	s0 =	ssub.s32 s9, s29;
	s30 =	sadd.s32 s11, s4  }
0xe: {  	s31 =	sadd.s32 s12, s4;
	s11 =	sadd.s32 s1, s4;
	[dreg:$0x6] =	wrdreg s30  }
0xf: {  	v0 =	vlaneseq.u32;
	v1 =	vimm.s32 $0x0;
	s12 =	sadd.s32 s2, s4;
	[dreg:$0x7] =	wrdreg s31;
	s13 =	smax.u32 s0, $0x1  }
.LBB2_1:
0x10: {  	s0 =	rddreg [dreg:$0x0]  }
0x11: {  	[tilespmem:s3], [sflag:$0x3] =	stream.linear.gather [hbm4b:s0+s3], $0x10, $0x38;
	[tilespmem:$0x8500] =	vst v63  }
0x12: {  	_ =	swait.ge [sflag:s14], $0x10  }
0x13: {  	[sflag:s14] =	ssyncset.done $0x0  }
0x14: {  	[sflag:s14] =	ssyncadd.s32 $0xFFFFFFF0  }
0x15: {  	s1 =	simm.s32 $0x80;
	s10 =	rddreg [dreg:$0x1]  }
0x16: {  	[tilespmem:s1], [sflag:$0x3] =	stream.linear.gather [hbm4b:s10+s3], $0x10, $0x38;
	[tilespmem:$0x8500] =	vst v63  }
0x17: {  	_ =	swait.ge [sflag:s14], $0x10  }
0x18: {  	[sflag:s14] =	ssyncset.done $0x0  }
0x19: {  	[sflag:s14] =	ssyncadd.s32 $0xFFFFFFF0  }
0x1a: {  	v6 =	vld [tilespmem:$0x80];
	_ =	sdelay $0x4  }
0x1b: {  	(v2sf) =	vpush v6, $0x0;
	_ =	sdelay $0x5  }
0x1c: {  	(v2sf) =	vpush v6, $0x1;
	_ =	sdelay $0x1  }
0x1d: {  	v8 =	vor.u32 s3, v0  }
0x1e: {  	v3 =	vmul.u32 $0x147B, v8;
	_ =	sdelay $0x1  }
0x1f: {  	v3 =	vshrl.u32 v3, $0x11;
	v2 =	vld [tilespmem:$0x0]  }
0x20: {  	v4 =	vmul.u32 $0xFFFFFFE7, v3;
	_ =	sdelay $0x1  }
0x21: {  	v5 =	vadd.s32 v8, v4  }
0x22: {  	v7 =	vcvt.s32.f32 v5;
	v4 =	vbroadcast v6, $0x0;
	s23 =	spop (v2sf)  }
0x23: {  	v3 =	vcvt.s32.f32 v3;
	v5 =	vbroadcast v2, $0x0;
	s20 =	smax.f32 s23, $-1.000000000e+06  }
0x24: {  	v7 =	vadd.f32 v7, v4;
	s0 =	smin.f32 s20, $1.000000000e+06  }
0x25: {  	v3 =	vadd.f32 v3, v5;
	s21 =	scvt.f32.s32 s0  }
0x26: {  	v7 =	vadd.f32 $-1.200000000e+01, v7  }
0x27: {  	v3 =	vadd.f32 $-1.200000000e+01, v3;
	s2 =	scvt.s32.f32 s21  }
0x28: {  	v9 =	vmax.f32 v7, $-1.000000000e+06;
	s24 =	spop (v2sf)  }
0x29: {  	s25 =	simm.s32 $0x10;
	vm7 =	vlt.u32 v8, $0x271;
	v3 =	vmax.f32 v3, $-1.000000000e+06;
	v10 =	vmin.f32 v9, $1.000000000e+06;
	s26 =	smax.f32 s24, $-1.000000000e+06;
	p0 =	slt.f32 s0, s2  }
0x2a: {  	v7 =	vor.u32 s25, v0;
	v11 =	vmin.f32 v3, $1.000000000e+06;
	v3 =	vtrunc.f32 v10;
	s28 =	smin.f32 s26, $1.000000000e+06;
	s0 =	simm.s32 $0x1  }
0x2b: {  	v9 =	vmul.u32 $0x147B, v7;
	v12 =	vtrunc.f32 v11;
	vm0 =	vlt.f32 v10, v3;
	s2 =	scvt.f32.s32 s28;
	s0 =	simm.s32 @!p0 $0x0  }
0x2c: {  	v13 =	vcvt.f32.s32 v3;
	v14 =	vcvt.f32.s32 v12;
	vm1 =	vlt.f32 v11, v12;
	s0 =	ssub.s32 s21, s0  }
0x2d: {  	v9 =	vshrl.u32 v9, $0x11;
	v12 =	vsel vm0, $0xFFFFFFFF, v1;
	v15 =	vsel vm1, $0xFFFFFFFF, v1;
	s4 =	scvt.s32.f32 s2;
	s0 =	sadd.s32 $0xFFFFFFF2, s0  }
0x2e: {  	v16 =	vmul.u32 $0xFFFFFFE7, v9;
	v12 =	vadd.s32 v13, v12;
	v13 =	vadd.s32 v14, v15;
	p0 =	sgt.s32 s0, $0x0  }
0x2f: {  	v15 =	vcvt.s32.f32 v9;
	v14 =	vcvt.s32.f32 v12;
	vm12 =	vgt.s32 v13, $0x0;
	s0 =	simm.s32 @!p0 $0x0;
	p0 =	slt.f32 s28, s4  }
0x30: {  	s1 =	simm.s32 $0x1;
	v9 =	vcvt.s32.f32 v13;
	vm2 =	vgt.s32 v12, $0x0;
	v16 =	vadd.s32 v7, v16  }
0x31: {  	v18 =	vnsel vm2, $0x0, v12;
	v15 =	vadd.f32 v15, v5;
	vm13 =	vgt.f32 v10, v14;
	s0 =	smin.u32 s0, $0x1E3;
	s1 =	simm.s32 @!p0 $0x0  }
0x32: {  	v14 =	vnsel vm12, $0x0, v13;
	vm14 =	vgt.f32 v11, v9;
	v17 =	vsel vm13, $0x1, v1;
	s25 =	sshll.u32 s0, $0x6;
	s1 =	ssub.s32 s2, s1  }
0x33: {  	v12 =	vadd.s32 v17, v12;
	v17 =	vmin.u32 v18, $0x1FF;
	v3 =	vmov s0;
	s29 =	sadd.s32 s5, s25;
	s1 =	sadd.s32 $0xFFFFFFF2, s1  }
0x34: {  	v14 =	vmin.u32 v14, $0x1FF;
	vm15 =	vgt.s32 v12, $0x0;
	v9 =	vsub.s32 v17, v3;
	[tilespmem:s17], [sflag:$0x1] =	stream.linear.gather [hbm4b:s29+s3], $0x3A00, $0x38;
	[tilespmem:$0x8500] =	vst v63  }
0x35: {  	v18 =	vsel vm14, $0x1, v1;
	v12 =	vnsel vm15, $0x0, v12;
	vm4 =	vgt.s32 v9, $0x0;
	p0 =	sgt.s32 s1, $0x0  }
0x36: {  	v13 =	vadd.s32 v18, v13;
	v12 =	vmin.u32 v12, $0x1FF;
	v9 =	vnsel vm4, $0x0, v9;
	s1 =	simm.s32 @!p0 $0x0  }
0x37: {  	vm5 =	vgt.s32 v13, $0x0;
	v12 =	vsub.s32 v12, v3;
	v9 =	vmin.u32 v9, $0x1C;
	s0 =	smin.u32 s1, $0x1E3  }
0x38: {  	v13 =	vnsel vm5, $0x0, v13;
	vm6 =	vgt.s32 v12, $0x0;
	v18 =	vshll.u32 v9, $0x9;
	s26 =	sshll.u32 s0, $0x6  }
0x39: {  	v13 =	vmin.u32 v13, $0x1FF;
	v12 =	vnsel vm6, $0x0, v12;
	v19 =	vor.u32 v14, v18;
	s31 =	sadd.s32 s5, s26  }
0x3a: {  	v16 =	vcvt.s32.f32 v16;
	v12 =	vmin.u32 v12, $0x1C;
	v18 =	vor.u32 v13, v18;
	[tilespmem:s18], [sflag:$0x2] =	stream.linear.gather [hbm4b:s31+s3], $0x3A00, $0x38;
	[tilespmem:$0x8500] =	vst v63  }
0x3b: {  	s30 =	simm.s32 $0x20;
	v8 =	vadd.f32 $-1.200000000e+01, v15;
	v15 =	vcvt.s32.f32 v17;
	v12 =	vshll.u32 v12, $0x9;
	_ =	swait.ge [sflag:s16], $0x3A00  }
0x3c: {  	v9 =	vor.u32 s30, v0;
	v20 =	vor.u32 v14, v12;
	v14 =	vcvt.s32.f32 v14;
	[sflag:s16] =	ssyncset.done $0x0  }
0x3d: {  	v16 =	vadd.f32 v16, v4;
	v17 =	vmul.u32 $0x147B, v9;
	v12 =	vor.u32 v13, v12;
	[sflag:s16] =	ssyncadd.s32 $0xFFFFC600  }
0x3e: {  	v8 =	vmax.f32 v8, $-1.000000000e+06;
	v11 =	vsub.f32 v11, v14;
	v14 =	vsub.f32 v10, v15;
	v13 =	vld.idx.msk [tilespmem:v19+s17+$0x0], $0xffff  }
0x3f: {  	v8 =	vmin.f32 v8, $1.000000000e+06;
	v17 =	vshrl.u32 v17, $0x11;
	v10 =	vadd.f32 $-1.200000000e+01, v16;
	v15 =	vld.idx.msk [tilespmem:v18+s17+$0x0], $0xffff  }
0x40: {  	v16 =	vtrunc.f32 v8;
	v18 =	vsub.f32 $1.000000000e+00, v11;
	v19 =	vsub.f32 $1.000000000e+00, v14  }
0x41: {  	v21 =	vcvt.f32.s32 v16;
	vm8 =	vlt.f32 v8, v16;
	v10 =	vmax.f32 v10, $-1.000000000e+06;
	v20 =	vld.idx.msk [tilespmem:v20+s17+$0x0], $0xffff  }
0x42: {  	v10 =	vmin.f32 v10, $1.000000000e+06;
	v12 =	vld.idx.msk [tilespmem:v12+s17+$0x0], $0xffff;
	v16 =	vmul.f32 v19, v18;
	v19 =	vmul.f32 v19, v11  }
0x43: {  	v22 =	vsel vm8, $0xFFFFFFFF, v1;
	v23 =	vtrunc.f32 v10;
	v18 =	vmul.f32 v14, v18  }
0x44: {  	vm9 =	vlt.f32 v10, v23;
	v13 =	vmul.f32 v13, v16;
	v15 =	vmul.f32 v15, v19  }
0x45: {  	v63 =	vsel vm9, $0xFFFFFFFF, v1;
	v14 =	vmul.f32 v14, v11;
	v19 =	vcvt.f32.s32 v23  }
0x46: {  	v11 =	vcvt.s32.f32 v17;
	v13 =	vadd.f32 v15, v13;
	v15 =	vmul.f32 v20, v18  }
0x47: {  	v16 =	vadd.s32 v21, v22;
	v12 =	vmul.f32 v12, v14;
	v18 =	vadd.s32 v19, v63  }
0x48: {  	vm10 =	vgt.s32 v16, $0x0;
	v19 =	vcvt.s32.f32 v18;
	v15 =	vadd.f32 v15, v13  }
0x49: {  	v14 =	vnsel vm10, $0x0, v16;
	vm12 =	vgt.s32 v18, $0x0;
	v13 =	vmul.u32 $0xFFFFFFE7, v17  }
0x4a: {  	v17 =	vcvt.s32.f32 v16;
	vm11 =	vgt.f32 v10, v19;
	v15 =	vadd.f32 v12, v15  }
0x4b: {  	v19 =	vsel vm11, $0x1, v1;
	v12 =	vmin.u32 v14, $0x1FF;
	v14 =	vnsel vm12, $0x0, v18  }
0x4c: {  	vm13 =	vgt.f32 v8, v17;
	v18 =	vadd.s32 v19, v18;
	v14 =	vmin.u32 v14, $0x1FF  }
0x4d: {  	v19 =	vsel vm13, $0x1, v1;
	vm14 =	vgt.s32 v18, $0x0;
	v17 =	vsub.s32 v14, v3  }
0x4e: {  	s1 =	simm.s32 $0x7500;
	v15 =	vnsel vm7, $0x0, v15;
	v18 =	vnsel vm14, $0x0, v18;
	vm15 =	vgt.s32 v17, $0x0  }
0x4f: {  	s2 =	simm.s32 $0x30;
	[tilespmem:s1+$0x0] =	vst v15;
	v15 =	vadd.s32 v19, v16;
	v16 =	vmin.u32 v18, $0x1FF;
	v17 =	vnsel vm15, $0x0, v17  }
.LBB2_2:
0x50: {  	p0 =	sne.s32 s2, $0x270;
	vm0 =	vgt.s32 v15, $0x0;
	v17 =	vmin.u32 v17, $0x1C;
	v16 =	vsub.s32 v16, v3  }
0x51: {  	v15 =	vnsel vm0, $0x0, v15;
	v17 =	vshll.u32 v17, $0x9;
	vm0 =	vgt.s32 v16, $0x0  }
0x52: {  	v15 =	vmin.u32 v15, $0x1FF;
	v16 =	vnsel vm0, $0x0, v16;
	v18 =	vor.u32 v12, v17  }
0x53: {  	v19 =	vor.u32 s2, v0;
	v16 =	vmin.u32 v16, $0x1C;
	v17 =	vor.u32 v15, v17  }
0x54: {  	v13 =	vadd.s32 v9, v13;
	v11 =	vadd.f32 v11, v5;
	v16 =	vshll.u32 v16, $0x9  }
0x55: {  	v13 =	vcvt.s32.f32 v13;
	vm0 =	vlt.u32 v7, $0x271;
	v7 =	vmovc v9;
	v9 =	vmovc v19;
	v20 =	vor.u32 v12, v16  }
0x56: {  	v14 =	vcvt.s32.f32 v14;
	v11 =	vadd.f32 $-1.200000000e+01, v11;
	v12 =	vcvt.s32.f32 v12  }
0x57: {  	v19 =	vmul.u32 $0x147B, v9;
	v13 =	vadd.f32 v13, v4;
	v15 =	vor.u32 v15, v16;
	v18 =	vld.idx.msk [tilespmem:v18+s17+$0x0], $0xffff  }
0x58: {  	v14 =	vsub.f32 v10, v14;
	v11 =	vmax.f32 v11, $-1.000000000e+06;
	v12 =	vsub.f32 v8, v12;
	v16 =	vld.idx.msk [tilespmem:v17+s17+$0x0], $0xffff  }
0x59: {  	v10 =	vadd.f32 $-1.200000000e+01, v13;
	v8 =	vmin.f32 v11, $1.000000000e+06;
	v17 =	vshrl.u32 v19, $0x11  }
0x5a: {  	v11 =	vtrunc.f32 v8;
	v19 =	vsub.f32 $1.000000000e+00, v14;
	v13 =	vsub.f32 $1.000000000e+00, v12;
	v20 =	vld.idx.msk [tilespmem:v20+s17+$0x0], $0xffff  }
0x5b: {  	v10 =	vmax.f32 v10, $-1.000000000e+06;
	v21 =	vcvt.f32.s32 v11;
	vm1 =	vlt.f32 v8, v11  }
0x5c: {  	v10 =	vmin.f32 v10, $1.000000000e+06;
	v11 =	vmul.f32 v19, v13;
	v19 =	vmul.f32 v19, v12;
	v15 =	vld.idx.msk [tilespmem:v15+s17+$0x0], $0xffff  }
0x5d: {  	v23 =	vtrunc.f32 v10;
	v22 =	vsel vm1, $0xFFFFFFFF, v1;
	v13 =	vmul.f32 v14, v13  }
0x5e: {  	vm1 =	vlt.f32 v10, v23;
	v11 =	vmul.f32 v18, v11;
	v16 =	vmul.f32 v16, v19  }
0x5f: {  	v18 =	vadd.s32 v21, v22;
	v19 =	vcvt.f32.s32 v23;
	v21 =	vsel vm1, $0xFFFFFFFF, v1  }
0x60: {  	v12 =	vmul.f32 v14, v12;
	v16 =	vadd.f32 v16, v11;
	v13 =	vmul.f32 v20, v13  }
0x61: {  	vm1 =	vgt.s32 v18, $0x0;
	v11 =	vcvt.s32.f32 v17;
	v14 =	vadd.s32 v19, v21  }
0x62: {  	v19 =	vcvt.s32.f32 v14;
	v16 =	vadd.f32 v13, v16;
	v12 =	vmul.f32 v15, v12  }
0x63: {  	v13 =	vmul.u32 $0xFFFFFFE7, v17;
	v15 =	vcvt.s32.f32 v18;
	v17 =	vnsel vm1, $0x0, v18  }
0x64: {  	vm2 =	vgt.s32 v14, $0x0;
	vm1 =	vgt.f32 v10, v19;
	v16 =	vadd.f32 v12, v16  }
.Ltmp0:
0x65: {  	v19 =	vsel vm1, $0x1, v1;
	v12 =	vmin.u32 v17, $0x1FF;
	v17 =	vnsel vm2, $0x0, v14;
	(pc) =	sbr.rel @p0 .LBB2_2-.Ltmp0, $4  }
0x66: {  	s1 =	sadd.s32 $0x10, s1;
	v19 =	vadd.s32 v19, v14;
	v14 =	vmin.u32 v17, $0x1FF;
	v16 =	vnsel vm0, $0x0, v16  }
0x67: {  	vm0 =	vgt.f32 v8, v15;
	vm1 =	vgt.s32 v19, $0x0;
	v17 =	vsub.s32 v14, v3;
	[tilespmem:s1+$0x0] =	vst v16  }
0x68: {  	v15 =	vsel vm0, $0x1, v1;
	vm0 =	vgt.s32 v17, $0x0;
	v16 =	vnsel vm1, $0x0, v19  }
0x69: {  	s2 =	sadd.s32 $0x10, s2;
	v15 =	vadd.s32 v15, v18;
	v17 =	vnsel vm0, $0x0, v17;
	v16 =	vmin.u32 v16, $0x1FF  }
0x6a: {  	vm0 =	vgt.s32 v15, $0x0  }
0x6b: {  	v16 =	vsub.s32 v16, v3;
	v17 =	vmin.u32 v17, $0x1C;
	v13 =	vadd.s32 v9, v13  }
0x6c: {  	v15 =	vnsel vm0, $0x0, v15;
	vm9 =	vgt.s32 v16, $0x0;
	v17 =	vshll.u32 v17, $0x9  }
0x6d: {  	v15 =	vmin.u32 v15, $0x1FF;
	v16 =	vnsel vm9, $0x0, v16;
	v18 =	vor.u32 v12, v17  }
0x6e: {  	v11 =	vadd.f32 v11, v5;
	v16 =	vmin.u32 v16, $0x1C;
	v17 =	vor.u32 v15, v17  }
0x6f: {  	v19 =	vcvt.s32.f32 v12;
	v13 =	vcvt.s32.f32 v13;
	v16 =	vshll.u32 v16, $0x9  }
0x70: {  	v14 =	vcvt.s32.f32 v14;
	v11 =	vadd.f32 $-1.200000000e+01, v11;
	v12 =	vor.u32 v12, v16  }
0x71: {  	v8 =	vsub.f32 v8, v19;
	v13 =	vadd.f32 v13, v4  }
0x72: {  	v10 =	vsub.f32 v10, v14;
	v11 =	vmax.f32 v11, $-1.000000000e+06;
	v15 =	vor.u32 v15, v16;
	v14 =	vld.idx.msk [tilespmem:v18+s17+$0x0], $0xffff  }
0x73: {  	v13 =	vadd.f32 $-1.200000000e+01, v13;
	v11 =	vmin.f32 v11, $1.000000000e+06;
	v16 =	vld.idx.msk [tilespmem:v17+s17+$0x0], $0xffff  }
0x74: {  	v19 =	vtrunc.f32 v11;
	v18 =	vsub.f32 $1.000000000e+00, v10;
	v17 =	vsub.f32 $1.000000000e+00, v8  }
0x75: {  	v13 =	vmax.f32 v13, $-1.000000000e+06;
	v20 =	vcvt.f32.s32 v19;
	vm10 =	vlt.f32 v11, v19;
	v12 =	vld.idx.msk [tilespmem:v12+s17+$0x0], $0xffff  }
0x76: {  	v13 =	vmin.f32 v13, $1.000000000e+06;
	v21 =	vmul.f32 v18, v17;
	v18 =	vmul.f32 v18, v8  }
0x77: {  	v19 =	vsel vm10, $0xFFFFFFFF, v1;
	v62 =	vtrunc.f32 v13;
	v15 =	vld.idx.msk [tilespmem:v15+s17+$0x0], $0xffff;
	v17 =	vmul.f32 v10, v17  }
0x78: {  	vm11 =	vlt.f32 v13, v62;
	v14 =	vmul.f32 v14, v21;
	v16 =	vmul.f32 v16, v18  }
0x79: {  	v8 =	vmul.f32 v10, v8;
	v18 =	vadd.s32 v20, v19;
	v19 =	vcvt.f32.s32 v62  }
0x7a: {  	v20 =	vsel vm11, $0xFFFFFFFF, v1;
	v14 =	vadd.f32 v16, v14;
	v12 =	vmul.f32 v12, v17  }
0x7b: {  	vm12 =	vgt.s32 v18, $0x0;
	v10 =	vadd.s32 v19, v20  }
0x7c: {  	v8 =	vmul.f32 v15, v8;
	v16 =	vcvt.s32.f32 v10;
	v12 =	vadd.f32 v12, v14  }
0x7d: {  	v15 =	vnsel vm12, $0x0, v18;
	vm13 =	vgt.s32 v10, $0x0;
	v14 =	vcvt.s32.f32 v18  }
0x7e: {  	vm1 =	vgt.f32 v13, v16;
	v8 =	vadd.f32 v8, v12;
	v12 =	vnsel vm13, $0x0, v10  }
0x7f: {  	v15 =	vmin.u32 v15, $0x1FF;
	v16 =	vsel vm1, $0x1, v1;
	v12 =	vmin.u32 v12, $0x1FF  }
0x80: {  	vm14 =	vgt.f32 v11, v14;
	v10 =	vadd.s32 v16, v10;
	v14 =	vsub.s32 v12, v3  }
0x81: {  	v16 =	vsel vm14, $0x1, v1;
	vm15 =	vgt.s32 v10, $0x0;
	vm4 =	vgt.s32 v14, $0x0  }
0x82: {  	v16 =	vadd.s32 v16, v18;
	v10 =	vnsel vm15, $0x0, v10;
	v14 =	vnsel vm4, $0x0, v14  }
0x83: {  	vm5 =	vgt.s32 v16, $0x0;
	v10 =	vmin.u32 v10, $0x1FF;
	v14 =	vmin.u32 v14, $0x1C  }
0x84: {  	v16 =	vnsel vm5, $0x0, v16;
	v10 =	vsub.s32 v10, v3;
	v14 =	vshll.u32 v14, $0x9  }
0x85: {  	v16 =	vmin.u32 v16, $0x1FF;
	vm6 =	vgt.s32 v10, $0x0;
	v17 =	vor.u32 v15, v14  }
0x86: {  	vm7 =	vlt.u32 v7, $0x271;
	v7 =	vnsel vm6, $0x0, v10;
	v14 =	vor.u32 v16, v14  }
0x87: {  	v8 =	vnsel vm7, $0x0, v8;
	v7 =	vmin.u32 v7, $0x1C  }
0x88: {  	s2 =	sadd.s32 $0x10, s1;
	v12 =	vcvt.s32.f32 v12;
	v10 =	vcvt.s32.f32 v15;
	v7 =	vshll.u32 v7, $0x9  }
0x89: {  	s1 =	simm.s32 $0x0;
	[tilespmem:s2+$0x0] =	vst v8;
	v8 =	vor.u32 v15, v7  }
0x8a: {  	v12 =	vsub.f32 v13, v12;
	v11 =	vsub.f32 v11, v10;
	v10 =	vor.u32 s1, v0;
	v15 =	vld.idx.msk [tilespmem:v17+s17+$0x0], $0xffff  }
0x8b: {  	v7 =	vor.u32 v16, v7;
	v13 =	vld.idx.msk [tilespmem:v14+s17+$0x0], $0xffff;
	v14 =	vmul.u32 $0x147B, v10  }
0x8c: {  	v16 =	vsub.f32 $1.000000000e+00, v11;
	v17 =	vsub.f32 $1.000000000e+00, v12  }
0x8d: {  	v14 =	vshrl.u32 v14, $0x11  }
0x8e: {  	v18 =	vld.idx.msk [tilespmem:v8+s17+$0x0], $0xffff;
	v8 =	vmul.f32 v17, v16;
	v17 =	vmul.f32 v17, v11;
	v19 =	vmul.u32 $0xFFFFFFE7, v14  }
0x8f: {  	v16 =	vmul.f32 v12, v16  }
0x90: {  	v20 =	vld.idx.msk [tilespmem:v7+s17+$0x0], $0xffff;
	v8 =	vmul.f32 v15, v8;
	v13 =	vmul.f32 v13, v17;
	v15 =	vadd.s32 v10, v19  }
0x91: {  	v7 =	vbroadcast v6, $0x1;
	v6 =	vcvt.s32.f32 v15  }
0x92: {  	v14 =	vcvt.s32.f32 v14;
	v13 =	vadd.f32 v13, v8;
	v8 =	vbroadcast v2, $0x1  }
0x93: {  	v11 =	vmul.f32 v12, v11;
	v15 =	vmul.f32 v18, v16;
	v6 =	vadd.f32 v6, v7  }
0x94: {  	v12 =	vadd.f32 v14, v8  }
0x95: {  	v11 =	vmul.f32 v20, v11;
	v13 =	vadd.f32 v15, v13;
	v14 =	vadd.f32 $-1.200000000e+01, v6  }
0x96: {  	vm8 =	vlt.u32 v9, $0x271;
	v12 =	vadd.f32 $-1.200000000e+01, v12  }
0x97: {  	v6 =	vmov s0;
	s0 =	simm.s32 $0x10;
	v13 =	vadd.f32 v11, v13;
	v11 =	vmax.f32 v14, $-1.000000000e+06  }
0x98: {  	v9 =	vor.u32 s0, v0;
	v14 =	vmax.f32 v12, $-1.000000000e+06;
	v12 =	vmin.f32 v11, $1.000000000e+06  }
0x99: {  	v15 =	vmul.u32 $0x147B, v9;
	v11 =	vmin.f32 v14, $1.000000000e+06;
	v14 =	vtrunc.f32 v12  }
0x9a: {  	v16 =	vtrunc.f32 v11;
	vm9 =	vlt.f32 v12, v14;
	v14 =	vcvt.f32.s32 v14  }
0x9b: {  	v17 =	vcvt.f32.s32 v16;
	vm2 =	vlt.f32 v11, v16;
	v16 =	vsel vm9, $0xFFFFFFFF, v1  }
0x9c: {  	v18 =	vnsel vm8, $0x0, v13;
	v13 =	vsel vm2, $0xFFFFFFFF, v1;
	v16 =	vadd.s32 v14, v16  }
0x9d: {  	v14 =	vshrl.u32 v15, $0x11;
	v17 =	vadd.s32 v17, v13;
	v15 =	vcvt.s32.f32 v16  }
0x9e: {  	v13 =	vcvt.s32.f32 v14;
	v14 =	vmul.u32 $0xFFFFFFE7, v14;
	vm12 =	vgt.s32 v16, $0x0  }
0x9f: {  	vm10 =	vgt.s32 v17, $0x0;
	v19 =	vcvt.s32.f32 v17;
	vm11 =	vgt.f32 v12, v15  }
0xa0: {  	s2 =	sadd.s32 $0x10, s2;
	v63 =	vnsel vm12, $0x0, v16;
	v15 =	vnsel vm10, $0x0, v17;
	v20 =	vsel vm11, $0x1, v1  }
0xa1: {  	[tilespmem:s2+$0x0] =	vst v18;
	v15 =	vmin.u32 v15, $0x1FF;
	v18 =	vadd.s32 v20, v16;
	v16 =	vmin.u32 v63, $0x1FF  }
0xa2: {  	_ =	swait.ge [sflag:s19], $0x3A00;
	vm13 =	vgt.f32 v11, v19;
	vm14 =	vgt.s32 v18, $0x0;
	v19 =	vsub.s32 v16, v6  }
0xa3: {  	[sflag:s19] =	ssyncset.done $0x0;
	v20 =	vsel vm13, $0x1, v1;
	v18 =	vnsel vm14, $0x0, v18;
	vm15 =	vgt.s32 v19, $0x0  }
0xa4: {  	s2 =	simm.s32 $0x20;
	[sflag:s19] =	ssyncadd.s32 $0xFFFFC600;
	v17 =	vadd.s32 v20, v17;
	v18 =	vmin.u32 v18, $0x1FF;
	v19 =	vnsel vm15, $0x0, v19  }
.LBB2_4:
0xa5: {  	p0 =	sne.s32 s2, $0x270;
	vm0 =	vgt.s32 v17, $0x0;
	v19 =	vmin.u32 v19, $0x1C;
	v18 =	vsub.s32 v18, v6  }
0xa6: {  	v17 =	vnsel vm0, $0x0, v17;
	v19 =	vshll.u32 v19, $0x9;
	vm0 =	vgt.s32 v18, $0x0  }
0xa7: {  	v17 =	vmin.u32 v17, $0x1FF;
	v18 =	vnsel vm0, $0x0, v18;
	v20 =	vor.u32 v15, v19  }
0xa8: {  	v21 =	vor.u32 s2, v0;
	v18 =	vmin.u32 v18, $0x1C;
	v19 =	vor.u32 v17, v19  }
0xa9: {  	v14 =	vadd.s32 v9, v14;
	v13 =	vadd.f32 v13, v8;
	v18 =	vshll.u32 v18, $0x9  }
0xaa: {  	v14 =	vcvt.s32.f32 v14;
	vm0 =	vlt.u32 v10, $0x271;
	v10 =	vmovc v9;
	v9 =	vmovc v21;
	v22 =	vor.u32 v15, v18  }
0xab: {  	v16 =	vcvt.s32.f32 v16;
	v13 =	vadd.f32 $-1.200000000e+01, v13;
	v15 =	vcvt.s32.f32 v15  }
0xac: {  	v21 =	vmul.u32 $0x147B, v9;
	v14 =	vadd.f32 v14, v7;
	v17 =	vor.u32 v17, v18;
	v20 =	vld.idx.msk [tilespmem:v20+s18+$0x0], $0xffff  }
0xad: {  	v16 =	vsub.f32 v12, v16;
	v13 =	vmax.f32 v13, $-1.000000000e+06;
	v15 =	vsub.f32 v11, v15;
	v18 =	vld.idx.msk [tilespmem:v19+s18+$0x0], $0xffff  }
0xae: {  	v12 =	vadd.f32 $-1.200000000e+01, v14;
	v11 =	vmin.f32 v13, $1.000000000e+06;
	v19 =	vshrl.u32 v21, $0x11  }
0xaf: {  	v13 =	vtrunc.f32 v11;
	v21 =	vsub.f32 $1.000000000e+00, v16;
	v14 =	vsub.f32 $1.000000000e+00, v15;
	v22 =	vld.idx.msk [tilespmem:v22+s18+$0x0], $0xffff  }
0xb0: {  	v12 =	vmax.f32 v12, $-1.000000000e+06;
	v23 =	vcvt.f32.s32 v13;
	vm1 =	vlt.f32 v11, v13  }
0xb1: {  	v12 =	vmin.f32 v12, $1.000000000e+06;
	v13 =	vmul.f32 v21, v14;
	v21 =	vmul.f32 v21, v15;
	v17 =	vld.idx.msk [tilespmem:v17+s18+$0x0], $0xffff  }
0xb2: {  	v25 =	vtrunc.f32 v12;
	v24 =	vsel vm1, $0xFFFFFFFF, v1;
	v14 =	vmul.f32 v16, v14  }
0xb3: {  	vm1 =	vlt.f32 v12, v25;
	v13 =	vmul.f32 v20, v13;
	v18 =	vmul.f32 v18, v21  }
0xb4: {  	v20 =	vadd.s32 v23, v24;
	v21 =	vcvt.f32.s32 v25;
	v23 =	vsel vm1, $0xFFFFFFFF, v1  }
0xb5: {  	v15 =	vmul.f32 v16, v15;
	v18 =	vadd.f32 v18, v13;
	v14 =	vmul.f32 v22, v14  }
0xb6: {  	vm1 =	vgt.s32 v20, $0x0;
	v13 =	vcvt.s32.f32 v19;
	v16 =	vadd.s32 v21, v23  }
0xb7: {  	v21 =	vcvt.s32.f32 v16;
	v18 =	vadd.f32 v14, v18;
	v15 =	vmul.f32 v17, v15  }
0xb8: {  	v14 =	vmul.u32 $0xFFFFFFE7, v19;
	v17 =	vcvt.s32.f32 v20;
	v19 =	vnsel vm1, $0x0, v20  }
0xb9: {  	vm2 =	vgt.s32 v16, $0x0;
	vm1 =	vgt.f32 v12, v21;
	v18 =	vadd.f32 v15, v18  }
.Ltmp1:
0xba: {  	v21 =	vsel vm1, $0x1, v1;
	v15 =	vmin.u32 v19, $0x1FF;
	v19 =	vnsel vm2, $0x0, v16;
	(pc) =	sbr.rel @p0 .LBB2_4-.Ltmp1, $4  }
0xbb: {  	s4 =	sand.u32 $0x3F0, s1;
	s1 =	smov.u32 s0;
	s0 =	smov.u32 s2;
	v21 =	vadd.s32 v21, v16;
	v16 =	vmin.u32 v19, $0x1FF;
	v18 =	vnsel vm0, $0x0, v18  }
0xbc: {  	vm0 =	vgt.f32 v11, v17;
	vm1 =	vgt.s32 v21, $0x0;
	v19 =	vsub.s32 v16, v6;
	[tilespmem:s4+$0x7780] =	vst v18  }
0xbd: {  	v17 =	vsel vm0, $0x1, v1;
	vm0 =	vgt.s32 v19, $0x0;
	v18 =	vnsel vm1, $0x0, v21  }
0xbe: {  	s2 =	sadd.s32 $0x10, s2;
	v17 =	vadd.s32 v17, v20;
	v19 =	vnsel vm0, $0x0, v19;
	v18 =	vmin.u32 v18, $0x1FF  }
0xbf: {  	vm0 =	vgt.s32 v17, $0x0  }
0xc0: {  	v18 =	vsub.s32 v18, v6;
	v19 =	vmin.u32 v19, $0x1C;
	v14 =	vadd.s32 v9, v14  }
0xc1: {  	v13 =	vadd.f32 v13, v8;
	v16 =	vcvt.s32.f32 v16;
	vm10 =	vgt.s32 v18, $0x0  }
0xc2: {  	v17 =	vnsel vm0, $0x0, v17;
	v19 =	vshll.u32 v19, $0x9;
	v18 =	vnsel vm10, $0x0, v18  }
0xc3: {  	v17 =	vmin.u32 v17, $0x1FF;
	v20 =	vor.u32 v15, v19;
	v18 =	vmin.u32 v18, $0x1C  }
0xc4: {  	v14 =	vcvt.s32.f32 v14;
	v19 =	vor.u32 v17, v19;
	v18 =	vshll.u32 v18, $0x9  }
0xc5: {  	v13 =	vadd.f32 $-1.200000000e+01, v13;
	v21 =	vor.u32 v15, v18;
	v15 =	vcvt.s32.f32 v15  }
0xc6: {  	v14 =	vadd.f32 v14, v7  }
0xc7: {  	v12 =	vsub.f32 v12, v16;
	v13 =	vmax.f32 v13, $-1.000000000e+06;
	v11 =	vsub.f32 v11, v15  }
0xc8: {  	v17 =	vor.u32 v17, v18;
	v14 =	vadd.f32 $-1.200000000e+01, v14;
	v13 =	vmin.f32 v13, $1.000000000e+06;
	v18 =	vld.idx.msk [tilespmem:v20+s18+$0x0], $0xffff  }
0xc9: {  	v16 =	vtrunc.f32 v13;
	v20 =	vsub.f32 $1.000000000e+00, v12;
	v15 =	vld.idx.msk [tilespmem:v19+s18+$0x0], $0xffff;
	v19 =	vsub.f32 $1.000000000e+00, v11  }
0xca: {  	v14 =	vmax.f32 v14, $-1.000000000e+06;
	v22 =	vcvt.f32.s32 v16  }
0xcb: {  	vm11 =	vlt.f32 v13, v16;
	v14 =	vmin.f32 v14, $1.000000000e+06;
	v21 =	vld.idx.msk [tilespmem:v21+s18+$0x0], $0xffff;
	v16 =	vmul.f32 v20, v19  }
0xcc: {  	v24 =	vtrunc.f32 v14;
	v20 =	vmul.f32 v20, v11  }
0xcd: {  	v23 =	vsel vm11, $0xFFFFFFFF, v1;
	v17 =	vld.idx.msk [tilespmem:v17+s18+$0x0], $0xffff;
	v19 =	vmul.f32 v12, v19;
	v16 =	vmul.f32 v18, v16  }
0xce: {  	vm12 =	vlt.f32 v14, v24;
	v15 =	vmul.f32 v15, v20;
	v20 =	vcvt.f32.s32 v24  }
0xcf: {  	v51 =	vsel vm12, $0xFFFFFFFF, v1;
	v11 =	vmul.f32 v12, v11;
	v18 =	vadd.s32 v22, v23  }
0xd0: {  	v15 =	vadd.f32 v15, v16;
	v16 =	vmul.f32 v21, v19;
	v12 =	vadd.s32 v20, v51  }
0xd1: {  	vm8 =	vlt.u32 v10, $0x271;
	vm13 =	vgt.s32 v18, $0x0;
	v19 =	vcvt.s32.f32 v12  }
0xd2: {  	v11 =	vmul.f32 v17, v11;
	v17 =	vnsel vm13, $0x0, v18;
	v15 =	vadd.f32 v16, v15  }
0xd3: {  	vm14 =	vgt.s32 v12, $0x0;
	v16 =	vcvt.s32.f32 v18;
	vm1 =	vgt.f32 v14, v19  }
0xd4: {  	v11 =	vadd.f32 v11, v15;
	v15 =	vnsel vm14, $0x0, v12;
	v19 =	vsel vm1, $0x1, v1  }
0xd5: {  	vm15 =	vgt.f32 v13, v16;
	v15 =	vmin.u32 v15, $0x1FF;
	v12 =	vadd.s32 v19, v12  }
0xd6: {  	v19 =	vsel vm15, $0x1, v1;
	v16 =	vsub.s32 v15, v6;
	vm4 =	vgt.s32 v12, $0x0  }
0xd7: {  	v18 =	vadd.s32 v19, v18;
	vm5 =	vgt.s32 v16, $0x0;
	v12 =	vnsel vm4, $0x0, v12  }
0xd8: {  	vm6 =	vgt.s32 v18, $0x0;
	v16 =	vnsel vm5, $0x0, v16;
	v12 =	vmin.u32 v12, $0x1FF  }
0xd9: {  	v18 =	vnsel vm6, $0x0, v18;
	v16 =	vmin.u32 v16, $0x1C;
	v12 =	vsub.s32 v12, v6  }
0xda: {  	v18 =	vmin.u32 v18, $0x1FF;
	v16 =	vshll.u32 v16, $0x9;
	vm7 =	vgt.s32 v12, $0x0  }
0xdb: {  	v17 =	vmin.u32 v17, $0x1FF;
	v10 =	vnsel vm7, $0x0, v12;
	v12 =	vor.u32 v18, v16  }
0xdc: {  	v11 =	vnsel vm8, $0x0, v11;
	v19 =	vor.u32 v17, v16;
	v10 =	vmin.u32 v10, $0x1C  }
0xdd: {  	s1 =	sand.u32 $0x3F0, s1;
	v15 =	vcvt.s32.f32 v15;
	v16 =	vcvt.s32.f32 v17;
	v10 =	vshll.u32 v10, $0x9  }
0xde: {  	s28 =	simm.s32 $0x0;
	[tilespmem:s1+$0x7780] =	vst v11;
	v11 =	vor.u32 v17, v10  }
0xdf: {  	v14 =	vsub.f32 v14, v15;
	v15 =	vor.u32 s28, v0;
	v13 =	vsub.f32 v13, v16  }
0xe0: {  	v16 =	vmul.u32 $0x147B, v15;
	v10 =	vor.u32 v18, v10;
	v12 =	vld.idx.msk [tilespmem:v12+s18+$0x0], $0xffff  }
0xe1: {  	v18 =	vsub.f32 $1.000000000e+00, v13;
	v17 =	vld.idx.msk [tilespmem:v19+s18+$0x0], $0xffff;
	v19 =	vsub.f32 $1.000000000e+00, v14  }
0xe2: {  	v16 =	vshrl.u32 v16, $0x11  }
0xe3: {  	v52 =	vmul.u32 $0xFFFFFFE7, v16;
	v20 =	vmul.f32 v19, v18;
	v19 =	vmul.f32 v19, v13;
	v11 =	vld.idx.msk [tilespmem:v11+s18+$0x0], $0xffff;
	_ =	sdelay $0x1  }
0xe4: {  	v18 =	vmul.f32 v14, v18;
	v10 =	vld.idx.msk [tilespmem:v10+s18+$0x0], $0xffff;
	v12 =	vmul.f32 v12, v19;
	v19 =	vadd.s32 v15, v52  }
0xe5: {  	v17 =	vmul.f32 v17, v20;
	v19 =	vcvt.s32.f32 v19  }
0xe6: {  	v16 =	vcvt.s32.f32 v16;
	v13 =	vmul.f32 v14, v13  }
0xe7: {  	v12 =	vadd.f32 v12, v17;
	v11 =	vmul.f32 v11, v18;
	v14 =	vadd.f32 v19, v4  }
0xe8: {  	v16 =	vadd.f32 v16, v5  }
0xe9: {  	v10 =	vmul.f32 v10, v13;
	v11 =	vadd.f32 v11, v12;
	v12 =	vadd.f32 $-1.200000000e+01, v14  }
0xea: {  	v13 =	vadd.f32 $-1.200000000e+01, v16  }
0xeb: {  	vm9 =	vlt.u32 v9, $0x271;
	s2 =	simm.s32 $0x10;
	v10 =	vadd.f32 v10, v11;
	v11 =	vmax.f32 v12, $-1.000000000e+06  }
0xec: {  	v9 =	vor.u32 s2, v0;
	v12 =	vmax.f32 v13, $-1.000000000e+06;
	v11 =	vmin.f32 v11, $1.000000000e+06  }
0xed: {  	vm7 =	vlt.u32 v15, $0x271;
	v12 =	vmin.f32 v12, $1.000000000e+06;
	v14 =	vtrunc.f32 v11  }
0xee: {  	v13 =	vmul.u32 $0x147B, v9;
	v16 =	vtrunc.f32 v12;
	vm10 =	vlt.f32 v11, v14  }
0xef: {  	v14 =	vcvt.f32.s32 v14;
	v17 =	vcvt.f32.s32 v16;
	vm2 =	vlt.f32 v12, v16  }
0xf0: {  	v10 =	vnsel vm9, $0x0, v10;
	v16 =	vsel vm10, $0xFFFFFFFF, v1;
	v18 =	vsel vm2, $0xFFFFFFFF, v1  }
0xf1: {  	v13 =	vshrl.u32 v13, $0x11;
	v14 =	vadd.s32 v14, v16;
	v16 =	vadd.s32 v17, v18  }
0xf2: {  	v18 =	vcvt.s32.f32 v13;
	v13 =	vmul.u32 $0xFFFFFFE7, v13;
	v17 =	vcvt.s32.f32 v14  }
0xf3: {  	vm11 =	vgt.s32 v16, $0x0;
	v19 =	vcvt.s32.f32 v16;
	vm13 =	vgt.s32 v14, $0x0  }
0xf4: {  	v53 =	vnsel vm13, $0x0, v14;
	v13 =	vadd.s32 v9, v13;
	vm12 =	vgt.f32 v11, v17  }
0xf5: {  	v18 =	vadd.f32 v18, v5;
	v17 =	vnsel vm11, $0x0, v16;
	v20 =	vsel vm12, $0x1, v1  }
0xf6: {  	vm14 =	vgt.f32 v12, v19;
	v14 =	vadd.s32 v20, v14;
	v20 =	vmin.u32 v53, $0x1FF  }
0xf7: {  	v17 =	vmin.u32 v17, $0x1FF;
	vm15 =	vgt.s32 v14, $0x0;
	v19 =	vsub.s32 v20, v3  }
0xf8: {  	v54 =	vsel vm14, $0x1, v1;
	v14 =	vnsel vm15, $0x0, v14;
	vm4 =	vgt.s32 v19, $0x0  }
0xf9: {  	s0 =	sand.u32 $0x3F0, s0;
	v16 =	vadd.s32 v54, v16;
	v14 =	vmin.u32 v14, $0x1FF;
	v19 =	vnsel vm4, $0x0, v19  }
0xfa: {  	s29 =	sadd.s32 s7, s25;
	[tilespmem:s0+$0x7780] =	vst v10;
	vm5 =	vgt.s32 v16, $0x0;
	v19 =	vmin.u32 v19, $0x1C;
	v14 =	vsub.s32 v14, v3  }
0xfb: {  	[tilespmem:s17], [sflag:$0x1] =	stream.linear.gather [hbm4b:s29+s28], $0x3A00, $0x38;
	v10 =	vnsel vm5, $0x0, v16;
	v16 =	vshll.u32 v19, $0x9;
	vm6 =	vgt.s32 v14, $0x0;
	[tilespmem:$0x8500] =	vst v63  }
0xfc: {  	s31 =	sadd.s32 s7, s26;
	v19 =	vmin.u32 v10, $0x1FF;
	v14 =	vnsel vm6, $0x0, v14;
	v55 =	vor.u32 v17, v16  }
0xfd: {  	[tilespmem:s18], [sflag:$0x2] =	stream.linear.gather [hbm4b:s31+s28], $0x3A00, $0x38;
	v15 =	vadd.f32 $-1.200000000e+01, v18;
	v16 =	vor.u32 v19, v16;
	v14 =	vmin.u32 v14, $0x1C;
	[tilespmem:$0x8500] =	vst v63  }
0xfe: {  	_ =	swait.ge [sflag:s16], $0x3A00;
	v13 =	vcvt.s32.f32 v13;
	v18 =	vcvt.s32.f32 v20;
	v14 =	vshll.u32 v14, $0x9  }
0xff: {  	[sflag:s16] =	ssyncset.done $0x0;
	v15 =	vmax.f32 v15, $-1.000000000e+06;
	v56 =	vor.u32 v17, v14;
	v17 =	vcvt.s32.f32 v17  }
0x100: {  	s30 =	simm.s32 $0x20;
	[sflag:s16] =	ssyncadd.s32 $0xFFFFC600;
	v13 =	vadd.f32 v13, v4;
	v18 =	vsub.f32 v11, v18;
	v11 =	vmin.f32 v15, $1.000000000e+06  }
0x101: {  	v10 =	vor.u32 s30, v0;
	v14 =	vor.u32 v19, v14;
	v19 =	vld.idx.msk [tilespmem:v55+s17+$0x0], $0xffff;
	v17 =	vsub.f32 v12, v17  }
0x102: {  	v57 =	vsub.f32 $1.000000000e+00, v18;
	v16 =	vld.idx.msk [tilespmem:v16+s17+$0x0], $0xffff;
	v12 =	vadd.f32 $-1.200000000e+01, v13;
	v13 =	vtrunc.f32 v11  }
0x103: {  	v20 =	vmul.u32 $0x147B, v10;
	v58 =	vcvt.f32.s32 v13;
	v15 =	vsub.f32 $1.000000000e+00, v17  }
0x104: {  	vm8 =	vlt.f32 v11, v13;
	v12 =	vmax.f32 v12, $-1.000000000e+06;
	v21 =	vmul.f32 v57, v17;
	v22 =	vld.idx.msk [tilespmem:v56+s17+$0x0], $0xffff  }
0x105: {  	v17 =	vmul.f32 v18, v17;
	v12 =	vmin.f32 v12, $1.000000000e+06;
	v13 =	vmul.f32 v57, v15  }
0x106: {  	v20 =	vshrl.u32 v20, $0x11;
	v14 =	vld.idx.msk [tilespmem:v14+s17+$0x0], $0xffff;
	v25 =	vtrunc.f32 v12;
	v15 =	vmul.f32 v18, v15  }
0x107: {  	v59 =	vsel vm8, $0xFFFFFFFF, v1;
	v16 =	vmul.f32 v16, v21;
	v13 =	vmul.f32 v19, v13  }
0x108: {  	vm9 =	vlt.f32 v12, v25;
	v60 =	vcvt.f32.s32 v25;
	v19 =	vadd.s32 v58, v59  }
0x109: {  	v61 =	vsel vm9, $0xFFFFFFFF, v1;
	v16 =	vadd.f32 v16, v13;
	v15 =	vmul.f32 v22, v15  }
0x10a: {  	v18 =	vadd.s32 v60, v61;
	vm10 =	vgt.s32 v19, $0x0;
	v13 =	vcvt.s32.f32 v20  }
0x10b: {  	v21 =	vcvt.s32.f32 v18;
	v14 =	vmul.f32 v14, v17;
	v16 =	vadd.f32 v15, v16  }
0x10c: {  	v17 =	vcvt.s32.f32 v19;
	vm12 =	vgt.s32 v18, $0x0;
	v15 =	vmul.u32 $0xFFFFFFE7, v20  }
0x10d: {  	v20 =	vnsel vm10, $0x0, v19;
	vm11 =	vgt.f32 v12, v21;
	v62 =	vadd.f32 v14, v16  }
0x10e: {  	v16 =	vsel vm11, $0x1, v1;
	v14 =	vmin.u32 v20, $0x1FF;
	v20 =	vnsel vm12, $0x0, v18  }
0x10f: {  	vm13 =	vgt.f32 v11, v17;
	v18 =	vadd.s32 v16, v18;
	v16 =	vmin.u32 v20, $0x1FF  }
0x110: {  	v17 =	vsel vm13, $0x1, v1;
	vm14 =	vgt.s32 v18, $0x0;
	v63 =	vsub.s32 v16, v3  }
0x111: {  	s0 =	simm.s32 $0x7A00;
	v20 =	vnsel vm7, $0x0, v62;
	v18 =	vnsel vm14, $0x0, v18;
	vm15 =	vgt.s32 v63, $0x0  }
0x112: {  	s1 =	simm.s32 $0x30;
	v17 =	vadd.s32 v17, v19;
	[tilespmem:s0+$0x0] =	vst v20;
	v18 =	vmin.u32 v18, $0x1FF;
	v19 =	vnsel vm15, $0x0, v63  }
.LBB2_6:
0x113: {  	p0 =	sne.s32 s1, $0x270;
	vm0 =	vgt.s32 v17, $0x0;
	v19 =	vmin.u32 v19, $0x1C;
	v18 =	vsub.s32 v18, v3  }
0x114: {  	v17 =	vnsel vm0, $0x0, v17;
	v19 =	vshll.u32 v19, $0x9;
	vm0 =	vgt.s32 v18, $0x0  }
0x115: {  	v17 =	vmin.u32 v17, $0x1FF;
	v18 =	vnsel vm0, $0x0, v18;
	v20 =	vor.u32 v14, v19  }
0x116: {  	v21 =	vor.u32 s1, v0;
	v18 =	vmin.u32 v18, $0x1C;
	v19 =	vor.u32 v17, v19  }
0x117: {  	v15 =	vadd.s32 v10, v15;
	v13 =	vadd.f32 v13, v5;
	v18 =	vshll.u32 v18, $0x9  }
0x118: {  	v15 =	vcvt.s32.f32 v15;
	vm0 =	vlt.u32 v9, $0x271;
	v9 =	vmovc v10;
	v10 =	vmovc v21;
	v22 =	vor.u32 v14, v18  }
0x119: {  	v16 =	vcvt.s32.f32 v16;
	v13 =	vadd.f32 $-1.200000000e+01, v13;
	v14 =	vcvt.s32.f32 v14  }
0x11a: {  	v21 =	vmul.u32 $0x147B, v10;
	v15 =	vadd.f32 v15, v4;
	v17 =	vor.u32 v17, v18;
	v20 =	vld.idx.msk [tilespmem:v20+s17+$0x0], $0xffff  }
0x11b: {  	v16 =	vsub.f32 v12, v16;
	v13 =	vmax.f32 v13, $-1.000000000e+06;
	v14 =	vsub.f32 v11, v14;
	v18 =	vld.idx.msk [tilespmem:v19+s17+$0x0], $0xffff  }
0x11c: {  	v12 =	vadd.f32 $-1.200000000e+01, v15;
	v11 =	vmin.f32 v13, $1.000000000e+06;
	v19 =	vshrl.u32 v21, $0x11  }
0x11d: {  	v13 =	vtrunc.f32 v11;
	v21 =	vsub.f32 $1.000000000e+00, v16;
	v15 =	vsub.f32 $1.000000000e+00, v14;
	v22 =	vld.idx.msk [tilespmem:v22+s17+$0x0], $0xffff  }
0x11e: {  	v12 =	vmax.f32 v12, $-1.000000000e+06;
	v23 =	vcvt.f32.s32 v13;
	vm1 =	vlt.f32 v11, v13  }
0x11f: {  	v12 =	vmin.f32 v12, $1.000000000e+06;
	v13 =	vmul.f32 v21, v15;
	v21 =	vmul.f32 v21, v14;
	v17 =	vld.idx.msk [tilespmem:v17+s17+$0x0], $0xffff  }
0x120: {  	v25 =	vtrunc.f32 v12;
	v24 =	vsel vm1, $0xFFFFFFFF, v1;
	v15 =	vmul.f32 v16, v15  }
0x121: {  	vm1 =	vlt.f32 v12, v25;
	v13 =	vmul.f32 v20, v13;
	v18 =	vmul.f32 v18, v21  }
0x122: {  	v20 =	vadd.s32 v23, v24;
	v21 =	vcvt.f32.s32 v25;
	v23 =	vsel vm1, $0xFFFFFFFF, v1  }
0x123: {  	v14 =	vmul.f32 v16, v14;
	v18 =	vadd.f32 v18, v13;
	v15 =	vmul.f32 v22, v15  }
0x124: {  	vm1 =	vgt.s32 v20, $0x0;
	v13 =	vcvt.s32.f32 v19;
	v16 =	vadd.s32 v21, v23  }
0x125: {  	v21 =	vcvt.s32.f32 v16;
	v18 =	vadd.f32 v15, v18;
	v14 =	vmul.f32 v17, v14  }
0x126: {  	v15 =	vmul.u32 $0xFFFFFFE7, v19;
	v17 =	vcvt.s32.f32 v20;
	v19 =	vnsel vm1, $0x0, v20  }
0x127: {  	vm2 =	vgt.s32 v16, $0x0;
	vm1 =	vgt.f32 v12, v21;
	v18 =	vadd.f32 v14, v18  }
.Ltmp2:
0x128: {  	v21 =	vsel vm1, $0x1, v1;
	v14 =	vmin.u32 v19, $0x1FF;
	v19 =	vnsel vm2, $0x0, v16;
	(pc) =	sbr.rel @p0 .LBB2_6-.Ltmp2, $4  }
0x129: {  	s0 =	sadd.s32 $0x10, s0;
	v21 =	vadd.s32 v21, v16;
	v16 =	vmin.u32 v19, $0x1FF;
	v18 =	vnsel vm0, $0x0, v18  }
0x12a: {  	vm0 =	vgt.f32 v11, v17;
	vm1 =	vgt.s32 v21, $0x0;
	v19 =	vsub.s32 v16, v3;
	[tilespmem:s0+$0x0] =	vst v18  }
0x12b: {  	v17 =	vsel vm0, $0x1, v1;
	vm0 =	vgt.s32 v19, $0x0;
	v18 =	vnsel vm1, $0x0, v21  }
0x12c: {  	s1 =	sadd.s32 $0x10, s1;
	v17 =	vadd.s32 v17, v20;
	v19 =	vnsel vm0, $0x0, v19;
	v18 =	vmin.u32 v18, $0x1FF  }
0x12d: {  	vm0 =	vgt.s32 v17, $0x0;
	v18 =	vsub.s32 v18, v3;
	v19 =	vmin.u32 v19, $0x1C  }
0x12e: {  	v15 =	vadd.s32 v10, v15;
	v13 =	vadd.f32 v13, v5;
	v17 =	vnsel vm0, $0x0, v17  }
0x12f: {  	vm9 =	vgt.s32 v18, $0x0;
	v19 =	vshll.u32 v19, $0x9;
	v15 =	vcvt.s32.f32 v15  }
0x130: {  	v17 =	vmin.u32 v17, $0x1FF;
	v18 =	vnsel vm9, $0x0, v18;
	v20 =	vor.u32 v14, v19  }
0x131: {  	v21 =	vcvt.s32.f32 v14;
	v18 =	vmin.u32 v18, $0x1C;
	v19 =	vor.u32 v17, v19  }
0x132: {  	v13 =	vadd.f32 $-1.200000000e+01, v13;
	v15 =	vadd.f32 v15, v4;
	v18 =	vshll.u32 v18, $0x9  }
0x133: {  	v16 =	vcvt.s32.f32 v16;
	v14 =	vor.u32 v14, v18  }
0x134: {  	v11 =	vsub.f32 v11, v21;
	v13 =	vmax.f32 v13, $-1.000000000e+06;
	v15 =	vadd.f32 $-1.200000000e+01, v15  }
0x135: {  	v12 =	vsub.f32 v12, v16;
	v17 =	vor.u32 v17, v18;
	v13 =	vmin.f32 v13, $1.000000000e+06;
	v16 =	vld.idx.msk [tilespmem:v20+s17+$0x0], $0xffff  }
0x136: {  	v58 =	vtrunc.f32 v13;
	v15 =	vmax.f32 v15, $-1.000000000e+06;
	v18 =	vld.idx.msk [tilespmem:v19+s17+$0x0], $0xffff  }
0x137: {  	v20 =	vsub.f32 $1.000000000e+00, v12;
	v19 =	vsub.f32 $1.000000000e+00, v11;
	v15 =	vmin.f32 v15, $1.000000000e+06  }
0x138: {  	v22 =	vcvt.f32.s32 v58;
	v59 =	vtrunc.f32 v15;
	v14 =	vld.idx.msk [tilespmem:v14+s17+$0x0], $0xffff  }
0x139: {  	vm7 =	vlt.u32 v9, $0x271;
	v23 =	vmul.f32 v20, v19;
	v20 =	vmul.f32 v20, v11  }
0x13a: {  	vm10 =	vlt.f32 v13, v58;
	v17 =	vld.idx.msk [tilespmem:v17+s17+$0x0], $0xffff;
	v19 =	vmul.f32 v12, v19;
	v60 =	vcvt.f32.s32 v59  }
0x13b: {  	vm11 =	vlt.f32 v15, v59;
	v16 =	vmul.f32 v16, v23;
	v18 =	vmul.f32 v18, v20  }
0x13c: {  	v21 =	vsel vm10, $0xFFFFFFFF, v1;
	v11 =	vmul.f32 v12, v11;
	v61 =	vsel vm11, $0xFFFFFFFF, v1  }
0x13d: {  	v12 =	vadd.s32 v60, v61;
	v16 =	vadd.f32 v18, v16;
	v14 =	vmul.f32 v14, v19  }
0x13e: {  	v20 =	vadd.s32 v22, v21;
	vm13 =	vgt.s32 v12, $0x0;
	v18 =	vcvt.s32.f32 v12  }
0x13f: {  	vm12 =	vgt.s32 v20, $0x0;
	v11 =	vmul.f32 v17, v11;
	v14 =	vadd.f32 v14, v16  }
0x140: {  	v17 =	vnsel vm12, $0x0, v20;
	v16 =	vcvt.s32.f32 v20;
	vm1 =	vgt.f32 v15, v18  }
0x141: {  	v18 =	vsel vm1, $0x1, v1;
	v11 =	vadd.f32 v11, v14;
	v14 =	vnsel vm13, $0x0, v12  }
0x142: {  	v12 =	vadd.s32 v18, v12;
	vm14 =	vgt.f32 v13, v16;
	v14 =	vmin.u32 v14, $0x1FF  }
0x143: {  	vm15 =	vgt.s32 v12, $0x0;
	v18 =	vsel vm14, $0x1, v1;
	v16 =	vsub.s32 v14, v3  }
0x144: {  	v12 =	vnsel vm15, $0x0, v12;
	v18 =	vadd.s32 v18, v20;
	vm4 =	vgt.s32 v16, $0x0  }
0x145: {  	v12 =	vmin.u32 v12, $0x1FF;
	vm5 =	vgt.s32 v18, $0x0;
	v16 =	vnsel vm4, $0x0, v16  }
0x146: {  	v12 =	vsub.s32 v12, v3;
	v18 =	vnsel vm5, $0x0, v18;
	v16 =	vmin.u32 v16, $0x1C  }
0x147: {  	vm6 =	vgt.s32 v12, $0x0;
	v18 =	vmin.u32 v18, $0x1FF;
	v16 =	vshll.u32 v16, $0x9  }
0x148: {  	v17 =	vmin.u32 v17, $0x1FF;
	v9 =	vnsel vm6, $0x0, v12;
	v12 =	vor.u32 v18, v16  }
0x149: {  	v19 =	vor.u32 v17, v16;
	v9 =	vmin.u32 v9, $0x1C  }
0x14a: {  	v14 =	vcvt.s32.f32 v14;
	v16 =	vcvt.s32.f32 v17;
	v9 =	vshll.u32 v9, $0x9  }
0x14b: {  	s2 =	sadd.s32 $0x10, s0;
	s1 =	simm.s32 $0x0;
	v11 =	vnsel vm7, $0x0, v11;
	v17 =	vor.u32 v17, v9  }
0x14c: {  	[tilespmem:s2+$0x0] =	vst v11;
	v11 =	vor.u32 s1, v0;
	v14 =	vsub.f32 v15, v14;
	v13 =	vsub.f32 v13, v16  }
0x14d: {  	v15 =	vmul.u32 $0x147B, v11;
	v9 =	vor.u32 v18, v9;
	v12 =	vld.idx.msk [tilespmem:v12+s17+$0x0], $0xffff  }
0x14e: {  	v18 =	vsub.f32 $1.000000000e+00, v14;
	v16 =	vsub.f32 $1.000000000e+00, v13;
	v19 =	vld.idx.msk [tilespmem:v19+s17+$0x0], $0xffff  }
0x14f: {  	v15 =	vshrl.u32 v15, $0x11  }
0x150: {  	v62 =	vmul.u32 $0xFFFFFFE7, v15;
	v20 =	vmul.f32 v18, v16;
	v18 =	vmul.f32 v18, v13;
	v17 =	vld.idx.msk [tilespmem:v17+s17+$0x0], $0xffff;
	_ =	sdelay $0x1  }
0x151: {  	v16 =	vmul.f32 v14, v16;
	v9 =	vld.idx.msk [tilespmem:v9+s17+$0x0], $0xffff;
	v12 =	vmul.f32 v12, v18;
	v18 =	vadd.s32 v11, v62  }
0x152: {  	v19 =	vmul.f32 v19, v20;
	v18 =	vcvt.s32.f32 v18  }
0x153: {  	v15 =	vcvt.s32.f32 v15;
	v13 =	vmul.f32 v14, v13  }
0x154: {  	v12 =	vadd.f32 v12, v19;
	v16 =	vmul.f32 v17, v16;
	v14 =	vadd.f32 v18, v7  }
0x155: {  	v15 =	vadd.f32 v15, v8  }
0x156: {  	v9 =	vmul.f32 v9, v13;
	v12 =	vadd.f32 v16, v12;
	v13 =	vadd.f32 $-1.200000000e+01, v14  }
0x157: {  	v14 =	vadd.f32 $-1.200000000e+01, v15  }
0x158: {  	vm8 =	vlt.u32 v10, $0x271;
	s0 =	simm.s32 $0x10;
	v15 =	vadd.f32 v9, v12;
	v10 =	vmax.f32 v13, $-1.000000000e+06  }
0x159: {  	v9 =	vor.u32 s0, v0;
	v13 =	vmax.f32 v14, $-1.000000000e+06;
	v12 =	vmin.f32 v10, $1.000000000e+06  }
0x15a: {  	v14 =	vmul.u32 $0x147B, v9;
	v10 =	vmin.f32 v13, $1.000000000e+06;
	v13 =	vtrunc.f32 v12  }
0x15b: {  	v16 =	vtrunc.f32 v10;
	vm9 =	vlt.f32 v12, v13;
	v13 =	vcvt.f32.s32 v13  }
0x15c: {  	v17 =	vcvt.f32.s32 v16;
	vm2 =	vlt.f32 v10, v16;
	v16 =	vsel vm9, $0xFFFFFFFF, v1  }
0x15d: {  	v18 =	vnsel vm8, $0x0, v15;
	v15 =	vsel vm2, $0xFFFFFFFF, v1;
	v16 =	vadd.s32 v13, v16  }
0x15e: {  	v14 =	vshrl.u32 v14, $0x11;
	v17 =	vadd.s32 v17, v15;
	v19 =	vcvt.s32.f32 v16  }
0x15f: {  	v13 =	vcvt.s32.f32 v14;
	v15 =	vmul.u32 $0xFFFFFFE7, v14;
	vm10 =	vgt.s32 v17, $0x0  }
0x160: {  	v20 =	vcvt.s32.f32 v17;
	vm12 =	vgt.s32 v16, $0x0;
	vm11 =	vgt.f32 v12, v19  }
0x161: {  	s2 =	sadd.s32 $0x10, s2;
	v14 =	vnsel vm10, $0x0, v17;
	v63 =	vnsel vm12, $0x0, v16;
	v19 =	vsel vm11, $0x1, v1  }
0x162: {  	[tilespmem:s2+$0x0] =	vst v18;
	v14 =	vmin.u32 v14, $0x1FF;
	v18 =	vadd.s32 v19, v16;
	v16 =	vmin.u32 v63, $0x1FF  }
0x163: {  	_ =	swait.ge [sflag:s19], $0x3A00;
	vm13 =	vgt.f32 v10, v20;
	vm14 =	vgt.s32 v18, $0x0;
	v19 =	vsub.s32 v16, v6  }
0x164: {  	[sflag:s19] =	ssyncset.done $0x0;
	v20 =	vsel vm13, $0x1, v1;
	v18 =	vnsel vm14, $0x0, v18;
	vm15 =	vgt.s32 v19, $0x0  }
0x165: {  	s2 =	simm.s32 $0x20;
	[sflag:s19] =	ssyncadd.s32 $0xFFFFC600;
	v17 =	vadd.s32 v20, v17;
	v18 =	vmin.u32 v18, $0x1FF;
	v19 =	vnsel vm15, $0x0, v19  }
.LBB2_8:
0x166: {  	p0 =	sne.s32 s2, $0x270;
	vm0 =	vgt.s32 v17, $0x0;
	v19 =	vmin.u32 v19, $0x1C;
	v18 =	vsub.s32 v18, v6  }
0x167: {  	v17 =	vnsel vm0, $0x0, v17;
	v19 =	vshll.u32 v19, $0x9;
	vm0 =	vgt.s32 v18, $0x0  }
0x168: {  	v17 =	vmin.u32 v17, $0x1FF;
	v18 =	vnsel vm0, $0x0, v18;
	v20 =	vor.u32 v14, v19  }
0x169: {  	v21 =	vor.u32 s2, v0;
	v18 =	vmin.u32 v18, $0x1C;
	v19 =	vor.u32 v17, v19  }
0x16a: {  	v15 =	vadd.s32 v9, v15;
	v13 =	vadd.f32 v13, v8;
	v18 =	vshll.u32 v18, $0x9  }
0x16b: {  	v15 =	vcvt.s32.f32 v15;
	vm0 =	vlt.u32 v11, $0x271;
	v11 =	vmovc v9;
	v9 =	vmovc v21;
	v22 =	vor.u32 v14, v18  }
0x16c: {  	v16 =	vcvt.s32.f32 v16;
	v13 =	vadd.f32 $-1.200000000e+01, v13;
	v14 =	vcvt.s32.f32 v14  }
0x16d: {  	v21 =	vmul.u32 $0x147B, v9;
	v15 =	vadd.f32 v15, v7;
	v17 =	vor.u32 v17, v18;
	v20 =	vld.idx.msk [tilespmem:v20+s18+$0x0], $0xffff  }
0x16e: {  	v16 =	vsub.f32 v12, v16;
	v13 =	vmax.f32 v13, $-1.000000000e+06;
	v14 =	vsub.f32 v10, v14;
	v18 =	vld.idx.msk [tilespmem:v19+s18+$0x0], $0xffff  }
0x16f: {  	v12 =	vadd.f32 $-1.200000000e+01, v15;
	v10 =	vmin.f32 v13, $1.000000000e+06;
	v19 =	vshrl.u32 v21, $0x11  }
0x170: {  	v13 =	vtrunc.f32 v10;
	v21 =	vsub.f32 $1.000000000e+00, v16;
	v15 =	vsub.f32 $1.000000000e+00, v14;
	v22 =	vld.idx.msk [tilespmem:v22+s18+$0x0], $0xffff  }
0x171: {  	v12 =	vmax.f32 v12, $-1.000000000e+06;
	v23 =	vcvt.f32.s32 v13;
	vm1 =	vlt.f32 v10, v13  }
0x172: {  	v12 =	vmin.f32 v12, $1.000000000e+06;
	v13 =	vmul.f32 v21, v15;
	v21 =	vmul.f32 v21, v14;
	v17 =	vld.idx.msk [tilespmem:v17+s18+$0x0], $0xffff  }
0x173: {  	v25 =	vtrunc.f32 v12;
	v24 =	vsel vm1, $0xFFFFFFFF, v1;
	v15 =	vmul.f32 v16, v15  }
0x174: {  	vm1 =	vlt.f32 v12, v25;
	v13 =	vmul.f32 v20, v13;
	v18 =	vmul.f32 v18, v21  }
0x175: {  	v20 =	vadd.s32 v23, v24;
	v21 =	vcvt.f32.s32 v25;
	v23 =	vsel vm1, $0xFFFFFFFF, v1  }
0x176: {  	v14 =	vmul.f32 v16, v14;
	v18 =	vadd.f32 v18, v13;
	v15 =	vmul.f32 v22, v15  }
0x177: {  	vm1 =	vgt.s32 v20, $0x0;
	v13 =	vcvt.s32.f32 v19;
	v16 =	vadd.s32 v21, v23  }
0x178: {  	v21 =	vcvt.s32.f32 v16;
	v18 =	vadd.f32 v15, v18;
	v14 =	vmul.f32 v17, v14  }
0x179: {  	v15 =	vmul.u32 $0xFFFFFFE7, v19;
	v17 =	vcvt.s32.f32 v20;
	v19 =	vnsel vm1, $0x0, v20  }
0x17a: {  	vm2 =	vgt.s32 v16, $0x0;
	vm1 =	vgt.f32 v12, v21;
	v18 =	vadd.f32 v14, v18  }
.Ltmp3:
0x17b: {  	v21 =	vsel vm1, $0x1, v1;
	v14 =	vmin.u32 v19, $0x1FF;
	v19 =	vnsel vm2, $0x0, v16;
	(pc) =	sbr.rel @p0 .LBB2_8-.Ltmp3, $4  }
0x17c: {  	s4 =	sand.u32 $0x3F0, s1;
	s1 =	smov.u32 s0;
	s0 =	smov.u32 s2;
	v21 =	vadd.s32 v21, v16;
	v16 =	vmin.u32 v19, $0x1FF;
	v18 =	vnsel vm0, $0x0, v18  }
0x17d: {  	vm0 =	vgt.f32 v10, v17;
	vm1 =	vgt.s32 v21, $0x0;
	v19 =	vsub.s32 v16, v6;
	[tilespmem:s4+$0x7C80] =	vst v18  }
0x17e: {  	v17 =	vsel vm0, $0x1, v1;
	vm0 =	vgt.s32 v19, $0x0;
	v18 =	vnsel vm1, $0x0, v21  }
0x17f: {  	s2 =	sadd.s32 $0x10, s2;
	v17 =	vadd.s32 v17, v20;
	v19 =	vnsel vm0, $0x0, v19;
	v18 =	vmin.u32 v18, $0x1FF  }
0x180: {  	vm0 =	vgt.s32 v17, $0x0  }
0x181: {  	v19 =	vmin.u32 v19, $0x1C;
	v18 =	vsub.s32 v18, v6;
	v15 =	vadd.s32 v9, v15  }
0x182: {  	v13 =	vadd.f32 v13, v8;
	v17 =	vnsel vm0, $0x0, v17;
	v19 =	vshll.u32 v19, $0x9  }
0x183: {  	vm10 =	vgt.s32 v18, $0x0;
	v15 =	vcvt.s32.f32 v15;
	v17 =	vmin.u32 v17, $0x1FF  }
0x184: {  	v20 =	vor.u32 v14, v19;
	v18 =	vnsel vm10, $0x0, v18;
	v19 =	vor.u32 v17, v19  }
0x185: {  	v21 =	vcvt.s32.f32 v14;
	v16 =	vcvt.s32.f32 v16;
	v18 =	vmin.u32 v18, $0x1C  }
0x186: {  	v13 =	vadd.f32 $-1.200000000e+01, v13;
	v15 =	vadd.f32 v15, v7;
	v18 =	vshll.u32 v18, $0x9  }
0x187: {  	v10 =	vsub.f32 v10, v21;
	v12 =	vsub.f32 v12, v16;
	v14 =	vor.u32 v14, v18  }
0x188: {  	v13 =	vmax.f32 v13, $-1.000000000e+06;
	v16 =	vor.u32 v17, v18;
	v15 =	vadd.f32 $-1.200000000e+01, v15  }
0x189: {  	v13 =	vmin.f32 v13, $1.000000000e+06;
	v18 =	vsub.f32 $1.000000000e+00, v10;
	v17 =	vld.idx.msk [tilespmem:v19+s18+$0x0], $0xffff  }
0x18a: {  	v51 =	vtrunc.f32 v13;
	v20 =	vld.idx.msk [tilespmem:v20+s18+$0x0], $0xffff;
	v15 =	vmax.f32 v15, $-1.000000000e+06;
	v19 =	vsub.f32 $1.000000000e+00, v12  }
0x18b: {  	v23 =	vcvt.f32.s32 v51;
	vm11 =	vlt.f32 v13, v51;
	v15 =	vmin.f32 v15, $1.000000000e+06  }
0x18c: {  	v21 =	vsel vm11, $0xFFFFFFFF, v1;
	v14 =	vld.idx.msk [tilespmem:v14+s18+$0x0], $0xffff;
	v22 =	vmul.f32 v19, v18;
	v19 =	vmul.f32 v19, v10  }
0x18d: {  	vm12 =	vlt.u32 v11, $0x271;
	v24 =	vtrunc.f32 v15;
	v11 =	vadd.s32 v23, v21;
	v16 =	vld.idx.msk [tilespmem:v16+s18+$0x0], $0xffff  }
0x18e: {  	vm1 =	vlt.f32 v15, v24;
	v17 =	vmul.f32 v17, v19;
	v19 =	vcvt.f32.s32 v24  }
0x18f: {  	v18 =	vmul.f32 v12, v18;
	v52 =	vsel vm1, $0xFFFFFFFF, v1;
	v20 =	vmul.f32 v20, v22  }
0x190: {  	v10 =	vmul.f32 v12, v10;
	vm13 =	vgt.s32 v11, $0x0;
	v12 =	vadd.s32 v19, v52  }
0x191: {  	v17 =	vadd.f32 v17, v20;
	v14 =	vmul.f32 v14, v18;
	v18 =	vcvt.s32.f32 v12  }
0x192: {  	v10 =	vmul.f32 v16, v10;
	v16 =	vnsel vm13, $0x0, v11  }
0x193: {  	vm2 =	vgt.s32 v12, $0x0;
	v14 =	vadd.f32 v14, v17;
	vm14 =	vgt.f32 v15, v18  }
0x194: {  	v17 =	vcvt.s32.f32 v11;
	v19 =	vnsel vm2, $0x0, v12;
	v18 =	vsel vm14, $0x1, v1  }
0x195: {  	v16 =	vmin.u32 v16, $0x1FF;
	v12 =	vadd.s32 v18, v12;
	v18 =	vmin.u32 v19, $0x1FF  }
0x196: {  	vm15 =	vgt.f32 v13, v17;
	vm4 =	vgt.s32 v12, $0x0;
	v17 =	vsub.s32 v18, v6  }
0x197: {  	v19 =	vsel vm15, $0x1, v1;
	v12 =	vnsel vm4, $0x0, v12;
	vm5 =	vgt.s32 v17, $0x0  }
0x198: {  	v11 =	vadd.s32 v19, v11;
	v12 =	vmin.u32 v12, $0x1FF;
	v17 =	vnsel vm5, $0x0, v17  }
0x199: {  	vm6 =	vgt.s32 v11, $0x0;
	v17 =	vmin.u32 v17, $0x1C;
	v12 =	vsub.s32 v12, v6  }
0x19a: {  	v11 =	vnsel vm6, $0x0, v11;
	v17 =	vshll.u32 v17, $0x9;
	vm7 =	vgt.s32 v12, $0x0  }
0x19b: {  	v11 =	vmin.u32 v11, $0x1FF;
	v12 =	vnsel vm7, $0x0, v12;
	v19 =	vor.u32 v16, v17  }
0x19c: {  	v10 =	vadd.f32 v10, v14;
	v14 =	vor.u32 v11, v17;
	v12 =	vmin.u32 v12, $0x1C  }
0x19d: {  	v18 =	vcvt.s32.f32 v18;
	v17 =	vcvt.s32.f32 v16;
	v12 =	vshll.u32 v12, $0x9  }
0x19e: {  	s2 =	sand.u32 $0x3F0, s1;
	s21 =	simm.s32 $0x0;
	v10 =	vnsel vm12, $0x0, v10;
	v16 =	vor.u32 v16, v12  }
0x19f: {  	[tilespmem:s2+$0x7C80] =	vst v10;
	v10 =	vsub.f32 v13, v17;
	v13 =	vsub.f32 v15, v18;
	v15 =	vor.u32 s21, v0  }
0x1a0: {  	v18 =	vmul.u32 $0x147B, v15;
	v11 =	vor.u32 v11, v12;
	v17 =	vld.idx.msk [tilespmem:v19+s18+$0x0], $0xffff  }
0x1a1: {  	v12 =	vld.idx.msk [tilespmem:v14+s18+$0x0], $0xffff;
	v14 =	vsub.f32 $1.000000000e+00, v10;
	v19 =	vsub.f32 $1.000000000e+00, v13  }
0x1a2: {  	v18 =	vshrl.u32 v18, $0x11  }
0x1a3: {  	v53 =	vmul.u32 $0xFFFFFFE7, v18;
	v20 =	vmul.f32 v19, v14;
	v16 =	vld.idx.msk [tilespmem:v16+s18+$0x0], $0xffff  }
0x1a4: {  	v18 =	vcvt.s32.f32 v18;
	v19 =	vmul.f32 v19, v10  }
0x1a5: {  	v14 =	vmul.f32 v13, v14;
	v11 =	vld.idx.msk [tilespmem:v11+s18+$0x0], $0xffff;
	v17 =	vmul.f32 v17, v20;
	v20 =	vadd.s32 v15, v53  }
0x1a6: {  	v12 =	vmul.f32 v12, v19;
	v19 =	vcvt.s32.f32 v20  }
0x1a7: {  	v10 =	vmul.f32 v13, v10;
	v13 =	vadd.f32 v18, v5  }
0x1a8: {  	v12 =	vadd.f32 v12, v17;
	v17 =	vadd.f32 v19, v4;
	v14 =	vmul.f32 v16, v14  }
0x1a9: {  	v13 =	vadd.f32 $-1.200000000e+01, v13  }
0x1aa: {  	s28 =	simm.s32 $0x10;
	v11 =	vmul.f32 v11, v10;
	v16 =	vadd.f32 $-1.200000000e+01, v17;
	v12 =	vadd.f32 v14, v12  }
0x1ab: {  	vm8 =	vlt.u32 v9, $0x271;
	vm7 =	vlt.u32 v15, $0x271;
	v10 =	vor.u32 s28, v0  }
0x1ac: {  	v9 =	vmax.f32 v16, $-1.000000000e+06;
	v11 =	vadd.f32 v11, v12;
	v12 =	vmax.f32 v13, $-1.000000000e+06  }
0x1ad: {  	v13 =	vmin.f32 v9, $1.000000000e+06;
	v9 =	vmul.u32 $0x147B, v10;
	v12 =	vmin.f32 v12, $1.000000000e+06  }
0x1ae: {  	v14 =	vtrunc.f32 v13;
	v16 =	vtrunc.f32 v12;
	v11 =	vnsel vm8, $0x0, v11  }
0x1af: {  	vm9 =	vlt.f32 v13, v14;
	v14 =	vcvt.f32.s32 v14;
	v17 =	vcvt.f32.s32 v16  }
0x1b0: {  	vm10 =	vlt.f32 v12, v16;
	v9 =	vshrl.u32 v9, $0x11;
	v16 =	vsel vm9, $0xFFFFFFFF, v1  }
0x1b1: {  	v18 =	vsel vm10, $0xFFFFFFFF, v1;
	v19 =	vmul.u32 $0xFFFFFFE7, v9;
	v14 =	vadd.s32 v14, v16  }
0x1b2: {  	v16 =	vadd.s32 v17, v18;
	v18 =	vcvt.s32.f32 v9;
	v17 =	vcvt.s32.f32 v14  }
0x1b3: {  	vm11 =	vgt.s32 v16, $0x0;
	v9 =	vcvt.s32.f32 v16;
	vm13 =	vgt.s32 v14, $0x0  }
0x1b4: {  	v19 =	vadd.s32 v10, v19;
	v54 =	vnsel vm13, $0x0, v14;
	vm12 =	vgt.f32 v13, v17  }
0x1b5: {  	v18 =	vadd.f32 v18, v5;
	v19 =	vcvt.s32.f32 v19;
	v20 =	vsel vm12, $0x1, v1  }
0x1b6: {  	v17 =	vnsel vm11, $0x0, v16;
	vm14 =	vgt.f32 v12, v9;
	v14 =	vadd.s32 v20, v14  }
0x1b7: {  	v17 =	vmin.u32 v17, $0x1FF;
	v20 =	vmin.u32 v54, $0x1FF;
	vm15 =	vgt.s32 v14, $0x0  }
0x1b8: {  	v55 =	vsel vm14, $0x1, v1;
	v9 =	vsub.s32 v20, v3;
	v14 =	vnsel vm15, $0x0, v14  }
0x1b9: {  	s0 =	sand.u32 $0x3F0, s0;
	v15 =	vadd.f32 $-1.200000000e+01, v18;
	vm4 =	vgt.s32 v9, $0x0;
	v14 =	vmin.u32 v14, $0x1FF  }
0x1ba: {  	[tilespmem:s0+$0x7C80] =	vst v11;
	v16 =	vadd.s32 v55, v16;
	v9 =	vnsel vm4, $0x0, v9;
	v11 =	vsub.s32 v14, v3  }
0x1bb: {  	s29 =	sadd.s32 s8, s25;
	vm5 =	vgt.s32 v16, $0x0;
	v9 =	vmin.u32 v9, $0x1C;
	vm6 =	vgt.s32 v11, $0x0  }
0x1bc: {  	[tilespmem:s17], [sflag:$0x1] =	stream.linear.gather [hbm4b:s29+s21], $0x3A00, $0x38;
	v14 =	vnsel vm5, $0x0, v16;
	v16 =	vshll.u32 v9, $0x9;
	v11 =	vnsel vm6, $0x0, v11;
	[tilespmem:$0x8500] =	vst v63  }
0x1bd: {  	s30 =	simm.s32 $0x20;
	s31 =	sadd.s32 s8, s26;
	v14 =	vmin.u32 v14, $0x1FF;
	v56 =	vor.u32 v17, v16;
	v11 =	vmin.u32 v11, $0x1C  }
0x1be: {  	[tilespmem:s18], [sflag:$0x2] =	stream.linear.gather [hbm4b:s31+s21], $0x3A00, $0x38;
	v18 =	vcvt.s32.f32 v20;
	v16 =	vor.u32 v14, v16;
	v11 =	vshll.u32 v11, $0x9;
	[tilespmem:$0x8500] =	vst v63  }
0x1bf: {  	_ =	swait.ge [sflag:s16], $0x3A00;
	v9 =	vor.u32 s30, v0;
	v57 =	vor.u32 v17, v11;
	v17 =	vcvt.s32.f32 v17  }
0x1c0: {  	[sflag:s16] =	ssyncset.done $0x0;
	v19 =	vadd.f32 v19, v4;
	v13 =	vsub.f32 v13, v18;
	v20 =	vmul.u32 $0x147B, v9  }
0x1c1: {  	[sflag:s16] =	ssyncadd.s32 $0xFFFFC600;
	v14 =	vor.u32 v14, v11;
	v11 =	vmax.f32 v15, $-1.000000000e+06;
	v15 =	vsub.f32 v12, v17  }
0x1c2: {  	v11 =	vmin.f32 v11, $1.000000000e+06;
	v21 =	vld.idx.msk [tilespmem:v56+s17+$0x0], $0xffff;
	v17 =	vshrl.u32 v20, $0x11;
	v12 =	vadd.f32 $-1.200000000e+01, v19  }
0x1c3: {  	v16 =	vld.idx.msk [tilespmem:v16+s17+$0x0], $0xffff;
	v18 =	vtrunc.f32 v11;
	v20 =	vsub.f32 $1.000000000e+00, v13;
	v19 =	vsub.f32 $1.000000000e+00, v15  }
0x1c4: {  	v58 =	vcvt.f32.s32 v18;
	v12 =	vmax.f32 v12, $-1.000000000e+06  }
0x1c5: {  	vm8 =	vlt.f32 v11, v18;
	v22 =	vld.idx.msk [tilespmem:v57+s17+$0x0], $0xffff;
	v12 =	vmin.f32 v12, $1.000000000e+06;
	v18 =	vmul.f32 v20, v19  }
0x1c6: {  	v20 =	vmul.f32 v20, v15;
	v25 =	vtrunc.f32 v12  }
0x1c7: {  	v14 =	vld.idx.msk [tilespmem:v14+s17+$0x0], $0xffff;
	v19 =	vmul.f32 v13, v19;
	v15 =	vmul.f32 v13, v15  }
0x1c8: {  	v59 =	vsel vm8, $0xFFFFFFFF, v1;
	v18 =	vmul.f32 v21, v18;
	v16 =	vmul.f32 v16, v20  }
0x1c9: {  	vm9 =	vlt.f32 v12, v25;
	v60 =	vcvt.f32.s32 v25;
	v20 =	vadd.s32 v58, v59  }
0x1ca: {  	v61 =	vsel vm9, $0xFFFFFFFF, v1;
	v16 =	vadd.f32 v16, v18;
	v18 =	vmul.f32 v22, v19  }
0x1cb: {  	v13 =	vcvt.s32.f32 v17;
	vm10 =	vgt.s32 v20, $0x0;
	v19 =	vadd.s32 v60, v61  }
0x1cc: {  	v14 =	vmul.f32 v14, v15;
	v21 =	vcvt.s32.f32 v19;
	v16 =	vadd.f32 v18, v16  }
0x1cd: {  	v15 =	vmul.u32 $0xFFFFFFE7, v17;
	v17 =	vcvt.s32.f32 v20;
	vm12 =	vgt.s32 v19, $0x0  }
0x1ce: {  	v18 =	vnsel vm10, $0x0, v20;
	vm11 =	vgt.f32 v12, v21;
	v62 =	vadd.f32 v14, v16  }
0x1cf: {  	v16 =	vsel vm11, $0x1, v1;
	v14 =	vmin.u32 v18, $0x1FF;
	v18 =	vnsel vm12, $0x0, v19  }
0x1d0: {  	vm13 =	vgt.f32 v11, v17;
	v19 =	vadd.s32 v16, v19;
	v16 =	vmin.u32 v18, $0x1FF  }
0x1d1: {  	v17 =	vsel vm13, $0x1, v1;
	vm14 =	vgt.s32 v19, $0x0;
	v63 =	vsub.s32 v16, v3  }
0x1d2: {  	s1 =	simm.s32 $0x7F00;
	v18 =	vnsel vm7, $0x0, v62;
	v19 =	vnsel vm14, $0x0, v19;
	vm15 =	vgt.s32 v63, $0x0  }
0x1d3: {  	s0 =	simm.s32 $0x30;
	v17 =	vadd.s32 v17, v20;
	[tilespmem:s1+$0x0] =	vst v18;
	v18 =	vmin.u32 v19, $0x1FF;
	v19 =	vnsel vm15, $0x0, v63  }
.LBB2_10:
0x1d4: {  	p0 =	sne.s32 s0, $0x270;
	vm0 =	vgt.s32 v17, $0x0;
	v19 =	vmin.u32 v19, $0x1C;
	v18 =	vsub.s32 v18, v3  }
0x1d5: {  	v17 =	vnsel vm0, $0x0, v17;
	v19 =	vshll.u32 v19, $0x9;
	vm0 =	vgt.s32 v18, $0x0  }
0x1d6: {  	v17 =	vmin.u32 v17, $0x1FF;
	v18 =	vnsel vm0, $0x0, v18;
	v20 =	vor.u32 v14, v19  }
0x1d7: {  	v21 =	vor.u32 s0, v0;
	v18 =	vmin.u32 v18, $0x1C;
	v19 =	vor.u32 v17, v19  }
0x1d8: {  	v15 =	vadd.s32 v9, v15;
	v13 =	vadd.f32 v13, v5;
	v18 =	vshll.u32 v18, $0x9  }
0x1d9: {  	v15 =	vcvt.s32.f32 v15;
	vm0 =	vlt.u32 v10, $0x271;
	v10 =	vmovc v9;
	v9 =	vmovc v21;
	v22 =	vor.u32 v14, v18  }
0x1da: {  	v16 =	vcvt.s32.f32 v16;
	v13 =	vadd.f32 $-1.200000000e+01, v13;
	v14 =	vcvt.s32.f32 v14  }
0x1db: {  	v21 =	vmul.u32 $0x147B, v9;
	v15 =	vadd.f32 v15, v4;
	v17 =	vor.u32 v17, v18;
	v20 =	vld.idx.msk [tilespmem:v20+s17+$0x0], $0xffff  }
0x1dc: {  	v16 =	vsub.f32 v12, v16;
	v13 =	vmax.f32 v13, $-1.000000000e+06;
	v14 =	vsub.f32 v11, v14;
	v18 =	vld.idx.msk [tilespmem:v19+s17+$0x0], $0xffff  }
0x1dd: {  	v12 =	vadd.f32 $-1.200000000e+01, v15;
	v11 =	vmin.f32 v13, $1.000000000e+06;
	v19 =	vshrl.u32 v21, $0x11  }
0x1de: {  	v13 =	vtrunc.f32 v11;
	v21 =	vsub.f32 $1.000000000e+00, v16;
	v15 =	vsub.f32 $1.000000000e+00, v14;
	v22 =	vld.idx.msk [tilespmem:v22+s17+$0x0], $0xffff  }
0x1df: {  	v12 =	vmax.f32 v12, $-1.000000000e+06;
	v23 =	vcvt.f32.s32 v13;
	vm1 =	vlt.f32 v11, v13  }
0x1e0: {  	v12 =	vmin.f32 v12, $1.000000000e+06;
	v13 =	vmul.f32 v21, v15;
	v21 =	vmul.f32 v21, v14;
	v17 =	vld.idx.msk [tilespmem:v17+s17+$0x0], $0xffff  }
0x1e1: {  	v25 =	vtrunc.f32 v12;
	v24 =	vsel vm1, $0xFFFFFFFF, v1;
	v15 =	vmul.f32 v16, v15  }
0x1e2: {  	vm1 =	vlt.f32 v12, v25;
	v13 =	vmul.f32 v20, v13;
	v18 =	vmul.f32 v18, v21  }
0x1e3: {  	v20 =	vadd.s32 v23, v24;
	v21 =	vcvt.f32.s32 v25;
	v23 =	vsel vm1, $0xFFFFFFFF, v1  }
0x1e4: {  	v14 =	vmul.f32 v16, v14;
	v18 =	vadd.f32 v18, v13;
	v15 =	vmul.f32 v22, v15  }
0x1e5: {  	vm1 =	vgt.s32 v20, $0x0;
	v13 =	vcvt.s32.f32 v19;
	v16 =	vadd.s32 v21, v23  }
0x1e6: {  	v21 =	vcvt.s32.f32 v16;
	v18 =	vadd.f32 v15, v18;
	v14 =	vmul.f32 v17, v14  }
0x1e7: {  	v15 =	vmul.u32 $0xFFFFFFE7, v19;
	v17 =	vcvt.s32.f32 v20;
	v19 =	vnsel vm1, $0x0, v20  }
0x1e8: {  	vm2 =	vgt.s32 v16, $0x0;
	vm1 =	vgt.f32 v12, v21;
	v18 =	vadd.f32 v14, v18  }
.Ltmp4:
0x1e9: {  	v21 =	vsel vm1, $0x1, v1;
	v14 =	vmin.u32 v19, $0x1FF;
	v19 =	vnsel vm2, $0x0, v16;
	(pc) =	sbr.rel @p0 .LBB2_10-.Ltmp4, $4  }
0x1ea: {  	s1 =	sadd.s32 $0x10, s1;
	v21 =	vadd.s32 v21, v16;
	v16 =	vmin.u32 v19, $0x1FF;
	v18 =	vnsel vm0, $0x0, v18  }
0x1eb: {  	vm0 =	vgt.f32 v11, v17;
	vm1 =	vgt.s32 v21, $0x0;
	v19 =	vsub.s32 v16, v3;
	[tilespmem:s1+$0x0] =	vst v18  }
0x1ec: {  	v17 =	vsel vm0, $0x1, v1;
	vm0 =	vgt.s32 v19, $0x0;
	v18 =	vnsel vm1, $0x0, v21  }
0x1ed: {  	s0 =	sadd.s32 $0x10, s0;
	v17 =	vadd.s32 v17, v20;
	v19 =	vnsel vm0, $0x0, v19;
	v18 =	vmin.u32 v18, $0x1FF  }
0x1ee: {  	vm0 =	vgt.s32 v17, $0x0;
	v19 =	vmin.u32 v19, $0x1C  }
0x1ef: {  	v18 =	vsub.s32 v18, v3;
	v17 =	vnsel vm0, $0x0, v17;
	v19 =	vshll.u32 v19, $0x9  }
0x1f0: {  	vm0 =	vgt.s32 v18, $0x0;
	v17 =	vmin.u32 v17, $0x1FF;
	v20 =	vor.u32 v14, v19  }
0x1f1: {  	v15 =	vadd.s32 v9, v15;
	v18 =	vnsel vm0, $0x0, v18;
	v19 =	vor.u32 v17, v19  }
0x1f2: {  	v5 =	vadd.f32 v13, v5;
	v13 =	vcvt.s32.f32 v15;
	v18 =	vmin.u32 v18, $0x1C  }
0x1f3: {  	v16 =	vcvt.s32.f32 v16;
	v15 =	vshll.u32 v18, $0x9;
	v18 =	vcvt.s32.f32 v14  }
0x1f4: {  	v5 =	vadd.f32 $-1.200000000e+01, v5;
	v4 =	vadd.f32 v13, v4  }
0x1f5: {  	v12 =	vsub.f32 v12, v16;
	v14 =	vor.u32 v14, v15;
	v11 =	vsub.f32 v11, v18;
	v13 =	vld.idx.msk [tilespmem:v20+s17+$0x0], $0xffff  }
0x1f6: {  	v5 =	vmax.f32 v5, $-1.000000000e+06;
	v15 =	vor.u32 v17, v15;
	v4 =	vadd.f32 $-1.200000000e+01, v4;
	v16 =	vld.idx.msk [tilespmem:v19+s17+$0x0], $0xffff  }
0x1f7: {  	v5 =	vmin.f32 v5, $1.000000000e+06;
	v18 =	vsub.f32 $1.000000000e+00, v12;
	v17 =	vsub.f32 $1.000000000e+00, v11  }
0x1f8: {  	v4 =	vmax.f32 v4, $-1.000000000e+06;
	v19 =	vtrunc.f32 v5  }
0x1f9: {  	v63 =	vmin.f32 v4, $1.000000000e+06;
	v4 =	vmul.f32 v18, v17;
	v18 =	vmul.f32 v18, v11  }
0x1fa: {  	v21 =	vcvt.f32.s32 v19;
	v22 =	vtrunc.f32 v63;
	v14 =	vld.idx.msk [tilespmem:v14+s17+$0x0], $0xffff  }
0x1fb: {  	vm0 =	vlt.f32 v5, v19;
	v15 =	vld.idx.msk [tilespmem:v15+s17+$0x0], $0xffff;
	v4 =	vmul.f32 v13, v4;
	v13 =	vmul.f32 v16, v18  }
0x1fc: {  	vm1 =	vlt.f32 v63, v22;
	v16 =	vmul.f32 v12, v17;
	v17 =	vcvt.f32.s32 v22  }
0x1fd: {  	v11 =	vmul.f32 v12, v11;
	v19 =	vsel vm1, $0xFFFFFFFF, v1;
	v18 =	vsel vm0, $0xFFFFFFFF, v1  }
0x1fe: {  	vm0 =	vlt.u32 v10, $0x271;
	v10 =	vadd.s32 v21, v18;
	v12 =	vadd.s32 v17, v19  }
0x1ff: {  	v4 =	vadd.f32 v13, v4;
	v13 =	vmul.f32 v14, v16;
	v14 =	vcvt.s32.f32 v12  }
0x200: {  	vm1 =	vgt.s32 v10, $0x0;
	v11 =	vmul.f32 v15, v11;
	vm2 =	vgt.s32 v12, $0x0  }
0x201: {  	v4 =	vadd.f32 v13, v4;
	v13 =	vnsel vm1, $0x0, v10;
	vm1 =	vgt.f32 v63, v14  }
0x202: {  	v16 =	vnsel vm2, $0x0, v12;
	v14 =	vcvt.s32.f32 v10;
	v15 =	vsel vm1, $0x1, v1  }
0x203: {  	v13 =	vmin.u32 v13, $0x1FF;
	v12 =	vadd.s32 v15, v12;
	v15 =	vmin.u32 v16, $0x1FF  }
0x204: {  	v4 =	vadd.f32 v11, v4;
	vm1 =	vgt.f32 v5, v14;
	v14 =	vsub.s32 v15, v3  }
0x205: {  	vm2 =	vgt.s32 v12, $0x0;
	v16 =	vsel vm1, $0x1, v1;
	vm1 =	vgt.s32 v14, $0x0  }
0x206: {  	v12 =	vnsel vm2, $0x0, v12;
	v10 =	vadd.s32 v16, v10;
	v14 =	vnsel vm1, $0x0, v14  }
0x207: {  	v12 =	vmin.u32 v12, $0x1FF;
	vm1 =	vgt.s32 v10, $0x0;
	v14 =	vmin.u32 v14, $0x1C  }
0x208: {  	v3 =	vsub.s32 v12, v3;
	v10 =	vnsel vm1, $0x0, v10;
	v12 =	vshll.u32 v14, $0x9  }
0x209: {  	vm1 =	vgt.s32 v3, $0x0;
	v10 =	vmin.u32 v10, $0x1FF;
	v14 =	vor.u32 v13, v12  }
0x20a: {  	v3 =	vnsel vm1, $0x0, v3;
	v11 =	vor.u32 v10, v12;
	v12 =	vcvt.s32.f32 v13  }
0x20b: {  	s0 =	simm.s32 $0x0;
	v15 =	vcvt.s32.f32 v15;
	v16 =	vnsel vm0, $0x0, v4;
	v3 =	vmin.u32 v3, $0x1C  }
0x20c: {  	s2 =	sadd.s32 $0x10, s1;
	v4 =	vor.u32 s0, v0;
	v3 =	vshll.u32 v3, $0x9;
	v5 =	vsub.f32 v5, v12  }
0x20d: {  	[tilespmem:s2+$0x0] =	vst v16;
	v12 =	vsub.f32 v63, v15;
	v15 =	vmul.u32 $0x147B, v4;
	v13 =	vor.u32 v13, v3  }
0x20e: {  	v14 =	vld.idx.msk [tilespmem:v14+s17+$0x0], $0xffff  }
0x20f: {  	v3 =	vor.u32 v10, v3;
	v15 =	vshrl.u32 v15, $0x11;
	v10 =	vld.idx.msk [tilespmem:v11+s17+$0x0], $0xffff  }
0x210: {  	v16 =	vsub.f32 $1.000000000e+00, v12;
	v11 =	vsub.f32 $1.000000000e+00, v5;
	v17 =	vmul.u32 $0xFFFFFFE7, v15;
	_ =	sdelay $0x1  }
0x211: {  	v18 =	vmul.f32 v16, v11;
	v16 =	vmul.f32 v16, v5;
	v17 =	vadd.s32 v4, v17;
	v13 =	vld.idx.msk [tilespmem:v13+s17+$0x0], $0xffff  }
0x212: {  	v15 =	vcvt.s32.f32 v15;
	v17 =	vcvt.s32.f32 v17  }
0x213: {  	v3 =	vld.idx.msk [tilespmem:v3+s17+$0x0], $0xffff;
	v14 =	vmul.f32 v14, v18;
	v10 =	vmul.f32 v10, v16  }
0x214: {  	v11 =	vmul.f32 v12, v11;
	v16 =	vadd.f32 v17, v7  }
0x215: {  	v10 =	vadd.f32 v10, v14;
	v14 =	vadd.f32 v15, v8  }
0x216: {  	v5 =	vmul.f32 v12, v5;
	v12 =	vadd.f32 $-1.200000000e+01, v16;
	v11 =	vmul.f32 v13, v11  }
0x217: {  	vm0 =	vlt.u32 v9, $0x271;
	v9 =	vadd.f32 $-1.200000000e+01, v14  }
0x218: {  	s1 =	simm.s32 $0x10;
	v3 =	vmul.f32 v3, v5;
	v11 =	vadd.f32 v11, v10;
	v10 =	vmax.f32 v12, $-1.000000000e+06  }
0x219: {  	v5 =	vor.u32 s1, v0;
	v9 =	vmax.f32 v9, $-1.000000000e+06;
	v10 =	vmin.f32 v10, $1.000000000e+06  }
0x21a: {  	v12 =	vmul.u32 $0x147B, v5;
	v9 =	vmin.f32 v9, $1.000000000e+06;
	v13 =	vtrunc.f32 v10  }
0x21b: {  	v14 =	vtrunc.f32 v9;
	v15 =	vcvt.f32.s32 v13;
	vm1 =	vlt.f32 v10, v13  }
0x21c: {  	vm2 =	vlt.f32 v9, v14;
	v13 =	vcvt.f32.s32 v14;
	v14 =	vsel vm1, $0xFFFFFFFF, v1  }
0x21d: {  	v3 =	vadd.f32 v3, v11;
	v16 =	vsel vm2, $0xFFFFFFFF, v1;
	v14 =	vadd.s32 v15, v14  }
0x21e: {  	v11 =	vshrl.u32 v12, $0x11;
	v15 =	vadd.s32 v13, v16;
	v13 =	vcvt.s32.f32 v14  }
0x21f: {  	v12 =	vmul.u32 $0xFFFFFFE7, v11;
	v3 =	vnsel vm0, $0x0, v3;
	vm2 =	vgt.s32 v14, $0x0  }
0x220: {  	v16 =	vcvt.s32.f32 v15;
	vm0 =	vgt.s32 v15, $0x0;
	vm1 =	vgt.f32 v10, v13  }
0x221: {  	v18 =	vnsel vm2, $0x0, v14;
	v13 =	vnsel vm0, $0x0, v15;
	v17 =	vsel vm1, $0x1, v1  }
0x222: {  	s2 =	sadd.s32 $0x10, s2;
	v13 =	vmin.u32 v13, $0x1FF;
	v17 =	vadd.s32 v17, v14;
	v14 =	vmin.u32 v18, $0x1FF  }
0x223: {  	[tilespmem:s2+$0x0] =	vst v3;
	vm0 =	vgt.f32 v9, v16;
	vm1 =	vgt.s32 v17, $0x0;
	v3 =	vsub.s32 v14, v6  }
0x224: {  	_ =	swait.ge [sflag:s19], $0x3A00;
	v16 =	vsel vm0, $0x1, v1;
	v17 =	vnsel vm1, $0x0, v17;
	vm0 =	vgt.s32 v3, $0x0  }
0x225: {  	[sflag:s19] =	ssyncset.done $0x0;
	v15 =	vadd.s32 v16, v15;
	v16 =	vmin.u32 v17, $0x1FF;
	v3 =	vnsel vm0, $0x0, v3  }
0x226: {  	s2 =	simm.s32 $0x20;
	[sflag:s19] =	ssyncadd.s32 $0xFFFFC600;
	vm0 =	vgt.s32 v15, $0x0;
	v17 =	vmin.u32 v3, $0x1C;
	v16 =	vsub.s32 v16, v6  }
.LBB2_12:
0x227: {  	p0 =	sne.s32 s2, $0x270;
	v3 =	vnsel vm0, $0x0, v15;
	v15 =	vshll.u32 v17, $0x9;
	vm0 =	vgt.s32 v16, $0x0  }
0x228: {  	v3 =	vmin.u32 v3, $0x1FF;
	v16 =	vnsel vm0, $0x0, v16;
	v17 =	vor.u32 v13, v15  }
0x229: {  	v11 =	vcvt.s32.f32 v11;
	v16 =	vmin.u32 v16, $0x1C;
	v15 =	vor.u32 v3, v15  }
0x22a: {  	v12 =	vadd.s32 v5, v12;
	v16 =	vshll.u32 v16, $0x9  }
0x22b: {  	v12 =	vcvt.s32.f32 v12;
	v11 =	vadd.f32 v11, v8;
	v18 =	vor.u32 v13, v16  }
0x22c: {  	v14 =	vcvt.s32.f32 v14;
	v13 =	vcvt.s32.f32 v13  }
0x22d: {  	v12 =	vadd.f32 v12, v7;
	v11 =	vadd.f32 $-1.200000000e+01, v11;
	v16 =	vor.u32 v3, v16;
	v17 =	vld.idx.msk [tilespmem:v17+s18+$0x0], $0xffff  }
0x22e: {  	v14 =	vsub.f32 v10, v14;
	v3 =	vimm.f32 $0.0e+00;
	v13 =	vsub.f32 v9, v13;
	v15 =	vld.idx.msk [tilespmem:v15+s18+$0x0], $0xffff  }
0x22f: {  	v19 =	vor.u32 s2, v0;
	v10 =	vadd.f32 $-1.200000000e+01, v12;
	v9 =	vmax.f32 v11, $-1.000000000e+06  }
0x230: {  	v12 =	vsub.f32 $1.000000000e+00, v14;
	v9 =	vmin.f32 v9, $1.000000000e+06;
	v11 =	vsub.f32 $1.000000000e+00, v13;
	v18 =	vld.idx.msk [tilespmem:v18+s18+$0x0], $0xffff  }
0x231: {  	v20 =	vmul.u32 $0x147B, v19;
	v10 =	vmax.f32 v10, $-1.000000000e+06;
	v21 =	vtrunc.f32 v9  }
0x232: {  	v10 =	vmin.f32 v10, $1.000000000e+06;
	v22 =	vmul.f32 v12, v11;
	v12 =	vmul.f32 v12, v13;
	v16 =	vld.idx.msk [tilespmem:v16+s18+$0x0], $0xffff  }
0x233: {  	vm0 =	vlt.u32 v4, $0x271;
	v4 =	vmovc v5;
	v5 =	vmovc v19;
	v23 =	vtrunc.f32 v10;
	v24 =	vmul.f32 v14, v11  }
0x234: {  	v11 =	vshrl.u32 v20, $0x11;
	v17 =	vmul.f32 v17, v22;
	v12 =	vmul.f32 v15, v12  }
0x235: {  	vm1 =	vlt.f32 v9, v21;
	vm2 =	vlt.f32 v10, v23;
	v15 =	vcvt.f32.s32 v23  }
0x236: {  	v13 =	vmul.f32 v14, v13;
	v12 =	vadd.f32 v12, v17;
	v17 =	vmul.f32 v18, v24  }
0x237: {  	v14 =	vcvt.f32.s32 v21;
	v19 =	vsel vm2, $0xFFFFFFFF, v1;
	v18 =	vsel vm1, $0xFFFFFFFF, v1  }
0x238: {  	v15 =	vadd.s32 v15, v19;
	v17 =	vadd.f32 v17, v12;
	v13 =	vmul.f32 v16, v13  }
0x239: {  	v12 =	vmul.u32 $0xFFFFFFE7, v11;
	v16 =	vadd.s32 v14, v18;
	v14 =	vcvt.s32.f32 v15  }
0x23a: {  	v18 =	vcvt.s32.f32 v16;
	vm1 =	vgt.s32 v16, $0x0;
	v13 =	vadd.f32 v13, v17  }
0x23b: {  	vm2 =	vgt.f32 v10, v14;
	v14 =	vnsel vm1, $0x0, v16;
	vm1 =	vgt.s32 v15, $0x0  }
0x23c: {  	s4 =	sand.u32 $0x3F0, s0;
	s0 =	smov.u32 s1;
	s1 =	smov.u32 s2;
	v17 =	vsel vm2, $0x1, v1;
	v19 =	vnsel vm1, $0x0, v15;
	v20 =	vnsel vm0, $0x0, v13  }
.Ltmp5:
0x23d: {  	v15 =	vadd.s32 v17, v15;
	v13 =	vmin.u32 v14, $0x1FF;
	v14 =	vmin.u32 v19, $0x1FF;
	[tilespmem:s4+$0x8180] =	vst v20;
	(pc) =	sbr.rel @p0 .LBB2_12-.Ltmp5, $4  }
0x23e: {  	vm0 =	vgt.f32 v9, v18;
	vm1 =	vgt.s32 v15, $0x0;
	v17 =	vsub.s32 v14, v6  }
0x23f: {  	v18 =	vsel vm0, $0x1, v1;
	v19 =	vnsel vm1, $0x0, v15;
	vm0 =	vgt.s32 v17, $0x0  }
0x240: {  	v15 =	vadd.s32 v18, v16;
	v16 =	vmin.u32 v19, $0x1FF;
	v17 =	vnsel vm0, $0x0, v17  }
0x241: {  	s2 =	sadd.s32 $0x10, s2;
	vm0 =	vgt.s32 v15, $0x0;
	v17 =	vmin.u32 v17, $0x1C;
	v16 =	vsub.s32 v16, v6  }
0x242: {  	v15 =	vnsel vm0, $0x0, v15  }
0x243: {  	v17 =	vshll.u32 v17, $0x9;
	vm5 =	vgt.s32 v16, $0x0;
	v11 =	vcvt.s32.f32 v11  }
0x244: {  	v12 =	vadd.s32 v5, v12;
	v45 =	vcvt.s32.f32 v13;
	v14 =	vcvt.s32.f32 v14  }
0x245: {  	v15 =	vmin.u32 v15, $0x1FF;
	v16 =	vnsel vm5, $0x0, v16;
	v18 =	vor.u32 v13, v17  }
0x246: {  	v17 =	vor.u32 v15, v17;
	v8 =	vadd.f32 v11, v8;
	v11 =	vcvt.s32.f32 v12  }
0x247: {  	v16 =	vmin.u32 v16, $0x1C;
	v9 =	vsub.f32 v9, v45;
	v10 =	vsub.f32 v10, v14  }
0x248: {  	v16 =	vshll.u32 v16, $0x9;
	v8 =	vadd.f32 $-1.200000000e+01, v8;
	v7 =	vadd.f32 v11, v7  }
0x249: {  	v44 =	vor.u32 v13, v16;
	v48 =	vsub.f32 $1.000000000e+00, v9;
	v49 =	vsub.f32 $1.000000000e+00, v10  }
0x24a: {  	v46 =	vor.u32 v15, v16;
	v11 =	vld.idx.msk [tilespmem:v18+s18+$0x0], $0xffff  }
0x24b: {  	v7 =	vadd.f32 $-1.200000000e+01, v7;
	v8 =	vmax.f32 v8, $-1.000000000e+06;
	v51 =	vmul.f32 v49, v48;
	v47 =	vld.idx.msk [tilespmem:v17+s18+$0x0], $0xffff  }
0x24c: {  	v16 =	vmul.f32 v49, v9;
	v15 =	vmul.f32 v10, v48;
	v8 =	vmin.f32 v8, $1.000000000e+06  }
0x24d: {  	v9 =	vmul.f32 v10, v9;
	v7 =	vmax.f32 v7, $-1.000000000e+06;
	v50 =	vtrunc.f32 v8  }
0x24e: {  	v12 =	vld.idx.msk [tilespmem:v44+s18+$0x0], $0xffff;
	v7 =	vmin.f32 v7, $1.000000000e+06;
	vm6 =	vlt.f32 v8, v50;
	v10 =	vcvt.f32.s32 v50  }
0x24f: {  	v13 =	vld.idx.msk [tilespmem:v46+s18+$0x0], $0xffff;
	v19 =	vtrunc.f32 v7;
	v54 =	vsel vm6, $0xFFFFFFFF, v1;
	v11 =	vmul.f32 v11, v51  }
0x250: {  	v52 =	vcvt.f32.s32 v19;
	vm1 =	vlt.f32 v7, v19;
	v14 =	vmul.f32 v47, v16  }
0x251: {  	v10 =	vadd.s32 v10, v54;
	v53 =	vsel vm1, $0xFFFFFFFF, v1  }
0x252: {  	v56 =	vcvt.s32.f32 v10;
	v11 =	vadd.f32 v14, v11;
	v14 =	vadd.s32 v52, v53  }
0x253: {  	v12 =	vmul.f32 v12, v15;
	v55 =	vcvt.s32.f32 v14  }
0x254: {  	vm7 =	vgt.s32 v10, $0x0;
	v9 =	vmul.f32 v13, v9;
	vm9 =	vgt.f32 v8, v56  }
0x255: {  	vm2 =	vgt.s32 v14, $0x0;
	v11 =	vadd.f32 v12, v11;
	vm8 =	vgt.f32 v7, v55  }
0x256: {  	v60 =	vsel vm9, $0x1, v1;
	v57 =	vnsel vm2, $0x0, v14;
	v12 =	vsel vm8, $0x1, v1  }
0x257: {  	v58 =	vmin.u32 v57, $0x1FF;
	v9 =	vadd.f32 v9, v11;
	v12 =	vadd.s32 v12, v14  }
0x258: {  	v11 =	vnsel vm7, $0x0, v10;
	v59 =	vsub.s32 v58, v6;
	vm10 =	vgt.s32 v12, $0x0  }
0x259: {  	v10 =	vadd.s32 v60, v10;
	vm11 =	vgt.s32 v59, $0x0;
	v12 =	vnsel vm10, $0x0, v12  }
0x25a: {  	v11 =	vmin.u32 v11, $0x1FF;
	v13 =	vnsel vm11, $0x0, v59;
	v12 =	vmin.u32 v12, $0x1FF  }
0x25b: {  	vm12 =	vgt.s32 v10, $0x0;
	v13 =	vmin.u32 v13, $0x1C;
	v6 =	vsub.s32 v12, v6  }
0x25c: {  	v10 =	vnsel vm12, $0x0, v10;
	v61 =	vshll.u32 v13, $0x9;
	vm13 =	vgt.s32 v6, $0x0  }
0x25d: {  	v10 =	vmin.u32 v10, $0x1FF;
	v13 =	vor.u32 v11, v61;
	v6 =	vnsel vm13, $0x0, v6  }
0x25e: {  	vm14 =	vlt.u32 v4, $0x271;
	v4 =	vmin.u32 v6, $0x1C;
	v6 =	vor.u32 v10, v61  }
0x25f: {  	v14 =	vcvt.s32.f32 v58;
	v4 =	vshll.u32 v4, $0x9  }
0x260: {  	s0 =	sand.u32 $0x3F0, s0;
	v9 =	vnsel vm14, $0x0, v9;
	v62 =	vor.u32 v11, v4;
	v11 =	vcvt.s32.f32 v11  }
0x261: {  	[tilespmem:s0+$0x8180] =	vst v9  }
0x262: {  	v7 =	vsub.f32 v7, v14;
	v9 =	vld.idx.msk [tilespmem:v13+s18+$0x0], $0xffff;
	v4 =	vor.u32 v10, v4;
	v8 =	vsub.f32 v8, v11  }
0x263: {  	v6 =	vld.idx.msk [tilespmem:v6+s18+$0x0], $0xffff  }
0x264: {  	v11 =	vsub.f32 $1.000000000e+00, v7;
	v10 =	vsub.f32 $1.000000000e+00, v8  }
0x265: {  	v12 =	vld.idx.msk [tilespmem:v62+s18+$0x0], $0xffff  }
0x266: {  	v63 =	vmul.f32 v11, v10;
	v11 =	vmul.f32 v11, v8  }
0x267: {  	v4 =	vld.idx.msk [tilespmem:v4+s18+$0x0], $0xffff;
	v10 =	vmul.f32 v7, v10  }
0x268: {  	v9 =	vmul.f32 v9, v63;
	v6 =	vmul.f32 v6, v11;
	_ =	sdelay $0x1  }
0x269: {  	v7 =	vmul.f32 v7, v8;
	v6 =	vadd.f32 v6, v9;
	v9 =	vmul.f32 v12, v10;
	_ =	sdelay $0x1  }
0x26a: {  	v4 =	vmul.f32 v4, v7;
	v6 =	vadd.f32 v9, v6;
	_ =	sdelay $0x1  }
0x26b: {  	v4 =	vadd.f32 v4, v6  }
0x26c: {  	vm15 =	vlt.u32 v5, $0x271  }
0x26d: {  	s29 =	sand.u32 $0x3F0, s1;
	v4 =	vnsel vm15, $0x0, v4  }
0x26e: {  	s30 =	simm.s32 $0x0;
	[tilespmem:s29+$0x8180] =	vst v4  }
0x26f: {  	v4 =	vld [tilespmem:s30+$0x7F00]  }
0x270: {  	v5 =	vld [tilespmem:s30+$0x7A00];
	_ =	sdelay $0x4  }
0x271: {  	s31 =	simm.s32 $0x10;
	v6 =	vshrl.u32 v4, $0x10;
	v7 =	vshrl.u32 v5, $0x10  }
0x272: {  	v8 =	vld [tilespmem:s31+$0x7F00];
	v6 =	vand.u32 $0x1, v6;
	v7 =	vand.u32 $0x1, v7  }
0x273: {  	v4 =	vadd.s32 v6, v4;
	v5 =	vadd.s32 v7, v5;
	v6 =	vld [tilespmem:s31+$0x7A00]  }
0x274: {  	v4 =	vadd.s32 $0x7FFF, v4;
	v5 =	vadd.s32 $0x7FFF, v5  }
0x275: {  	v7 =	vimm.f32 $0.0e+00;
	v10 =	vand.u32 $0xFFFF0000, v4;
	v11 =	vand.u32 $0xFFFF0000, v5  }
0x276: {  	s0 =	simm.s32 $0x80;
	v5 =	vimm.f32 $0.0e+00;
	v4 =	vimm.f32 $0.0e+00;
	v9 =	vmul.f32 v10, v10  }
.LBB2_14:
0x277: {  	s1 =	sshra.s32 s0, $0x2;
	p0 =	sne.s32 s0, $0x9C0;
	s0 =	sadd.s32 $0x40, s0;
	v12 =	vshrl.u32 v8, $0x10;
	v13 =	vmul.f32 v11, v11;
	v10 =	vmul.f32 v10, v11;
	v11 =	vmovc v8  }
.Ltmp6:
0x278: {  	v8 =	vld [tilespmem:s1+$0x7F00];
	v14 =	vshrl.u32 v6, $0x10;
	v12 =	vand.u32 $0x1, v12;
	v7 =	vadd.f32 v9, v7;
	v9 =	vmovc v6;
	(pc) =	sbr.rel @p0 .LBB2_14-.Ltmp6, $4  }
0x279: {  	v6 =	vld [tilespmem:s1+$0x7A00];
	v14 =	vand.u32 $0x1, v14;
	v11 =	vadd.s32 v12, v11;
	v5 =	vadd.f32 v13, v5  }
0x27a: {  	v4 =	vadd.f32 v10, v4;
	v9 =	vadd.s32 v14, v9;
	v11 =	vadd.s32 $0x7FFF, v11  }
0x27b: {  	v9 =	vadd.s32 $0x7FFF, v9;
	v10 =	vand.u32 $0xFFFF0000, v11  }
0x27c: {  	v11 =	vand.u32 $0xFFFF0000, v9;
	v9 =	vmul.f32 v10, v10  }
0x27d: {  	s0 =	simm.s32 $0x0  }
0x27e: {  	v12 =	vshrl.u32 v8, $0x10;
	s0 =	sand.u32 $0x3F0, s0  }
0x27f: {  	v12 =	vand.u32 $0x1, v12;
	v13 =	vld [tilespmem:s0+$0x8180]  }
0x280: {  	v14 =	vshrl.u32 v6, $0x10;
	v8 =	vadd.s32 v12, v8;
	v12 =	vld [tilespmem:s0+$0x7C80]  }
0x281: {  	v10 =	vmul.f32 v10, v11;
	v11 =	vmul.f32 v11, v11;
	v14 =	vand.u32 $0x1, v14  }
0x282: {  	v7 =	vadd.f32 v9, v7;
	v6 =	vadd.s32 v14, v6;
	v8 =	vadd.s32 $0x7FFF, v8  }
0x283: {  	v5 =	vadd.f32 v11, v5;
	v6 =	vadd.s32 $0x7FFF, v6;
	v8 =	vand.u32 $0xFFFF0000, v8  }
0x284: {  	v4 =	vadd.f32 v10, v4;
	v6 =	vand.u32 $0xFFFF0000, v6;
	v9 =	vmul.f32 v8, v8  }
0x285: {  	v8 =	vmul.f32 v8, v6;
	v10 =	vshrl.u32 v13, $0x10;
	v11 =	vshrl.u32 v12, $0x10  }
0x286: {  	s31 =	simm.s32 $0x10;
	v6 =	vmul.f32 v6, v6;
	v10 =	vand.u32 $0x1, v10;
	v11 =	vand.u32 $0x1, v11  }
0x287: {  	s1 =	sand.u32 $0x3F0, s31;
	v9 =	vadd.f32 v9, v7;
	v7 =	vadd.s32 v10, v13;
	v11 =	vadd.s32 v11, v12  }
0x288: {  	v10 =	vadd.f32 v6, v5;
	v5 =	vld [tilespmem:s1+$0x8180];
	v6 =	vadd.s32 $0x7FFF, v7;
	v7 =	vadd.s32 $0x7FFF, v11  }
0x289: {  	v13 =	vand.u32 $0xFFFF0000, v7;
	v7 =	vld [tilespmem:s1+$0x7C80];
	_ =	sdelay $0x1  }
0x28a: {  	v12 =	vadd.f32 v8, v4;
	v11 =	vand.u32 $0xFFFF0000, v6  }
0x28b: {  	s0 =	simm.s32 $0x20;
	v4 =	vimm.f32 $0.0e+00;
	v6 =	vimm.f32 $0.0e+00;
	v8 =	vmul.f32 v11, v11  }
.LBB2_16:
0x28c: {  	s1 =	sand.u32 $0x3F0, s0;
	p0 =	sne.s32 s0, $0x270;
	s0 =	sadd.s32 $0x10, s0;
	v14 =	vshrl.u32 v5, $0x10;
	v15 =	vmul.f32 v13, v13;
	v11 =	vmul.f32 v11, v13;
	v13 =	vmovc v5  }
.Ltmp7:
0x28d: {  	v5 =	vld [tilespmem:s1+$0x8180];
	v16 =	vshrl.u32 v7, $0x10;
	v14 =	vand.u32 $0x1, v14;
	v3 =	vadd.f32 v8, v3;
	v8 =	vmovc v7;
	(pc) =	sbr.rel @p0 .LBB2_16-.Ltmp7, $4  }
0x28e: {  	v7 =	vld [tilespmem:s1+$0x7C80];
	v16 =	vand.u32 $0x1, v16;
	v13 =	vadd.s32 v14, v13;
	v6 =	vadd.f32 v15, v6  }
0x28f: {  	v4 =	vadd.f32 v11, v4;
	v8 =	vadd.s32 v16, v8;
	v13 =	vadd.s32 $0x7FFF, v13  }
0x290: {  	v8 =	vadd.s32 $0x7FFF, v8;
	v11 =	vand.u32 $0xFFFF0000, v13  }
0x291: {  	v13 =	vand.u32 $0xFFFF0000, v8;
	v8 =	vmul.f32 v11, v11  }
0x292: {  	(xrf2) =	vadd.scan.msk.f32 $0xffff, v10  }
0x293: {  	(xrf2) =	vadd.scan.msk.f32 $0xffff, v12  }
0x294: {  	(xrf2) =	vadd.scan.msk.f32 $0xffff, v9;
	_ =	sdelay $0x6  }
0x295: {  	(v2sf) =	vpush v2, $0x0  }
0x296: {  	(v2sf) =	vpush v2, $0x1;
	v2, _, _ =	vpop (xrf2)  }
0x297: {  	(v2sf) =	vpush v2, $0xF;
	v2, _, _ =	vpop (xrf2)  }
0x298: {  	(v2sf) =	vpush v2, $0xF;
	v2, _, _ =	vpop (xrf2)  }
0x299: {  	(v2sf) =	vpush v2, $0xF;
	_ =	sdelay $0xa  }
0x29a: {  	s25 =	spop (v2sf)  }
0x29b: {  	s26 =	spop (v2sf)  }
0x29c: {  	s0 =	spop (v2sf)  }
0x29d: {  	s1 =	spop (v2sf)  }
0x29e: {  	s2 =	spop (v2sf);
	s20 =	smul.f32 s1, s1  }
0x29f: {  	v56 =	vshrl.u32 v7, $0x10;
	s0 =	smul.f32 s2, s0  }
0x2a0: {  	v57 =	vshrl.u32 v5, $0x10;
	v58 =	vmul.f32 v13, v13;
	v9 =	vand.u32 $0x1, v56  }
0x2a1: {  	v60 =	vmul.f32 v11, v13;
	v10 =	vand.u32 $0x1, v57;
	v59 =	vadd.s32 v9, v7;
	s0 =	ssub.f32 s0, s20  }
0x2a2: {  	v61 =	vadd.s32 v10, v5;
	v6 =	vadd.f32 v58, v6;
	v7 =	vadd.s32 $0x7FFF, v59  }
0x2a3: {  	v5 =	vadd.s32 $0x7FFF, v61;
	v7 =	vand.u32 $0xFFFF0000, v7;
	v63 =	vmov s0  }
0x2a4: {  	v5 =	vand.u32 $0xFFFF0000, v5;
	v62 =	vmul.f32 v7, v7;
	(erf) = vrcp.f32 v63  }
0x2a5: {  	v4 =	vadd.f32 v60, v4;
	v7 =	vmul.f32 v5, v7  }
0x2a6: {  	v3 =	vadd.f32 v8, v3;
	v5 =	vmul.f32 v5, v5;
	v6 =	vadd.f32 v62, v6  }
0x2a7: {  	v4 =	vadd.f32 v7, v4  }
0x2a8: {  	v3 =	vadd.f32 v5, v3;
	(xrf2) =	vadd.scan.msk.f32 $0xffff, v6  }
0x2a9: {  	(xrf2) =	vadd.scan.msk.f32 $0xffff, v4  }
0x2aa: {  	(xrf2) =	vadd.scan.msk.f32 $0xffff, v3;
	_ =	sdelay $0x1  }
0x2ab: {  	v2 =	vbroadcast v2, $0xF  }
0x2ac: {  	v3 =	vpop (erf)  }
0x2ad: {  	v2 =	vmul.f32 v3, v2;
	_ =	sdelay $0x2  }
0x2ae: {  	(v2sf) =	vpush v2, $0x0  }
0x2af: {  	(v2sf) =	vpush v3, $0x0;
	v2, _, _ =	vpop (xrf2)  }
0x2b0: {  	v3, _, _ =	vpop (xrf2);
	(v2sf) =	vpush v2, $0xF  }
0x2b1: {  	(v2sf) =	vpush v3, $0xF;
	v2, _, _ =	vpop (xrf2)  }
0x2b2: {  	(v2sf) =	vpush v2, $0xF;
	_ =	sdelay $0xa  }
0x2b3: {  	s30 =	spop (v2sf)  }
0x2b4: {  	s0 =	spop (v2sf)  }
0x2b5: {  	s21 =	spop (v2sf)  }
0x2b6: {  	s4 =	spop (v2sf)  }
0x2b7: {  	s9 =	spop (v2sf);
	s10 =	smul.f32 s4, s4  }
0x2b8: {  	s2 =	smul.f32 s9, s21;
	_ =	sdelay $0x1  }
0x2b9: {  	s2 =	ssub.f32 s2, s10;
	_ =	sdelay $0x1  }
0x2ba: {  	v3 =	vmov s2  }
0x2bb: {  	(erf) = vrcp.f32 v3;
	_ =	sdelay $0x7  }
0x2bc: {  	v2 =	vbroadcast v2, $0xF  }
0x2bd: {  	v3 =	vpop (erf)  }
0x2be: {  	v2 =	vmul.f32 v3, v2;
	_ =	sdelay $0x1  }
0x2bf: {  	(v2sf) =	vpush v2, $0x0  }
0x2c0: {  	(v2sf) =	vpush v3, $0x0;
	_ =	sdelay $0xc  }
0x2c1: {  	s1 =	ssub.f32 $0.0e+00, s1  }
0x2c2: {  	s20 =	ssub.f32 $0.0e+00, s4;
	s31 =	spop (v2sf)  }
0x2c3: {  	s28 =	simm.f32 $0.0e+00;
	s0 =	smul.f32 s0, s1;
	s21 =	spop (v2sf)  }
0x2c4: {  	s29 =	simm.f32 $0.0e+00;
	s1 =	simm.s32 $0x0;
	s4 =	smul.f32 s21, s20  }
.LBB2_18:
0x2c5: {  	v2 =	vor.u32 s15, v0  }
0x2c6: {  	v3 =	vmul.u32 $0x147B, v2  }
0x2c7: {  	s2 =	smax.f32 s23, $-1.000000000e+06  }
0x2c8: {  	s2 =	smin.f32 s2, $1.000000000e+06;
	v3 =	vshrl.u32 v3, $0x11  }
0x2c9: {  	s9 =	scvt.f32.s32 s2;
	v4 =	vmul.u32 $0xFFFFFFE7, v3  }
0x2ca: {  	s10 =	smax.f32 s24, $-1.000000000e+06  }
0x2cb: {  	s10 =	smin.f32 s10, $1.000000000e+06;
	s20 =	scvt.s32.f32 s9;
	v2 =	vadd.s32 v2, v4  }
0x2cc: {  	s21 =	scvt.f32.s32 s10;
	v2 =	vcvt.s32.f32 v2  }
0x2cd: {  	p0 =	slt.f32 s2, s20;
	v4 =	vmov s23  }
0x2ce: {  	v3 =	vcvt.s32.f32 v3;
	s2 =	scvt.s32.f32 s21;
	s20 =	simm.s32 $0x1;
	v2 =	vadd.f32 v2, v4  }
0x2cf: {  	v5 =	vmov s25;
	s20 =	simm.s32 @!p0 $0x0  }
0x2d0: {  	v3 =	vadd.f32 v3, v5;
	p0 =	slt.f32 s10, s2;
	s20 =	ssub.s32 s9, s20;
	v2 =	vadd.f32 $-1.200000000e+01, v2  }
0x2d1: {  	s9 =	simm.s32 $0x1;
	s2 =	sadd.s32 $0xFFFFFFF2, s20  }
0x2d2: {  	v3 =	vadd.f32 $-1.200000000e+01, v3;
	s9 =	simm.s32 @!p0 $0x0;
	p0 =	sgt.s32 s2, $0x0;
	v2 =	vmax.f32 v2, $-1.000000000e+06  }
0x2d3: {  	s9 =	ssub.s32 s21, s9;
	s2 =	simm.s32 @!p0 $0x0;
	v6 =	vmin.f32 v2, $1.000000000e+06  }
0x2d4: {  	s9 =	sadd.s32 $0xFFFFFFF2, s9;
	s10 =	smin.u32 s2, $0x1E3;
	v2 =	vmax.f32 v3, $-1.000000000e+06;
	v3 =	vtrunc.f32 v6  }
0x2d5: {  	p0 =	sgt.s32 s9, $0x0;
	s21 =	sshll.u32 s10, $0x6;
	v8 =	vmin.f32 v2, $1.000000000e+06;
	vm0 =	vlt.f32 v6, v3  }
0x2d6: {  	s9 =	simm.s32 @!p0 $0x0;
	s20 =	sadd.s32 s6, s21;
	v2 =	vcvt.f32.s32 v3;
	v3 =	vtrunc.f32 v8;
	v9 =	vsel vm0, $0xFFFFFFFF, v1  }
0x2d7: {  	[tilespmem:s17], [sflag:$0x1] =	stream.linear.gather [hbm4b:s20+s15], $0x3A00, $0x38;
	v10 =	vcvt.f32.s32 v3;
	vm10 =	vlt.f32 v8, v3;
	v3 =	vmov s10;
	[tilespmem:$0x8500] =	vst v63  }
0x2d8: {  	s2 =	smin.u32 s9, $0x1E3;
	s10 =	simm.s32 $0x10;
	v9 =	vadd.s32 v2, v9;
	v11 =	vsel vm10, $0xFFFFFFFF, v1;
	v2 =	vimm.f32 $0.0e+00  }
0x2d9: {  	s21 =	sshll.u32 s2, $0x6;
	v16 =	vor.u32 s10, v0;
	v12 =	vcvt.s32.f32 v9;
	v10 =	vadd.s32 v10, v11  }
0x2da: {  	s9 =	sadd.s32 s6, s21;
	vm12 =	vgt.s32 v9, $0x0;
	vm11 =	vgt.s32 v10, $0x0;
	v11 =	vcvt.s32.f32 v10  }
0x2db: {  	[tilespmem:s18], [sflag:$0x2] =	stream.linear.gather [hbm4b:s9+s15], $0x3A00, $0x38;
	v17 =	vmul.u32 $0x147B, v16;
	vm1 =	vgt.f32 v6, v12;
	v12 =	vnsel vm11, $0x0, v10;
	[tilespmem:$0x8500] =	vst v63  }
0x2dc: {  	_ =	swait.ge [sflag:s16], $0x3A00;
	v14 =	vsel vm1, $0x1, v1;
	vm13 =	vgt.f32 v8, v11;
	v11 =	vnsel vm12, $0x0, v9  }
0x2dd: {  	[sflag:s16] =	ssyncset.done $0x0;
	v17 =	vshrl.u32 v17, $0x11;
	v9 =	vadd.s32 v14, v9;
	v11 =	vmin.u32 v11, $0x1FF  }
0x2de: {  	s20 =	simm.s32 $0x7A00;
	[sflag:s16] =	ssyncadd.s32 $0xFFFFC600;
	v12 =	vmin.u32 v12, $0x1FF;
	vm14 =	vgt.s32 v9, $0x0;
	v15 =	vsub.s32 v11, v3  }
0x2df: {  	v7 =	vld [tilespmem:s20+$0x0];
	v14 =	vsel vm13, $0x1, v1;
	v9 =	vnsel vm14, $0x0, v9;
	vm15 =	vgt.s32 v15, $0x0  }
0x2e0: {  	v10 =	vadd.s32 v14, v10;
	v9 =	vmin.u32 v9, $0x1FF;
	v14 =	vnsel vm15, $0x0, v15  }
0x2e1: {  	s21 =	simm.s32 $0x7A10;
	vm4 =	vgt.s32 v10, $0x0;
	v9 =	vsub.s32 v9, v3;
	v14 =	vmin.u32 v14, $0x1C  }
0x2e2: {  	v22 =	vld [tilespmem:s21+$0x0];
	v10 =	vnsel vm4, $0x0, v10;
	vm5 =	vgt.s32 v9, $0x0;
	v14 =	vshll.u32 v14, $0x9  }
0x2e3: {  	v10 =	vmin.u32 v10, $0x1FF;
	v9 =	vnsel vm5, $0x0, v9;
	v15 =	vor.u32 v12, v14  }
0x2e4: {  	v13 =	vshrl.u32 v7, $0x10;
	v14 =	vor.u32 v10, v14;
	v9 =	vmin.u32 v9, $0x1C  }
0x2e5: {  	s20 =	simm.s32 $0x7F00;
	v11 =	vcvt.s32.f32 v11;
	v13 =	vand.u32 $0x1, v13;
	v9 =	vshll.u32 v9, $0x9  }
0x2e6: {  	v7 =	vadd.s32 v13, v7;
	v13 =	vld [tilespmem:s20+$0x0];
	v19 =	vor.u32 v12, v9;
	v12 =	vcvt.s32.f32 v12  }
0x2e7: {  	v20 =	vcvt.s32.f32 v17;
	v6 =	vsub.f32 v6, v11;
	v18 =	vshrl.u32 v22, $0x10  }
0x2e8: {  	v9 =	vor.u32 v10, v9;
	v10 =	vld.idx.msk [tilespmem:v15+s17+$0x0], $0xffff;
	v15 =	vmul.u32 $0xFFFFFFE7, v17;
	v12 =	vsub.f32 v8, v12  }
0x2e9: {  	v23 =	vand.u32 $0x1, v18;
	v7 =	vadd.s32 $0x7FFF, v7;
	v11 =	vld.idx.msk [tilespmem:v14+s17+$0x0], $0xffff;
	v8 =	vadd.f32 v20, v5  }
0x2ea: {  	v14 =	vadd.s32 v16, v15;
	v15 =	vsub.f32 $1.000000000e+00, v12;
	v16 =	vsub.f32 $1.000000000e+00, v6  }
0x2eb: {  	v24 =	vand.u32 $0xFFFF0000, v7;
	v18 =	vshrl.u32 v13, $0x10;
	v17 =	vld.idx.msk [tilespmem:v19+s17+$0x0], $0xffff;
	v14 =	vcvt.s32.f32 v14  }
0x2ec: {  	v8 =	vadd.f32 $-1.200000000e+01, v8;
	v7 =	vmul.f32 v16, v15;
	v16 =	vmul.f32 v16, v12  }
0x2ed: {  	v9 =	vld.idx.msk [tilespmem:v9+s17+$0x0], $0xffff;
	v15 =	vmul.f32 v6, v15;
	v6 =	vmul.f32 v6, v12;
	v14 =	vadd.f32 v14, v4  }
0x2ee: {  	v8 =	vmax.f32 v8, $-1.000000000e+06;
	v7 =	vmul.f32 v10, v7;
	v10 =	vmul.f32 v11, v16  }
0x2ef: {  	v8 =	vmin.f32 v8, $1.000000000e+06;
	v16 =	vand.u32 $0x1, v18;
	v11 =	vadd.f32 $-1.200000000e+01, v14  }
0x2f0: {  	v14 =	vtrunc.f32 v8;
	v7 =	vadd.f32 v10, v7;
	v10 =	vmul.f32 v17, v15  }
0x2f1: {  	s20 =	simm.s32 $0x7500;
	v13 =	vadd.s32 v16, v13;
	v12 =	vcvt.f32.s32 v14;
	vm6 =	vlt.f32 v8, v14  }
0x2f2: {  	v14 =	vld [tilespmem:s20+$0x0];
	v6 =	vmul.f32 v9, v6;
	v11 =	vmax.f32 v11, $-1.000000000e+06;
	v7 =	vadd.f32 v10, v7  }
0x2f3: {  	v9 =	vmin.f32 v11, $1.000000000e+06;
	v10 =	vsel vm6, $0xFFFFFFFF, v1;
	v11 =	vadd.s32 $0x7FFF, v13  }
0x2f4: {  	v10 =	vadd.s32 v12, v10;
	v12 =	vtrunc.f32 v9;
	v6 =	vadd.f32 v6, v7  }
0x2f5: {  	v7 =	vcvt.f32.s32 v12;
	vm7 =	vlt.f32 v9, v12;
	v13 =	vcvt.s32.f32 v10  }
0x2f6: {  	v11 =	vand.u32 $0xFFFF0000, v11;
	vm8 =	vgt.s32 v10, $0x0;
	v12 =	vsel vm7, $0xFFFFFFFF, v1  }
0x2f7: {  	v6 =	vsub.f32 v6, v14;
	v7 =	vadd.s32 v7, v12;
	vm9 =	vgt.f32 v8, v13  }
0x2f8: {  	v12 =	vnsel vm8, $0x0, v10;
	v13 =	vcvt.s32.f32 v7;
	v15 =	vsel vm9, $0x1, v1  }
0x2f9: {  	v12 =	vmin.u32 v12, $0x1FF;
	vm11 =	vgt.s32 v7, $0x0;
	v14 =	vshrl.u32 v6, $0x10  }
0x2fa: {  	v10 =	vadd.s32 v15, v10;
	v14 =	vand.u32 $0x1, v14;
	vm10 =	vgt.f32 v9, v13  }
0x2fb: {  	v6 =	vadd.s32 v14, v6;
	v13 =	vsel vm10, $0x1, v1;
	v14 =	vnsel vm11, $0x0, v7  }
0x2fc: {  	v6 =	vadd.s32 $0x7FFF, v6;
	v7 =	vadd.s32 v13, v7;
	v14 =	vmin.u32 v14, $0x1FF  }
0x2fd: {  	v13 =	vand.u32 $0xFFFF0000, v6;
	vm12 =	vgt.s32 v7, $0x0;
	v6 =	vsub.s32 v14, v3  }
0x2fe: {  	v11 =	vmul.f32 v13, v11;
	v7 =	vnsel vm12, $0x0, v7;
	vm13 =	vgt.s32 v6, $0x0  }
0x2ff: {  	s9 =	simm.s32 $0x7A20;
	vm14 =	vgt.s32 v10, $0x0;
	v15 =	vmin.u32 v7, $0x1FF;
	v16 =	vnsel vm13, $0x0, v6  }
0x300: {  	v6 =	vld [tilespmem:s9+$0x0];
	v7 =	vadd.f32 v11, v2;
	v11 =	vmin.u32 v16, $0x1C;
	v16 =	vsub.s32 v15, v3  }
0x301: {  	v10 =	vnsel vm14, $0x0, v10;
	v11 =	vshll.u32 v11, $0x9;
	vm15 =	vgt.s32 v16, $0x0  }
0x302: {  	s21 =	simm.s32 $0x20;
	v15 =	vmin.u32 v10, $0x1FF;
	v10 =	vnsel vm15, $0x0, v16;
	v19 =	vor.u32 v12, v11  }
0x303: {  	v16 =	vor.u32 s21, v0;
	v18 =	vor.u32 v15, v11;
	v10 =	vmin.u32 v10, $0x1C  }
0x304: {  	v13 =	vmul.f32 v13, v24;
	v21 =	vmul.u32 $0x147B, v16;
	v20 =	vshll.u32 v10, $0x9  }
0x305: {  	s10 =	simm.s32 $0x30;
	s21 =	simm.s32 $0x7F10;
	v11 =	vshrl.u32 v6, $0x10;
	v10 =	vadd.s32 v23, v22;
	v17 =	vor.u32 v12, v20  }
.LBB2_19:
0x306: {  	p0 =	sne.s32 s10, $0x270;
	v21 =	vshrl.u32 v21, $0x11;
	v12 =	vcvt.s32.f32 v12;
	v14 =	vcvt.s32.f32 v14;
	v22 =	vld [tilespmem:s21+$0x0]  }
0x307: {  	v15 =	vor.u32 v15, v20;
	v2 =	vadd.f32 v13, v2;
	v23 =	vcvt.s32.f32 v21;
	v19 =	vld.idx.msk [tilespmem:v19+s17+$0x0], $0xffff  }
0x308: {  	v13 =	vmul.u32 $0xFFFFFFE7, v21;
	v12 =	vsub.f32 v8, v12;
	v9 =	vsub.f32 v9, v14;
	v14 =	vld.idx.msk [tilespmem:v18+s17+$0x0], $0xffff  }
0x309: {  	v10 =	vadd.s32 $0x7FFF, v10;
	v8 =	vadd.f32 v23, v5;
	v23 =	vand.u32 $0x1, v11  }
0x30a: {  	v11 =	vadd.s32 v16, v13;
	v13 =	vsub.f32 $1.000000000e+00, v12;
	v16 =	vsub.f32 $1.000000000e+00, v9;
	v17 =	vld.idx.msk [tilespmem:v17+s17+$0x0], $0xffff  }
0x30b: {  	v10 =	vand.u32 $0xFFFF0000, v10;
	v11 =	vcvt.s32.f32 v11;
	v8 =	vadd.f32 $-1.200000000e+01, v8  }
0x30c: {  	v20 =	vshrl.u32 v22, $0x10;
	v15 =	vld.idx.msk [tilespmem:v15+s17+$0x0], $0xffff;
	v18 =	vmul.f32 v16, v13;
	v16 =	vmul.f32 v16, v12  }
0x30d: {  	v11 =	vadd.f32 v11, v4;
	v13 =	vmul.f32 v9, v13;
	v8 =	vmax.f32 v8, $-1.000000000e+06  }
0x30e: {  	v8 =	vmin.f32 v8, $1.000000000e+06;
	v18 =	vmul.f32 v19, v18;
	v14 =	vmul.f32 v14, v16  }
0x30f: {  	v11 =	vadd.f32 $-1.200000000e+01, v11;
	v19 =	vand.u32 $0x1, v20;
	v16 =	vtrunc.f32 v8  }
0x310: {  	s20 =	sadd.s32 $0x10, s20;
	v9 =	vmul.f32 v9, v12;
	v13 =	vmul.f32 v17, v13;
	v14 =	vadd.f32 v14, v18  }
0x311: {  	v17 =	vadd.s32 v19, v22;
	v12 =	vcvt.f32.s32 v16;
	vm0 =	vlt.f32 v8, v16;
	v16 =	vld [tilespmem:s20+$0x0]  }
0x312: {  	v11 =	vmax.f32 v11, $-1.000000000e+06;
	v13 =	vadd.f32 v13, v14;
	v14 =	vmul.f32 v15, v9  }
0x313: {  	v9 =	vmin.f32 v11, $1.000000000e+06;
	v11 =	vsel vm0, $0xFFFFFFFF, v1;
	v15 =	vadd.s32 $0x7FFF, v17  }
0x314: {  	v11 =	vadd.s32 v12, v11;
	v12 =	vtrunc.f32 v9;
	v13 =	vadd.f32 v14, v13  }
0x315: {  	v14 =	vcvt.f32.s32 v12;
	vm0 =	vlt.f32 v9, v12;
	vm1 =	vgt.s32 v11, $0x0  }
0x316: {  	v17 =	vcvt.s32.f32 v11;
	v12 =	vsel vm0, $0xFFFFFFFF, v1;
	v13 =	vsub.f32 v13, v16  }
0x317: {  	v15 =	vand.u32 $0xFFFF0000, v15;
	v14 =	vadd.s32 v14, v12;
	v12 =	vnsel vm1, $0x0, v11  }
0x318: {  	vm0 =	vgt.f32 v8, v17;
	v16 =	vcvt.s32.f32 v14;
	v17 =	vshrl.u32 v13, $0x10  }
0x319: {  	v18 =	vsel vm0, $0x1, v1;
	v12 =	vmin.u32 v12, $0x1FF;
	v17 =	vand.u32 $0x1, v17  }
0x31a: {  	vm1 =	vgt.s32 v14, $0x0;
	vm0 =	vgt.f32 v9, v16;
	v13 =	vadd.s32 v17, v13  }
0x31b: {  	v16 =	vsel vm0, $0x1, v1;
	v17 =	vnsel vm1, $0x0, v14;
	v13 =	vadd.s32 $0x7FFF, v13  }
0x31c: {  	v16 =	vadd.s32 v16, v14;
	v14 =	vmin.u32 v17, $0x1FF;
	v13 =	vand.u32 $0xFFFF0000, v13  }
0x31d: {  	vm0 =	vgt.s32 v16, $0x0;
	v17 =	vsub.s32 v14, v3;
	v15 =	vmul.f32 v13, v15  }
0x31e: {  	v11 =	vadd.s32 v18, v11;
	v16 =	vnsel vm0, $0x0, v16;
	vm0 =	vgt.s32 v17, $0x0  }
0x31f: {  	s9 =	sadd.s32 $0x10, s9;
	v16 =	vmin.u32 v16, $0x1FF;
	v17 =	vnsel vm0, $0x0, v17;
	v7 =	vadd.f32 v15, v7  }
0x320: {  	vm0 =	vgt.s32 v11, $0x0;
	v15 =	vmin.u32 v17, $0x1C;
	v16 =	vsub.s32 v16, v3;
	v22 =	vld [tilespmem:s9+$0x0]  }
.Ltmp8:
0x321: {  	v11 =	vnsel vm0, $0x0, v11;
	v17 =	vshll.u32 v15, $0x9;
	vm0 =	vgt.s32 v16, $0x0;
	(pc) =	sbr.rel @p0 .LBB2_19-.Ltmp8, $4  }
0x322: {  	v15 =	vmin.u32 v11, $0x1FF;
	v11 =	vnsel vm0, $0x0, v16;
	v19 =	vor.u32 v12, v17  }
0x323: {  	v16 =	vor.u32 s10, v0;
	v18 =	vor.u32 v15, v17;
	v11 =	vmin.u32 v11, $0x1C  }
0x324: {  	v13 =	vmul.f32 v13, v10;
	v21 =	vmul.u32 $0x147B, v16;
	v20 =	vshll.u32 v11, $0x9  }
0x325: {  	s21 =	sadd.s32 $0x10, s21;
	v10 =	vadd.s32 v23, v6;
	s10 =	sadd.s32 $0x10, s10;
	v17 =	vor.u32 v12, v20;
	v11 =	vshrl.u32 v22, $0x10;
	v6 =	vmovc v22  }
0x326: {  	v21 =	vshrl.u32 v21, $0x11  }
0x327: {  	v12 =	vcvt.s32.f32 v12;
	v14 =	vcvt.s32.f32 v14;
	v22 =	vmul.u32 $0xFFFFFFE7, v21  }
0x328: {  	v21 =	vcvt.s32.f32 v21  }
0x329: {  	v8 =	vsub.f32 v8, v12;
	v9 =	vsub.f32 v9, v14;
	v12 =	vadd.s32 v16, v22  }
0x32a: {  	v15 =	vor.u32 v15, v20;
	v14 =	vld.idx.msk [tilespmem:v19+s17+$0x0], $0xffff;
	v5 =	vadd.f32 v21, v5;
	v12 =	vcvt.s32.f32 v12  }
0x32b: {  	v16 =	vld.idx.msk [tilespmem:v18+s17+$0x0], $0xffff;
	v18 =	vsub.f32 $1.000000000e+00, v8;
	v19 =	vsub.f32 $1.000000000e+00, v9  }
0x32c: {  	v5 =	vadd.f32 $-1.200000000e+01, v5;
	v4 =	vadd.f32 v12, v4  }
0x32d: {  	v12 =	vld.idx.msk [tilespmem:v17+s17+$0x0], $0xffff;
	v17 =	vmul.f32 v19, v18  }
0x32e: {  	v19 =	vmul.f32 v19, v8;
	v5 =	vmax.f32 v5, $-1.000000000e+06;
	v4 =	vadd.f32 $-1.200000000e+01, v4  }
0x32f: {  	v2 =	vadd.f32 v13, v2;
	v15 =	vld.idx.msk [tilespmem:v15+s17+$0x0], $0xffff;
	v18 =	vmul.f32 v9, v18;
	v5 =	vmin.f32 v5, $1.000000000e+06  }
0x330: {  	v14 =	vmul.f32 v14, v17;
	v16 =	vmul.f32 v16, v19;
	v4 =	vmax.f32 v4, $-1.000000000e+06  }
0x331: {  	v8 =	vmul.f32 v9, v8;
	v17 =	vtrunc.f32 v5;
	v4 =	vmin.f32 v4, $1.000000000e+06  }
0x332: {  	v14 =	vadd.f32 v16, v14;
	vm1 =	vlt.f32 v5, v17;
	v16 =	vtrunc.f32 v4  }
0x333: {  	v12 =	vmul.f32 v12, v18;
	v9 =	vcvt.f32.s32 v16;
	vm0 =	vlt.f32 v4, v16  }
0x334: {  	v8 =	vmul.f32 v15, v8;
	v16 =	vcvt.f32.s32 v17;
	v17 =	vsel vm0, $0xFFFFFFFF, v1  }
0x335: {  	v12 =	vadd.f32 v12, v14;
	v14 =	vsel vm1, $0xFFFFFFFF, v1;
	v9 =	vadd.s32 v9, v17  }
0x336: {  	v11 =	vand.u32 $0x1, v11;
	v14 =	vadd.s32 v16, v14;
	v15 =	vcvt.s32.f32 v9  }
0x337: {  	v10 =	vadd.s32 $0x7FFF, v10;
	v8 =	vadd.f32 v8, v12;
	v16 =	vcvt.s32.f32 v14  }
0x338: {  	vm14 =	vgt.s32 v14, $0x0;
	vm15 =	vgt.s32 v9, $0x0;
	vm4 =	vgt.f32 v4, v15  }
0x339: {  	v15 =	vnsel vm15, $0x0, v9;
	vm5 =	vgt.f32 v5, v16;
	v16 =	vsel vm4, $0x1, v1  }
0x33a: {  	v17 =	vnsel vm14, $0x0, v14;
	v15 =	vmin.u32 v15, $0x1FF;
	v9 =	vadd.s32 v16, v9  }
0x33b: {  	v17 =	vmin.u32 v17, $0x1FF;
	v16 =	vsub.s32 v15, v3;
	vm6 =	vgt.s32 v9, $0x0  }
0x33c: {  	s10 =	sadd.s32 $0x10, s20;
	v18 =	vsel vm5, $0x1, v1;
	vm7 =	vgt.s32 v16, $0x0;
	v9 =	vnsel vm6, $0x0, v9  }
0x33d: {  	v19 =	vld [tilespmem:s10+$0x0];
	v14 =	vadd.s32 v18, v14;
	v16 =	vnsel vm7, $0x0, v16;
	v9 =	vmin.u32 v9, $0x1FF  }
0x33e: {  	vm8 =	vgt.s32 v14, $0x0;
	v16 =	vmin.u32 v16, $0x1C;
	v3 =	vsub.s32 v9, v3  }
0x33f: {  	v9 =	vnsel vm8, $0x0, v14;
	v14 =	vshll.u32 v16, $0x9;
	vm9 =	vgt.s32 v3, $0x0  }
0x340: {  	v18 =	vld [tilespmem:s21+$0x0];
	v9 =	vmin.u32 v9, $0x1FF;
	v16 =	vor.u32 v17, v14;
	v3 =	vnsel vm9, $0x0, v3  }
0x341: {  	v6 =	vadd.s32 v11, v6;
	v14 =	vor.u32 v9, v14;
	v3 =	vmin.u32 v3, $0x1C  }
0x342: {  	v8 =	vsub.f32 v8, v19;
	v13 =	vcvt.s32.f32 v15;
	v3 =	vshll.u32 v3, $0x9  }
0x343: {  	v6 =	vadd.s32 $0x7FFF, v6;
	v12 =	vcvt.s32.f32 v17;
	v17 =	vor.u32 v17, v3  }
0x344: {  	v4 =	vsub.f32 v4, v13;
	v13 =	vshrl.u32 v8, $0x10;
	v3 =	vor.u32 v9, v3  }
0x345: {  	s9 =	simm.s32 $0x0;
	v5 =	vsub.f32 v5, v12;
	v13 =	vand.u32 $0x1, v13;
	v15 =	vshrl.u32 v18, $0x10;
	v16 =	vld.idx.msk [tilespmem:v16+s17+$0x0], $0xffff  }
0x346: {  	v8 =	vadd.s32 v13, v8;
	v13 =	vor.u32 s9, v0;
	v15 =	vand.u32 $0x1, v15;
	v9 =	vld.idx.msk [tilespmem:v14+s17+$0x0], $0xffff  }
0x347: {  	v12 =	vadd.s32 v15, v18;
	v15 =	vsub.f32 $1.000000000e+00, v4;
	v14 =	vsub.f32 $1.000000000e+00, v5  }
0x348: {  	v10 =	vand.u32 $0xFFFF0000, v10;
	v6 =	vand.u32 $0xFFFF0000, v6;
	v19 =	vmul.u32 $0x147B, v13;
	v17 =	vld.idx.msk [tilespmem:v17+s17+$0x0], $0xffff  }
0x349: {  	v8 =	vadd.s32 $0x7FFF, v8;
	v18 =	vmul.f32 v15, v14;
	v15 =	vmul.f32 v15, v5;
	v3 =	vld.idx.msk [tilespmem:v3+s17+$0x0], $0xffff  }
0x34a: {  	v8 =	vand.u32 $0xFFFF0000, v8;
	v12 =	vadd.s32 $0x7FFF, v12;
	v14 =	vmul.f32 v4, v14  }
0x34b: {  	s21 =	sadd.s32 $0x10, s21;
	v16 =	vmul.f32 v16, v18;
	v9 =	vmul.f32 v9, v15;
	v15 =	vshrl.u32 v19, $0x11  }
0x34c: {  	v12 =	vand.u32 $0xFFFF0000, v12;
	v4 =	vmul.f32 v4, v5;
	v19 =	vld [tilespmem:s21+$0x0];
	v18 =	vmul.u32 $0xFFFFFFE7, v15  }
0x34d: {  	v12 =	vmul.f32 v8, v12;
	v9 =	vadd.f32 v9, v16;
	v14 =	vmul.f32 v17, v14  }
0x34e: {  	s10 =	sadd.s32 $0x10, s10;
	v5 =	vadd.s32 v13, v18;
	v3 =	vmul.f32 v3, v4;
	v4 =	vmul.f32 v8, v10  }
0x34f: {  	s20 =	simm.s32 $0x10;
	v12 =	vadd.f32 v12, v7;
	v13 =	vld [tilespmem:s10+$0x0];
	v8 =	vcvt.s32.f32 v15;
	v7 =	vcvt.s32.f32 v5  }
0x350: {  	v18 =	vor.u32 s20, v0;
	v5 =	vmov s24;
	v9 =	vadd.f32 v14, v9  }
0x351: {  	v14 =	vshrl.u32 v19, $0x10;
	v11 =	vadd.f32 v4, v2;
	v10 =	vadd.f32 v7, v5  }
0x352: {  	v7 =	vmov s26;
	v3 =	vadd.f32 v3, v9;
	v9 =	vand.u32 $0x1, v14  }
0x353: {  	v8 =	vadd.f32 v8, v7;
	v10 =	vadd.f32 $-1.200000000e+01, v10;
	v2 =	vadd.s32 v9, v19  }
0x354: {  	v19 =	vmul.u32 $0x147B, v18;
	v3 =	vsub.f32 v3, v13;
	v2 =	vadd.s32 $0x7FFF, v2  }
0x355: {  	v4 =	vadd.f32 $-1.200000000e+01, v8;
	v8 =	vmax.f32 v10, $-1.000000000e+06;
	v2 =	vand.u32 $0xFFFF0000, v2  }
0x356: {  	v19 =	vshrl.u32 v19, $0x11;
	v8 =	vmin.f32 v8, $1.000000000e+06;
	v9 =	vshrl.u32 v3, $0x10  }
0x357: {  	v4 =	vmax.f32 v4, $-1.000000000e+06;
	v21 =	vcvt.s32.f32 v19;
	v19 =	vmul.u32 $0xFFFFFFE7, v19  }
0x358: {  	v10 =	vtrunc.f32 v8;
	v13 =	vmin.f32 v4, $1.000000000e+06;
	v9 =	vand.u32 $0x1, v9  }
0x359: {  	v4 =	vcvt.f32.s32 v10;
	vm10 =	vlt.f32 v8, v10;
	v10 =	vtrunc.f32 v13  }
0x35a: {  	v14 =	vsel vm10, $0xFFFFFFFF, v1;
	v15 =	vcvt.f32.s32 v10;
	vm11 =	vlt.f32 v13, v10  }
0x35b: {  	v3 =	vadd.s32 v9, v3;
	v10 =	vadd.s32 v4, v14;
	v9 =	vsel vm11, $0xFFFFFFFF, v1  }
0x35c: {  	v3 =	vadd.s32 $0x7FFF, v3;
	v14 =	vcvt.s32.f32 v10;
	v9 =	vadd.s32 v15, v9  }
0x35d: {  	v4 =	vmov s2;
	v3 =	vand.u32 $0xFFFF0000, v3;
	v15 =	vcvt.s32.f32 v9  }
0x35e: {  	vm14 =	vgt.s32 v10, $0x0;
	vm12 =	vgt.s32 v9, $0x0;
	vm13 =	vgt.f32 v8, v14  }
0x35f: {  	v16 =	vsel vm13, $0x1, v1;
	vm15 =	vgt.f32 v13, v15;
	v15 =	vnsel vm14, $0x0, v10  }
0x360: {  	v14 =	vnsel vm12, $0x0, v9;
	v10 =	vadd.s32 v16, v10;
	v15 =	vmin.u32 v15, $0x1FF  }
0x361: {  	v14 =	vmin.u32 v14, $0x1FF;
	vm4 =	vgt.s32 v10, $0x0;
	v17 =	vsub.s32 v15, v4  }
0x362: {  	v16 =	vsel vm15, $0x1, v1;
	v10 =	vnsel vm4, $0x0, v10;
	vm5 =	vgt.s32 v17, $0x0  }
0x363: {  	v9 =	vadd.s32 v16, v9;
	v10 =	vmin.u32 v10, $0x1FF;
	v16 =	vnsel vm5, $0x0, v17  }
0x364: {  	vm6 =	vgt.s32 v9, $0x0;
	v10 =	vsub.s32 v10, v4;
	v16 =	vmin.u32 v16, $0x1C  }
0x365: {  	v9 =	vnsel vm6, $0x0, v9;
	vm7 =	vgt.s32 v10, $0x0;
	v16 =	vshll.u32 v16, $0x9  }
0x366: {  	v9 =	vmin.u32 v9, $0x1FF;
	v10 =	vnsel vm7, $0x0, v10;
	v17 =	vor.u32 v14, v16  }
0x367: {  	v2 =	vmul.f32 v3, v2;
	v16 =	vor.u32 v9, v16;
	v10 =	vmin.u32 v10, $0x1C  }
0x368: {  	_ =	swait.ge [sflag:s19], $0x3A00;
	v3 =	vmul.f32 v3, v6;
	v15 =	vcvt.s32.f32 v15;
	v10 =	vshll.u32 v10, $0x9  }
0x369: {  	[sflag:s19] =	ssyncset.done $0x0;
	v6 =	vadd.f32 v21, v7;
	v20 =	vor.u32 v14, v10;
	v14 =	vcvt.s32.f32 v14  }
0x36a: {  	[sflag:s19] =	ssyncadd.s32 $0xFFFFC600;
	v2 =	vadd.f32 v2, v12;
	v8 =	vsub.f32 v8, v15;
	v15 =	vadd.s32 v18, v19  }
0x36b: {  	v12 =	vcvt.s32.f32 v15;
	v9 =	vor.u32 v9, v10;
	v17 =	vld.idx.msk [tilespmem:v17+s18+$0x0], $0xffff;
	v13 =	vsub.f32 v13, v14  }
0x36c: {  	s9 =	sand.u32 $0x3F0, s9;
	v15 =	vadd.f32 $-1.200000000e+01, v6;
	v18 =	vsub.f32 $1.000000000e+00, v8;
	v10 =	vld.idx.msk [tilespmem:v16+s18+$0x0], $0xffff  }
0x36d: {  	v12 =	vadd.f32 v12, v5;
	v14 =	vld [tilespmem:s9+$0x8180];
	v16 =	vsub.f32 $1.000000000e+00, v13  }
0x36e: {  	v3 =	vadd.f32 v3, v11;
	v6 =	vimm.f32 $0.0e+00  }
0x36f: {  	v15 =	vmax.f32 v15, $-1.000000000e+06;
	v12 =	vadd.f32 $-1.200000000e+01, v12;
	v11 =	vld.idx.msk [tilespmem:v20+s18+$0x0], $0xffff;
	v19 =	vmul.f32 v18, v16  }
0x370: {  	v15 =	vmin.f32 v15, $1.000000000e+06;
	v9 =	vld.idx.msk [tilespmem:v9+s18+$0x0], $0xffff;
	v18 =	vmul.f32 v18, v13;
	v16 =	vmul.f32 v8, v16  }
0x371: {  	v12 =	vmax.f32 v12, $-1.000000000e+06;
	v8 =	vmul.f32 v8, v13;
	v17 =	vmul.f32 v17, v19  }
0x372: {  	s21 =	simm.s32 $0x20;
	v10 =	vmul.f32 v10, v18;
	v18 =	vshrl.u32 v14, $0x10;
	v19 =	vtrunc.f32 v15  }
0x373: {  	v13 =	vcvt.f32.s32 v19;
	vm8 =	vlt.f32 v15, v19;
	v19 =	vor.u32 s21, v0  }
0x374: {  	v10 =	vadd.f32 v10, v17;
	v11 =	vmul.f32 v11, v16;
	v16 =	vand.u32 $0x1, v18  }
0x375: {  	v17 =	vld [tilespmem:s9+$0x7780];
	v8 =	vmul.f32 v9, v8;
	v9 =	vmin.f32 v12, $1.000000000e+06;
	v20 =	vmul.u32 $0x147B, v19  }
0x376: {  	v12 =	vadd.s32 v16, v14;
	v10 =	vadd.f32 v11, v10;
	v11 =	vsel vm8, $0xFFFFFFFF, v1  }
0x377: {  	v12 =	vadd.s32 $0x7FFF, v12;
	v11 =	vadd.s32 v13, v11;
	v13 =	vtrunc.f32 v9  }
0x378: {  	v8 =	vadd.f32 v8, v10;
	v10 =	vcvt.f32.s32 v13;
	vm9 =	vlt.f32 v9, v13  }
0x379: {  	v20 =	vshrl.u32 v20, $0x11;
	v14 =	vcvt.s32.f32 v11;
	v13 =	vsel vm9, $0xFFFFFFFF, v1  }
0x37a: {  	vm10 =	vgt.s32 v11, $0x0;
	v8 =	vsub.f32 v8, v17;
	v10 =	vadd.s32 v10, v13  }
0x37b: {  	v13 =	vnsel vm10, $0x0, v11;
	vm11 =	vgt.f32 v15, v14;
	v14 =	vcvt.s32.f32 v10  }
0x37c: {  	v12 =	vand.u32 $0xFFFF0000, v12;
	v17 =	vsel vm11, $0x1, v1;
	v18 =	vmin.u32 v13, $0x1FF  }
0x37d: {  	vm13 =	vgt.s32 v10, $0x0;
	v16 =	vshrl.u32 v8, $0x10;
	vm12 =	vgt.f32 v9, v14  }
0x37e: {  	v13 =	vand.u32 $0x1, v16;
	v16 =	vnsel vm13, $0x0, v10;
	v14 =	vsel vm12, $0x1, v1  }
0x37f: {  	v8 =	vadd.s32 v13, v8;
	v10 =	vadd.s32 v14, v10;
	v14 =	vmin.u32 v16, $0x1FF  }
0x380: {  	v8 =	vadd.s32 $0x7FFF, v8;
	vm14 =	vgt.s32 v10, $0x0;
	v16 =	vsub.s32 v14, v4  }
0x381: {  	v13 =	vand.u32 $0xFFFF0000, v8;
	v8 =	vnsel vm14, $0x0, v10;
	vm15 =	vgt.s32 v16, $0x0  }
0x382: {  	v11 =	vadd.s32 v17, v11;
	v8 =	vmin.u32 v8, $0x1FF;
	v16 =	vnsel vm15, $0x0, v16  }
0x383: {  	vm4 =	vgt.s32 v11, $0x0;
	v16 =	vmin.u32 v16, $0x1C;
	v8 =	vsub.s32 v8, v4  }
0x384: {  	v11 =	vnsel vm4, $0x0, v11;
	v10 =	vld [tilespmem:s9+$0x7C80];
	v16 =	vshll.u32 v16, $0x9;
	vm5 =	vgt.s32 v8, $0x0  }
0x385: {  	v11 =	vmin.u32 v11, $0x1FF;
	v8 =	vnsel vm5, $0x0, v8;
	v17 =	vor.u32 v18, v16  }
0x386: {  	v14 =	vcvt.s32.f32 v14;
	v16 =	vor.u32 v11, v16;
	v8 =	vmin.u32 v8, $0x1C  }
0x387: {  	s2 =	sand.u32 $0x3F0, s20;
	v24 =	vcvt.s32.f32 v20;
	v12 =	vmul.f32 v13, v12;
	v8 =	vshll.u32 v8, $0x9  }
0x388: {  	v23 =	vld [tilespmem:s2+$0x8180];
	v9 =	vsub.f32 v9, v14;
	v22 =	vor.u32 v18, v8;
	v18 =	vcvt.s32.f32 v18  }
0x389: {  	v21 =	vshrl.u32 v10, $0x10;
	v8 =	vor.u32 v11, v8;
	v11 =	vmul.u32 $0xFFFFFFE7, v20  }
0x38a: {  	v14 =	vadd.f32 v12, v6;
	v21 =	vand.u32 $0x1, v21;
	v17 =	vld.idx.msk [tilespmem:v17+s18+$0x0], $0xffff;
	v15 =	vsub.f32 v15, v18  }
0x38b: {  	v10 =	vadd.s32 v21, v10;
	v12 =	vld.idx.msk [tilespmem:v16+s18+$0x0], $0xffff;
	v16 =	vadd.f32 v24, v7;
	v11 =	vadd.s32 v19, v11  }
0x38c: {  	v19 =	vsub.f32 $1.000000000e+00, v9;
	v11 =	vcvt.s32.f32 v11;
	v18 =	vsub.f32 $1.000000000e+00, v15  }
0x38d: {  	v21 =	vshrl.u32 v23, $0x10;
	v10 =	vadd.s32 $0x7FFF, v10;
	v16 =	vadd.f32 $-1.200000000e+01, v16  }
0x38e: {  	v63 =	vand.u32 $0xFFFF0000, v10;
	v20 =	vld.idx.msk [tilespmem:v22+s18+$0x0], $0xffff;
	v22 =	vadd.f32 v11, v5;
	v10 =	vmul.f32 v19, v18  }
0x38f: {  	v8 =	vld.idx.msk [tilespmem:v8+s18+$0x0], $0xffff;
	v19 =	vmul.f32 v19, v15;
	v11 =	vmax.f32 v16, $-1.000000000e+06;
	v16 =	vmul.f32 v9, v18  }
0x390: {  	v9 =	vmul.f32 v9, v15;
	v11 =	vmin.f32 v11, $1.000000000e+06;
	v10 =	vmul.f32 v17, v10  }
0x391: {  	v12 =	vmul.f32 v12, v19;
	v17 =	vadd.f32 $-1.200000000e+01, v22;
	v18 =	vtrunc.f32 v11  }
0x392: {  	v19 =	vand.u32 $0x1, v21;
	v15 =	vcvt.f32.s32 v18;
	vm6 =	vlt.f32 v11, v18  }
0x393: {  	v18 =	vadd.s32 v19, v23;
	v10 =	vadd.f32 v12, v10;
	v12 =	vmul.f32 v20, v16  }
0x394: {  	v16 =	vld [tilespmem:s2+$0x7780];
	v17 =	vmax.f32 v17, $-1.000000000e+06;
	v8 =	vmul.f32 v8, v9;
	v9 =	vsel vm6, $0xFFFFFFFF, v1  }
0x395: {  	v19 =	vadd.s32 v15, v9;
	v10 =	vadd.f32 v12, v10;
	v12 =	vmin.f32 v17, $1.000000000e+06  }
0x396: {  	v17 =	vadd.s32 $0x7FFF, v18;
	v15 =	vcvt.s32.f32 v19;
	v9 =	vtrunc.f32 v12  }
0x397: {  	v8 =	vadd.f32 v8, v10;
	v10 =	vcvt.f32.s32 v9;
	vm7 =	vlt.f32 v12, v9  }
0x398: {  	vm8 =	vgt.s32 v19, $0x0;
	vm9 =	vgt.f32 v11, v15;
	v9 =	vsel vm7, $0xFFFFFFFF, v1  }
0x399: {  	v20 =	vsel vm9, $0x1, v1;
	v8 =	vsub.f32 v8, v16;
	v9 =	vadd.s32 v10, v9  }
0x39a: {  	v10 =	vnsel vm8, $0x0, v19;
	v16 =	vand.u32 $0xFFFF0000, v17;
	v17 =	vcvt.s32.f32 v9  }
0x39b: {  	v15 =	vmin.u32 v10, $0x1FF;
	vm11 =	vgt.s32 v9, $0x0;
	v18 =	vshrl.u32 v8, $0x10  }
0x39c: {  	v10 =	vand.u32 $0x1, v18;
	vm10 =	vgt.f32 v12, v17;
	v17 =	vnsel vm11, $0x0, v9  }
0x39d: {  	v8 =	vadd.s32 v10, v8;
	v10 =	vsel vm10, $0x1, v1;
	v18 =	vmin.u32 v17, $0x1FF  }
0x39e: {  	v17 =	vadd.s32 v20, v19;
	v8 =	vadd.s32 $0x7FFF, v8;
	v10 =	vadd.s32 v10, v9  }
0x39f: {  	v9 =	vand.u32 $0xFFFF0000, v8;
	vm12 =	vgt.s32 v10, $0x0;
	v8 =	vsub.s32 v18, v4  }
0x3a0: {  	v16 =	vmul.f32 v9, v16;
	v19 =	vnsel vm12, $0x0, v10;
	vm13 =	vgt.s32 v8, $0x0  }
0x3a1: {  	vm14 =	vgt.s32 v17, $0x0;
	v10 =	vld [tilespmem:s2+$0x7C80];
	v19 =	vmin.u32 v19, $0x1FF;
	v20 =	vnsel vm13, $0x0, v8  }
0x3a2: {  	v8 =	vadd.f32 v16, v14;
	v14 =	vmin.u32 v20, $0x1C;
	v16 =	vsub.s32 v19, v4  }
0x3a3: {  	v17 =	vnsel vm14, $0x0, v17;
	v14 =	vshll.u32 v14, $0x9;
	vm15 =	vgt.s32 v16, $0x0  }
0x3a4: {  	s2 =	simm.s32 $0x30;
	v20 =	vmin.u32 v17, $0x1FF;
	v16 =	vnsel vm15, $0x0, v16;
	v19 =	vor.u32 v15, v14  }
0x3a5: {  	v21 =	vor.u32 s2, v0;
	v17 =	vor.u32 v20, v14;
	v16 =	vmin.u32 v16, $0x1C  }
0x3a6: {  	v23 =	vmul.u32 $0x147B, v21;
	v14 =	vshrl.u32 v10, $0x10;
	v22 =	vshll.u32 v16, $0x9  }
0x3a7: {  	s10 =	simm.s32 $0x40;
	s9 =	sand.u32 $0x3F0, s21;
	v13 =	vmul.f32 v13, v63;
	v14 =	vand.u32 $0x1, v14;
	v16 =	vor.u32 v15, v22  }
.LBB2_21:
0x3a8: {  	p0 =	sne.s32 s10, $0x270;
	v23 =	vshrl.u32 v23, $0x11;
	v15 =	vcvt.s32.f32 v15;
	v18 =	vcvt.s32.f32 v18;
	v24 =	vld [tilespmem:s9+$0x8180]  }
0x3a9: {  	v20 =	vor.u32 v20, v22;
	v14 =	vadd.s32 v14, v10;
	v25 =	vcvt.s32.f32 v23;
	v19 =	vld.idx.msk [tilespmem:v19+s18+$0x0], $0xffff  }
0x3aa: {  	v22 =	vmul.u32 $0xFFFFFFE7, v23;
	v15 =	vsub.f32 v11, v15;
	v12 =	vsub.f32 v12, v18;
	v17 =	vld.idx.msk [tilespmem:v17+s18+$0x0], $0xffff  }
0x3ab: {  	v14 =	vadd.s32 $0x7FFF, v14;
	v6 =	vadd.f32 v13, v6;
	v11 =	vadd.f32 v25, v7;
	v10 =	vld [tilespmem:s9+$0x7C80]  }
0x3ac: {  	v13 =	vadd.s32 v21, v22;
	v18 =	vsub.f32 $1.000000000e+00, v15;
	v21 =	vsub.f32 $1.000000000e+00, v12;
	v16 =	vld.idx.msk [tilespmem:v16+s18+$0x0], $0xffff  }
0x3ad: {  	v25 =	vand.u32 $0xFFFF0000, v14;
	v13 =	vcvt.s32.f32 v13;
	v11 =	vadd.f32 $-1.200000000e+01, v11  }
0x3ae: {  	v22 =	vshrl.u32 v24, $0x10;
	v14 =	vld.idx.msk [tilespmem:v20+s18+$0x0], $0xffff;
	v20 =	vmul.f32 v21, v18;
	v21 =	vmul.f32 v21, v15  }
0x3af: {  	v13 =	vadd.f32 v13, v5;
	v18 =	vmul.f32 v12, v18;
	v11 =	vmax.f32 v11, $-1.000000000e+06  }
0x3b0: {  	v11 =	vmin.f32 v11, $1.000000000e+06;
	v19 =	vmul.f32 v19, v20;
	v17 =	vmul.f32 v17, v21  }
0x3b1: {  	v13 =	vadd.f32 $-1.200000000e+01, v13;
	v21 =	vand.u32 $0x1, v22;
	v20 =	vtrunc.f32 v11  }
0x3b2: {  	v12 =	vmul.f32 v12, v15;
	v16 =	vmul.f32 v16, v18;
	v17 =	vadd.f32 v17, v19  }
0x3b3: {  	v15 =	vcvt.f32.s32 v20;
	vm0 =	vlt.f32 v11, v20;
	v19 =	vadd.s32 v21, v24;
	v18 =	vld [tilespmem:s9+$0x7780]  }
0x3b4: {  	v13 =	vmax.f32 v13, $-1.000000000e+06;
	v14 =	vmul.f32 v14, v12;
	v16 =	vadd.f32 v16, v17  }
0x3b5: {  	v12 =	vmin.f32 v13, $1.000000000e+06;
	v13 =	vsel vm0, $0xFFFFFFFF, v1;
	v17 =	vadd.s32 $0x7FFF, v19  }
0x3b6: {  	v13 =	vadd.s32 v15, v13;
	v15 =	vtrunc.f32 v12;
	v14 =	vadd.f32 v14, v16  }
0x3b7: {  	vm0 =	vlt.f32 v12, v15;
	vm1 =	vgt.s32 v13, $0x0;
	v16 =	vcvt.f32.s32 v15  }
0x3b8: {  	v19 =	vcvt.s32.f32 v13;
	v15 =	vsel vm0, $0xFFFFFFFF, v1;
	v14 =	vsub.f32 v14, v18  }
0x3b9: {  	v17 =	vand.u32 $0xFFFF0000, v17;
	v16 =	vadd.s32 v16, v15;
	v15 =	vnsel vm1, $0x0, v13  }
0x3ba: {  	vm0 =	vgt.f32 v11, v19;
	v18 =	vcvt.s32.f32 v16;
	v19 =	vshrl.u32 v14, $0x10  }
0x3bb: {  	v20 =	vsel vm0, $0x1, v1;
	v15 =	vmin.u32 v15, $0x1FF;
	v19 =	vand.u32 $0x1, v19  }
0x3bc: {  	vm1 =	vgt.s32 v16, $0x0;
	vm0 =	vgt.f32 v12, v18;
	v14 =	vadd.s32 v19, v14  }
0x3bd: {  	v18 =	vsel vm0, $0x1, v1;
	v19 =	vnsel vm1, $0x0, v16;
	v14 =	vadd.s32 $0x7FFF, v14  }
0x3be: {  	v16 =	vadd.s32 v18, v16;
	v18 =	vmin.u32 v19, $0x1FF;
	v24 =	vand.u32 $0xFFFF0000, v14  }
0x3bf: {  	vm0 =	vgt.s32 v16, $0x0;
	v14 =	vsub.s32 v18, v4;
	v17 =	vmul.f32 v24, v17  }
0x3c0: {  	v13 =	vadd.s32 v20, v13;
	v16 =	vnsel vm0, $0x0, v16;
	vm0 =	vgt.s32 v14, $0x0  }
0x3c1: {  	v16 =	vmin.u32 v16, $0x1FF;
	v14 =	vnsel vm0, $0x0, v14;
	v8 =	vadd.f32 v17, v8  }
0x3c2: {  	vm0 =	vgt.s32 v13, $0x0;
	v14 =	vmin.u32 v14, $0x1C;
	v16 =	vsub.s32 v16, v4  }
.Ltmp9:
0x3c3: {  	v13 =	vnsel vm0, $0x0, v13;
	v14 =	vshll.u32 v14, $0x9;
	vm0 =	vgt.s32 v16, $0x0;
	(pc) =	sbr.rel @p0 .LBB2_21-.Ltmp9, $4  }
0x3c4: {  	v20 =	vmin.u32 v13, $0x1FF;
	v13 =	vnsel vm0, $0x0, v16;
	v19 =	vor.u32 v15, v14  }
0x3c5: {  	v21 =	vor.u32 s10, v0;
	v17 =	vor.u32 v20, v14;
	v13 =	vmin.u32 v13, $0x1C  }
0x3c6: {  	v23 =	vmul.u32 $0x147B, v21;
	v22 =	vshll.u32 v13, $0x9;
	v13 =	vshrl.u32 v10, $0x10  }
0x3c7: {  	s9 =	sand.u32 $0x3F0, s2;
	s2 =	smov.u32 s10;
	s10 =	sadd.s32 $0x10, s10;
	v16 =	vor.u32 v15, v22;
	v14 =	vand.u32 $0x1, v13;
	v13 =	vmul.f32 v9, v25;
	v9 =	vmovc v24  }
0x3c8: {  	v23 =	vshrl.u32 v23, $0x11  }
0x3c9: {  	v24 =	vmul.u32 $0xFFFFFFE7, v23;
	_ =	sdelay $0x1  }
0x3ca: {  	v21 =	vadd.s32 v21, v24  }
0x3cb: {  	v21 =	vcvt.s32.f32 v21  }
0x3cc: {  	v23 =	vcvt.s32.f32 v23  }
0x3cd: {  	v5 =	vadd.f32 v21, v5  }
0x3ce: {  	v7 =	vadd.f32 v23, v7  }
0x3cf: {  	v5 =	vadd.f32 $-1.200000000e+01, v5  }
0x3d0: {  	v7 =	vadd.f32 $-1.200000000e+01, v7  }
0x3d1: {  	v15 =	vcvt.s32.f32 v15;
	v5 =	vmax.f32 v5, $-1.000000000e+06  }
0x3d2: {  	v18 =	vcvt.s32.f32 v18;
	v7 =	vmax.f32 v7, $-1.000000000e+06;
	v5 =	vmin.f32 v5, $1.000000000e+06  }
0x3d3: {  	v11 =	vsub.f32 v11, v15;
	v7 =	vmin.f32 v7, $1.000000000e+06;
	v49 =	vtrunc.f32 v5  }
0x3d4: {  	v50 =	vtrunc.f32 v7;
	v51 =	vcvt.f32.s32 v49;
	vm0 =	vlt.f32 v5, v49  }
0x3d5: {  	v52 =	vcvt.f32.s32 v50;
	vm1 =	vlt.f32 v7, v50;
	v53 =	vsel vm0, $0xFFFFFFFF, v1  }
0x3d6: {  	v12 =	vsub.f32 v12, v18;
	v54 =	vsel vm1, $0xFFFFFFFF, v1;
	v21 =	vadd.s32 v51, v53  }
0x3d7: {  	v20 =	vor.u32 v20, v22;
	v15 =	vadd.s32 v52, v54;
	v56 =	vcvt.s32.f32 v21  }
0x3d8: {  	v55 =	vsub.f32 $1.000000000e+00, v11;
	v57 =	vsub.f32 $1.000000000e+00, v12;
	vm8 =	vgt.s32 v15, $0x0  }
0x3d9: {  	v58 =	vcvt.s32.f32 v15;
	vm9 =	vgt.s32 v21, $0x0;
	vm10 =	vgt.f32 v5, v56  }
0x3da: {  	v59 =	vnsel vm8, $0x0, v15;
	v25 =	vnsel vm9, $0x0, v21;
	v26 =	vsel vm10, $0x1, v1  }
0x3db: {  	vm11 =	vgt.f32 v7, v58;
	v25 =	vmin.u32 v25, $0x1FF;
	v21 =	vadd.s32 v26, v21  }
0x3dc: {  	v18 =	vmin.u32 v59, $0x1FF;
	v60 =	vsub.s32 v25, v4;
	vm12 =	vgt.s32 v21, $0x0  }
0x3dd: {  	v61 =	vsel vm11, $0x1, v1;
	vm13 =	vgt.s32 v60, $0x0;
	v21 =	vnsel vm12, $0x0, v21  }
0x3de: {  	v15 =	vadd.s32 v61, v15;
	v24 =	vnsel vm13, $0x0, v60;
	v21 =	vmin.u32 v21, $0x1FF  }
0x3df: {  	v19 =	vld.idx.msk [tilespmem:v19+s18+$0x0], $0xffff;
	vm14 =	vgt.s32 v15, $0x0;
	v27 =	vmin.u32 v24, $0x1C;
	v63 =	vsub.s32 v21, v4  }
0x3e0: {  	v17 =	vld.idx.msk [tilespmem:v17+s18+$0x0], $0xffff;
	v15 =	vnsel vm14, $0x0, v15;
	v21 =	vshll.u32 v27, $0x9;
	vm15 =	vgt.s32 v63, $0x0  }
0x3e1: {  	v15 =	vmin.u32 v15, $0x1FF;
	v28 =	vor.u32 v18, v21;
	v4 =	vnsel vm15, $0x0, v63  }
0x3e2: {  	v16 =	vld.idx.msk [tilespmem:v16+s18+$0x0], $0xffff;
	v62 =	vmul.f32 v57, v55;
	v21 =	vor.u32 v15, v21;
	v4 =	vmin.u32 v4, $0x1C  }
0x3e3: {  	v23 =	vmul.f32 v57, v11;
	v22 =	vmul.f32 v12, v55;
	v4 =	vshll.u32 v4, $0x9  }
0x3e4: {  	v20 =	vld.idx.msk [tilespmem:v20+s18+$0x0], $0xffff;
	v25 =	vcvt.s32.f32 v25;
	v29 =	vor.u32 v18, v4;
	v18 =	vcvt.s32.f32 v18  }
0x3e5: {  	v30 =	vld [tilespmem:s9+$0x8180];
	v19 =	vmul.f32 v19, v62;
	v17 =	vmul.f32 v17, v23  }
0x3e6: {  	v5 =	vsub.f32 v5, v25;
	v4 =	vor.u32 v15, v4;
	v31 =	vld.idx.msk [tilespmem:v28+s18+$0x0], $0xffff;
	v7 =	vsub.f32 v7, v18  }
0x3e7: {  	v11 =	vmul.f32 v12, v11;
	v16 =	vmul.f32 v16, v22;
	v17 =	vadd.f32 v17, v19;
	v32 =	vld.idx.msk [tilespmem:v21+s18+$0x0], $0xffff  }
0x3e8: {  	v33 =	vld [tilespmem:s9+$0x7780];
	v35 =	vsub.f32 $1.000000000e+00, v5;
	v34 =	vsub.f32 $1.000000000e+00, v7  }
0x3e9: {  	v11 =	vmul.f32 v20, v11;
	v16 =	vadd.f32 v16, v17;
	v36 =	vld.idx.msk [tilespmem:v29+s18+$0x0], $0xffff  }
0x3ea: {  	v10 =	vadd.s32 v14, v10;
	v21 =	vmul.f32 v35, v7;
	v37 =	vmul.f32 v35, v34  }
0x3eb: {  	v38 =	vshrl.u32 v30, $0x10;
	v11 =	vadd.f32 v11, v16;
	v4 =	vld.idx.msk [tilespmem:v4+s18+$0x0], $0xffff;
	v39 =	vmul.f32 v5, v34  }
0x3ec: {  	v41 =	vld [tilespmem:s9+$0x7C80];
	s2 =	sand.u32 $0x3F0, s2;
	v40 =	vand.u32 $0x1, v38;
	v12 =	vmul.f32 v32, v21;
	v15 =	vmul.f32 v31, v37  }
0x3ed: {  	v43 =	vadd.s32 $0x7FFF, v10;
	v19 =	vadd.s32 v40, v30;
	v50 =	vld [tilespmem:s2+$0x7C80];
	v11 =	vsub.f32 v11, v33  }
0x3ee: {  	v52 =	vld [tilespmem:s2+$0x8180];
	v5 =	vmul.f32 v5, v7;
	v12 =	vadd.f32 v12, v15;
	v42 =	vmul.f32 v36, v39  }
0x3ef: {  	v6 =	vadd.f32 v13, v6;
	v45 =	vld [tilespmem:s2+$0x7780];
	v47 =	vand.u32 $0xFFFF0000, v43;
	v44 =	vadd.s32 $0x7FFF, v19  }
0x3f0: {  	v46 =	vshrl.u32 v11, $0x10;
	v4 =	vmul.f32 v4, v5;
	v12 =	vadd.f32 v42, v12  }
0x3f1: {  	v48 =	vand.u32 $0xFFFF0000, v44;
	v51 =	vshrl.u32 v41, $0x10;
	v49 =	vand.u32 $0x1, v46  }
0x3f2: {  	v57 =	vshrl.u32 v50, $0x10;
	v10 =	vadd.s32 v49, v11;
	v4 =	vadd.f32 v4, v12  }
0x3f3: {  	v58 =	vshrl.u32 v52, $0x10;
	v11 =	vand.u32 $0x1, v51;
	v10 =	vadd.s32 $0x7FFF, v10  }
0x3f4: {  	v54 =	vadd.s32 v11, v41;
	v11 =	vand.u32 $0x1, v57;
	v4 =	vsub.f32 v4, v45  }
0x3f5: {  	v53 =	vand.u32 $0xFFFF0000, v10;
	v10 =	vadd.s32 $0x7FFF, v54;
	v59 =	vadd.s32 v11, v50  }
0x3f6: {  	v55 =	vand.u32 $0xFFFF0000, v10;
	v5 =	vmul.f32 v9, v47;
	v56 =	vshrl.u32 v4, $0x10  }
0x3f7: {  	v60 =	vadd.s32 $0x7FFF, v59;
	v7 =	vmul.f32 v53, v48;
	v10 =	vand.u32 $0x1, v56  }
0x3f8: {  	v5 =	vadd.f32 v5, v6;
	v12 =	vand.u32 $0x1, v58;
	v4 =	vadd.s32 v10, v4  }
0x3f9: {  	(xrf2) =	vadd.scan.msk.f32 $0xffff, v3;
	v6 =	vmul.f32 v53, v55;
	v61 =	vadd.s32 v12, v52;
	v4 =	vadd.s32 $0x7FFF, v4  }
0x3fa: {  	(xrf2) =	vadd.scan.msk.f32 $0xffff, v2;
	v9 =	vand.u32 $0xFFFF0000, v60;
	v10 =	vadd.s32 $0x7FFF, v61;
	v4 =	vand.u32 $0xFFFF0000, v4  }
0x3fb: {  	v5 =	vadd.f32 v6, v5;
	v63 =	vand.u32 $0xFFFF0000, v10;
	v62 =	vmul.f32 v4, v9  }
0x3fc: {  	v7 =	vadd.f32 v7, v8;
	v4 =	vmul.f32 v4, v63  }
0x3fd: {  	v5 =	vadd.f32 v62, v5  }
0x3fe: {  	v2 =	vadd.f32 v4, v7  }
0x3ff: {  	(xrf2) =	vadd.scan.msk.f32 $0xffff, v5  }
0x400: {  	(xrf2) =	vadd.scan.msk.f32 $0xffff, v2;
	_ =	sdelay $0x2  }
0x401: {  	v2, _, _ =	vpop (xrf2)  }
0x402: {  	v3, _, _ =	vpop (xrf2);
	(v2sf) =	vpush v2, $0xF  }
0x403: {  	(v2sf) =	vpush v3, $0xF;
	_ =	sdelay $0x3  }
0x404: {  	v2, _, _ =	vpop (xrf2)  }
0x405: {  	(v2sf) =	vpush v2, $0xF;
	v2, _, _ =	vpop (xrf2)  }
0x406: {  	(v2sf) =	vpush v2, $0xF;
	_ =	sdelay $0x7  }
0x407: {  	s10 =	spop (v2sf)  }
0x408: {  	s20 =	spop (v2sf);
	s2 =	ssub.f32 $0.0e+00, s10  }
0x409: {  	s9 =	ssub.f32 $0.0e+00, s20  }
0x40a: {  	s2 =	smul.f32 s2, s30  }
0x40b: {  	s9 =	smul.f32 s9, s0;
	_ =	sdelay $0x1  }
0x40c: {  	s2 =	sadd.f32 s9, s2;
	s10 =	spop (v2sf)  }
0x40d: {  	s10 =	ssub.f32 $0.0e+00, s10;
	s20 =	spop (v2sf)  }
0x40e: {  	s20 =	ssub.f32 $0.0e+00, s20  }
0x40f: {  	s10 =	smul.f32 s10, s31  }
0x410: {  	s1 =	sadd.s32 $0x1, s1;
	s25 =	sadd.f32 s2, s25;
	s20 =	smul.f32 s20, s4  }
0x411: {  	p0 =	sne.s32 s1, $0xF;
	s26 =	sadd.f32 s2, s26  }
.Ltmp10:
0x412: {  	s21 =	sadd.f32 s20, s10;
	(pc) =	sbr.rel @p0 .LBB2_18-.Ltmp10, $4  }
0x413: {  	s29 =	sadd.f32 s2, s29  }
0x414: {  	s23 =	sadd.f32 s21, s23  }
0x415: {  	s24 =	sadd.f32 s21, s24  }
0x416: {  	s28 =	sadd.f32 s21, s28  }
0x417: {  	s0 =	rddreg [dreg:$0x6];
	s1 =	simm.s32 $0x8400  }
0x418: {  	[tilespmem:s1], [sflag:$0x3] =	stream.linear.gather [hbm4b:s0+s3], $0x80, $0x38;
	[tilespmem:$0x8500] =	vst v63  }
0x419: {  	_ =	swait.ge [sflag:s14], $0x80  }
0x41a: {  	[sflag:s14] =	ssyncset.done $0x0  }
0x41b: {  	s2 =	simm.s32 $0x8480;
	s31 =	rddreg [dreg:$0x7];
	[sflag:s14] =	ssyncadd.s32 $0xFFFFFF80  }
0x41c: {  	[tilespmem:s2], [sflag:$0x3] =	stream.linear.gather [hbm4b:s31+s3], $0x80, $0x38;
	[tilespmem:$0x8500] =	vst v63  }
0x41d: {  	_ =	swait.ge [sflag:s14], $0x80  }
0x41e: {  	[sflag:s14] =	ssyncset.done $0x0  }
0x41f: {  	[sflag:s14] =	ssyncadd.s32 $0xFFFFFF80  }
0x420: {  	v2 =	vld [tilespmem:$0x8400]  }
0x421: {  	v3 =	vld [tilespmem:$0x8480]  }
0x422: {  	v4 =	vld [tilespmem:$0x8410]  }
0x423: {  	v5 =	vld [tilespmem:$0x8490]  }
0x424: {  	v6 =	vld [tilespmem:$0x8420]  }
0x425: {  	v7 =	vld [tilespmem:$0x84A0];
	v2 =	vadd.f32 s29, v2  }
0x426: {  	v8 =	vld [tilespmem:$0x8430];
	v3 =	vadd.f32 s28, v3  }
0x427: {  	v55 =	vld [tilespmem:$0x84B0];
	[tilespmem:$0x8400] =	vst v2;
	v2 =	vadd.f32 s29, v4  }
0x428: {  	v56 =	vld [tilespmem:$0x8440];
	[tilespmem:$0x8480] =	vst v3;
	v3 =	vadd.f32 s28, v5  }
0x429: {  	v57 =	vld [tilespmem:$0x84C0];
	[tilespmem:$0x8410] =	vst v2;
	v2 =	vadd.f32 s29, v6  }
0x42a: {  	v58 =	vld [tilespmem:$0x8450];
	[tilespmem:$0x8490] =	vst v3;
	v3 =	vadd.f32 s28, v7  }
0x42b: {  	v59 =	vld [tilespmem:$0x84D0];
	[tilespmem:$0x8420] =	vst v2;
	v2 =	vadd.f32 s29, v8  }
0x42c: {  	v60 =	vld [tilespmem:$0x8460];
	[tilespmem:$0x84A0] =	vst v3;
	v3 =	vadd.f32 s28, v55  }
0x42d: {  	v61 =	vld [tilespmem:$0x84E0];
	[tilespmem:$0x8430] =	vst v2;
	v2 =	vadd.f32 s29, v56  }
0x42e: {  	v62 =	vld [tilespmem:$0x8470];
	[tilespmem:$0x84B0] =	vst v3;
	v3 =	vadd.f32 s28, v57  }
0x42f: {  	v63 =	vld [tilespmem:$0x84F0];
	[tilespmem:$0x8440] =	vst v2;
	v2 =	vadd.f32 s29, v58  }
0x430: {  	[tilespmem:$0x84C0] =	vst v3;
	v3 =	vadd.f32 s28, v59  }
0x431: {  	[tilespmem:$0x8450] =	vst v2;
	v2 =	vadd.f32 s29, v60  }
0x432: {  	[tilespmem:$0x84D0] =	vst v3;
	v3 =	vadd.f32 s28, v61  }
0x433: {  	[tilespmem:$0x8460] =	vst v2;
	v2 =	vadd.f32 s29, v62  }
0x434: {  	[tilespmem:$0x84E0] =	vst v3;
	v3 =	vadd.f32 s28, v63  }
0x435: {  	[tilespmem:$0x8470] =	vst v2  }
0x436: {  	[tilespmem:$0x84F0] =	vst v3  }
0x437: {  	[hbm4b:s11+s3] =	stream.linear.scatter [tilespmem:s1], [sflag:$0x3], $0x80, $0x38;
	[tilespmem:$0x8500] =	vst v63  }
0x438: {  	s22 =	sadd.s32 $0x1, s22;
	_ =	swait.ge [sflag:s14], $0x80  }
0x439: {  	p0 =	sne.s32 s22, s13;
	[sflag:s14] =	ssyncset.done $0x0  }
.Ltmp11:
0x43a: {  	[sflag:s14] =	ssyncadd.s32 $0xFFFFFF80;
	(pc) =	sbr.rel @p0 .LBB2_1-.Ltmp11, $4  }
0x43b: {  	[hbm4b:s12+s3] =	stream.linear.scatter [tilespmem:s2], [sflag:$0x3], $0x80, $0x38;
	[tilespmem:$0x8500] =	vst v63  }
0x43c: {  	_ =	swait.ge [sflag:s14], $0x80  }
0x43d: {  	[sflag:s14] =	ssyncset.done $0x0  }
0x43e: {  	[sflag:s14] =	ssyncadd.s32 $0xFFFFFF80  }
0x43f: {  	_ =	sfence.sel $0x180000  }
0x440: {  	[bflag:$0x0] =	sbarrier.arrive $0xFFFF  }
0x441: {  	_ =	strace $0x90000047  }
0x442: {  	s0 =	stileid.u32;
	[bflag:$0x2] =	sbarrier.arrive $0xFFFF  }
0x443: {  	p0 =	sne.s32 s0, $0x0;
	s0 =	rddreg [dreg:$0x5]  }
0x444: {  	s0 =	sadd.s32 @!p0 $0x100000, s0  }
0x445: {  	[sflag:s0] =	ssyncadd.tile.s32 @!p0 $0x1;
	_ =	shalt  }
.Lfunc_end2:
_tile_overlayer_lowered:
.L_overlay_start_2:
0x446: {  	(tag) =	ssettag $0x2  }
0x447: {  	s0 =	rddreg [dreg:$0x0];
	s2 =	stileid.u32  }
0x448: {  	s1 =	rddreg [dreg:$0x1];
	p0 =	sne.s32 s2, $0x0  }
0x449: {  	s3 =	rddreg [dreg:$0x2];
	[bflag:$0x3] =	sbarrier.arrive $0xFFFF;
	s2 =	simm.s32 @!p0 $0x1C03  }
0x44a: {  	[timem:s3], [sflag:s2] =	dma.local @!p0 [hbm:s0], s1  }
0x44b: {  	s0 =	simm.s32 @!p0 $0x3  }
0x44c: {  	_ =	swait.ge @!p0 [sflag:s0], s1  }
0x44d: {  	s1 =	ssub.s32 @!p0 $0x0, s1;
	[sflag:s0] =	ssyncset.done @!p0 $0x0  }
0x44e: {  	[sflag:s0] =	ssyncadd.s32 @!p0 s1  }
0x44f: {  	[bflag:$0x3] =	sbarrier.arrive $0xFFFF  }
0x450: {  	_ =	shalt  }

</sc_bundles>
